<compile_context>
chip_gen: v7x
topology: tpu7x:2x2x1
jax: 0.10.2.dev20260603
libtpu: 0.0.44.dev20260713+nightly
codegen_flags: <defaults>
</compile_context>

<pallas_src>
import functools

import jax
import jax.numpy as jnp
from jax import lax
from jax.experimental import pallas as pl
from jax.experimental.pallas import tpu as pltpu
import jax.experimental.pallas.tpu_sc as plsc

NC = 2
NS = 16
CHUNK = 128
BN = 1000
EPS = 1e-5



def _edge_partials(z, src, dst):
  n, d = z.shape
  e = src.shape[0]
  assert e % CHUNK == 0 and n % NS == 0
  n_chunks = e // CHUNK
  nw = NC * NS
  chunks_per_tile = -(-n_chunks // nw)
  rows_a = 640
  rows_last = n - (NS - 1) * rows_a
  assert rows_last > 0 and rows_last % 8 == 0

  mesh = plsc.VectorSubcoreMesh(core_axis_name="c", subcore_axis_name="s")

  IDX_D, ROWS_D, LOOKA, PEEL = 6, 3, 4, 6
  n_slots = chunks_per_tile
  assert n_slots >= 2 * PEEL

  @functools.partial(
      pl.kernel,
      out_type=jax.ShapeDtypeStruct((NC, n, d), jnp.float32),
      mesh=mesh,
      scratch_types=[
          [pltpu.VMEM((CHUNK,), jnp.int32) for _ in range(IDX_D)],
          [pltpu.VMEM((CHUNK,), jnp.int32) for _ in range(IDX_D)],
          [pltpu.VMEM((CHUNK, d), jnp.float32) for _ in range(ROWS_D)],
          pltpu.VMEM_SHARED((n, d), jnp.float32),
          [pltpu.SemaphoreType.DMA for _ in range(IDX_D)],
          [pltpu.SemaphoreType.DMA for _ in range(IDX_D)],
          [pltpu.SemaphoreType.DMA for _ in range(ROWS_D)],
          [pltpu.SemaphoreType.DMA for _ in range(ROWS_D)],
      ],
  )
  def agg(z_hbm, src_hbm, dst_hbm, out_hbm, src_v, dst_v, rows_v, acc_sh,
          sem_si, sem_di, sem_g, sem_s):
    c = lax.axis_index("c")
    s = lax.axis_index("s")
    w = s * NC + c
    r0 = s * rows_a

    @pl.when(s < NS - 1)
    def _():
      pltpu.sync_copy(z_hbm.at[pl.ds(r0, rows_a)],
                      acc_sh.at[pl.ds(r0, rows_a)])

    @pl.when(s == NS - 1)
    def _():
      pltpu.sync_copy(z_hbm.at[pl.ds(r0, rows_last)],
                      acc_sh.at[pl.ds(r0, rows_last)])

    plsc.subcore_barrier()

    def valid(slot):
      return (slot * nw + w) < n_chunks

    def stage_a(slot, ib):
      @pl.when(valid(slot))
      def _():
        base = (slot * nw + w) * CHUNK
        pltpu.async_copy(src_hbm.at[pl.ds(base, CHUNK)], src_v[ib], sem_si[ib])
        pltpu.async_copy(dst_hbm.at[pl.ds(base, CHUNK)], dst_v[ib], sem_di[ib])

    def stage_b(slot, ib, rb):
      @pl.when(valid(slot))
      def _():
        base = (slot * nw + w) * CHUNK
        pltpu.make_async_copy(src_hbm.at[pl.ds(base, CHUNK)], src_v[ib],
                              sem_si[ib]).wait()
        pltpu.async_copy(z_hbm.at[src_v[ib]], rows_v[rb], sem_g[rb])

    def stage_c(slot, ib, rb):
      @pl.when(valid(slot))
      def _():
        base = (slot * nw + w) * CHUNK
        pltpu.make_async_copy(z_hbm.at[src_v[ib]], rows_v[rb],
                              sem_g[rb]).wait()
        pltpu.make_async_copy(dst_hbm.at[pl.ds(base, CHUNK)], dst_v[ib],
                              sem_di[ib]).wait()
        pltpu.async_copy(rows_v[rb], acc_sh.at[dst_v[ib]], sem_s[rb],
                         add=True)

    def stage_w(slot, ib, rb):
      @pl.when(valid(slot))
      def _():
        pltpu.make_async_copy(rows_v[rb], acc_sh.at[dst_v[ib]],
                              sem_s[rb]).wait()

    def step(slot, k):
      if not isinstance(slot, int) or slot - 2 >= 0:
        stage_w(slot - 2, (k - 2) % IDX_D, (k - 2) % ROWS_D)
      stage_a(slot + LOOKA, (k + LOOKA) % IDX_D)
      stage_b(slot + 1, (k + 1) % IDX_D, (k + 1) % ROWS_D)
      stage_c(slot, k % IDX_D, k % ROWS_D)

    for p in range(LOOKA):
      stage_a(p, p % IDX_D)
    stage_b(0, 0, 0)
    for p in range(PEEL):
      step(p, p % IDX_D)

    n_main = (n_slots - 2 * PEEL) // PEEL

    def body(j, carry):
      s0 = PEEL + PEEL * j
      for k in range(PEEL):
        step(s0 + k, k % IDX_D)
      return carry

    lax.fori_loop(0, n_main, body, 0)
    for tail in range(PEEL + PEEL * n_main, n_slots):
      step(tail, tail % IDX_D)
    stage_w(n_slots - 2, (n_slots - 2) % IDX_D, (n_slots - 2) % ROWS_D)
    stage_w(n_slots - 1, (n_slots - 1) % IDX_D, (n_slots - 1) % ROWS_D)

    plsc.subcore_barrier()

    @pl.when(s < NS - 1)
    def _():
      pltpu.sync_copy(acc_sh.at[pl.ds(r0, rows_a)],
                      out_hbm.at[c, pl.ds(r0, rows_a)])

    @pl.when(s == NS - 1)
    def _():
      pltpu.sync_copy(acc_sh.at[pl.ds(r0, rows_last)],
                      out_hbm.at[c, pl.ds(r0, rows_last)])

  return agg(z, src, dst)



def _mlp_body(z_ref, p_ref, w1_ref, b1_ref, w2_ref, b2_ref,
              t_ref, sums_ref):
  i = pl.program_id(0)
  h = p_ref[0] + p_ref[1] - z_ref[...]
  h = jnp.maximum(
      jnp.dot(h, w1_ref[...], preferred_element_type=jnp.float32) + b1_ref[...],
      0.0)
  h = jnp.dot(h, w2_ref[...], preferred_element_type=jnp.float32) + b2_ref[...]
  t = jnp.maximum(h, 0.0)
  t_ref[...] = t

  @pl.when(i == 0)
  def _():
    sums_ref[...] = jnp.zeros_like(sums_ref)

  sums_ref[...] += jnp.concatenate(
      [jnp.sum(t, axis=0, keepdims=True),
       jnp.sum(t * t, axis=0, keepdims=True)], axis=0)


def _mlp_pass(z, partials, w1, b1, w2, b2):
  n, h = z.shape[0], w1.shape[1]
  nb = n // BN
  blk = lambda i: (i, 0)
  full = lambda i: (0, 0)
  return pl.pallas_call(
      _mlp_body,
      grid=(nb,),
      in_specs=[
          pl.BlockSpec((BN, z.shape[1]), blk),
          pl.BlockSpec((2, BN, z.shape[1]), lambda i: (0, i, 0)),
          pl.BlockSpec(w1.shape, full),
          pl.BlockSpec((1, h), full),
          pl.BlockSpec(w2.shape, full),
          pl.BlockSpec((1, h), full),
      ],
      out_specs=[
          pl.BlockSpec((BN, h), blk),
          pl.BlockSpec((2, h), full),
      ],
      out_shape=[
          jax.ShapeDtypeStruct((n, h), jnp.float32),
          jax.ShapeDtypeStruct((2, h), jnp.float32),
      ],
  )(z, partials, w1, b1.reshape(1, -1), w2, b2.reshape(1, -1))


def _bn_pool_core(t_ref, sums_ref, gamma_ref, beta_ref, batch_ref,
                  h_ref, g_ref, n_nodes, n_graphs):
  i = pl.program_id(0)
  inv_n = 1.0 / n_nodes
  mu = sums_ref[0:1, :] * inv_n
  var = jnp.maximum(sums_ref[1:2, :] * inv_n - mu * mu, 0.0)
  scale = gamma_ref[...] * lax.rsqrt(var + EPS)
  shift = beta_ref[...] - mu * scale
  h = t_ref[...] * scale + shift
  h_ref[...] = h

  bb = batch_ref[0]
  gi = lax.broadcasted_iota(jnp.int32, (n_graphs, h.shape[0]), 0)
  onehot = (gi == bb).astype(jnp.float32)

  @pl.when(i == 0)
  def _():
    g_ref[...] = jnp.zeros_like(g_ref)

  g_ref[...] += jnp.dot(onehot, h, preferred_element_type=jnp.float32)
  return h


def _bn_pool_pass(t, sums, gamma, beta, batch3d, n_graphs, col, prev=None):
  n, h = t.shape
  nb = n // BN
  in_specs = [
      pl.BlockSpec((BN, h), lambda i: (i, 0)),
      pl.BlockSpec((2, h), lambda i: (0, 0)),
      pl.BlockSpec((1, h), lambda i: (0, 0)),
      pl.BlockSpec((1, h), lambda i: (0, 0)),
      pl.BlockSpec((1, 1, BN), lambda i: (i, 0, 0)),
  ]
  args = [t, sums, gamma.reshape(1, -1), beta.reshape(1, -1), batch3d]
  kwargs = {}
  if prev is None:
    def body(t_ref, s_ref, ga_ref, be_ref, b_ref, h_ref, g_ref, hs_ref):
      hs_ref[...] = _bn_pool_core(t_ref, s_ref, ga_ref, be_ref, b_ref,
                                  h_ref, g_ref, n, n_graphs)
  else:
    def body(t_ref, s_ref, ga_ref, be_ref, b_ref, zi_ref, gi_ref,
             h_ref, g_ref):
      del zi_ref, gi_ref
      _bn_pool_core(t_ref, s_ref, ga_ref, be_ref, b_ref, h_ref, g_ref,
                    n, n_graphs)
    in_specs += [
        pl.BlockSpec((8, h), lambda i: (0, 0)),
        pl.BlockSpec((8, h), lambda i: (0, 0)),
    ]
    args += list(prev)
    kwargs["input_output_aliases"] = {5: 0, 6: 1}
  out_specs = [
      pl.BlockSpec((BN, h), lambda i: (i, col)),
      pl.BlockSpec((n_graphs, h), lambda i: (0, col)),
  ]
  out_shape = [
      jax.ShapeDtypeStruct((n, 2 * h), jnp.float32),
      jax.ShapeDtypeStruct((n_graphs, 2 * h), jnp.float32),
  ]
  if prev is None:
    out_specs.append(pl.BlockSpec((BN, h), lambda i: (i, 0)))
    out_shape.append(jax.ShapeDtypeStruct((n, h), jnp.float32))
  return pl.pallas_call(
      body,
      grid=(nb,),
      in_specs=in_specs,
      out_specs=out_specs,
      out_shape=out_shape,
      **kwargs,
  )(*args)



def kernel(x, edge_index, batch,
           W1_0, b1_0, W2_0, b2_0, gamma_0, beta_0,
           W1_1, b1_1, W2_1, b2_1, gamma_1, beta_1):
  n = x.shape[0]
  g_count = 512
  src = edge_index[0]
  dst = edge_index[1]
  batch3d = batch.reshape(n // BN, 1, BN)

  partials0 = _edge_partials(x, src, dst)
  t0, sums0 = _mlp_pass(x, partials0, W1_0, b1_0, W2_0, b2_0)
  zout, gout, h0 = _bn_pool_pass(t0, sums0, gamma_0, beta_0, batch3d,
                                 g_count, 0)
  partials1 = _edge_partials(h0, src, dst)
  t1, sums1 = _mlp_pass(h0, partials1, W1_1, b1_1, W2_1, b2_1)
  zout, gout = _bn_pool_pass(t1, sums1, gamma_1, beta_1, batch3d,
                             g_count, 1, prev=(zout, gout))
  return zout, gout

# --- scband reference (transcript-rebuilt; emitter-appended) ---
"""Pipeline reference for scband-ada-1279900254467 (READ-ONLY COPY).

The authoritative reference and input builder live on the scoring server;
editing this copy changes nothing except your own understanding.
"""

import jax, jax.numpy as jnp
import numpy as np

N = 10000
E = 320000
D = 128
H = 128
L = 2
G = 512


def setup_inputs(seed: int = 0) -> dict:
    key = jax.random.key(seed)
    ks = jax.random.split(key, 3 + 2 * L)
    inp = {}
    inp["x"] = jax.random.normal(ks[0], (N, D), dtype=jnp.float32)
    inp["edge_index"] = jax.random.randint(ks[1], (2, E), 0, N, dtype=jnp.int32)
    inp["batch"] = jnp.sort(jax.random.randint(ks[2], (N,), 0, G, dtype=jnp.int32))
    for l in range(L):
        din = D if l == 0 else H
        inp[f"W1_{l}"] = jax.random.normal(ks[3 + 2 * l], (din, H), dtype=jnp.float32) * (1.0 / np.sqrt(din))
        inp[f"b1_{l}"] = jnp.zeros((H,), dtype=jnp.float32)
        inp[f"W2_{l}"] = jax.random.normal(ks[4 + 2 * l], (H, H), dtype=jnp.float32) * (1.0 / np.sqrt(H))
        inp[f"b2_{l}"] = jnp.zeros((H,), dtype=jnp.float32)
        inp[f"gamma_{l}"] = jnp.ones((H,), dtype=jnp.float32)
        inp[f"beta_{l}"] = jnp.zeros((H,), dtype=jnp.float32)
    return inp


def _batchnorm_train(h, gamma, beta, eps=1e-5):
    mu = jnp.mean(h, axis=0)
    var = jnp.var(h, axis=0)  # biased, matches torch BN normalization
    return (h - mu) / jnp.sqrt(var + eps) * gamma + beta


def reference(x, edge_index, batch,
              W1_0, b1_0, W2_0, b2_0, gamma_0, beta_0,
              W1_1, b1_1, W2_1, b2_1, gamma_1, beta_1):
    # ADA.forward -> GConv.forward with GINConv layers:
    # GINConv(eps=0): h = mlp((1+eps)*x + sum_{j in N(i)} x_j)
    src = edge_index[0]
    dst = edge_index[1]
    params = [(W1_0, b1_0, W2_0, b2_0, gamma_0, beta_0),
              (W1_1, b1_1, W2_1, b2_1, gamma_1, beta_1)]
    z = x
    zs = []
    gs = []
    for (W1, b1, W2, b2, ga, be) in params:
        # message passing: scatter-add of source features onto destination nodes
        agg = jnp.zeros((z.shape[0], z.shape[1]), dtype=z.dtype).at[dst].add(z[src])
        h = z + agg  # (1 + eps) * x + aggr, eps = 0
        # GIN MLP: Linear -> ReLU -> Linear
        h = jnp.maximum(h @ W1 + b1, 0.0) @ W2 + b2
        # F.relu then BatchNorm1d (training-mode batch statistics)
        h = jnp.maximum(h, 0.0)
        h = _batchnorm_train(h, ga, be)
        zs.append(h)
        # global_add_pool
        gs.append(jax.ops.segment_sum(h, batch, num_segments=G))
        z = h
    z_out = jnp.concatenate(zs, axis=1)
    g_out = jnp.concatenate(gs, axis=1)
    return (z_out, g_out)

if __name__ == "__main__":
    import jax
    _d = setup_inputs()
    print(jax.jit(kernel)(*tuple(_d.values())))

</pallas_src>

<mosaic_0001>
#map = affine_map<(d0, d1) -> (0, 0)>
#map1 = affine_map<(d0, d1) -> (0)>
#map2 = affine_map<(d0, d1) -> (0, 0, 0)>
module attributes {stable_mosaic.version = 14 : i64} {
  func.func @agg(%arg0: i32, %arg1: i32, %arg2: memref<10000x128xf32, #tpu.memory_space<hbm>>, %arg3: memref<320000xi32, #tpu.memory_space<hbm>>, %arg4: memref<320000xi32, #tpu.memory_space<hbm>>, %arg5: memref<2x10000x128xf32, #tpu.memory_space<hbm>>, %arg6: memref<128xi32, #tpu.memory_space<vmem>>, %arg7: memref<128xi32, #tpu.memory_space<vmem>>, %arg8: memref<128xi32, #tpu.memory_space<vmem>>, %arg9: memref<128xi32, #tpu.memory_space<vmem>>, %arg10: memref<128xi32, #tpu.memory_space<vmem>>, %arg11: memref<128xi32, #tpu.memory_space<vmem>>, %arg12: memref<128xi32, #tpu.memory_space<vmem>>, %arg13: memref<128xi32, #tpu.memory_space<vmem>>, %arg14: memref<128xi32, #tpu.memory_space<vmem>>, %arg15: memref<128xi32, #tpu.memory_space<vmem>>, %arg16: memref<128xi32, #tpu.memory_space<vmem>>, %arg17: memref<128xi32, #tpu.memory_space<vmem>>, %arg18: memref<128x128xf32, #tpu.memory_space<vmem>>, %arg19: memref<128x128xf32, #tpu.memory_space<vmem>>, %arg20: memref<128x128xf32, #tpu.memory_space<vmem>>, %arg21: memref<10000x128xf32, #tpu.memory_space<vmem_shared>>, %arg22: memref<!tpu.dma_semaphore, #tpu.memory_space<semaphore_mem>>, %arg23: memref<!tpu.dma_semaphore, #tpu.memory_space<semaphore_mem>>, %arg24: memref<!tpu.dma_semaphore, #tpu.memory_space<semaphore_mem>>, %arg25: memref<!tpu.dma_semaphore, #tpu.memory_space<semaphore_mem>>, %arg26: memref<!tpu.dma_semaphore, #tpu.memory_space<semaphore_mem>>, %arg27: memref<!tpu.dma_semaphore, #tpu.memory_space<semaphore_mem>>, %arg28: memref<!tpu.dma_semaphore, #tpu.memory_space<semaphore_mem>>, %arg29: memref<!tpu.dma_semaphore, #tpu.memory_space<semaphore_mem>>, %arg30: memref<!tpu.dma_semaphore, #tpu.memory_space<semaphore_mem>>, %arg31: memref<!tpu.dma_semaphore, #tpu.memory_space<semaphore_mem>>, %arg32: memref<!tpu.dma_semaphore, #tpu.memory_space<semaphore_mem>>, %arg33: memref<!tpu.dma_semaphore, #tpu.memory_space<semaphore_mem>>, %arg34: memref<!tpu.dma_semaphore, #tpu.memory_space<semaphore_mem>>, %arg35: memref<!tpu.dma_semaphore, #tpu.memory_space<semaphore_mem>>, %arg36: memref<!tpu.dma_semaphore, #tpu.memory_space<semaphore_mem>>, %arg37: memref<!tpu.dma_semaphore, #tpu.memory_space<semaphore_mem>>, %arg38: memref<!tpu.dma_semaphore, #tpu.memory_space<semaphore_mem>>, %arg39: memref<!tpu.dma_semaphore, #tpu.memory_space<semaphore_mem>>) attributes {dimension_semantics = [#tpu.dimension_semantics<core_parallel>, #tpu.dimension_semantics<subcore_parallel>], iteration_bounds = array<i64: 2, 16>, scalar_prefetch = 0 : i64, scratch_operands = 34 : i64, tpu.core_type = #tpu.core_type<sc_vector_subcore>, window_params = [{transform_indices = #map}, {transform_indices = #map1}, {transform_indices = #map1}, {transform_indices = #map2}]} {
    %mul3A = arith.constant 2 : i32
    %mul3A_0 = arith.muli %arg1, %mul3A : i32
    %add3A = arith.addi %mul3A_0, %arg0 : i32
    %mul3A_1 = arith.constant 640 : i32
    %mul3A_2 = arith.muli %arg1, %mul3A_1 : i32
    %lt3A = arith.constant 15 : i32
    %lt3A_3 = arith.cmpi slt, %arg1, %lt3A : i32
    %convert_element_type3A = arith.extui %lt3A_3 : i1 to i32
    %cond3A = arith.constant 0 : i32
    %cond3A_4 = arith.cmpi ne, %convert_element_type3A, %cond3A : i32
    scf.if %cond3A_4 {
      "tpu.region"() ({
        %run_scoped3A = tpu.sem_alloc : memref<!tpu.dma_semaphore, #tpu.memory_space<semaphore_mem>>
        %dma_start3A = arith.constant 0 : i32
        %dma_start3A_424 = tpu.memref_slice %arg21[%mul3A_2, %dma_start3A] : memref<10000x128xf32, #tpu.memory_space<vmem_shared>> -> memref<640x128xf32, #tpu.memory_space<vmem_shared>>
        %dma_start3A_425 = arith.constant 0 : i32
        %dma_start3A_426 = tpu.memref_slice %arg2[%mul3A_2, %dma_start3A_425] : memref<10000x128xf32, #tpu.memory_space<hbm>> -> memref<640x128xf32, #tpu.memory_space<hbm>>
        tpu.enqueue_dma source(%dma_start3A_426 : memref<640x128xf32, #tpu.memory_space<hbm>>) target(%dma_start3A_424 : memref<640x128xf32, #tpu.memory_space<vmem_shared>>) target_semaphore(%run_scoped3A : memref<!tpu.dma_semaphore, #tpu.memory_space<semaphore_mem>>)
        %dma_wait3A = arith.constant 0 : i32
        %dma_wait3A_427 = tpu.memref_slice %arg21[%mul3A_2, %dma_wait3A] : memref<10000x128xf32, #tpu.memory_space<vmem_shared>> -> memref<640x128xf32, #tpu.memory_space<vmem_shared>>
        %dma_wait3A_428 = arith.constant 0 : i32
        %dma_wait3A_429 = tpu.memref_slice %arg2[%mul3A_2, %dma_wait3A_428] : memref<10000x128xf32, #tpu.memory_space<hbm>> -> memref<640x128xf32, #tpu.memory_space<hbm>>
        tpu.wait_dma2 semaphore(%run_scoped3A : memref<!tpu.dma_semaphore, #tpu.memory_space<semaphore_mem>>) src(%dma_wait3A_429 : memref<640x128xf32, #tpu.memory_space<hbm>>) dst(%dma_wait3A_427 : memref<640x128xf32, #tpu.memory_space<vmem_shared>>)
        tpu.yield
      }) : () -> ()
    } else {
    }
    %eq3A = arith.constant 15 : i32
    %eq3A_5 = arith.cmpi eq, %arg1, %eq3A : i32
    %convert_element_type3A_6 = arith.extui %eq3A_5 : i1 to i32
    %cond3A_7 = arith.constant 0 : i32
    %cond3A_8 = arith.cmpi ne, %convert_element_type3A_6, %cond3A_7 : i32
    scf.if %cond3A_8 {
      "tpu.region"() ({
        %run_scoped3A = tpu.sem_alloc : memref<!tpu.dma_semaphore, #tpu.memory_space<semaphore_mem>>
        %dma_start3A = arith.constant 0 : i32
        %dma_start3A_424 = tpu.memref_slice %arg21[%mul3A_2, %dma_start3A] : memref<10000x128xf32, #tpu.memory_space<vmem_shared>> -> memref<400x128xf32, #tpu.memory_space<vmem_shared>>
        %dma_start3A_425 = arith.constant 0 : i32
        %dma_start3A_426 = tpu.memref_slice %arg2[%mul3A_2, %dma_start3A_425] : memref<10000x128xf32, #tpu.memory_space<hbm>> -> memref<400x128xf32, #tpu.memory_space<hbm>>
        tpu.enqueue_dma source(%dma_start3A_426 : memref<400x128xf32, #tpu.memory_space<hbm>>) target(%dma_start3A_424 : memref<400x128xf32, #tpu.memory_space<vmem_shared>>) target_semaphore(%run_scoped3A : memref<!tpu.dma_semaphore, #tpu.memory_space<semaphore_mem>>)
        %dma_wait3A = arith.constant 0 : i32
        %dma_wait3A_427 = tpu.memref_slice %arg21[%mul3A_2, %dma_wait3A] : memref<10000x128xf32, #tpu.memory_space<vmem_shared>> -> memref<400x128xf32, #tpu.memory_space<vmem_shared>>
        %dma_wait3A_428 = arith.constant 0 : i32
        %dma_wait3A_429 = tpu.memref_slice %arg2[%mul3A_2, %dma_wait3A_428] : memref<10000x128xf32, #tpu.memory_space<hbm>> -> memref<400x128xf32, #tpu.memory_space<hbm>>
        tpu.wait_dma2 semaphore(%run_scoped3A : memref<!tpu.dma_semaphore, #tpu.memory_space<semaphore_mem>>) src(%dma_wait3A_429 : memref<400x128xf32, #tpu.memory_space<hbm>>) dst(%dma_wait3A_427 : memref<400x128xf32, #tpu.memory_space<vmem_shared>>)
        tpu.yield
      }) : () -> ()
    } else {
    }
    %barrier3A = arith.constant 0 : index
    tpu.barrier barrier_id(%barrier3A)
    %add3A_9 = arith.constant 0 : i32
    %add3A_10 = arith.addi %add3A_9, %add3A : i32
    %lt3A_11 = arith.constant 2500 : i32
    %lt3A_12 = arith.cmpi slt, %add3A_10, %lt3A_11 : i32
    %convert_element_type3A_13 = arith.extui %lt3A_12 : i1 to i32
    %cond3A_14 = arith.constant 0 : i32
    %cond3A_15 = arith.cmpi ne, %convert_element_type3A_13, %cond3A_14 : i32
    scf.if %cond3A_15 {
      %add3A_424 = arith.constant 0 : i32
      %add3A_425 = arith.addi %add3A_424, %add3A : i32
      %mul3A_426 = arith.constant 128 : i32
      %mul3A_427 = arith.muli %add3A_425, %mul3A_426 : i32
      %dma_start3A = tpu.memref_slice %arg3[%mul3A_427] : memref<320000xi32, #tpu.memory_space<hbm>> -> memref<128xi32, #tpu.memory_space<hbm>>
      %dma_start3A_428 = tpu.memref_slice %arg3[%mul3A_427] : memref<320000xi32, #tpu.memory_space<hbm>> -> memref<128xi32, #tpu.memory_space<hbm>>
      tpu.enqueue_dma source(%dma_start3A_428 : memref<128xi32, #tpu.memory_space<hbm>>) target(%arg6 : memref<128xi32, #tpu.memory_space<vmem>>) target_semaphore(%arg22 : memref<!tpu.dma_semaphore, #tpu.memory_space<semaphore_mem>>)
      %dma_start3A_429 = tpu.memref_slice %arg4[%mul3A_427] : memref<320000xi32, #tpu.memory_space<hbm>> -> memref<128xi32, #tpu.memory_space<hbm>>
      %dma_start3A_430 = tpu.memref_slice %arg4[%mul3A_427] : memref<320000xi32, #tpu.memory_space<hbm>> -> memref<128xi32, #tpu.memory_space<hbm>>
      tpu.enqueue_dma source(%dma_start3A_430 : memref<128xi32, #tpu.memory_space<hbm>>) target(%arg12 : memref<128xi32, #tpu.memory_space<vmem>>) target_semaphore(%arg28 : memref<!tpu.dma_semaphore, #tpu.memory_space<semaphore_mem>>)
    } else {
    }
    %add3A_16 = arith.constant 32 : i32
    %add3A_17 = arith.addi %add3A_16, %add3A : i32
    %lt3A_18 = arith.constant 2500 : i32
    %lt3A_19 = arith.cmpi slt, %add3A_17, %lt3A_18 : i32
    %convert_element_type3A_20 = arith.extui %lt3A_19 : i1 to i32
    %cond3A_21 = arith.constant 0 : i32
    %cond3A_22 = arith.cmpi ne, %convert_element_type3A_20, %cond3A_21 : i32
    scf.if %cond3A_22 {
      %add3A_424 = arith.constant 32 : i32
      %add3A_425 = arith.addi %add3A_424, %add3A : i32
      %mul3A_426 = arith.constant 128 : i32
      %mul3A_427 = arith.muli %add3A_425, %mul3A_426 : i32
      %dma_start3A = tpu.memref_slice %arg3[%mul3A_427] : memref<320000xi32, #tpu.memory_space<hbm>> -> memref<128xi32, #tpu.memory_space<hbm>>
      %dma_start3A_428 = tpu.memref_slice %arg3[%mul3A_427] : memref<320000xi32, #tpu.memory_space<hbm>> -> memref<128xi32, #tpu.memory_space<hbm>>
      tpu.enqueue_dma source(%dma_start3A_428 : memref<128xi32, #tpu.memory_space<hbm>>) target(%arg7 : memref<128xi32, #tpu.memory_space<vmem>>) target_semaphore(%arg23 : memref<!tpu.dma_semaphore, #tpu.memory_space<semaphore_mem>>)
      %dma_start3A_429 = tpu.memref_slice %arg4[%mul3A_427] : memref<320000xi32, #tpu.memory_space<hbm>> -> memref<128xi32, #tpu.memory_space<hbm>>
      %dma_start3A_430 = tpu.memref_slice %arg4[%mul3A_427] : memref<320000xi32, #tpu.memory_space<hbm>> -> memref<128xi32, #tpu.memory_space<hbm>>
      tpu.enqueue_dma source(%dma_start3A_430 : memref<128xi32, #tpu.memory_space<hbm>>) target(%arg13 : memref<128xi32, #tpu.memory_space<vmem>>) target_semaphore(%arg29 : memref<!tpu.dma_semaphore, #tpu.memory_space<semaphore_mem>>)
    } else {
    }
    %add3A_23 = arith.constant 64 : i32
    %add3A_24 = arith.addi %add3A_23, %add3A : i32
    %lt3A_25 = arith.constant 2500 : i32
    %lt3A_26 = arith.cmpi slt, %add3A_24, %lt3A_25 : i32
    %convert_element_type3A_27 = arith.extui %lt3A_26 : i1 to i32
    %cond3A_28 = arith.constant 0 : i32
    %cond3A_29 = arith.cmpi ne, %convert_element_type3A_27, %cond3A_28 : i32
    scf.if %cond3A_29 {
      %add3A_424 = arith.constant 64 : i32
      %add3A_425 = arith.addi %add3A_424, %add3A : i32
      %mul3A_426 = arith.constant 128 : i32
      %mul3A_427 = arith.muli %add3A_425, %mul3A_426 : i32
      %dma_start3A = tpu.memref_slice %arg3[%mul3A_427] : memref<320000xi32, #tpu.memory_space<hbm>> -> memref<128xi32, #tpu.memory_space<hbm>>
      %dma_start3A_428 = tpu.memref_slice %arg3[%mul3A_427] : memref<320000xi32, #tpu.memory_space<hbm>> -> memref<128xi32, #tpu.memory_space<hbm>>
      tpu.enqueue_dma source(%dma_start3A_428 : memref<128xi32, #tpu.memory_space<hbm>>) target(%arg8 : memref<128xi32, #tpu.memory_space<vmem>>) target_semaphore(%arg24 : memref<!tpu.dma_semaphore, #tpu.memory_space<semaphore_mem>>)
      %dma_start3A_429 = tpu.memref_slice %arg4[%mul3A_427] : memref<320000xi32, #tpu.memory_space<hbm>> -> memref<128xi32, #tpu.memory_space<hbm>>
      %dma_start3A_430 = tpu.memref_slice %arg4[%mul3A_427] : memref<320000xi32, #tpu.memory_space<hbm>> -> memref<128xi32, #tpu.memory_space<hbm>>
      tpu.enqueue_dma source(%dma_start3A_430 : memref<128xi32, #tpu.memory_space<hbm>>) target(%arg14 : memref<128xi32, #tpu.memory_space<vmem>>) target_semaphore(%arg30 : memref<!tpu.dma_semaphore, #tpu.memory_space<semaphore_mem>>)
    } else {
    }
    %add3A_30 = arith.constant 96 : i32
    %add3A_31 = arith.addi %add3A_30, %add3A : i32
    %lt3A_32 = arith.constant 2500 : i32
    %lt3A_33 = arith.cmpi slt, %add3A_31, %lt3A_32 : i32
    %convert_element_type3A_34 = arith.extui %lt3A_33 : i1 to i32
    %cond3A_35 = arith.constant 0 : i32
    %cond3A_36 = arith.cmpi ne, %convert_element_type3A_34, %cond3A_35 : i32
    scf.if %cond3A_36 {
      %add3A_424 = arith.constant 96 : i32
      %add3A_425 = arith.addi %add3A_424, %add3A : i32
      %mul3A_426 = arith.constant 128 : i32
      %mul3A_427 = arith.muli %add3A_425, %mul3A_426 : i32
      %dma_start3A = tpu.memref_slice %arg3[%mul3A_427] : memref<320000xi32, #tpu.memory_space<hbm>> -> memref<128xi32, #tpu.memory_space<hbm>>
      %dma_start3A_428 = tpu.memref_slice %arg3[%mul3A_427] : memref<320000xi32, #tpu.memory_space<hbm>> -> memref<128xi32, #tpu.memory_space<hbm>>
      tpu.enqueue_dma source(%dma_start3A_428 : memref<128xi32, #tpu.memory_space<hbm>>) target(%arg9 : memref<128xi32, #tpu.memory_space<vmem>>) target_semaphore(%arg25 : memref<!tpu.dma_semaphore, #tpu.memory_space<semaphore_mem>>)
      %dma_start3A_429 = tpu.memref_slice %arg4[%mul3A_427] : memref<320000xi32, #tpu.memory_space<hbm>> -> memref<128xi32, #tpu.memory_space<hbm>>
      %dma_start3A_430 = tpu.memref_slice %arg4[%mul3A_427] : memref<320000xi32, #tpu.memory_space<hbm>> -> memref<128xi32, #tpu.memory_space<hbm>>
      tpu.enqueue_dma source(%dma_start3A_430 : memref<128xi32, #tpu.memory_space<hbm>>) target(%arg15 : memref<128xi32, #tpu.memory_space<vmem>>) target_semaphore(%arg31 : memref<!tpu.dma_semaphore, #tpu.memory_space<semaphore_mem>>)
    } else {
    }
    %add3A_37 = arith.constant 0 : i32
    %add3A_38 = arith.addi %add3A_37, %add3A : i32
    %lt3A_39 = arith.constant 2500 : i32
    %lt3A_40 = arith.cmpi slt, %add3A_38, %lt3A_39 : i32
    %convert_element_type3A_41 = arith.extui %lt3A_40 : i1 to i32
    %cond3A_42 = arith.constant 0 : i32
    %cond3A_43 = arith.cmpi ne, %convert_element_type3A_41, %cond3A_42 : i32
    scf.if %cond3A_43 {
      %add3A_424 = arith.constant 0 : i32
      %add3A_425 = arith.addi %add3A_424, %add3A : i32
      %mul3A_426 = arith.constant 128 : i32
      %mul3A_427 = arith.muli %add3A_425, %mul3A_426 : i32
      %dma_wait3A = tpu.memref_slice %arg3[%mul3A_427] : memref<320000xi32, #tpu.memory_space<hbm>> -> memref<128xi32, #tpu.memory_space<hbm>>
      %dma_wait3A_428 = tpu.memref_slice %arg3[%mul3A_427] : memref<320000xi32, #tpu.memory_space<hbm>> -> memref<128xi32, #tpu.memory_space<hbm>>
      tpu.wait_dma2 semaphore(%arg22 : memref<!tpu.dma_semaphore, #tpu.memory_space<semaphore_mem>>) src(%dma_wait3A_428 : memref<128xi32, #tpu.memory_space<hbm>>) dst(%arg6 : memref<128xi32, #tpu.memory_space<vmem>>)
      %dma_start3A = arith.constant 0 : i32
      %dma_start3A_429 = arith.constant 0 : i32
      %dma_start3A_430 = tpu.memref_slice %arg2[%dma_start3A, %dma_start3A_429] : memref<10000x128xf32, #tpu.memory_space<hbm>> -> memref<10000x128xf32, #tpu.memory_space<hbm>>
      tpu.enqueue_indirect_dma source(%dma_start3A_430 : memref<10000x128xf32, #tpu.memory_space<hbm>>) target(%arg18 : memref<128x128xf32, #tpu.memory_space<vmem>>) offsets(%arg6 : memref<128xi32, #tpu.memory_space<vmem>>) semaphore(%arg34 : memref<!tpu.dma_semaphore, #tpu.memory_space<semaphore_mem>>)
    } else {
    }
    %add3A_44 = arith.constant 128 : i32
    %add3A_45 = arith.addi %add3A_44, %add3A : i32
    %lt3A_46 = arith.constant 2500 : i32
    %lt3A_47 = arith.cmpi slt, %add3A_45, %lt3A_46 : i32
    %convert_element_type3A_48 = arith.extui %lt3A_47 : i1 to i32
    %cond3A_49 = arith.constant 0 : i32
    %cond3A_50 = arith.cmpi ne, %convert_element_type3A_48, %cond3A_49 : i32
    scf.if %cond3A_50 {
      %add3A_424 = arith.constant 128 : i32
      %add3A_425 = arith.addi %add3A_424, %add3A : i32
      %mul3A_426 = arith.constant 128 : i32
      %mul3A_427 = arith.muli %add3A_425, %mul3A_426 : i32
      %dma_start3A = tpu.memref_slice %arg3[%mul3A_427] : memref<320000xi32, #tpu.memory_space<hbm>> -> memref<128xi32, #tpu.memory_space<hbm>>
      %dma_start3A_428 = tpu.memref_slice %arg3[%mul3A_427] : memref<320000xi32, #tpu.memory_space<hbm>> -> memref<128xi32, #tpu.memory_space<hbm>>
      tpu.enqueue_dma source(%dma_start3A_428 : memref<128xi32, #tpu.memory_space<hbm>>) target(%arg10 : memref<128xi32, #tpu.memory_space<vmem>>) target_semaphore(%arg26 : memref<!tpu.dma_semaphore, #tpu.memory_space<semaphore_mem>>)
      %dma_start3A_429 = tpu.memref_slice %arg4[%mul3A_427] : memref<320000xi32, #tpu.memory_space<hbm>> -> memref<128xi32, #tpu.memory_space<hbm>>
      %dma_start3A_430 = tpu.memref_slice %arg4[%mul3A_427] : memref<320000xi32, #tpu.memory_space<hbm>> -> memref<128xi32, #tpu.memory_space<hbm>>
      tpu.enqueue_dma source(%dma_start3A_430 : memref<128xi32, #tpu.memory_space<hbm>>) target(%arg16 : memref<128xi32, #tpu.memory_space<vmem>>) target_semaphore(%arg32 : memref<!tpu.dma_semaphore, #tpu.memory_space<semaphore_mem>>)
    } else {
    }
    %add3A_51 = arith.constant 32 : i32
    %add3A_52 = arith.addi %add3A_51, %add3A : i32
    %lt3A_53 = arith.constant 2500 : i32
    %lt3A_54 = arith.cmpi slt, %add3A_52, %lt3A_53 : i32
    %convert_element_type3A_55 = arith.extui %lt3A_54 : i1 to i32
    %cond3A_56 = arith.constant 0 : i32
    %cond3A_57 = arith.cmpi ne, %convert_element_type3A_55, %cond3A_56 : i32
    scf.if %cond3A_57 {
      %add3A_424 = arith.constant 32 : i32
      %add3A_425 = arith.addi %add3A_424, %add3A : i32
      %mul3A_426 = arith.constant 128 : i32
      %mul3A_427 = arith.muli %add3A_425, %mul3A_426 : i32
      %dma_wait3A = tpu.memref_slice %arg3[%mul3A_427] : memref<320000xi32, #tpu.memory_space<hbm>> -> memref<128xi32, #tpu.memory_space<hbm>>
      %dma_wait3A_428 = tpu.memref_slice %arg3[%mul3A_427] : memref<320000xi32, #tpu.memory_space<hbm>> -> memref<128xi32, #tpu.memory_space<hbm>>
      tpu.wait_dma2 semaphore(%arg23 : memref<!tpu.dma_semaphore, #tpu.memory_space<semaphore_mem>>) src(%dma_wait3A_428 : memref<128xi32, #tpu.memory_space<hbm>>) dst(%arg7 : memref<128xi32, #tpu.memory_space<vmem>>)
      %dma_start3A = arith.constant 0 : i32
      %dma_start3A_429 = arith.constant 0 : i32
      %dma_start3A_430 = tpu.memref_slice %arg2[%dma_start3A, %dma_start3A_429] : memref<10000x128xf32, #tpu.memory_space<hbm>> -> memref<10000x128xf32, #tpu.memory_space<hbm>>
      tpu.enqueue_indirect_dma source(%dma_start3A_430 : memref<10000x128xf32, #tpu.memory_space<hbm>>) target(%arg19 : memref<128x128xf32, #tpu.memory_space<vmem>>) offsets(%arg7 : memref<128xi32, #tpu.memory_space<vmem>>) semaphore(%arg35 : memref<!tpu.dma_semaphore, #tpu.memory_space<semaphore_mem>>)
    } else {
    }
    %add3A_58 = arith.constant 0 : i32
    %add3A_59 = arith.addi %add3A_58, %add3A : i32
    %lt3A_60 = arith.constant 2500 : i32
    %lt3A_61 = arith.cmpi slt, %add3A_59, %lt3A_60 : i32
    %convert_element_type3A_62 = arith.extui %lt3A_61 : i1 to i32
    %cond3A_63 = arith.constant 0 : i32
    %cond3A_64 = arith.cmpi ne, %convert_element_type3A_62, %cond3A_63 : i32
    scf.if %cond3A_64 {
      %add3A_424 = arith.constant 0 : i32
      %add3A_425 = arith.addi %add3A_424, %add3A : i32
      %mul3A_426 = arith.constant 128 : i32
      %mul3A_427 = arith.muli %add3A_425, %mul3A_426 : i32
      %dma_wait3A = arith.constant 0 : i32
      %dma_wait3A_428 = arith.constant 0 : i32
      %dma_wait3A_429 = tpu.memref_slice %arg2[%dma_wait3A, %dma_wait3A_428] : memref<10000x128xf32, #tpu.memory_space<hbm>> -> memref<10000x128xf32, #tpu.memory_space<hbm>>
      tpu.wait_indirect_dma semaphore(%arg34 : memref<!tpu.dma_semaphore, #tpu.memory_space<semaphore_mem>>) src(%dma_wait3A_429 : memref<10000x128xf32, #tpu.memory_space<hbm>>) dst(%arg18 : memref<128x128xf32, #tpu.memory_space<vmem>>)
      %dma_wait3A_430 = tpu.memref_slice %arg4[%mul3A_427] : memref<320000xi32, #tpu.memory_space<hbm>> -> memref<128xi32, #tpu.memory_space<hbm>>
      %dma_wait3A_431 = tpu.memref_slice %arg4[%mul3A_427] : memref<320000xi32, #tpu.memory_space<hbm>> -> memref<128xi32, #tpu.memory_space<hbm>>
      tpu.wait_dma2 semaphore(%arg28 : memref<!tpu.dma_semaphore, #tpu.memory_space<semaphore_mem>>) src(%dma_wait3A_431 : memref<128xi32, #tpu.memory_space<hbm>>) dst(%arg12 : memref<128xi32, #tpu.memory_space<vmem>>)
      %dma_start3A = arith.constant 0 : i32
      %dma_start3A_432 = arith.constant 0 : i32
      %dma_start3A_433 = tpu.memref_slice %arg21[%dma_start3A, %dma_start3A_432] : memref<10000x128xf32, #tpu.memory_space<vmem_shared>> -> memref<10000x128xf32, #tpu.memory_space<vmem_shared>>
      tpu.enqueue_indirect_dma source(%arg18 : memref<128x128xf32, #tpu.memory_space<vmem>>) target(%dma_start3A_433 : memref<10000x128xf32, #tpu.memory_space<vmem_shared>>) offsets(%arg12 : memref<128xi32, #tpu.memory_space<vmem>>) semaphore(%arg37 : memref<!tpu.dma_semaphore, #tpu.memory_space<semaphore_mem>>) {add = true}
    } else {
    }
    %add3A_65 = arith.constant 160 : i32
    %add3A_66 = arith.addi %add3A_65, %add3A : i32
    %lt3A_67 = arith.constant 2500 : i32
    %lt3A_68 = arith.cmpi slt, %add3A_66, %lt3A_67 : i32
    %convert_element_type3A_69 = arith.extui %lt3A_68 : i1 to i32
    %cond3A_70 = arith.constant 0 : i32
    %cond3A_71 = arith.cmpi ne, %convert_element_type3A_69, %cond3A_70 : i32
    scf.if %cond3A_71 {
      %add3A_424 = arith.constant 160 : i32
      %add3A_425 = arith.addi %add3A_424, %add3A : i32
      %mul3A_426 = arith.constant 128 : i32
      %mul3A_427 = arith.muli %add3A_425, %mul3A_426 : i32
      %dma_start3A = tpu.memref_slice %arg3[%mul3A_427] : memref<320000xi32, #tpu.memory_space<hbm>> -> memref<128xi32, #tpu.memory_space<hbm>>
      %dma_start3A_428 = tpu.memref_slice %arg3[%mul3A_427] : memref<320000xi32, #tpu.memory_space<hbm>> -> memref<128xi32, #tpu.memory_space<hbm>>
      tpu.enqueue_dma source(%dma_start3A_428 : memref<128xi32, #tpu.memory_space<hbm>>) target(%arg11 : memref<128xi32, #tpu.memory_space<vmem>>) target_semaphore(%arg27 : memref<!tpu.dma_semaphore, #tpu.memory_space<semaphore_mem>>)
      %dma_start3A_429 = tpu.memref_slice %arg4[%mul3A_427] : memref<320000xi32, #tpu.memory_space<hbm>> -> memref<128xi32, #tpu.memory_space<hbm>>
      %dma_start3A_430 = tpu.memref_slice %arg4[%mul3A_427] : memref<320000xi32, #tpu.memory_space<hbm>> -> memref<128xi32, #tpu.memory_space<hbm>>
      tpu.enqueue_dma source(%dma_start3A_430 : memref<128xi32, #tpu.memory_space<hbm>>) target(%arg17 : memref<128xi32, #tpu.memory_space<vmem>>) target_semaphore(%arg33 : memref<!tpu.dma_semaphore, #tpu.memory_space<semaphore_mem>>)
    } else {
    }
    %add3A_72 = arith.constant 64 : i32
    %add3A_73 = arith.addi %add3A_72, %add3A : i32
    %lt3A_74 = arith.constant 2500 : i32
    %lt3A_75 = arith.cmpi slt, %add3A_73, %lt3A_74 : i32
    %convert_element_type3A_76 = arith.extui %lt3A_75 : i1 to i32
    %cond3A_77 = arith.constant 0 : i32
    %cond3A_78 = arith.cmpi ne, %convert_element_type3A_76, %cond3A_77 : i32
    scf.if %cond3A_78 {
      %add3A_424 = arith.constant 64 : i32
      %add3A_425 = arith.addi %add3A_424, %add3A : i32
      %mul3A_426 = arith.constant 128 : i32
      %mul3A_427 = arith.muli %add3A_425, %mul3A_426 : i32
      %dma_wait3A = tpu.memref_slice %arg3[%mul3A_427] : memref<320000xi32, #tpu.memory_space<hbm>> -> memref<128xi32, #tpu.memory_space<hbm>>
      %dma_wait3A_428 = tpu.memref_slice %arg3[%mul3A_427] : memref<320000xi32, #tpu.memory_space<hbm>> -> memref<128xi32, #tpu.memory_space<hbm>>
      tpu.wait_dma2 semaphore(%arg24 : memref<!tpu.dma_semaphore, #tpu.memory_space<semaphore_mem>>) src(%dma_wait3A_428 : memref<128xi32, #tpu.memory_space<hbm>>) dst(%arg8 : memref<128xi32, #tpu.memory_space<vmem>>)
      %dma_start3A = arith.constant 0 : i32
      %dma_start3A_429 = arith.constant 0 : i32
      %dma_start3A_430 = tpu.memref_slice %arg2[%dma_start3A, %dma_start3A_429] : memref<10000x128xf32, #tpu.memory_space<hbm>> -> memref<10000x128xf32, #tpu.memory_space<hbm>>
      tpu.enqueue_indirect_dma source(%dma_start3A_430 : memref<10000x128xf32, #tpu.memory_space<hbm>>) target(%arg20 : memref<128x128xf32, #tpu.memory_space<vmem>>) offsets(%arg8 : memref<128xi32, #tpu.memory_space<vmem>>) semaphore(%arg36 : memref<!tpu.dma_semaphore, #tpu.memory_space<semaphore_mem>>)
    } else {
    }
    %add3A_79 = arith.constant 32 : i32
    %add3A_80 = arith.addi %add3A_79, %add3A : i32
    %lt3A_81 = arith.constant 2500 : i32
    %lt3A_82 = arith.cmpi slt, %add3A_80, %lt3A_81 : i32
    %convert_element_type3A_83 = arith.extui %lt3A_82 : i1 to i32
    %cond3A_84 = arith.constant 0 : i32
    %cond3A_85 = arith.cmpi ne, %convert_element_type3A_83, %cond3A_84 : i32
    scf.if %cond3A_85 {
      %add3A_424 = arith.constant 32 : i32
      %add3A_425 = arith.addi %add3A_424, %add3A : i32
      %mul3A_426 = arith.constant 128 : i32
      %mul3A_427 = arith.muli %add3A_425, %mul3A_426 : i32
      %dma_wait3A = arith.constant 0 : i32
      %dma_wait3A_428 = arith.constant 0 : i32
      %dma_wait3A_429 = tpu.memref_slice %arg2[%dma_wait3A, %dma_wait3A_428] : memref<10000x128xf32, #tpu.memory_space<hbm>> -> memref<10000x128xf32, #tpu.memory_space<hbm>>
      tpu.wait_indirect_dma semaphore(%arg35 : memref<!tpu.dma_semaphore, #tpu.memory_space<semaphore_mem>>) src(%dma_wait3A_429 : memref<10000x128xf32, #tpu.memory_space<hbm>>) dst(%arg19 : memref<128x128xf32, #tpu.memory_space<vmem>>)
      %dma_wait3A_430 = tpu.memref_slice %arg4[%mul3A_427] : memref<320000xi32, #tpu.memory_space<hbm>> -> memref<128xi32, #tpu.memory_space<hbm>>
      %dma_wait3A_431 = tpu.memref_slice %arg4[%mul3A_427] : memref<320000xi32, #tpu.memory_space<hbm>> -> memref<128xi32, #tpu.memory_space<hbm>>
      tpu.wait_dma2 semaphore(%arg29 : memref<!tpu.dma_semaphore, #tpu.memory_space<semaphore_mem>>) src(%dma_wait3A_431 : memref<128xi32, #tpu.memory_space<hbm>>) dst(%arg13 : memref<128xi32, #tpu.memory_space<vmem>>)
      %dma_start3A = arith.constant 0 : i32
      %dma_start3A_432 = arith.constant 0 : i32
      %dma_start3A_433 = tpu.memref_slice %arg21[%dma_start3A, %dma_start3A_432] : memref<10000x128xf32, #tpu.memory_space<vmem_shared>> -> memref<10000x128xf32, #tpu.memory_space<vmem_shared>>
      tpu.enqueue_indirect_dma source(%arg19 : memref<128x128xf32, #tpu.memory_space<vmem>>) target(%dma_start3A_433 : memref<10000x128xf32, #tpu.memory_space<vmem_shared>>) offsets(%arg13 : memref<128xi32, #tpu.memory_space<vmem>>) semaphore(%arg38 : memref<!tpu.dma_semaphore, #tpu.memory_space<semaphore_mem>>) {add = true}
    } else {
    }
    %add3A_86 = arith.constant 0 : i32
    %add3A_87 = arith.addi %add3A_86, %add3A : i32
    %lt3A_88 = arith.constant 2500 : i32
    %lt3A_89 = arith.cmpi slt, %add3A_87, %lt3A_88 : i32
    %convert_element_type3A_90 = arith.extui %lt3A_89 : i1 to i32
    %cond3A_91 = arith.constant 0 : i32
    %cond3A_92 = arith.cmpi ne, %convert_element_type3A_90, %cond3A_91 : i32
    scf.if %cond3A_92 {
      %dma_wait3A = arith.constant 0 : i32
      %dma_wait3A_424 = arith.constant 0 : i32
      %dma_wait3A_425 = tpu.memref_slice %arg21[%dma_wait3A, %dma_wait3A_424] : memref<10000x128xf32, #tpu.memory_space<vmem_shared>> -> memref<10000x128xf32, #tpu.memory_space<vmem_shared>>
      tpu.wait_indirect_dma semaphore(%arg37 : memref<!tpu.dma_semaphore, #tpu.memory_space<semaphore_mem>>) src(%arg18 : memref<128x128xf32, #tpu.memory_space<vmem>>) dst(%dma_wait3A_425 : memref<10000x128xf32, #tpu.memory_space<vmem_shared>>)
    } else {
    }
    %add3A_93 = arith.constant 192 : i32
    %add3A_94 = arith.addi %add3A_93, %add3A : i32
    %lt3A_95 = arith.constant 2500 : i32
    %lt3A_96 = arith.cmpi slt, %add3A_94, %lt3A_95 : i32
    %convert_element_type3A_97 = arith.extui %lt3A_96 : i1 to i32
    %cond3A_98 = arith.constant 0 : i32
    %cond3A_99 = arith.cmpi ne, %convert_element_type3A_97, %cond3A_98 : i32
    scf.if %cond3A_99 {
      %add3A_424 = arith.constant 192 : i32
      %add3A_425 = arith.addi %add3A_424, %add3A : i32
      %mul3A_426 = arith.constant 128 : i32
      %mul3A_427 = arith.muli %add3A_425, %mul3A_426 : i32
      %dma_start3A = tpu.memref_slice %arg3[%mul3A_427] : memref<320000xi32, #tpu.memory_space<hbm>> -> memref<128xi32, #tpu.memory_space<hbm>>
      %dma_start3A_428 = tpu.memref_slice %arg3[%mul3A_427] : memref<320000xi32, #tpu.memory_space<hbm>> -> memref<128xi32, #tpu.memory_space<hbm>>
      tpu.enqueue_dma source(%dma_start3A_428 : memref<128xi32, #tpu.memory_space<hbm>>) target(%arg6 : memref<128xi32, #tpu.memory_space<vmem>>) target_semaphore(%arg22 : memref<!tpu.dma_semaphore, #tpu.memory_space<semaphore_mem>>)
      %dma_start3A_429 = tpu.memref_slice %arg4[%mul3A_427] : memref<320000xi32, #tpu.memory_space<hbm>> -> memref<128xi32, #tpu.memory_space<hbm>>
      %dma_start3A_430 = tpu.memref_slice %arg4[%mul3A_427] : memref<320000xi32, #tpu.memory_space<hbm>> -> memref<128xi32, #tpu.memory_space<hbm>>
      tpu.enqueue_dma source(%dma_start3A_430 : memref<128xi32, #tpu.memory_space<hbm>>) target(%arg12 : memref<128xi32, #tpu.memory_space<vmem>>) target_semaphore(%arg28 : memref<!tpu.dma_semaphore, #tpu.memory_space<semaphore_mem>>)
    } else {
    }
    %add3A_100 = arith.constant 96 : i32
    %add3A_101 = arith.addi %add3A_100, %add3A : i32
    %lt3A_102 = arith.constant 2500 : i32
    %lt3A_103 = arith.cmpi slt, %add3A_101, %lt3A_102 : i32
    %convert_element_type3A_104 = arith.extui %lt3A_103 : i1 to i32
    %cond3A_105 = arith.constant 0 : i32
    %cond3A_106 = arith.cmpi ne, %convert_element_type3A_104, %cond3A_105 : i32
    scf.if %cond3A_106 {
      %add3A_424 = arith.constant 96 : i32
      %add3A_425 = arith.addi %add3A_424, %add3A : i32
      %mul3A_426 = arith.constant 128 : i32
      %mul3A_427 = arith.muli %add3A_425, %mul3A_426 : i32
      %dma_wait3A = tpu.memref_slice %arg3[%mul3A_427] : memref<320000xi32, #tpu.memory_space<hbm>> -> memref<128xi32, #tpu.memory_space<hbm>>
      %dma_wait3A_428 = tpu.memref_slice %arg3[%mul3A_427] : memref<320000xi32, #tpu.memory_space<hbm>> -> memref<128xi32, #tpu.memory_space<hbm>>
      tpu.wait_dma2 semaphore(%arg25 : memref<!tpu.dma_semaphore, #tpu.memory_space<semaphore_mem>>) src(%dma_wait3A_428 : memref<128xi32, #tpu.memory_space<hbm>>) dst(%arg9 : memref<128xi32, #tpu.memory_space<vmem>>)
      %dma_start3A = arith.constant 0 : i32
      %dma_start3A_429 = arith.constant 0 : i32
      %dma_start3A_430 = tpu.memref_slice %arg2[%dma_start3A, %dma_start3A_429] : memref<10000x128xf32, #tpu.memory_space<hbm>> -> memref<10000x128xf32, #tpu.memory_space<hbm>>
      tpu.enqueue_indirect_dma source(%dma_start3A_430 : memref<10000x128xf32, #tpu.memory_space<hbm>>) target(%arg18 : memref<128x128xf32, #tpu.memory_space<vmem>>) offsets(%arg9 : memref<128xi32, #tpu.memory_space<vmem>>) semaphore(%arg34 : memref<!tpu.dma_semaphore, #tpu.memory_space<semaphore_mem>>)
    } else {
    }
    %add3A_107 = arith.constant 64 : i32
    %add3A_108 = arith.addi %add3A_107, %add3A : i32
    %lt3A_109 = arith.constant 2500 : i32
    %lt3A_110 = arith.cmpi slt, %add3A_108, %lt3A_109 : i32
    %convert_element_type3A_111 = arith.extui %lt3A_110 : i1 to i32
    %cond3A_112 = arith.constant 0 : i32
    %cond3A_113 = arith.cmpi ne, %convert_element_type3A_111, %cond3A_112 : i32
    scf.if %cond3A_113 {
      %add3A_424 = arith.constant 64 : i32
      %add3A_425 = arith.addi %add3A_424, %add3A : i32
      %mul3A_426 = arith.constant 128 : i32
      %mul3A_427 = arith.muli %add3A_425, %mul3A_426 : i32
      %dma_wait3A = arith.constant 0 : i32
      %dma_wait3A_428 = arith.constant 0 : i32
      %dma_wait3A_429 = tpu.memref_slice %arg2[%dma_wait3A, %dma_wait3A_428] : memref<10000x128xf32, #tpu.memory_space<hbm>> -> memref<10000x128xf32, #tpu.memory_space<hbm>>
      tpu.wait_indirect_dma semaphore(%arg36 : memref<!tpu.dma_semaphore, #tpu.memory_space<semaphore_mem>>) src(%dma_wait3A_429 : memref<10000x128xf32, #tpu.memory_space<hbm>>) dst(%arg20 : memref<128x128xf32, #tpu.memory_space<vmem>>)
      %dma_wait3A_430 = tpu.memref_slice %arg4[%mul3A_427] : memref<320000xi32, #tpu.memory_space<hbm>> -> memref<128xi32, #tpu.memory_space<hbm>>
      %dma_wait3A_431 = tpu.memref_slice %arg4[%mul3A_427] : memref<320000xi32, #tpu.memory_space<hbm>> -> memref<128xi32, #tpu.memory_space<hbm>>
      tpu.wait_dma2 semaphore(%arg30 : memref<!tpu.dma_semaphore, #tpu.memory_space<semaphore_mem>>) src(%dma_wait3A_431 : memref<128xi32, #tpu.memory_space<hbm>>) dst(%arg14 : memref<128xi32, #tpu.memory_space<vmem>>)
      %dma_start3A = arith.constant 0 : i32
      %dma_start3A_432 = arith.constant 0 : i32
      %dma_start3A_433 = tpu.memref_slice %arg21[%dma_start3A, %dma_start3A_432] : memref<10000x128xf32, #tpu.memory_space<vmem_shared>> -> memref<10000x128xf32, #tpu.memory_space<vmem_shared>>
      tpu.enqueue_indirect_dma source(%arg20 : memref<128x128xf32, #tpu.memory_space<vmem>>) target(%dma_start3A_433 : memref<10000x128xf32, #tpu.memory_space<vmem_shared>>) offsets(%arg14 : memref<128xi32, #tpu.memory_space<vmem>>) semaphore(%arg39 : memref<!tpu.dma_semaphore, #tpu.memory_space<semaphore_mem>>) {add = true}
    } else {
    }
    %add3A_114 = arith.constant 32 : i32
    %add3A_115 = arith.addi %add3A_114, %add3A : i32
    %lt3A_116 = arith.constant 2500 : i32
    %lt3A_117 = arith.cmpi slt, %add3A_115, %lt3A_116 : i32
    %convert_element_type3A_118 = arith.extui %lt3A_117 : i1 to i32
    %cond3A_119 = arith.constant 0 : i32
    %cond3A_120 = arith.cmpi ne, %convert_element_type3A_118, %cond3A_119 : i32
    scf.if %cond3A_120 {
      %dma_wait3A = arith.constant 0 : i32
      %dma_wait3A_424 = arith.constant 0 : i32
      %dma_wait3A_425 = tpu.memref_slice %arg21[%dma_wait3A, %dma_wait3A_424] : memref<10000x128xf32, #tpu.memory_space<vmem_shared>> -> memref<10000x128xf32, #tpu.memory_space<vmem_shared>>
      tpu.wait_indirect_dma semaphore(%arg38 : memref<!tpu.dma_semaphore, #tpu.memory_space<semaphore_mem>>) src(%arg19 : memref<128x128xf32, #tpu.memory_space<vmem>>) dst(%dma_wait3A_425 : memref<10000x128xf32, #tpu.memory_space<vmem_shared>>)
    } else {
    }
    %add3A_121 = arith.constant 224 : i32
    %add3A_122 = arith.addi %add3A_121, %add3A : i32
    %lt3A_123 = arith.constant 2500 : i32
    %lt3A_124 = arith.cmpi slt, %add3A_122, %lt3A_123 : i32
    %convert_element_type3A_125 = arith.extui %lt3A_124 : i1 to i32
    %cond3A_126 = arith.constant 0 : i32
    %cond3A_127 = arith.cmpi ne, %convert_element_type3A_125, %cond3A_126 : i32
    scf.if %cond3A_127 {
      %add3A_424 = arith.constant 224 : i32
      %add3A_425 = arith.addi %add3A_424, %add3A : i32
      %mul3A_426 = arith.constant 128 : i32
      %mul3A_427 = arith.muli %add3A_425, %mul3A_426 : i32
      %dma_start3A = tpu.memref_slice %arg3[%mul3A_427] : memref<320000xi32, #tpu.memory_space<hbm>> -> memref<128xi32, #tpu.memory_space<hbm>>
      %dma_start3A_428 = tpu.memref_slice %arg3[%mul3A_427] : memref<320000xi32, #tpu.memory_space<hbm>> -> memref<128xi32, #tpu.memory_space<hbm>>
      tpu.enqueue_dma source(%dma_start3A_428 : memref<128xi32, #tpu.memory_space<hbm>>) target(%arg7 : memref<128xi32, #tpu.memory_space<vmem>>) target_semaphore(%arg23 : memref<!tpu.dma_semaphore, #tpu.memory_space<semaphore_mem>>)
      %dma_start3A_429 = tpu.memref_slice %arg4[%mul3A_427] : memref<320000xi32, #tpu.memory_space<hbm>> -> memref<128xi32, #tpu.memory_space<hbm>>
      %dma_start3A_430 = tpu.memref_slice %arg4[%mul3A_427] : memref<320000xi32, #tpu.memory_space<hbm>> -> memref<128xi32, #tpu.memory_space<hbm>>
      tpu.enqueue_dma source(%dma_start3A_430 : memref<128xi32, #tpu.memory_space<hbm>>) target(%arg13 : memref<128xi32, #tpu.memory_space<vmem>>) target_semaphore(%arg29 : memref<!tpu.dma_semaphore, #tpu.memory_space<semaphore_mem>>)
    } else {
    }
    %add3A_128 = arith.constant 128 : i32
    %add3A_129 = arith.addi %add3A_128, %add3A : i32
    %lt3A_130 = arith.constant 2500 : i32
    %lt3A_131 = arith.cmpi slt, %add3A_129, %lt3A_130 : i32
    %convert_element_type3A_132 = arith.extui %lt3A_131 : i1 to i32
    %cond3A_133 = arith.constant 0 : i32
    %cond3A_134 = arith.cmpi ne, %convert_element_type3A_132, %cond3A_133 : i32
    scf.if %cond3A_134 {
      %add3A_424 = arith.constant 128 : i32
      %add3A_425 = arith.addi %add3A_424, %add3A : i32
      %mul3A_426 = arith.constant 128 : i32
      %mul3A_427 = arith.muli %add3A_425, %mul3A_426 : i32
      %dma_wait3A = tpu.memref_slice %arg3[%mul3A_427] : memref<320000xi32, #tpu.memory_space<hbm>> -> memref<128xi32, #tpu.memory_space<hbm>>
      %dma_wait3A_428 = tpu.memref_slice %arg3[%mul3A_427] : memref<320000xi32, #tpu.memory_space<hbm>> -> memref<128xi32, #tpu.memory_space<hbm>>
      tpu.wait_dma2 semaphore(%arg26 : memref<!tpu.dma_semaphore, #tpu.memory_space<semaphore_mem>>) src(%dma_wait3A_428 : memref<128xi32, #tpu.memory_space<hbm>>) dst(%arg10 : memref<128xi32, #tpu.memory_space<vmem>>)
      %dma_start3A = arith.constant 0 : i32
      %dma_start3A_429 = arith.constant 0 : i32
      %dma_start3A_430 = tpu.memref_slice %arg2[%dma_start3A, %dma_start3A_429] : memref<10000x128xf32, #tpu.memory_space<hbm>> -> memref<10000x128xf32, #tpu.memory_space<hbm>>
      tpu.enqueue_indirect_dma source(%dma_start3A_430 : memref<10000x128xf32, #tpu.memory_space<hbm>>) target(%arg19 : memref<128x128xf32, #tpu.memory_space<vmem>>) offsets(%arg10 : memref<128xi32, #tpu.memory_space<vmem>>) semaphore(%arg35 : memref<!tpu.dma_semaphore, #tpu.memory_space<semaphore_mem>>)
    } else {
    }
    %add3A_135 = arith.constant 96 : i32
    %add3A_136 = arith.addi %add3A_135, %add3A : i32
    %lt3A_137 = arith.constant 2500 : i32
    %lt3A_138 = arith.cmpi slt, %add3A_136, %lt3A_137 : i32
    %convert_element_type3A_139 = arith.extui %lt3A_138 : i1 to i32
    %cond3A_140 = arith.constant 0 : i32
    %cond3A_141 = arith.cmpi ne, %convert_element_type3A_139, %cond3A_140 : i32
    scf.if %cond3A_141 {
      %add3A_424 = arith.constant 96 : i32
      %add3A_425 = arith.addi %add3A_424, %add3A : i32
      %mul3A_426 = arith.constant 128 : i32
      %mul3A_427 = arith.muli %add3A_425, %mul3A_426 : i32
      %dma_wait3A = arith.constant 0 : i32
      %dma_wait3A_428 = arith.constant 0 : i32
      %dma_wait3A_429 = tpu.memref_slice %arg2[%dma_wait3A, %dma_wait3A_428] : memref<10000x128xf32, #tpu.memory_space<hbm>> -> memref<10000x128xf32, #tpu.memory_space<hbm>>
      tpu.wait_indirect_dma semaphore(%arg34 : memref<!tpu.dma_semaphore, #tpu.memory_space<semaphore_mem>>) src(%dma_wait3A_429 : memref<10000x128xf32, #tpu.memory_space<hbm>>) dst(%arg18 : memref<128x128xf32, #tpu.memory_space<vmem>>)
      %dma_wait3A_430 = tpu.memref_slice %arg4[%mul3A_427] : memref<320000xi32, #tpu.memory_space<hbm>> -> memref<128xi32, #tpu.memory_space<hbm>>
      %dma_wait3A_431 = tpu.memref_slice %arg4[%mul3A_427] : memref<320000xi32, #tpu.memory_space<hbm>> -> memref<128xi32, #tpu.memory_space<hbm>>
      tpu.wait_dma2 semaphore(%arg31 : memref<!tpu.dma_semaphore, #tpu.memory_space<semaphore_mem>>) src(%dma_wait3A_431 : memref<128xi32, #tpu.memory_space<hbm>>) dst(%arg15 : memref<128xi32, #tpu.memory_space<vmem>>)
      %dma_start3A = arith.constant 0 : i32
      %dma_start3A_432 = arith.constant 0 : i32
      %dma_start3A_433 = tpu.memref_slice %arg21[%dma_start3A, %dma_start3A_432] : memref<10000x128xf32, #tpu.memory_space<vmem_shared>> -> memref<10000x128xf32, #tpu.memory_space<vmem_shared>>
      tpu.enqueue_indirect_dma source(%arg18 : memref<128x128xf32, #tpu.memory_space<vmem>>) target(%dma_start3A_433 : memref<10000x128xf32, #tpu.memory_space<vmem_shared>>) offsets(%arg15 : memref<128xi32, #tpu.memory_space<vmem>>) semaphore(%arg37 : memref<!tpu.dma_semaphore, #tpu.memory_space<semaphore_mem>>) {add = true}
    } else {
    }
    %add3A_142 = arith.constant 64 : i32
    %add3A_143 = arith.addi %add3A_142, %add3A : i32
    %lt3A_144 = arith.constant 2500 : i32
    %lt3A_145 = arith.cmpi slt, %add3A_143, %lt3A_144 : i32
    %convert_element_type3A_146 = arith.extui %lt3A_145 : i1 to i32
    %cond3A_147 = arith.constant 0 : i32
    %cond3A_148 = arith.cmpi ne, %convert_element_type3A_146, %cond3A_147 : i32
    scf.if %cond3A_148 {
      %dma_wait3A = arith.constant 0 : i32
      %dma_wait3A_424 = arith.constant 0 : i32
      %dma_wait3A_425 = tpu.memref_slice %arg21[%dma_wait3A, %dma_wait3A_424] : memref<10000x128xf32, #tpu.memory_space<vmem_shared>> -> memref<10000x128xf32, #tpu.memory_space<vmem_shared>>
      tpu.wait_indirect_dma semaphore(%arg39 : memref<!tpu.dma_semaphore, #tpu.memory_space<semaphore_mem>>) src(%arg20 : memref<128x128xf32, #tpu.memory_space<vmem>>) dst(%dma_wait3A_425 : memref<10000x128xf32, #tpu.memory_space<vmem_shared>>)
    } else {
    }
    %add3A_149 = arith.constant 256 : i32
    %add3A_150 = arith.addi %add3A_149, %add3A : i32
    %lt3A_151 = arith.constant 2500 : i32
    %lt3A_152 = arith.cmpi slt, %add3A_150, %lt3A_151 : i32
    %convert_element_type3A_153 = arith.extui %lt3A_152 : i1 to i32
    %cond3A_154 = arith.constant 0 : i32
    %cond3A_155 = arith.cmpi ne, %convert_element_type3A_153, %cond3A_154 : i32
    scf.if %cond3A_155 {
      %add3A_424 = arith.constant 256 : i32
      %add3A_425 = arith.addi %add3A_424, %add3A : i32
      %mul3A_426 = arith.constant 128 : i32
      %mul3A_427 = arith.muli %add3A_425, %mul3A_426 : i32
      %dma_start3A = tpu.memref_slice %arg3[%mul3A_427] : memref<320000xi32, #tpu.memory_space<hbm>> -> memref<128xi32, #tpu.memory_space<hbm>>
      %dma_start3A_428 = tpu.memref_slice %arg3[%mul3A_427] : memref<320000xi32, #tpu.memory_space<hbm>> -> memref<128xi32, #tpu.memory_space<hbm>>
      tpu.enqueue_dma source(%dma_start3A_428 : memref<128xi32, #tpu.memory_space<hbm>>) target(%arg8 : memref<128xi32, #tpu.memory_space<vmem>>) target_semaphore(%arg24 : memref<!tpu.dma_semaphore, #tpu.memory_space<semaphore_mem>>)
      %dma_start3A_429 = tpu.memref_slice %arg4[%mul3A_427] : memref<320000xi32, #tpu.memory_space<hbm>> -> memref<128xi32, #tpu.memory_space<hbm>>
      %dma_start3A_430 = tpu.memref_slice %arg4[%mul3A_427] : memref<320000xi32, #tpu.memory_space<hbm>> -> memref<128xi32, #tpu.memory_space<hbm>>
      tpu.enqueue_dma source(%dma_start3A_430 : memref<128xi32, #tpu.memory_space<hbm>>) target(%arg14 : memref<128xi32, #tpu.memory_space<vmem>>) target_semaphore(%arg30 : memref<!tpu.dma_semaphore, #tpu.memory_space<semaphore_mem>>)
    } else {
    }
    %add3A_156 = arith.constant 160 : i32
    %add3A_157 = arith.addi %add3A_156, %add3A : i32
    %lt3A_158 = arith.constant 2500 : i32
    %lt3A_159 = arith.cmpi slt, %add3A_157, %lt3A_158 : i32
    %convert_element_type3A_160 = arith.extui %lt3A_159 : i1 to i32
    %cond3A_161 = arith.constant 0 : i32
    %cond3A_162 = arith.cmpi ne, %convert_element_type3A_160, %cond3A_161 : i32
    scf.if %cond3A_162 {
      %add3A_424 = arith.constant 160 : i32
      %add3A_425 = arith.addi %add3A_424, %add3A : i32
      %mul3A_426 = arith.constant 128 : i32
      %mul3A_427 = arith.muli %add3A_425, %mul3A_426 : i32
      %dma_wait3A = tpu.memref_slice %arg3[%mul3A_427] : memref<320000xi32, #tpu.memory_space<hbm>> -> memref<128xi32, #tpu.memory_space<hbm>>
      %dma_wait3A_428 = tpu.memref_slice %arg3[%mul3A_427] : memref<320000xi32, #tpu.memory_space<hbm>> -> memref<128xi32, #tpu.memory_space<hbm>>
      tpu.wait_dma2 semaphore(%arg27 : memref<!tpu.dma_semaphore, #tpu.memory_space<semaphore_mem>>) src(%dma_wait3A_428 : memref<128xi32, #tpu.memory_space<hbm>>) dst(%arg11 : memref<128xi32, #tpu.memory_space<vmem>>)
      %dma_start3A = arith.constant 0 : i32
      %dma_start3A_429 = arith.constant 0 : i32
      %dma_start3A_430 = tpu.memref_slice %arg2[%dma_start3A, %dma_start3A_429] : memref<10000x128xf32, #tpu.memory_space<hbm>> -> memref<10000x128xf32, #tpu.memory_space<hbm>>
      tpu.enqueue_indirect_dma source(%dma_start3A_430 : memref<10000x128xf32, #tpu.memory_space<hbm>>) target(%arg20 : memref<128x128xf32, #tpu.memory_space<vmem>>) offsets(%arg11 : memref<128xi32, #tpu.memory_space<vmem>>) semaphore(%arg36 : memref<!tpu.dma_semaphore, #tpu.memory_space<semaphore_mem>>)
    } else {
    }
    %add3A_163 = arith.constant 128 : i32
    %add3A_164 = arith.addi %add3A_163, %add3A : i32
    %lt3A_165 = arith.constant 2500 : i32
    %lt3A_166 = arith.cmpi slt, %add3A_164, %lt3A_165 : i32
    %convert_element_type3A_167 = arith.extui %lt3A_166 : i1 to i32
    %cond3A_168 = arith.constant 0 : i32
    %cond3A_169 = arith.cmpi ne, %convert_element_type3A_167, %cond3A_168 : i32
    scf.if %cond3A_169 {
      %add3A_424 = arith.constant 128 : i32
      %add3A_425 = arith.addi %add3A_424, %add3A : i32
      %mul3A_426 = arith.constant 128 : i32
      %mul3A_427 = arith.muli %add3A_425, %mul3A_426 : i32
      %dma_wait3A = arith.constant 0 : i32
      %dma_wait3A_428 = arith.constant 0 : i32
      %dma_wait3A_429 = tpu.memref_slice %arg2[%dma_wait3A, %dma_wait3A_428] : memref<10000x128xf32, #tpu.memory_space<hbm>> -> memref<10000x128xf32, #tpu.memory_space<hbm>>
      tpu.wait_indirect_dma semaphore(%arg35 : memref<!tpu.dma_semaphore, #tpu.memory_space<semaphore_mem>>) src(%dma_wait3A_429 : memref<10000x128xf32, #tpu.memory_space<hbm>>) dst(%arg19 : memref<128x128xf32, #tpu.memory_space<vmem>>)
      %dma_wait3A_430 = tpu.memref_slice %arg4[%mul3A_427] : memref<320000xi32, #tpu.memory_space<hbm>> -> memref<128xi32, #tpu.memory_space<hbm>>
      %dma_wait3A_431 = tpu.memref_slice %arg4[%mul3A_427] : memref<320000xi32, #tpu.memory_space<hbm>> -> memref<128xi32, #tpu.memory_space<hbm>>
      tpu.wait_dma2 semaphore(%arg32 : memref<!tpu.dma_semaphore, #tpu.memory_space<semaphore_mem>>) src(%dma_wait3A_431 : memref<128xi32, #tpu.memory_space<hbm>>) dst(%arg16 : memref<128xi32, #tpu.memory_space<vmem>>)
      %dma_start3A = arith.constant 0 : i32
      %dma_start3A_432 = arith.constant 0 : i32
      %dma_start3A_433 = tpu.memref_slice %arg21[%dma_start3A, %dma_start3A_432] : memref<10000x128xf32, #tpu.memory_space<vmem_shared>> -> memref<10000x128xf32, #tpu.memory_space<vmem_shared>>
      tpu.enqueue_indirect_dma source(%arg19 : memref<128x128xf32, #tpu.memory_space<vmem>>) target(%dma_start3A_433 : memref<10000x128xf32, #tpu.memory_space<vmem_shared>>) offsets(%arg16 : memref<128xi32, #tpu.memory_space<vmem>>) semaphore(%arg38 : memref<!tpu.dma_semaphore, #tpu.memory_space<semaphore_mem>>) {add = true}
    } else {
    }
    %add3A_170 = arith.constant 96 : i32
    %add3A_171 = arith.addi %add3A_170, %add3A : i32
    %lt3A_172 = arith.constant 2500 : i32
    %lt3A_173 = arith.cmpi slt, %add3A_171, %lt3A_172 : i32
    %convert_element_type3A_174 = arith.extui %lt3A_173 : i1 to i32
    %cond3A_175 = arith.constant 0 : i32
    %cond3A_176 = arith.cmpi ne, %convert_element_type3A_174, %cond3A_175 : i32
    scf.if %cond3A_176 {
      %dma_wait3A = arith.constant 0 : i32
      %dma_wait3A_424 = arith.constant 0 : i32
      %dma_wait3A_425 = tpu.memref_slice %arg21[%dma_wait3A, %dma_wait3A_424] : memref<10000x128xf32, #tpu.memory_space<vmem_shared>> -> memref<10000x128xf32, #tpu.memory_space<vmem_shared>>
      tpu.wait_indirect_dma semaphore(%arg37 : memref<!tpu.dma_semaphore, #tpu.memory_space<semaphore_mem>>) src(%arg18 : memref<128x128xf32, #tpu.memory_space<vmem>>) dst(%dma_wait3A_425 : memref<10000x128xf32, #tpu.memory_space<vmem_shared>>)
    } else {
    }
    %add3A_177 = arith.constant 288 : i32
    %add3A_178 = arith.addi %add3A_177, %add3A : i32
    %lt3A_179 = arith.constant 2500 : i32
    %lt3A_180 = arith.cmpi slt, %add3A_178, %lt3A_179 : i32
    %convert_element_type3A_181 = arith.extui %lt3A_180 : i1 to i32
    %cond3A_182 = arith.constant 0 : i32
    %cond3A_183 = arith.cmpi ne, %convert_element_type3A_181, %cond3A_182 : i32
    scf.if %cond3A_183 {
      %add3A_424 = arith.constant 288 : i32
      %add3A_425 = arith.addi %add3A_424, %add3A : i32
      %mul3A_426 = arith.constant 128 : i32
      %mul3A_427 = arith.muli %add3A_425, %mul3A_426 : i32
      %dma_start3A = tpu.memref_slice %arg3[%mul3A_427] : memref<320000xi32, #tpu.memory_space<hbm>> -> memref<128xi32, #tpu.memory_space<hbm>>
      %dma_start3A_428 = tpu.memref_slice %arg3[%mul3A_427] : memref<320000xi32, #tpu.memory_space<hbm>> -> memref<128xi32, #tpu.memory_space<hbm>>
      tpu.enqueue_dma source(%dma_start3A_428 : memref<128xi32, #tpu.memory_space<hbm>>) target(%arg9 : memref<128xi32, #tpu.memory_space<vmem>>) target_semaphore(%arg25 : memref<!tpu.dma_semaphore, #tpu.memory_space<semaphore_mem>>)
      %dma_start3A_429 = tpu.memref_slice %arg4[%mul3A_427] : memref<320000xi32, #tpu.memory_space<hbm>> -> memref<128xi32, #tpu.memory_space<hbm>>
      %dma_start3A_430 = tpu.memref_slice %arg4[%mul3A_427] : memref<320000xi32, #tpu.memory_space<hbm>> -> memref<128xi32, #tpu.memory_space<hbm>>
      tpu.enqueue_dma source(%dma_start3A_430 : memref<128xi32, #tpu.memory_space<hbm>>) target(%arg15 : memref<128xi32, #tpu.memory_space<vmem>>) target_semaphore(%arg31 : memref<!tpu.dma_semaphore, #tpu.memory_space<semaphore_mem>>)
    } else {
    }
    %add3A_184 = arith.constant 192 : i32
    %add3A_185 = arith.addi %add3A_184, %add3A : i32
    %lt3A_186 = arith.constant 2500 : i32
    %lt3A_187 = arith.cmpi slt, %add3A_185, %lt3A_186 : i32
    %convert_element_type3A_188 = arith.extui %lt3A_187 : i1 to i32
    %cond3A_189 = arith.constant 0 : i32
    %cond3A_190 = arith.cmpi ne, %convert_element_type3A_188, %cond3A_189 : i32
    scf.if %cond3A_190 {
      %add3A_424 = arith.constant 192 : i32
      %add3A_425 = arith.addi %add3A_424, %add3A : i32
      %mul3A_426 = arith.constant 128 : i32
      %mul3A_427 = arith.muli %add3A_425, %mul3A_426 : i32
      %dma_wait3A = tpu.memref_slice %arg3[%mul3A_427] : memref<320000xi32, #tpu.memory_space<hbm>> -> memref<128xi32, #tpu.memory_space<hbm>>
      %dma_wait3A_428 = tpu.memref_slice %arg3[%mul3A_427] : memref<320000xi32, #tpu.memory_space<hbm>> -> memref<128xi32, #tpu.memory_space<hbm>>
      tpu.wait_dma2 semaphore(%arg22 : memref<!tpu.dma_semaphore, #tpu.memory_space<semaphore_mem>>) src(%dma_wait3A_428 : memref<128xi32, #tpu.memory_space<hbm>>) dst(%arg6 : memref<128xi32, #tpu.memory_space<vmem>>)
      %dma_start3A = arith.constant 0 : i32
      %dma_start3A_429 = arith.constant 0 : i32
      %dma_start3A_430 = tpu.memref_slice %arg2[%dma_start3A, %dma_start3A_429] : memref<10000x128xf32, #tpu.memory_space<hbm>> -> memref<10000x128xf32, #tpu.memory_space<hbm>>
      tpu.enqueue_indirect_dma source(%dma_start3A_430 : memref<10000x128xf32, #tpu.memory_space<hbm>>) target(%arg18 : memref<128x128xf32, #tpu.memory_space<vmem>>) offsets(%arg6 : memref<128xi32, #tpu.memory_space<vmem>>) semaphore(%arg34 : memref<!tpu.dma_semaphore, #tpu.memory_space<semaphore_mem>>)
    } else {
    }
    %add3A_191 = arith.constant 160 : i32
    %add3A_192 = arith.addi %add3A_191, %add3A : i32
    %lt3A_193 = arith.constant 2500 : i32
    %lt3A_194 = arith.cmpi slt, %add3A_192, %lt3A_193 : i32
    %convert_element_type3A_195 = arith.extui %lt3A_194 : i1 to i32
    %cond3A_196 = arith.constant 0 : i32
    %cond3A_197 = arith.cmpi ne, %convert_element_type3A_195, %cond3A_196 : i32
    scf.if %cond3A_197 {
      %add3A_424 = arith.constant 160 : i32
      %add3A_425 = arith.addi %add3A_424, %add3A : i32
      %mul3A_426 = arith.constant 128 : i32
      %mul3A_427 = arith.muli %add3A_425, %mul3A_426 : i32
      %dma_wait3A = arith.constant 0 : i32
      %dma_wait3A_428 = arith.constant 0 : i32
      %dma_wait3A_429 = tpu.memref_slice %arg2[%dma_wait3A, %dma_wait3A_428] : memref<10000x128xf32, #tpu.memory_space<hbm>> -> memref<10000x128xf32, #tpu.memory_space<hbm>>
      tpu.wait_indirect_dma semaphore(%arg36 : memref<!tpu.dma_semaphore, #tpu.memory_space<semaphore_mem>>) src(%dma_wait3A_429 : memref<10000x128xf32, #tpu.memory_space<hbm>>) dst(%arg20 : memref<128x128xf32, #tpu.memory_space<vmem>>)
      %dma_wait3A_430 = tpu.memref_slice %arg4[%mul3A_427] : memref<320000xi32, #tpu.memory_space<hbm>> -> memref<128xi32, #tpu.memory_space<hbm>>
      %dma_wait3A_431 = tpu.memref_slice %arg4[%mul3A_427] : memref<320000xi32, #tpu.memory_space<hbm>> -> memref<128xi32, #tpu.memory_space<hbm>>
      tpu.wait_dma2 semaphore(%arg33 : memref<!tpu.dma_semaphore, #tpu.memory_space<semaphore_mem>>) src(%dma_wait3A_431 : memref<128xi32, #tpu.memory_space<hbm>>) dst(%arg17 : memref<128xi32, #tpu.memory_space<vmem>>)
      %dma_start3A = arith.constant 0 : i32
      %dma_start3A_432 = arith.constant 0 : i32
      %dma_start3A_433 = tpu.memref_slice %arg21[%dma_start3A, %dma_start3A_432] : memref<10000x128xf32, #tpu.memory_space<vmem_shared>> -> memref<10000x128xf32, #tpu.memory_space<vmem_shared>>
      tpu.enqueue_indirect_dma source(%arg20 : memref<128x128xf32, #tpu.memory_space<vmem>>) target(%dma_start3A_433 : memref<10000x128xf32, #tpu.memory_space<vmem_shared>>) offsets(%arg17 : memref<128xi32, #tpu.memory_space<vmem>>) semaphore(%arg39 : memref<!tpu.dma_semaphore, #tpu.memory_space<semaphore_mem>>) {add = true}
    } else {
    }
    %scan3A = arith.constant 0 : i32
    %scan3A_198 = arith.constant 0 : i32
    %scan3A_199 = arith.constant 11 : i32
    %scan3A_200 = arith.addi %scan3A_198, %scan3A_199 : i32
    %scan3A_201 = arith.constant 1 : i32
    scf.for %scan3A_424 = %scan3A_198 to %scan3A_200 step %scan3A_201  : i32 {
      %mul3A_425 = arith.constant 6 : i32
      %mul3A_426 = arith.muli %mul3A_425, %scan3A_424 : i32
      %add3A_427 = arith.constant 6 : i32
      %add3A_428 = arith.addi %add3A_427, %mul3A_426 : i32
      %add3A_429 = arith.constant 0 : i32
      %add3A_430 = arith.addi %add3A_428, %add3A_429 : i32
      %sub3A = arith.constant 2 : i32
      %sub3A_431 = arith.subi %add3A_430, %sub3A : i32
      %mul3A_432 = arith.constant 32 : i32
      %mul3A_433 = arith.muli %sub3A_431, %mul3A_432 : i32
      %add3A_434 = arith.addi %mul3A_433, %add3A : i32
      %lt3A_435 = arith.constant 2500 : i32
      %lt3A_436 = arith.cmpi slt, %add3A_434, %lt3A_435 : i32
      %convert_element_type3A_437 = arith.extui %lt3A_436 : i1 to i32
      %cond3A_438 = arith.constant 0 : i32
      %cond3A_439 = arith.cmpi ne, %convert_element_type3A_437, %cond3A_438 : i32
      scf.if %cond3A_439 {
        %dma_wait3A = arith.constant 0 : i32
        %dma_wait3A_668 = arith.constant 0 : i32
        %dma_wait3A_669 = tpu.memref_slice %arg21[%dma_wait3A, %dma_wait3A_668] : memref<10000x128xf32, #tpu.memory_space<vmem_shared>> -> memref<10000x128xf32, #tpu.memory_space<vmem_shared>>
        tpu.wait_indirect_dma semaphore(%arg38 : memref<!tpu.dma_semaphore, #tpu.memory_space<semaphore_mem>>) src(%arg19 : memref<128x128xf32, #tpu.memory_space<vmem>>) dst(%dma_wait3A_669 : memref<10000x128xf32, #tpu.memory_space<vmem_shared>>)
      } else {
      }
      %add3A_440 = arith.constant 4 : i32
      %add3A_441 = arith.addi %add3A_430, %add3A_440 : i32
      %mul3A_442 = arith.constant 32 : i32
      %mul3A_443 = arith.muli %add3A_441, %mul3A_442 : i32
      %add3A_444 = arith.addi %mul3A_443, %add3A : i32
      %lt3A_445 = arith.constant 2500 : i32
      %lt3A_446 = arith.cmpi slt, %add3A_444, %lt3A_445 : i32
      %convert_element_type3A_447 = arith.extui %lt3A_446 : i1 to i32
      %cond3A_448 = arith.constant 0 : i32
      %cond3A_449 = arith.cmpi ne, %convert_element_type3A_447, %cond3A_448 : i32
      scf.if %cond3A_449 {
        %mul3A_668 = arith.constant 32 : i32
        %mul3A_669 = arith.muli %add3A_441, %mul3A_668 : i32
        %add3A_670 = arith.addi %mul3A_669, %add3A : i32
        %mul3A_671 = arith.constant 128 : i32
        %mul3A_672 = arith.muli %add3A_670, %mul3A_671 : i32
        %dma_start3A = tpu.memref_slice %arg3[%mul3A_672] : memref<320000xi32, #tpu.memory_space<hbm>> -> memref<128xi32, #tpu.memory_space<hbm>>
        %dma_start3A_673 = tpu.memref_slice %arg3[%mul3A_672] : memref<320000xi32, #tpu.memory_space<hbm>> -> memref<128xi32, #tpu.memory_space<hbm>>
        tpu.enqueue_dma source(%dma_start3A_673 : memref<128xi32, #tpu.memory_space<hbm>>) target(%arg10 : memref<128xi32, #tpu.memory_space<vmem>>) target_semaphore(%arg26 : memref<!tpu.dma_semaphore, #tpu.memory_space<semaphore_mem>>)
        %dma_start3A_674 = tpu.memref_slice %arg4[%mul3A_672] : memref<320000xi32, #tpu.memory_space<hbm>> -> memref<128xi32, #tpu.memory_space<hbm>>
        %dma_start3A_675 = tpu.memref_slice %arg4[%mul3A_672] : memref<320000xi32, #tpu.memory_space<hbm>> -> memref<128xi32, #tpu.memory_space<hbm>>
        tpu.enqueue_dma source(%dma_start3A_675 : memref<128xi32, #tpu.memory_space<hbm>>) target(%arg16 : memref<128xi32, #tpu.memory_space<vmem>>) target_semaphore(%arg32 : memref<!tpu.dma_semaphore, #tpu.memory_space<semaphore_mem>>)
      } else {
      }
      %add3A_450 = arith.constant 1 : i32
      %add3A_451 = arith.addi %add3A_430, %add3A_450 : i32
      %mul3A_452 = arith.constant 32 : i32
      %mul3A_453 = arith.muli %add3A_451, %mul3A_452 : i32
      %add3A_454 = arith.addi %mul3A_453, %add3A : i32
      %lt3A_455 = arith.constant 2500 : i32
      %lt3A_456 = arith.cmpi slt, %add3A_454, %lt3A_455 : i32
      %convert_element_type3A_457 = arith.extui %lt3A_456 : i1 to i32
      %cond3A_458 = arith.constant 0 : i32
      %cond3A_459 = arith.cmpi ne, %convert_element_type3A_457, %cond3A_458 : i32
      scf.if %cond3A_459 {
        %mul3A_668 = arith.constant 32 : i32
        %mul3A_669 = arith.muli %add3A_451, %mul3A_668 : i32
        %add3A_670 = arith.addi %mul3A_669, %add3A : i32
        %mul3A_671 = arith.constant 128 : i32
        %mul3A_672 = arith.muli %add3A_670, %mul3A_671 : i32
        %dma_wait3A = tpu.memref_slice %arg3[%mul3A_672] : memref<320000xi32, #tpu.memory_space<hbm>> -> memref<128xi32, #tpu.memory_space<hbm>>
        %dma_wait3A_673 = tpu.memref_slice %arg3[%mul3A_672] : memref<320000xi32, #tpu.memory_space<hbm>> -> memref<128xi32, #tpu.memory_space<hbm>>
        tpu.wait_dma2 semaphore(%arg23 : memref<!tpu.dma_semaphore, #tpu.memory_space<semaphore_mem>>) src(%dma_wait3A_673 : memref<128xi32, #tpu.memory_space<hbm>>) dst(%arg7 : memref<128xi32, #tpu.memory_space<vmem>>)
        %dma_start3A = arith.constant 0 : i32
        %dma_start3A_674 = arith.constant 0 : i32
        %dma_start3A_675 = tpu.memref_slice %arg2[%dma_start3A, %dma_start3A_674] : memref<10000x128xf32, #tpu.memory_space<hbm>> -> memref<10000x128xf32, #tpu.memory_space<hbm>>
        tpu.enqueue_indirect_dma source(%dma_start3A_675 : memref<10000x128xf32, #tpu.memory_space<hbm>>) target(%arg19 : memref<128x128xf32, #tpu.memory_space<vmem>>) offsets(%arg7 : memref<128xi32, #tpu.memory_space<vmem>>) semaphore(%arg35 : memref<!tpu.dma_semaphore, #tpu.memory_space<semaphore_mem>>)
      } else {
      }
      %mul3A_460 = arith.constant 32 : i32
      %mul3A_461 = arith.muli %add3A_430, %mul3A_460 : i32
      %add3A_462 = arith.addi %mul3A_461, %add3A : i32
      %lt3A_463 = arith.constant 2500 : i32
      %lt3A_464 = arith.cmpi slt, %add3A_462, %lt3A_463 : i32
      %convert_element_type3A_465 = arith.extui %lt3A_464 : i1 to i32
      %cond3A_466 = arith.constant 0 : i32
      %cond3A_467 = arith.cmpi ne, %convert_element_type3A_465, %cond3A_466 : i32
      scf.if %cond3A_467 {
        %mul3A_668 = arith.constant 32 : i32
        %mul3A_669 = arith.muli %add3A_430, %mul3A_668 : i32
        %add3A_670 = arith.addi %mul3A_669, %add3A : i32
        %mul3A_671 = arith.constant 128 : i32
        %mul3A_672 = arith.muli %add3A_670, %mul3A_671 : i32
        %dma_wait3A = arith.constant 0 : i32
        %dma_wait3A_673 = arith.constant 0 : i32
        %dma_wait3A_674 = tpu.memref_slice %arg2[%dma_wait3A, %dma_wait3A_673] : memref<10000x128xf32, #tpu.memory_space<hbm>> -> memref<10000x128xf32, #tpu.memory_space<hbm>>
        tpu.wait_indirect_dma semaphore(%arg34 : memref<!tpu.dma_semaphore, #tpu.memory_space<semaphore_mem>>) src(%dma_wait3A_674 : memref<10000x128xf32, #tpu.memory_space<hbm>>) dst(%arg18 : memref<128x128xf32, #tpu.memory_space<vmem>>)
        %dma_wait3A_675 = tpu.memref_slice %arg4[%mul3A_672] : memref<320000xi32, #tpu.memory_space<hbm>> -> memref<128xi32, #tpu.memory_space<hbm>>
        %dma_wait3A_676 = tpu.memref_slice %arg4[%mul3A_672] : memref<320000xi32, #tpu.memory_space<hbm>> -> memref<128xi32, #tpu.memory_space<hbm>>
        tpu.wait_dma2 semaphore(%arg28 : memref<!tpu.dma_semaphore, #tpu.memory_space<semaphore_mem>>) src(%dma_wait3A_676 : memref<128xi32, #tpu.memory_space<hbm>>) dst(%arg12 : memref<128xi32, #tpu.memory_space<vmem>>)
        %dma_start3A = arith.constant 0 : i32
        %dma_start3A_677 = arith.constant 0 : i32
        %dma_start3A_678 = tpu.memref_slice %arg21[%dma_start3A, %dma_start3A_677] : memref<10000x128xf32, #tpu.memory_space<vmem_shared>> -> memref<10000x128xf32, #tpu.memory_space<vmem_shared>>
        tpu.enqueue_indirect_dma source(%arg18 : memref<128x128xf32, #tpu.memory_space<vmem>>) target(%dma_start3A_678 : memref<10000x128xf32, #tpu.memory_space<vmem_shared>>) offsets(%arg12 : memref<128xi32, #tpu.memory_space<vmem>>) semaphore(%arg37 : memref<!tpu.dma_semaphore, #tpu.memory_space<semaphore_mem>>) {add = true}
      } else {
      }
      %add3A_468 = arith.constant 1 : i32
      %add3A_469 = arith.addi %add3A_428, %add3A_468 : i32
      %sub3A_470 = arith.constant 2 : i32
      %sub3A_471 = arith.subi %add3A_469, %sub3A_470 : i32
      %mul3A_472 = arith.constant 32 : i32
      %mul3A_473 = arith.muli %sub3A_471, %mul3A_472 : i32
      %add3A_474 = arith.addi %mul3A_473, %add3A : i32
      %lt3A_475 = arith.constant 2500 : i32
      %lt3A_476 = arith.cmpi slt, %add3A_474, %lt3A_475 : i32
      %convert_element_type3A_477 = arith.extui %lt3A_476 : i1 to i32
      %cond3A_478 = arith.constant 0 : i32
      %cond3A_479 = arith.cmpi ne, %convert_element_type3A_477, %cond3A_478 : i32
      scf.if %cond3A_479 {
        %dma_wait3A = arith.constant 0 : i32
        %dma_wait3A_668 = arith.constant 0 : i32
        %dma_wait3A_669 = tpu.memref_slice %arg21[%dma_wait3A, %dma_wait3A_668] : memref<10000x128xf32, #tpu.memory_space<vmem_shared>> -> memref<10000x128xf32, #tpu.memory_space<vmem_shared>>
        tpu.wait_indirect_dma semaphore(%arg39 : memref<!tpu.dma_semaphore, #tpu.memory_space<semaphore_mem>>) src(%arg20 : memref<128x128xf32, #tpu.memory_space<vmem>>) dst(%dma_wait3A_669 : memref<10000x128xf32, #tpu.memory_space<vmem_shared>>)
      } else {
      }
      %add3A_480 = arith.constant 4 : i32
      %add3A_481 = arith.addi %add3A_469, %add3A_480 : i32
      %mul3A_482 = arith.constant 32 : i32
      %mul3A_483 = arith.muli %add3A_481, %mul3A_482 : i32
      %add3A_484 = arith.addi %mul3A_483, %add3A : i32
      %lt3A_485 = arith.constant 2500 : i32
      %lt3A_486 = arith.cmpi slt, %add3A_484, %lt3A_485 : i32
      %convert_element_type3A_487 = arith.extui %lt3A_486 : i1 to i32
      %cond3A_488 = arith.constant 0 : i32
      %cond3A_489 = arith.cmpi ne, %convert_element_type3A_487, %cond3A_488 : i32
      scf.if %cond3A_489 {
        %mul3A_668 = arith.constant 32 : i32
        %mul3A_669 = arith.muli %add3A_481, %mul3A_668 : i32
        %add3A_670 = arith.addi %mul3A_669, %add3A : i32
        %mul3A_671 = arith.constant 128 : i32
        %mul3A_672 = arith.muli %add3A_670, %mul3A_671 : i32
        %dma_start3A = tpu.memref_slice %arg3[%mul3A_672] : memref<320000xi32, #tpu.memory_space<hbm>> -> memref<128xi32, #tpu.memory_space<hbm>>
        %dma_start3A_673 = tpu.memref_slice %arg3[%mul3A_672] : memref<320000xi32, #tpu.memory_space<hbm>> -> memref<128xi32, #tpu.memory_space<hbm>>
        tpu.enqueue_dma source(%dma_start3A_673 : memref<128xi32, #tpu.memory_space<hbm>>) target(%arg11 : memref<128xi32, #tpu.memory_space<vmem>>) target_semaphore(%arg27 : memref<!tpu.dma_semaphore, #tpu.memory_space<semaphore_mem>>)
        %dma_start3A_674 = tpu.memref_slice %arg4[%mul3A_672] : memref<320000xi32, #tpu.memory_space<hbm>> -> memref<128xi32, #tpu.memory_space<hbm>>
        %dma_start3A_675 = tpu.memref_slice %arg4[%mul3A_672] : memref<320000xi32, #tpu.memory_space<hbm>> -> memref<128xi32, #tpu.memory_space<hbm>>
        tpu.enqueue_dma source(%dma_start3A_675 : memref<128xi32, #tpu.memory_space<hbm>>) target(%arg17 : memref<128xi32, #tpu.memory_space<vmem>>) target_semaphore(%arg33 : memref<!tpu.dma_semaphore, #tpu.memory_space<semaphore_mem>>)
      } else {
      }
      %add3A_490 = arith.constant 1 : i32
      %add3A_491 = arith.addi %add3A_469, %add3A_490 : i32
      %mul3A_492 = arith.constant 32 : i32
      %mul3A_493 = arith.muli %add3A_491, %mul3A_492 : i32
      %add3A_494 = arith.addi %mul3A_493, %add3A : i32
      %lt3A_495 = arith.constant 2500 : i32
      %lt3A_496 = arith.cmpi slt, %add3A_494, %lt3A_495 : i32
      %convert_element_type3A_497 = arith.extui %lt3A_496 : i1 to i32
      %cond3A_498 = arith.constant 0 : i32
      %cond3A_499 = arith.cmpi ne, %convert_element_type3A_497, %cond3A_498 : i32
      scf.if %cond3A_499 {
        %mul3A_668 = arith.constant 32 : i32
        %mul3A_669 = arith.muli %add3A_491, %mul3A_668 : i32
        %add3A_670 = arith.addi %mul3A_669, %add3A : i32
        %mul3A_671 = arith.constant 128 : i32
        %mul3A_672 = arith.muli %add3A_670, %mul3A_671 : i32
        %dma_wait3A = tpu.memref_slice %arg3[%mul3A_672] : memref<320000xi32, #tpu.memory_space<hbm>> -> memref<128xi32, #tpu.memory_space<hbm>>
        %dma_wait3A_673 = tpu.memref_slice %arg3[%mul3A_672] : memref<320000xi32, #tpu.memory_space<hbm>> -> memref<128xi32, #tpu.memory_space<hbm>>
        tpu.wait_dma2 semaphore(%arg24 : memref<!tpu.dma_semaphore, #tpu.memory_space<semaphore_mem>>) src(%dma_wait3A_673 : memref<128xi32, #tpu.memory_space<hbm>>) dst(%arg8 : memref<128xi32, #tpu.memory_space<vmem>>)
        %dma_start3A = arith.constant 0 : i32
        %dma_start3A_674 = arith.constant 0 : i32
        %dma_start3A_675 = tpu.memref_slice %arg2[%dma_start3A, %dma_start3A_674] : memref<10000x128xf32, #tpu.memory_space<hbm>> -> memref<10000x128xf32, #tpu.memory_space<hbm>>
        tpu.enqueue_indirect_dma source(%dma_start3A_675 : memref<10000x128xf32, #tpu.memory_space<hbm>>) target(%arg20 : memref<128x128xf32, #tpu.memory_space<vmem>>) offsets(%arg8 : memref<128xi32, #tpu.memory_space<vmem>>) semaphore(%arg36 : memref<!tpu.dma_semaphore, #tpu.memory_space<semaphore_mem>>)
      } else {
      }
      %mul3A_500 = arith.constant 32 : i32
      %mul3A_501 = arith.muli %add3A_469, %mul3A_500 : i32
      %add3A_502 = arith.addi %mul3A_501, %add3A : i32
      %lt3A_503 = arith.constant 2500 : i32
      %lt3A_504 = arith.cmpi slt, %add3A_502, %lt3A_503 : i32
      %convert_element_type3A_505 = arith.extui %lt3A_504 : i1 to i32
      %cond3A_506 = arith.constant 0 : i32
      %cond3A_507 = arith.cmpi ne, %convert_element_type3A_505, %cond3A_506 : i32
      scf.if %cond3A_507 {
        %mul3A_668 = arith.constant 32 : i32
        %mul3A_669 = arith.muli %add3A_469, %mul3A_668 : i32
        %add3A_670 = arith.addi %mul3A_669, %add3A : i32
        %mul3A_671 = arith.constant 128 : i32
        %mul3A_672 = arith.muli %add3A_670, %mul3A_671 : i32
        %dma_wait3A = arith.constant 0 : i32
        %dma_wait3A_673 = arith.constant 0 : i32
        %dma_wait3A_674 = tpu.memref_slice %arg2[%dma_wait3A, %dma_wait3A_673] : memref<10000x128xf32, #tpu.memory_space<hbm>> -> memref<10000x128xf32, #tpu.memory_space<hbm>>
        tpu.wait_indirect_dma semaphore(%arg35 : memref<!tpu.dma_semaphore, #tpu.memory_space<semaphore_mem>>) src(%dma_wait3A_674 : memref<10000x128xf32, #tpu.memory_space<hbm>>) dst(%arg19 : memref<128x128xf32, #tpu.memory_space<vmem>>)
        %dma_wait3A_675 = tpu.memref_slice %arg4[%mul3A_672] : memref<320000xi32, #tpu.memory_space<hbm>> -> memref<128xi32, #tpu.memory_space<hbm>>
        %dma_wait3A_676 = tpu.memref_slice %arg4[%mul3A_672] : memref<320000xi32, #tpu.memory_space<hbm>> -> memref<128xi32, #tpu.memory_space<hbm>>
        tpu.wait_dma2 semaphore(%arg29 : memref<!tpu.dma_semaphore, #tpu.memory_space<semaphore_mem>>) src(%dma_wait3A_676 : memref<128xi32, #tpu.memory_space<hbm>>) dst(%arg13 : memref<128xi32, #tpu.memory_space<vmem>>)
        %dma_start3A = arith.constant 0 : i32
        %dma_start3A_677 = arith.constant 0 : i32
        %dma_start3A_678 = tpu.memref_slice %arg21[%dma_start3A, %dma_start3A_677] : memref<10000x128xf32, #tpu.memory_space<vmem_shared>> -> memref<10000x128xf32, #tpu.memory_space<vmem_shared>>
        tpu.enqueue_indirect_dma source(%arg19 : memref<128x128xf32, #tpu.memory_space<vmem>>) target(%dma_start3A_678 : memref<10000x128xf32, #tpu.memory_space<vmem_shared>>) offsets(%arg13 : memref<128xi32, #tpu.memory_space<vmem>>) semaphore(%arg38 : memref<!tpu.dma_semaphore, #tpu.memory_space<semaphore_mem>>) {add = true}
      } else {
      }
      %add3A_508 = arith.constant 2 : i32
      %add3A_509 = arith.addi %add3A_428, %add3A_508 : i32
      %sub3A_510 = arith.constant 2 : i32
      %sub3A_511 = arith.subi %add3A_509, %sub3A_510 : i32
      %mul3A_512 = arith.constant 32 : i32
      %mul3A_513 = arith.muli %sub3A_511, %mul3A_512 : i32
      %add3A_514 = arith.addi %mul3A_513, %add3A : i32
      %lt3A_515 = arith.constant 2500 : i32
      %lt3A_516 = arith.cmpi slt, %add3A_514, %lt3A_515 : i32
      %convert_element_type3A_517 = arith.extui %lt3A_516 : i1 to i32
      %cond3A_518 = arith.constant 0 : i32
      %cond3A_519 = arith.cmpi ne, %convert_element_type3A_517, %cond3A_518 : i32
      scf.if %cond3A_519 {
        %dma_wait3A = arith.constant 0 : i32
        %dma_wait3A_668 = arith.constant 0 : i32
        %dma_wait3A_669 = tpu.memref_slice %arg21[%dma_wait3A, %dma_wait3A_668] : memref<10000x128xf32, #tpu.memory_space<vmem_shared>> -> memref<10000x128xf32, #tpu.memory_space<vmem_shared>>
        tpu.wait_indirect_dma semaphore(%arg37 : memref<!tpu.dma_semaphore, #tpu.memory_space<semaphore_mem>>) src(%arg18 : memref<128x128xf32, #tpu.memory_space<vmem>>) dst(%dma_wait3A_669 : memref<10000x128xf32, #tpu.memory_space<vmem_shared>>)
      } else {
      }
      %add3A_520 = arith.constant 4 : i32
      %add3A_521 = arith.addi %add3A_509, %add3A_520 : i32
      %mul3A_522 = arith.constant 32 : i32
      %mul3A_523 = arith.muli %add3A_521, %mul3A_522 : i32
      %add3A_524 = arith.addi %mul3A_523, %add3A : i32
      %lt3A_525 = arith.constant 2500 : i32
      %lt3A_526 = arith.cmpi slt, %add3A_524, %lt3A_525 : i32
      %convert_element_type3A_527 = arith.extui %lt3A_526 : i1 to i32
      %cond3A_528 = arith.constant 0 : i32
      %cond3A_529 = arith.cmpi ne, %convert_element_type3A_527, %cond3A_528 : i32
      scf.if %cond3A_529 {
        %mul3A_668 = arith.constant 32 : i32
        %mul3A_669 = arith.muli %add3A_521, %mul3A_668 : i32
        %add3A_670 = arith.addi %mul3A_669, %add3A : i32
        %mul3A_671 = arith.constant 128 : i32
        %mul3A_672 = arith.muli %add3A_670, %mul3A_671 : i32
        %dma_start3A = tpu.memref_slice %arg3[%mul3A_672] : memref<320000xi32, #tpu.memory_space<hbm>> -> memref<128xi32, #tpu.memory_space<hbm>>
        %dma_start3A_673 = tpu.memref_slice %arg3[%mul3A_672] : memref<320000xi32, #tpu.memory_space<hbm>> -> memref<128xi32, #tpu.memory_space<hbm>>
        tpu.enqueue_dma source(%dma_start3A_673 : memref<128xi32, #tpu.memory_space<hbm>>) target(%arg6 : memref<128xi32, #tpu.memory_space<vmem>>) target_semaphore(%arg22 : memref<!tpu.dma_semaphore, #tpu.memory_space<semaphore_mem>>)
        %dma_start3A_674 = tpu.memref_slice %arg4[%mul3A_672] : memref<320000xi32, #tpu.memory_space<hbm>> -> memref<128xi32, #tpu.memory_space<hbm>>
        %dma_start3A_675 = tpu.memref_slice %arg4[%mul3A_672] : memref<320000xi32, #tpu.memory_space<hbm>> -> memref<128xi32, #tpu.memory_space<hbm>>
        tpu.enqueue_dma source(%dma_start3A_675 : memref<128xi32, #tpu.memory_space<hbm>>) target(%arg12 : memref<128xi32, #tpu.memory_space<vmem>>) target_semaphore(%arg28 : memref<!tpu.dma_semaphore, #tpu.memory_space<semaphore_mem>>)
      } else {
      }
      %add3A_530 = arith.constant 1 : i32
      %add3A_531 = arith.addi %add3A_509, %add3A_530 : i32
      %mul3A_532 = arith.constant 32 : i32
      %mul3A_533 = arith.muli %add3A_531, %mul3A_532 : i32
      %add3A_534 = arith.addi %mul3A_533, %add3A : i32
      %lt3A_535 = arith.constant 2500 : i32
      %lt3A_536 = arith.cmpi slt, %add3A_534, %lt3A_535 : i32
      %convert_element_type3A_537 = arith.extui %lt3A_536 : i1 to i32
      %cond3A_538 = arith.constant 0 : i32
      %cond3A_539 = arith.cmpi ne, %convert_element_type3A_537, %cond3A_538 : i32
      scf.if %cond3A_539 {
        %mul3A_668 = arith.constant 32 : i32
        %mul3A_669 = arith.muli %add3A_531, %mul3A_668 : i32
        %add3A_670 = arith.addi %mul3A_669, %add3A : i32
        %mul3A_671 = arith.constant 128 : i32
        %mul3A_672 = arith.muli %add3A_670, %mul3A_671 : i32
        %dma_wait3A = tpu.memref_slice %arg3[%mul3A_672] : memref<320000xi32, #tpu.memory_space<hbm>> -> memref<128xi32, #tpu.memory_space<hbm>>
        %dma_wait3A_673 = tpu.memref_slice %arg3[%mul3A_672] : memref<320000xi32, #tpu.memory_space<hbm>> -> memref<128xi32, #tpu.memory_space<hbm>>
        tpu.wait_dma2 semaphore(%arg25 : memref<!tpu.dma_semaphore, #tpu.memory_space<semaphore_mem>>) src(%dma_wait3A_673 : memref<128xi32, #tpu.memory_space<hbm>>) dst(%arg9 : memref<128xi32, #tpu.memory_space<vmem>>)
        %dma_start3A = arith.constant 0 : i32
        %dma_start3A_674 = arith.constant 0 : i32
        %dma_start3A_675 = tpu.memref_slice %arg2[%dma_start3A, %dma_start3A_674] : memref<10000x128xf32, #tpu.memory_space<hbm>> -> memref<10000x128xf32, #tpu.memory_space<hbm>>
        tpu.enqueue_indirect_dma source(%dma_start3A_675 : memref<10000x128xf32, #tpu.memory_space<hbm>>) target(%arg18 : memref<128x128xf32, #tpu.memory_space<vmem>>) offsets(%arg9 : memref<128xi32, #tpu.memory_space<vmem>>) semaphore(%arg34 : memref<!tpu.dma_semaphore, #tpu.memory_space<semaphore_mem>>)
      } else {
      }
      %mul3A_540 = arith.constant 32 : i32
      %mul3A_541 = arith.muli %add3A_509, %mul3A_540 : i32
      %add3A_542 = arith.addi %mul3A_541, %add3A : i32
      %lt3A_543 = arith.constant 2500 : i32
      %lt3A_544 = arith.cmpi slt, %add3A_542, %lt3A_543 : i32
      %convert_element_type3A_545 = arith.extui %lt3A_544 : i1 to i32
      %cond3A_546 = arith.constant 0 : i32
      %cond3A_547 = arith.cmpi ne, %convert_element_type3A_545, %cond3A_546 : i32
      scf.if %cond3A_547 {
        %mul3A_668 = arith.constant 32 : i32
        %mul3A_669 = arith.muli %add3A_509, %mul3A_668 : i32
        %add3A_670 = arith.addi %mul3A_669, %add3A : i32
        %mul3A_671 = arith.constant 128 : i32
        %mul3A_672 = arith.muli %add3A_670, %mul3A_671 : i32
        %dma_wait3A = arith.constant 0 : i32
        %dma_wait3A_673 = arith.constant 0 : i32
        %dma_wait3A_674 = tpu.memref_slice %arg2[%dma_wait3A, %dma_wait3A_673] : memref<10000x128xf32, #tpu.memory_space<hbm>> -> memref<10000x128xf32, #tpu.memory_space<hbm>>
        tpu.wait_indirect_dma semaphore(%arg36 : memref<!tpu.dma_semaphore, #tpu.memory_space<semaphore_mem>>) src(%dma_wait3A_674 : memref<10000x128xf32, #tpu.memory_space<hbm>>) dst(%arg20 : memref<128x128xf32, #tpu.memory_space<vmem>>)
        %dma_wait3A_675 = tpu.memref_slice %arg4[%mul3A_672] : memref<320000xi32, #tpu.memory_space<hbm>> -> memref<128xi32, #tpu.memory_space<hbm>>
        %dma_wait3A_676 = tpu.memref_slice %arg4[%mul3A_672] : memref<320000xi32, #tpu.memory_space<hbm>> -> memref<128xi32, #tpu.memory_space<hbm>>
        tpu.wait_dma2 semaphore(%arg30 : memref<!tpu.dma_semaphore, #tpu.memory_space<semaphore_mem>>) src(%dma_wait3A_676 : memref<128xi32, #tpu.memory_space<hbm>>) dst(%arg14 : memref<128xi32, #tpu.memory_space<vmem>>)
        %dma_start3A = arith.constant 0 : i32
        %dma_start3A_677 = arith.constant 0 : i32
        %dma_start3A_678 = tpu.memref_slice %arg21[%dma_start3A, %dma_start3A_677] : memref<10000x128xf32, #tpu.memory_space<vmem_shared>> -> memref<10000x128xf32, #tpu.memory_space<vmem_shared>>
        tpu.enqueue_indirect_dma source(%arg20 : memref<128x128xf32, #tpu.memory_space<vmem>>) target(%dma_start3A_678 : memref<10000x128xf32, #tpu.memory_space<vmem_shared>>) offsets(%arg14 : memref<128xi32, #tpu.memory_space<vmem>>) semaphore(%arg39 : memref<!tpu.dma_semaphore, #tpu.memory_space<semaphore_mem>>) {add = true}
      } else {
      }
      %add3A_548 = arith.constant 3 : i32
      %add3A_549 = arith.addi %add3A_428, %add3A_548 : i32
      %sub3A_550 = arith.constant 2 : i32
      %sub3A_551 = arith.subi %add3A_549, %sub3A_550 : i32
      %mul3A_552 = arith.constant 32 : i32
      %mul3A_553 = arith.muli %sub3A_551, %mul3A_552 : i32
      %add3A_554 = arith.addi %mul3A_553, %add3A : i32
      %lt3A_555 = arith.constant 2500 : i32
      %lt3A_556 = arith.cmpi slt, %add3A_554, %lt3A_555 : i32
      %convert_element_type3A_557 = arith.extui %lt3A_556 : i1 to i32
      %cond3A_558 = arith.constant 0 : i32
      %cond3A_559 = arith.cmpi ne, %convert_element_type3A_557, %cond3A_558 : i32
      scf.if %cond3A_559 {
        %dma_wait3A = arith.constant 0 : i32
        %dma_wait3A_668 = arith.constant 0 : i32
        %dma_wait3A_669 = tpu.memref_slice %arg21[%dma_wait3A, %dma_wait3A_668] : memref<10000x128xf32, #tpu.memory_space<vmem_shared>> -> memref<10000x128xf32, #tpu.memory_space<vmem_shared>>
        tpu.wait_indirect_dma semaphore(%arg38 : memref<!tpu.dma_semaphore, #tpu.memory_space<semaphore_mem>>) src(%arg19 : memref<128x128xf32, #tpu.memory_space<vmem>>) dst(%dma_wait3A_669 : memref<10000x128xf32, #tpu.memory_space<vmem_shared>>)
      } else {
      }
      %add3A_560 = arith.constant 4 : i32
      %add3A_561 = arith.addi %add3A_549, %add3A_560 : i32
      %mul3A_562 = arith.constant 32 : i32
      %mul3A_563 = arith.muli %add3A_561, %mul3A_562 : i32
      %add3A_564 = arith.addi %mul3A_563, %add3A : i32
      %lt3A_565 = arith.constant 2500 : i32
      %lt3A_566 = arith.cmpi slt, %add3A_564, %lt3A_565 : i32
      %convert_element_type3A_567 = arith.extui %lt3A_566 : i1 to i32
      %cond3A_568 = arith.constant 0 : i32
      %cond3A_569 = arith.cmpi ne, %convert_element_type3A_567, %cond3A_568 : i32
      scf.if %cond3A_569 {
        %mul3A_668 = arith.constant 32 : i32
        %mul3A_669 = arith.muli %add3A_561, %mul3A_668 : i32
        %add3A_670 = arith.addi %mul3A_669, %add3A : i32
        %mul3A_671 = arith.constant 128 : i32
        %mul3A_672 = arith.muli %add3A_670, %mul3A_671 : i32
        %dma_start3A = tpu.memref_slice %arg3[%mul3A_672] : memref<320000xi32, #tpu.memory_space<hbm>> -> memref<128xi32, #tpu.memory_space<hbm>>
        %dma_start3A_673 = tpu.memref_slice %arg3[%mul3A_672] : memref<320000xi32, #tpu.memory_space<hbm>> -> memref<128xi32, #tpu.memory_space<hbm>>
        tpu.enqueue_dma source(%dma_start3A_673 : memref<128xi32, #tpu.memory_space<hbm>>) target(%arg7 : memref<128xi32, #tpu.memory_space<vmem>>) target_semaphore(%arg23 : memref<!tpu.dma_semaphore, #tpu.memory_space<semaphore_mem>>)
        %dma_start3A_674 = tpu.memref_slice %arg4[%mul3A_672] : memref<320000xi32, #tpu.memory_space<hbm>> -> memref<128xi32, #tpu.memory_space<hbm>>
        %dma_start3A_675 = tpu.memref_slice %arg4[%mul3A_672] : memref<320000xi32, #tpu.memory_space<hbm>> -> memref<128xi32, #tpu.memory_space<hbm>>
        tpu.enqueue_dma source(%dma_start3A_675 : memref<128xi32, #tpu.memory_space<hbm>>) target(%arg13 : memref<128xi32, #tpu.memory_space<vmem>>) target_semaphore(%arg29 : memref<!tpu.dma_semaphore, #tpu.memory_space<semaphore_mem>>)
      } else {
      }
      %add3A_570 = arith.constant 1 : i32
      %add3A_571 = arith.addi %add3A_549, %add3A_570 : i32
      %mul3A_572 = arith.constant 32 : i32
      %mul3A_573 = arith.muli %add3A_571, %mul3A_572 : i32
      %add3A_574 = arith.addi %mul3A_573, %add3A : i32
      %lt3A_575 = arith.constant 2500 : i32
      %lt3A_576 = arith.cmpi slt, %add3A_574, %lt3A_575 : i32
      %convert_element_type3A_577 = arith.extui %lt3A_576 : i1 to i32
      %cond3A_578 = arith.constant 0 : i32
      %cond3A_579 = arith.cmpi ne, %convert_element_type3A_577, %cond3A_578 : i32
      scf.if %cond3A_579 {
        %mul3A_668 = arith.constant 32 : i32
        %mul3A_669 = arith.muli %add3A_571, %mul3A_668 : i32
        %add3A_670 = arith.addi %mul3A_669, %add3A : i32
        %mul3A_671 = arith.constant 128 : i32
        %mul3A_672 = arith.muli %add3A_670, %mul3A_671 : i32
        %dma_wait3A = tpu.memref_slice %arg3[%mul3A_672] : memref<320000xi32, #tpu.memory_space<hbm>> -> memref<128xi32, #tpu.memory_space<hbm>>
        %dma_wait3A_673 = tpu.memref_slice %arg3[%mul3A_672] : memref<320000xi32, #tpu.memory_space<hbm>> -> memref<128xi32, #tpu.memory_space<hbm>>
        tpu.wait_dma2 semaphore(%arg26 : memref<!tpu.dma_semaphore, #tpu.memory_space<semaphore_mem>>) src(%dma_wait3A_673 : memref<128xi32, #tpu.memory_space<hbm>>) dst(%arg10 : memref<128xi32, #tpu.memory_space<vmem>>)
        %dma_start3A = arith.constant 0 : i32
        %dma_start3A_674 = arith.constant 0 : i32
        %dma_start3A_675 = tpu.memref_slice %arg2[%dma_start3A, %dma_start3A_674] : memref<10000x128xf32, #tpu.memory_space<hbm>> -> memref<10000x128xf32, #tpu.memory_space<hbm>>
        tpu.enqueue_indirect_dma source(%dma_start3A_675 : memref<10000x128xf32, #tpu.memory_space<hbm>>) target(%arg19 : memref<128x128xf32, #tpu.memory_space<vmem>>) offsets(%arg10 : memref<128xi32, #tpu.memory_space<vmem>>) semaphore(%arg35 : memref<!tpu.dma_semaphore, #tpu.memory_space<semaphore_mem>>)
      } else {
      }
      %mul3A_580 = arith.constant 32 : i32
      %mul3A_581 = arith.muli %add3A_549, %mul3A_580 : i32
      %add3A_582 = arith.addi %mul3A_581, %add3A : i32
      %lt3A_583 = arith.constant 2500 : i32
      %lt3A_584 = arith.cmpi slt, %add3A_582, %lt3A_583 : i32
      %convert_element_type3A_585 = arith.extui %lt3A_584 : i1 to i32
      %cond3A_586 = arith.constant 0 : i32
      %cond3A_587 = arith.cmpi ne, %convert_element_type3A_585, %cond3A_586 : i32
      scf.if %cond3A_587 {
        %mul3A_668 = arith.constant 32 : i32
        %mul3A_669 = arith.muli %add3A_549, %mul3A_668 : i32
        %add3A_670 = arith.addi %mul3A_669, %add3A : i32
        %mul3A_671 = arith.constant 128 : i32
        %mul3A_672 = arith.muli %add3A_670, %mul3A_671 : i32
        %dma_wait3A = arith.constant 0 : i32
        %dma_wait3A_673 = arith.constant 0 : i32
        %dma_wait3A_674 = tpu.memref_slice %arg2[%dma_wait3A, %dma_wait3A_673] : memref<10000x128xf32, #tpu.memory_space<hbm>> -> memref<10000x128xf32, #tpu.memory_space<hbm>>
        tpu.wait_indirect_dma semaphore(%arg34 : memref<!tpu.dma_semaphore, #tpu.memory_space<semaphore_mem>>) src(%dma_wait3A_674 : memref<10000x128xf32, #tpu.memory_space<hbm>>) dst(%arg18 : memref<128x128xf32, #tpu.memory_space<vmem>>)
        %dma_wait3A_675 = tpu.memref_slice %arg4[%mul3A_672] : memref<320000xi32, #tpu.memory_space<hbm>> -> memref<128xi32, #tpu.memory_space<hbm>>
        %dma_wait3A_676 = tpu.memref_slice %arg4[%mul3A_672] : memref<320000xi32, #tpu.memory_space<hbm>> -> memref<128xi32, #tpu.memory_space<hbm>>
        tpu.wait_dma2 semaphore(%arg31 : memref<!tpu.dma_semaphore, #tpu.memory_space<semaphore_mem>>) src(%dma_wait3A_676 : memref<128xi32, #tpu.memory_space<hbm>>) dst(%arg15 : memref<128xi32, #tpu.memory_space<vmem>>)
        %dma_start3A = arith.constant 0 : i32
        %dma_start3A_677 = arith.constant 0 : i32
        %dma_start3A_678 = tpu.memref_slice %arg21[%dma_start3A, %dma_start3A_677] : memref<10000x128xf32, #tpu.memory_space<vmem_shared>> -> memref<10000x128xf32, #tpu.memory_space<vmem_shared>>
        tpu.enqueue_indirect_dma source(%arg18 : memref<128x128xf32, #tpu.memory_space<vmem>>) target(%dma_start3A_678 : memref<10000x128xf32, #tpu.memory_space<vmem_shared>>) offsets(%arg15 : memref<128xi32, #tpu.memory_space<vmem>>) semaphore(%arg37 : memref<!tpu.dma_semaphore, #tpu.memory_space<semaphore_mem>>) {add = true}
      } else {
      }
      %add3A_588 = arith.constant 4 : i32
      %add3A_589 = arith.addi %add3A_428, %add3A_588 : i32
      %sub3A_590 = arith.constant 2 : i32
      %sub3A_591 = arith.subi %add3A_589, %sub3A_590 : i32
      %mul3A_592 = arith.constant 32 : i32
      %mul3A_593 = arith.muli %sub3A_591, %mul3A_592 : i32
      %add3A_594 = arith.addi %mul3A_593, %add3A : i32
      %lt3A_595 = arith.constant 2500 : i32
      %lt3A_596 = arith.cmpi slt, %add3A_594, %lt3A_595 : i32
      %convert_element_type3A_597 = arith.extui %lt3A_596 : i1 to i32
      %cond3A_598 = arith.constant 0 : i32
      %cond3A_599 = arith.cmpi ne, %convert_element_type3A_597, %cond3A_598 : i32
      scf.if %cond3A_599 {
        %dma_wait3A = arith.constant 0 : i32
        %dma_wait3A_668 = arith.constant 0 : i32
        %dma_wait3A_669 = tpu.memref_slice %arg21[%dma_wait3A, %dma_wait3A_668] : memref<10000x128xf32, #tpu.memory_space<vmem_shared>> -> memref<10000x128xf32, #tpu.memory_space<vmem_shared>>
        tpu.wait_indirect_dma semaphore(%arg39 : memref<!tpu.dma_semaphore, #tpu.memory_space<semaphore_mem>>) src(%arg20 : memref<128x128xf32, #tpu.memory_space<vmem>>) dst(%dma_wait3A_669 : memref<10000x128xf32, #tpu.memory_space<vmem_shared>>)
      } else {
      }
      %add3A_600 = arith.constant 4 : i32
      %add3A_601 = arith.addi %add3A_589, %add3A_600 : i32
      %mul3A_602 = arith.constant 32 : i32
      %mul3A_603 = arith.muli %add3A_601, %mul3A_602 : i32
      %add3A_604 = arith.addi %mul3A_603, %add3A : i32
      %lt3A_605 = arith.constant 2500 : i32
      %lt3A_606 = arith.cmpi slt, %add3A_604, %lt3A_605 : i32
      %convert_element_type3A_607 = arith.extui %lt3A_606 : i1 to i32
      %cond3A_608 = arith.constant 0 : i32
      %cond3A_609 = arith.cmpi ne, %convert_element_type3A_607, %cond3A_608 : i32
      scf.if %cond3A_609 {
        %mul3A_668 = arith.constant 32 : i32
        %mul3A_669 = arith.muli %add3A_601, %mul3A_668 : i32
        %add3A_670 = arith.addi %mul3A_669, %add3A : i32
        %mul3A_671 = arith.constant 128 : i32
        %mul3A_672 = arith.muli %add3A_670, %mul3A_671 : i32
        %dma_start3A = tpu.memref_slice %arg3[%mul3A_672] : memref<320000xi32, #tpu.memory_space<hbm>> -> memref<128xi32, #tpu.memory_space<hbm>>
        %dma_start3A_673 = tpu.memref_slice %arg3[%mul3A_672] : memref<320000xi32, #tpu.memory_space<hbm>> -> memref<128xi32, #tpu.memory_space<hbm>>
        tpu.enqueue_dma source(%dma_start3A_673 : memref<128xi32, #tpu.memory_space<hbm>>) target(%arg8 : memref<128xi32, #tpu.memory_space<vmem>>) target_semaphore(%arg24 : memref<!tpu.dma_semaphore, #tpu.memory_space<semaphore_mem>>)
        %dma_start3A_674 = tpu.memref_slice %arg4[%mul3A_672] : memref<320000xi32, #tpu.memory_space<hbm>> -> memref<128xi32, #tpu.memory_space<hbm>>
        %dma_start3A_675 = tpu.memref_slice %arg4[%mul3A_672] : memref<320000xi32, #tpu.memory_space<hbm>> -> memref<128xi32, #tpu.memory_space<hbm>>
        tpu.enqueue_dma source(%dma_start3A_675 : memref<128xi32, #tpu.memory_space<hbm>>) target(%arg14 : memref<128xi32, #tpu.memory_space<vmem>>) target_semaphore(%arg30 : memref<!tpu.dma_semaphore, #tpu.memory_space<semaphore_mem>>)
      } else {
      }
      %add3A_610 = arith.constant 1 : i32
      %add3A_611 = arith.addi %add3A_589, %add3A_610 : i32
      %mul3A_612 = arith.constant 32 : i32
      %mul3A_613 = arith.muli %add3A_611, %mul3A_612 : i32
      %add3A_614 = arith.addi %mul3A_613, %add3A : i32
      %lt3A_615 = arith.constant 2500 : i32
      %lt3A_616 = arith.cmpi slt, %add3A_614, %lt3A_615 : i32
      %convert_element_type3A_617 = arith.extui %lt3A_616 : i1 to i32
      %cond3A_618 = arith.constant 0 : i32
      %cond3A_619 = arith.cmpi ne, %convert_element_type3A_617, %cond3A_618 : i32
      scf.if %cond3A_619 {
        %mul3A_668 = arith.constant 32 : i32
        %mul3A_669 = arith.muli %add3A_611, %mul3A_668 : i32
        %add3A_670 = arith.addi %mul3A_669, %add3A : i32
        %mul3A_671 = arith.constant 128 : i32
        %mul3A_672 = arith.muli %add3A_670, %mul3A_671 : i32
        %dma_wait3A = tpu.memref_slice %arg3[%mul3A_672] : memref<320000xi32, #tpu.memory_space<hbm>> -> memref<128xi32, #tpu.memory_space<hbm>>
        %dma_wait3A_673 = tpu.memref_slice %arg3[%mul3A_672] : memref<320000xi32, #tpu.memory_space<hbm>> -> memref<128xi32, #tpu.memory_space<hbm>>
        tpu.wait_dma2 semaphore(%arg27 : memref<!tpu.dma_semaphore, #tpu.memory_space<semaphore_mem>>) src(%dma_wait3A_673 : memref<128xi32, #tpu.memory_space<hbm>>) dst(%arg11 : memref<128xi32, #tpu.memory_space<vmem>>)
        %dma_start3A = arith.constant 0 : i32
        %dma_start3A_674 = arith.constant 0 : i32
        %dma_start3A_675 = tpu.memref_slice %arg2[%dma_start3A, %dma_start3A_674] : memref<10000x128xf32, #tpu.memory_space<hbm>> -> memref<10000x128xf32, #tpu.memory_space<hbm>>
        tpu.enqueue_indirect_dma source(%dma_start3A_675 : memref<10000x128xf32, #tpu.memory_space<hbm>>) target(%arg20 : memref<128x128xf32, #tpu.memory_space<vmem>>) offsets(%arg11 : memref<128xi32, #tpu.memory_space<vmem>>) semaphore(%arg36 : memref<!tpu.dma_semaphore, #tpu.memory_space<semaphore_mem>>)
      } else {
      }
      %mul3A_620 = arith.constant 32 : i32
      %mul3A_621 = arith.muli %add3A_589, %mul3A_620 : i32
      %add3A_622 = arith.addi %mul3A_621, %add3A : i32
      %lt3A_623 = arith.constant 2500 : i32
      %lt3A_624 = arith.cmpi slt, %add3A_622, %lt3A_623 : i32
      %convert_element_type3A_625 = arith.extui %lt3A_624 : i1 to i32
      %cond3A_626 = arith.constant 0 : i32
      %cond3A_627 = arith.cmpi ne, %convert_element_type3A_625, %cond3A_626 : i32
      scf.if %cond3A_627 {
        %mul3A_668 = arith.constant 32 : i32
        %mul3A_669 = arith.muli %add3A_589, %mul3A_668 : i32
        %add3A_670 = arith.addi %mul3A_669, %add3A : i32
        %mul3A_671 = arith.constant 128 : i32
        %mul3A_672 = arith.muli %add3A_670, %mul3A_671 : i32
        %dma_wait3A = arith.constant 0 : i32
        %dma_wait3A_673 = arith.constant 0 : i32
        %dma_wait3A_674 = tpu.memref_slice %arg2[%dma_wait3A, %dma_wait3A_673] : memref<10000x128xf32, #tpu.memory_space<hbm>> -> memref<10000x128xf32, #tpu.memory_space<hbm>>
        tpu.wait_indirect_dma semaphore(%arg35 : memref<!tpu.dma_semaphore, #tpu.memory_space<semaphore_mem>>) src(%dma_wait3A_674 : memref<10000x128xf32, #tpu.memory_space<hbm>>) dst(%arg19 : memref<128x128xf32, #tpu.memory_space<vmem>>)
        %dma_wait3A_675 = tpu.memref_slice %arg4[%mul3A_672] : memref<320000xi32, #tpu.memory_space<hbm>> -> memref<128xi32, #tpu.memory_space<hbm>>
        %dma_wait3A_676 = tpu.memref_slice %arg4[%mul3A_672] : memref<320000xi32, #tpu.memory_space<hbm>> -> memref<128xi32, #tpu.memory_space<hbm>>
        tpu.wait_dma2 semaphore(%arg32 : memref<!tpu.dma_semaphore, #tpu.memory_space<semaphore_mem>>) src(%dma_wait3A_676 : memref<128xi32, #tpu.memory_space<hbm>>) dst(%arg16 : memref<128xi32, #tpu.memory_space<vmem>>)
        %dma_start3A = arith.constant 0 : i32
        %dma_start3A_677 = arith.constant 0 : i32
        %dma_start3A_678 = tpu.memref_slice %arg21[%dma_start3A, %dma_start3A_677] : memref<10000x128xf32, #tpu.memory_space<vmem_shared>> -> memref<10000x128xf32, #tpu.memory_space<vmem_shared>>
        tpu.enqueue_indirect_dma source(%arg19 : memref<128x128xf32, #tpu.memory_space<vmem>>) target(%dma_start3A_678 : memref<10000x128xf32, #tpu.memory_space<vmem_shared>>) offsets(%arg16 : memref<128xi32, #tpu.memory_space<vmem>>) semaphore(%arg38 : memref<!tpu.dma_semaphore, #tpu.memory_space<semaphore_mem>>) {add = true}
      } else {
      }
      %add3A_628 = arith.constant 5 : i32
      %add3A_629 = arith.addi %add3A_428, %add3A_628 : i32
      %sub3A_630 = arith.constant 2 : i32
      %sub3A_631 = arith.subi %add3A_629, %sub3A_630 : i32
      %mul3A_632 = arith.constant 32 : i32
      %mul3A_633 = arith.muli %sub3A_631, %mul3A_632 : i32
      %add3A_634 = arith.addi %mul3A_633, %add3A : i32
      %lt3A_635 = arith.constant 2500 : i32
      %lt3A_636 = arith.cmpi slt, %add3A_634, %lt3A_635 : i32
      %convert_element_type3A_637 = arith.extui %lt3A_636 : i1 to i32
      %cond3A_638 = arith.constant 0 : i32
      %cond3A_639 = arith.cmpi ne, %convert_element_type3A_637, %cond3A_638 : i32
      scf.if %cond3A_639 {
        %dma_wait3A = arith.constant 0 : i32
        %dma_wait3A_668 = arith.constant 0 : i32
        %dma_wait3A_669 = tpu.memref_slice %arg21[%dma_wait3A, %dma_wait3A_668] : memref<10000x128xf32, #tpu.memory_space<vmem_shared>> -> memref<10000x128xf32, #tpu.memory_space<vmem_shared>>
        tpu.wait_indirect_dma semaphore(%arg37 : memref<!tpu.dma_semaphore, #tpu.memory_space<semaphore_mem>>) src(%arg18 : memref<128x128xf32, #tpu.memory_space<vmem>>) dst(%dma_wait3A_669 : memref<10000x128xf32, #tpu.memory_space<vmem_shared>>)
      } else {
      }
      %add3A_640 = arith.constant 4 : i32
      %add3A_641 = arith.addi %add3A_629, %add3A_640 : i32
      %mul3A_642 = arith.constant 32 : i32
      %mul3A_643 = arith.muli %add3A_641, %mul3A_642 : i32
      %add3A_644 = arith.addi %mul3A_643, %add3A : i32
      %lt3A_645 = arith.constant 2500 : i32
      %lt3A_646 = arith.cmpi slt, %add3A_644, %lt3A_645 : i32
      %convert_element_type3A_647 = arith.extui %lt3A_646 : i1 to i32
      %cond3A_648 = arith.constant 0 : i32
      %cond3A_649 = arith.cmpi ne, %convert_element_type3A_647, %cond3A_648 : i32
      scf.if %cond3A_649 {
        %mul3A_668 = arith.constant 32 : i32
        %mul3A_669 = arith.muli %add3A_641, %mul3A_668 : i32
        %add3A_670 = arith.addi %mul3A_669, %add3A : i32
        %mul3A_671 = arith.constant 128 : i32
        %mul3A_672 = arith.muli %add3A_670, %mul3A_671 : i32
        %dma_start3A = tpu.memref_slice %arg3[%mul3A_672] : memref<320000xi32, #tpu.memory_space<hbm>> -> memref<128xi32, #tpu.memory_space<hbm>>
        %dma_start3A_673 = tpu.memref_slice %arg3[%mul3A_672] : memref<320000xi32, #tpu.memory_space<hbm>> -> memref<128xi32, #tpu.memory_space<hbm>>
        tpu.enqueue_dma source(%dma_start3A_673 : memref<128xi32, #tpu.memory_space<hbm>>) target(%arg9 : memref<128xi32, #tpu.memory_space<vmem>>) target_semaphore(%arg25 : memref<!tpu.dma_semaphore, #tpu.memory_space<semaphore_mem>>)
        %dma_start3A_674 = tpu.memref_slice %arg4[%mul3A_672] : memref<320000xi32, #tpu.memory_space<hbm>> -> memref<128xi32, #tpu.memory_space<hbm>>
        %dma_start3A_675 = tpu.memref_slice %arg4[%mul3A_672] : memref<320000xi32, #tpu.memory_space<hbm>> -> memref<128xi32, #tpu.memory_space<hbm>>
        tpu.enqueue_dma source(%dma_start3A_675 : memref<128xi32, #tpu.memory_space<hbm>>) target(%arg15 : memref<128xi32, #tpu.memory_space<vmem>>) target_semaphore(%arg31 : memref<!tpu.dma_semaphore, #tpu.memory_space<semaphore_mem>>)
      } else {
      }
      %add3A_650 = arith.constant 1 : i32
      %add3A_651 = arith.addi %add3A_629, %add3A_650 : i32
      %mul3A_652 = arith.constant 32 : i32
      %mul3A_653 = arith.muli %add3A_651, %mul3A_652 : i32
      %add3A_654 = arith.addi %mul3A_653, %add3A : i32
      %lt3A_655 = arith.constant 2500 : i32
      %lt3A_656 = arith.cmpi slt, %add3A_654, %lt3A_655 : i32
      %convert_element_type3A_657 = arith.extui %lt3A_656 : i1 to i32
      %cond3A_658 = arith.constant 0 : i32
      %cond3A_659 = arith.cmpi ne, %convert_element_type3A_657, %cond3A_658 : i32
      scf.if %cond3A_659 {
        %mul3A_668 = arith.constant 32 : i32
        %mul3A_669 = arith.muli %add3A_651, %mul3A_668 : i32
        %add3A_670 = arith.addi %mul3A_669, %add3A : i32
        %mul3A_671 = arith.constant 128 : i32
        %mul3A_672 = arith.muli %add3A_670, %mul3A_671 : i32
        %dma_wait3A = tpu.memref_slice %arg3[%mul3A_672] : memref<320000xi32, #tpu.memory_space<hbm>> -> memref<128xi32, #tpu.memory_space<hbm>>
        %dma_wait3A_673 = tpu.memref_slice %arg3[%mul3A_672] : memref<320000xi32, #tpu.memory_space<hbm>> -> memref<128xi32, #tpu.memory_space<hbm>>
        tpu.wait_dma2 semaphore(%arg22 : memref<!tpu.dma_semaphore, #tpu.memory_space<semaphore_mem>>) src(%dma_wait3A_673 : memref<128xi32, #tpu.memory_space<hbm>>) dst(%arg6 : memref<128xi32, #tpu.memory_space<vmem>>)
        %dma_start3A = arith.constant 0 : i32
        %dma_start3A_674 = arith.constant 0 : i32
        %dma_start3A_675 = tpu.memref_slice %arg2[%dma_start3A, %dma_start3A_674] : memref<10000x128xf32, #tpu.memory_space<hbm>> -> memref<10000x128xf32, #tpu.memory_space<hbm>>
        tpu.enqueue_indirect_dma source(%dma_start3A_675 : memref<10000x128xf32, #tpu.memory_space<hbm>>) target(%arg18 : memref<128x128xf32, #tpu.memory_space<vmem>>) offsets(%arg6 : memref<128xi32, #tpu.memory_space<vmem>>) semaphore(%arg34 : memref<!tpu.dma_semaphore, #tpu.memory_space<semaphore_mem>>)
      } else {
      }
      %mul3A_660 = arith.constant 32 : i32
      %mul3A_661 = arith.muli %add3A_629, %mul3A_660 : i32
      %add3A_662 = arith.addi %mul3A_661, %add3A : i32
      %lt3A_663 = arith.constant 2500 : i32
      %lt3A_664 = arith.cmpi slt, %add3A_662, %lt3A_663 : i32
      %convert_element_type3A_665 = arith.extui %lt3A_664 : i1 to i32
      %cond3A_666 = arith.constant 0 : i32
      %cond3A_667 = arith.cmpi ne, %convert_element_type3A_665, %cond3A_666 : i32
      scf.if %cond3A_667 {
        %mul3A_668 = arith.constant 32 : i32
        %mul3A_669 = arith.muli %add3A_629, %mul3A_668 : i32
        %add3A_670 = arith.addi %mul3A_669, %add3A : i32
        %mul3A_671 = arith.constant 128 : i32
        %mul3A_672 = arith.muli %add3A_670, %mul3A_671 : i32
        %dma_wait3A = arith.constant 0 : i32
        %dma_wait3A_673 = arith.constant 0 : i32
        %dma_wait3A_674 = tpu.memref_slice %arg2[%dma_wait3A, %dma_wait3A_673] : memref<10000x128xf32, #tpu.memory_space<hbm>> -> memref<10000x128xf32, #tpu.memory_space<hbm>>
        tpu.wait_indirect_dma semaphore(%arg36 : memref<!tpu.dma_semaphore, #tpu.memory_space<semaphore_mem>>) src(%dma_wait3A_674 : memref<10000x128xf32, #tpu.memory_space<hbm>>) dst(%arg20 : memref<128x128xf32, #tpu.memory_space<vmem>>)
        %dma_wait3A_675 = tpu.memref_slice %arg4[%mul3A_672] : memref<320000xi32, #tpu.memory_space<hbm>> -> memref<128xi32, #tpu.memory_space<hbm>>
        %dma_wait3A_676 = tpu.memref_slice %arg4[%mul3A_672] : memref<320000xi32, #tpu.memory_space<hbm>> -> memref<128xi32, #tpu.memory_space<hbm>>
        tpu.wait_dma2 semaphore(%arg33 : memref<!tpu.dma_semaphore, #tpu.memory_space<semaphore_mem>>) src(%dma_wait3A_676 : memref<128xi32, #tpu.memory_space<hbm>>) dst(%arg17 : memref<128xi32, #tpu.memory_space<vmem>>)
        %dma_start3A = arith.constant 0 : i32
        %dma_start3A_677 = arith.constant 0 : i32
        %dma_start3A_678 = tpu.memref_slice %arg21[%dma_start3A, %dma_start3A_677] : memref<10000x128xf32, #tpu.memory_space<vmem_shared>> -> memref<10000x128xf32, #tpu.memory_space<vmem_shared>>
        tpu.enqueue_indirect_dma source(%arg20 : memref<128x128xf32, #tpu.memory_space<vmem>>) target(%dma_start3A_678 : memref<10000x128xf32, #tpu.memory_space<vmem_shared>>) offsets(%arg17 : memref<128xi32, #tpu.memory_space<vmem>>) semaphore(%arg39 : memref<!tpu.dma_semaphore, #tpu.memory_space<semaphore_mem>>) {add = true}
      } else {
      }
    }
    %scan3A_202 = arith.constant 11 : i32
    %add3A_203 = arith.constant 2240 : i32
    %add3A_204 = arith.addi %add3A_203, %add3A : i32
    %lt3A_205 = arith.constant 2500 : i32
    %lt3A_206 = arith.cmpi slt, %add3A_204, %lt3A_205 : i32
    %convert_element_type3A_207 = arith.extui %lt3A_206 : i1 to i32
    %cond3A_208 = arith.constant 0 : i32
    %cond3A_209 = arith.cmpi ne, %convert_element_type3A_207, %cond3A_208 : i32
    scf.if %cond3A_209 {
      %dma_wait3A = arith.constant 0 : i32
      %dma_wait3A_424 = arith.constant 0 : i32
      %dma_wait3A_425 = tpu.memref_slice %arg21[%dma_wait3A, %dma_wait3A_424] : memref<10000x128xf32, #tpu.memory_space<vmem_shared>> -> memref<10000x128xf32, #tpu.memory_space<vmem_shared>>
      tpu.wait_indirect_dma semaphore(%arg38 : memref<!tpu.dma_semaphore, #tpu.memory_space<semaphore_mem>>) src(%arg19 : memref<128x128xf32, #tpu.memory_space<vmem>>) dst(%dma_wait3A_425 : memref<10000x128xf32, #tpu.memory_space<vmem_shared>>)
    } else {
    }
    %add3A_210 = arith.constant 2432 : i32
    %add3A_211 = arith.addi %add3A_210, %add3A : i32
    %lt3A_212 = arith.constant 2500 : i32
    %lt3A_213 = arith.cmpi slt, %add3A_211, %lt3A_212 : i32
    %convert_element_type3A_214 = arith.extui %lt3A_213 : i1 to i32
    %cond3A_215 = arith.constant 0 : i32
    %cond3A_216 = arith.cmpi ne, %convert_element_type3A_214, %cond3A_215 : i32
    scf.if %cond3A_216 {
      %add3A_424 = arith.constant 2432 : i32
      %add3A_425 = arith.addi %add3A_424, %add3A : i32
      %mul3A_426 = arith.constant 128 : i32
      %mul3A_427 = arith.muli %add3A_425, %mul3A_426 : i32
      %dma_start3A = tpu.memref_slice %arg3[%mul3A_427] : memref<320000xi32, #tpu.memory_space<hbm>> -> memref<128xi32, #tpu.memory_space<hbm>>
      %dma_start3A_428 = tpu.memref_slice %arg3[%mul3A_427] : memref<320000xi32, #tpu.memory_space<hbm>> -> memref<128xi32, #tpu.memory_space<hbm>>
      tpu.enqueue_dma source(%dma_start3A_428 : memref<128xi32, #tpu.memory_space<hbm>>) target(%arg10 : memref<128xi32, #tpu.memory_space<vmem>>) target_semaphore(%arg26 : memref<!tpu.dma_semaphore, #tpu.memory_space<semaphore_mem>>)
      %dma_start3A_429 = tpu.memref_slice %arg4[%mul3A_427] : memref<320000xi32, #tpu.memory_space<hbm>> -> memref<128xi32, #tpu.memory_space<hbm>>
      %dma_start3A_430 = tpu.memref_slice %arg4[%mul3A_427] : memref<320000xi32, #tpu.memory_space<hbm>> -> memref<128xi32, #tpu.memory_space<hbm>>
      tpu.enqueue_dma source(%dma_start3A_430 : memref<128xi32, #tpu.memory_space<hbm>>) target(%arg16 : memref<128xi32, #tpu.memory_space<vmem>>) target_semaphore(%arg32 : memref<!tpu.dma_semaphore, #tpu.memory_space<semaphore_mem>>)
    } else {
    }
    %add3A_217 = arith.constant 2336 : i32
    %add3A_218 = arith.addi %add3A_217, %add3A : i32
    %lt3A_219 = arith.constant 2500 : i32
    %lt3A_220 = arith.cmpi slt, %add3A_218, %lt3A_219 : i32
    %convert_element_type3A_221 = arith.extui %lt3A_220 : i1 to i32
    %cond3A_222 = arith.constant 0 : i32
    %cond3A_223 = arith.cmpi ne, %convert_element_type3A_221, %cond3A_222 : i32
    scf.if %cond3A_223 {
      %add3A_424 = arith.constant 2336 : i32
      %add3A_425 = arith.addi %add3A_424, %add3A : i32
      %mul3A_426 = arith.constant 128 : i32
      %mul3A_427 = arith.muli %add3A_425, %mul3A_426 : i32
      %dma_wait3A = tpu.memref_slice %arg3[%mul3A_427] : memref<320000xi32, #tpu.memory_space<hbm>> -> memref<128xi32, #tpu.memory_space<hbm>>
      %dma_wait3A_428 = tpu.memref_slice %arg3[%mul3A_427] : memref<320000xi32, #tpu.memory_space<hbm>> -> memref<128xi32, #tpu.memory_space<hbm>>
      tpu.wait_dma2 semaphore(%arg23 : memref<!tpu.dma_semaphore, #tpu.memory_space<semaphore_mem>>) src(%dma_wait3A_428 : memref<128xi32, #tpu.memory_space<hbm>>) dst(%arg7 : memref<128xi32, #tpu.memory_space<vmem>>)
      %dma_start3A = arith.constant 0 : i32
      %dma_start3A_429 = arith.constant 0 : i32
      %dma_start3A_430 = tpu.memref_slice %arg2[%dma_start3A, %dma_start3A_429] : memref<10000x128xf32, #tpu.memory_space<hbm>> -> memref<10000x128xf32, #tpu.memory_space<hbm>>
      tpu.enqueue_indirect_dma source(%dma_start3A_430 : memref<10000x128xf32, #tpu.memory_space<hbm>>) target(%arg19 : memref<128x128xf32, #tpu.memory_space<vmem>>) offsets(%arg7 : memref<128xi32, #tpu.memory_space<vmem>>) semaphore(%arg35 : memref<!tpu.dma_semaphore, #tpu.memory_space<semaphore_mem>>)
    } else {
    }
    %add3A_224 = arith.constant 2304 : i32
    %add3A_225 = arith.addi %add3A_224, %add3A : i32
    %lt3A_226 = arith.constant 2500 : i32
    %lt3A_227 = arith.cmpi slt, %add3A_225, %lt3A_226 : i32
    %convert_element_type3A_228 = arith.extui %lt3A_227 : i1 to i32
    %cond3A_229 = arith.constant 0 : i32
    %cond3A_230 = arith.cmpi ne, %convert_element_type3A_228, %cond3A_229 : i32
    scf.if %cond3A_230 {
      %add3A_424 = arith.constant 2304 : i32
      %add3A_425 = arith.addi %add3A_424, %add3A : i32
      %mul3A_426 = arith.constant 128 : i32
      %mul3A_427 = arith.muli %add3A_425, %mul3A_426 : i32
      %dma_wait3A = arith.constant 0 : i32
      %dma_wait3A_428 = arith.constant 0 : i32
      %dma_wait3A_429 = tpu.memref_slice %arg2[%dma_wait3A, %dma_wait3A_428] : memref<10000x128xf32, #tpu.memory_space<hbm>> -> memref<10000x128xf32, #tpu.memory_space<hbm>>
      tpu.wait_indirect_dma semaphore(%arg34 : memref<!tpu.dma_semaphore, #tpu.memory_space<semaphore_mem>>) src(%dma_wait3A_429 : memref<10000x128xf32, #tpu.memory_space<hbm>>) dst(%arg18 : memref<128x128xf32, #tpu.memory_space<vmem>>)
      %dma_wait3A_430 = tpu.memref_slice %arg4[%mul3A_427] : memref<320000xi32, #tpu.memory_space<hbm>> -> memref<128xi32, #tpu.memory_space<hbm>>
      %dma_wait3A_431 = tpu.memref_slice %arg4[%mul3A_427] : memref<320000xi32, #tpu.memory_space<hbm>> -> memref<128xi32, #tpu.memory_space<hbm>>
      tpu.wait_dma2 semaphore(%arg28 : memref<!tpu.dma_semaphore, #tpu.memory_space<semaphore_mem>>) src(%dma_wait3A_431 : memref<128xi32, #tpu.memory_space<hbm>>) dst(%arg12 : memref<128xi32, #tpu.memory_space<vmem>>)
      %dma_start3A = arith.constant 0 : i32
      %dma_start3A_432 = arith.constant 0 : i32
      %dma_start3A_433 = tpu.memref_slice %arg21[%dma_start3A, %dma_start3A_432] : memref<10000x128xf32, #tpu.memory_space<vmem_shared>> -> memref<10000x128xf32, #tpu.memory_space<vmem_shared>>
      tpu.enqueue_indirect_dma source(%arg18 : memref<128x128xf32, #tpu.memory_space<vmem>>) target(%dma_start3A_433 : memref<10000x128xf32, #tpu.memory_space<vmem_shared>>) offsets(%arg12 : memref<128xi32, #tpu.memory_space<vmem>>) semaphore(%arg37 : memref<!tpu.dma_semaphore, #tpu.memory_space<semaphore_mem>>) {add = true}
    } else {
    }
    %add3A_231 = arith.constant 2272 : i32
    %add3A_232 = arith.addi %add3A_231, %add3A : i32
    %lt3A_233 = arith.constant 2500 : i32
    %lt3A_234 = arith.cmpi slt, %add3A_232, %lt3A_233 : i32
    %convert_element_type3A_235 = arith.extui %lt3A_234 : i1 to i32
    %cond3A_236 = arith.constant 0 : i32
    %cond3A_237 = arith.cmpi ne, %convert_element_type3A_235, %cond3A_236 : i32
    scf.if %cond3A_237 {
      %dma_wait3A = arith.constant 0 : i32
      %dma_wait3A_424 = arith.constant 0 : i32
      %dma_wait3A_425 = tpu.memref_slice %arg21[%dma_wait3A, %dma_wait3A_424] : memref<10000x128xf32, #tpu.memory_space<vmem_shared>> -> memref<10000x128xf32, #tpu.memory_space<vmem_shared>>
      tpu.wait_indirect_dma semaphore(%arg39 : memref<!tpu.dma_semaphore, #tpu.memory_space<semaphore_mem>>) src(%arg20 : memref<128x128xf32, #tpu.memory_space<vmem>>) dst(%dma_wait3A_425 : memref<10000x128xf32, #tpu.memory_space<vmem_shared>>)
    } else {
    }
    %add3A_238 = arith.constant 2464 : i32
    %add3A_239 = arith.addi %add3A_238, %add3A : i32
    %lt3A_240 = arith.constant 2500 : i32
    %lt3A_241 = arith.cmpi slt, %add3A_239, %lt3A_240 : i32
    %convert_element_type3A_242 = arith.extui %lt3A_241 : i1 to i32
    %cond3A_243 = arith.constant 0 : i32
    %cond3A_244 = arith.cmpi ne, %convert_element_type3A_242, %cond3A_243 : i32
    scf.if %cond3A_244 {
      %add3A_424 = arith.constant 2464 : i32
      %add3A_425 = arith.addi %add3A_424, %add3A : i32
      %mul3A_426 = arith.constant 128 : i32
      %mul3A_427 = arith.muli %add3A_425, %mul3A_426 : i32
      %dma_start3A = tpu.memref_slice %arg3[%mul3A_427] : memref<320000xi32, #tpu.memory_space<hbm>> -> memref<128xi32, #tpu.memory_space<hbm>>
      %dma_start3A_428 = tpu.memref_slice %arg3[%mul3A_427] : memref<320000xi32, #tpu.memory_space<hbm>> -> memref<128xi32, #tpu.memory_space<hbm>>
      tpu.enqueue_dma source(%dma_start3A_428 : memref<128xi32, #tpu.memory_space<hbm>>) target(%arg11 : memref<128xi32, #tpu.memory_space<vmem>>) target_semaphore(%arg27 : memref<!tpu.dma_semaphore, #tpu.memory_space<semaphore_mem>>)
      %dma_start3A_429 = tpu.memref_slice %arg4[%mul3A_427] : memref<320000xi32, #tpu.memory_space<hbm>> -> memref<128xi32, #tpu.memory_space<hbm>>
      %dma_start3A_430 = tpu.memref_slice %arg4[%mul3A_427] : memref<320000xi32, #tpu.memory_space<hbm>> -> memref<128xi32, #tpu.memory_space<hbm>>
      tpu.enqueue_dma source(%dma_start3A_430 : memref<128xi32, #tpu.memory_space<hbm>>) target(%arg17 : memref<128xi32, #tpu.memory_space<vmem>>) target_semaphore(%arg33 : memref<!tpu.dma_semaphore, #tpu.memory_space<semaphore_mem>>)
    } else {
    }
    %add3A_245 = arith.constant 2368 : i32
    %add3A_246 = arith.addi %add3A_245, %add3A : i32
    %lt3A_247 = arith.constant 2500 : i32
    %lt3A_248 = arith.cmpi slt, %add3A_246, %lt3A_247 : i32
    %convert_element_type3A_249 = arith.extui %lt3A_248 : i1 to i32
    %cond3A_250 = arith.constant 0 : i32
    %cond3A_251 = arith.cmpi ne, %convert_element_type3A_249, %cond3A_250 : i32
    scf.if %cond3A_251 {
      %add3A_424 = arith.constant 2368 : i32
      %add3A_425 = arith.addi %add3A_424, %add3A : i32
      %mul3A_426 = arith.constant 128 : i32
      %mul3A_427 = arith.muli %add3A_425, %mul3A_426 : i32
      %dma_wait3A = tpu.memref_slice %arg3[%mul3A_427] : memref<320000xi32, #tpu.memory_space<hbm>> -> memref<128xi32, #tpu.memory_space<hbm>>
      %dma_wait3A_428 = tpu.memref_slice %arg3[%mul3A_427] : memref<320000xi32, #tpu.memory_space<hbm>> -> memref<128xi32, #tpu.memory_space<hbm>>
      tpu.wait_dma2 semaphore(%arg24 : memref<!tpu.dma_semaphore, #tpu.memory_space<semaphore_mem>>) src(%dma_wait3A_428 : memref<128xi32, #tpu.memory_space<hbm>>) dst(%arg8 : memref<128xi32, #tpu.memory_space<vmem>>)
      %dma_start3A = arith.constant 0 : i32
      %dma_start3A_429 = arith.constant 0 : i32
      %dma_start3A_430 = tpu.memref_slice %arg2[%dma_start3A, %dma_start3A_429] : memref<10000x128xf32, #tpu.memory_space<hbm>> -> memref<10000x128xf32, #tpu.memory_space<hbm>>
      tpu.enqueue_indirect_dma source(%dma_start3A_430 : memref<10000x128xf32, #tpu.memory_space<hbm>>) target(%arg20 : memref<128x128xf32, #tpu.memory_space<vmem>>) offsets(%arg8 : memref<128xi32, #tpu.memory_space<vmem>>) semaphore(%arg36 : memref<!tpu.dma_semaphore, #tpu.memory_space<semaphore_mem>>)
    } else {
    }
    %add3A_252 = arith.constant 2336 : i32
    %add3A_253 = arith.addi %add3A_252, %add3A : i32
    %lt3A_254 = arith.constant 2500 : i32
    %lt3A_255 = arith.cmpi slt, %add3A_253, %lt3A_254 : i32
    %convert_element_type3A_256 = arith.extui %lt3A_255 : i1 to i32
    %cond3A_257 = arith.constant 0 : i32
    %cond3A_258 = arith.cmpi ne, %convert_element_type3A_256, %cond3A_257 : i32
    scf.if %cond3A_258 {
      %add3A_424 = arith.constant 2336 : i32
      %add3A_425 = arith.addi %add3A_424, %add3A : i32
      %mul3A_426 = arith.constant 128 : i32
      %mul3A_427 = arith.muli %add3A_425, %mul3A_426 : i32
      %dma_wait3A = arith.constant 0 : i32
      %dma_wait3A_428 = arith.constant 0 : i32
      %dma_wait3A_429 = tpu.memref_slice %arg2[%dma_wait3A, %dma_wait3A_428] : memref<10000x128xf32, #tpu.memory_space<hbm>> -> memref<10000x128xf32, #tpu.memory_space<hbm>>
      tpu.wait_indirect_dma semaphore(%arg35 : memref<!tpu.dma_semaphore, #tpu.memory_space<semaphore_mem>>) src(%dma_wait3A_429 : memref<10000x128xf32, #tpu.memory_space<hbm>>) dst(%arg19 : memref<128x128xf32, #tpu.memory_space<vmem>>)
      %dma_wait3A_430 = tpu.memref_slice %arg4[%mul3A_427] : memref<320000xi32, #tpu.memory_space<hbm>> -> memref<128xi32, #tpu.memory_space<hbm>>
      %dma_wait3A_431 = tpu.memref_slice %arg4[%mul3A_427] : memref<320000xi32, #tpu.memory_space<hbm>> -> memref<128xi32, #tpu.memory_space<hbm>>
      tpu.wait_dma2 semaphore(%arg29 : memref<!tpu.dma_semaphore, #tpu.memory_space<semaphore_mem>>) src(%dma_wait3A_431 : memref<128xi32, #tpu.memory_space<hbm>>) dst(%arg13 : memref<128xi32, #tpu.memory_space<vmem>>)
      %dma_start3A = arith.constant 0 : i32
      %dma_start3A_432 = arith.constant 0 : i32
      %dma_start3A_433 = tpu.memref_slice %arg21[%dma_start3A, %dma_start3A_432] : memref<10000x128xf32, #tpu.memory_space<vmem_shared>> -> memref<10000x128xf32, #tpu.memory_space<vmem_shared>>
      tpu.enqueue_indirect_dma source(%arg19 : memref<128x128xf32, #tpu.memory_space<vmem>>) target(%dma_start3A_433 : memref<10000x128xf32, #tpu.memory_space<vmem_shared>>) offsets(%arg13 : memref<128xi32, #tpu.memory_space<vmem>>) semaphore(%arg38 : memref<!tpu.dma_semaphore, #tpu.memory_space<semaphore_mem>>) {add = true}
    } else {
    }
    %add3A_259 = arith.constant 2304 : i32
    %add3A_260 = arith.addi %add3A_259, %add3A : i32
    %lt3A_261 = arith.constant 2500 : i32
    %lt3A_262 = arith.cmpi slt, %add3A_260, %lt3A_261 : i32
    %convert_element_type3A_263 = arith.extui %lt3A_262 : i1 to i32
    %cond3A_264 = arith.constant 0 : i32
    %cond3A_265 = arith.cmpi ne, %convert_element_type3A_263, %cond3A_264 : i32
    scf.if %cond3A_265 {
      %dma_wait3A = arith.constant 0 : i32
      %dma_wait3A_424 = arith.constant 0 : i32
      %dma_wait3A_425 = tpu.memref_slice %arg21[%dma_wait3A, %dma_wait3A_424] : memref<10000x128xf32, #tpu.memory_space<vmem_shared>> -> memref<10000x128xf32, #tpu.memory_space<vmem_shared>>
      tpu.wait_indirect_dma semaphore(%arg37 : memref<!tpu.dma_semaphore, #tpu.memory_space<semaphore_mem>>) src(%arg18 : memref<128x128xf32, #tpu.memory_space<vmem>>) dst(%dma_wait3A_425 : memref<10000x128xf32, #tpu.memory_space<vmem_shared>>)
    } else {
    }
    %add3A_266 = arith.constant 2496 : i32
    %add3A_267 = arith.addi %add3A_266, %add3A : i32
    %lt3A_268 = arith.constant 2500 : i32
    %lt3A_269 = arith.cmpi slt, %add3A_267, %lt3A_268 : i32
    %convert_element_type3A_270 = arith.extui %lt3A_269 : i1 to i32
    %cond3A_271 = arith.constant 0 : i32
    %cond3A_272 = arith.cmpi ne, %convert_element_type3A_270, %cond3A_271 : i32
    scf.if %cond3A_272 {
      %add3A_424 = arith.constant 2496 : i32
      %add3A_425 = arith.addi %add3A_424, %add3A : i32
      %mul3A_426 = arith.constant 128 : i32
      %mul3A_427 = arith.muli %add3A_425, %mul3A_426 : i32
      %dma_start3A = tpu.memref_slice %arg3[%mul3A_427] : memref<320000xi32, #tpu.memory_space<hbm>> -> memref<128xi32, #tpu.memory_space<hbm>>
      %dma_start3A_428 = tpu.memref_slice %arg3[%mul3A_427] : memref<320000xi32, #tpu.memory_space<hbm>> -> memref<128xi32, #tpu.memory_space<hbm>>
      tpu.enqueue_dma source(%dma_start3A_428 : memref<128xi32, #tpu.memory_space<hbm>>) target(%arg6 : memref<128xi32, #tpu.memory_space<vmem>>) target_semaphore(%arg22 : memref<!tpu.dma_semaphore, #tpu.memory_space<semaphore_mem>>)
      %dma_start3A_429 = tpu.memref_slice %arg4[%mul3A_427] : memref<320000xi32, #tpu.memory_space<hbm>> -> memref<128xi32, #tpu.memory_space<hbm>>
      %dma_start3A_430 = tpu.memref_slice %arg4[%mul3A_427] : memref<320000xi32, #tpu.memory_space<hbm>> -> memref<128xi32, #tpu.memory_space<hbm>>
      tpu.enqueue_dma source(%dma_start3A_430 : memref<128xi32, #tpu.memory_space<hbm>>) target(%arg12 : memref<128xi32, #tpu.memory_space<vmem>>) target_semaphore(%arg28 : memref<!tpu.dma_semaphore, #tpu.memory_space<semaphore_mem>>)
    } else {
    }
    %add3A_273 = arith.constant 2400 : i32
    %add3A_274 = arith.addi %add3A_273, %add3A : i32
    %lt3A_275 = arith.constant 2500 : i32
    %lt3A_276 = arith.cmpi slt, %add3A_274, %lt3A_275 : i32
    %convert_element_type3A_277 = arith.extui %lt3A_276 : i1 to i32
    %cond3A_278 = arith.constant 0 : i32
    %cond3A_279 = arith.cmpi ne, %convert_element_type3A_277, %cond3A_278 : i32
    scf.if %cond3A_279 {
      %add3A_424 = arith.constant 2400 : i32
      %add3A_425 = arith.addi %add3A_424, %add3A : i32
      %mul3A_426 = arith.constant 128 : i32
      %mul3A_427 = arith.muli %add3A_425, %mul3A_426 : i32
      %dma_wait3A = tpu.memref_slice %arg3[%mul3A_427] : memref<320000xi32, #tpu.memory_space<hbm>> -> memref<128xi32, #tpu.memory_space<hbm>>
      %dma_wait3A_428 = tpu.memref_slice %arg3[%mul3A_427] : memref<320000xi32, #tpu.memory_space<hbm>> -> memref<128xi32, #tpu.memory_space<hbm>>
      tpu.wait_dma2 semaphore(%arg25 : memref<!tpu.dma_semaphore, #tpu.memory_space<semaphore_mem>>) src(%dma_wait3A_428 : memref<128xi32, #tpu.memory_space<hbm>>) dst(%arg9 : memref<128xi32, #tpu.memory_space<vmem>>)
      %dma_start3A = arith.constant 0 : i32
      %dma_start3A_429 = arith.constant 0 : i32
      %dma_start3A_430 = tpu.memref_slice %arg2[%dma_start3A, %dma_start3A_429] : memref<10000x128xf32, #tpu.memory_space<hbm>> -> memref<10000x128xf32, #tpu.memory_space<hbm>>
      tpu.enqueue_indirect_dma source(%dma_start3A_430 : memref<10000x128xf32, #tpu.memory_space<hbm>>) target(%arg18 : memref<128x128xf32, #tpu.memory_space<vmem>>) offsets(%arg9 : memref<128xi32, #tpu.memory_space<vmem>>) semaphore(%arg34 : memref<!tpu.dma_semaphore, #tpu.memory_space<semaphore_mem>>)
    } else {
    }
    %add3A_280 = arith.constant 2368 : i32
    %add3A_281 = arith.addi %add3A_280, %add3A : i32
    %lt3A_282 = arith.constant 2500 : i32
    %lt3A_283 = arith.cmpi slt, %add3A_281, %lt3A_282 : i32
    %convert_element_type3A_284 = arith.extui %lt3A_283 : i1 to i32
    %cond3A_285 = arith.constant 0 : i32
    %cond3A_286 = arith.cmpi ne, %convert_element_type3A_284, %cond3A_285 : i32
    scf.if %cond3A_286 {
      %add3A_424 = arith.constant 2368 : i32
      %add3A_425 = arith.addi %add3A_424, %add3A : i32
      %mul3A_426 = arith.constant 128 : i32
      %mul3A_427 = arith.muli %add3A_425, %mul3A_426 : i32
      %dma_wait3A = arith.constant 0 : i32
      %dma_wait3A_428 = arith.constant 0 : i32
      %dma_wait3A_429 = tpu.memref_slice %arg2[%dma_wait3A, %dma_wait3A_428] : memref<10000x128xf32, #tpu.memory_space<hbm>> -> memref<10000x128xf32, #tpu.memory_space<hbm>>
      tpu.wait_indirect_dma semaphore(%arg36 : memref<!tpu.dma_semaphore, #tpu.memory_space<semaphore_mem>>) src(%dma_wait3A_429 : memref<10000x128xf32, #tpu.memory_space<hbm>>) dst(%arg20 : memref<128x128xf32, #tpu.memory_space<vmem>>)
      %dma_wait3A_430 = tpu.memref_slice %arg4[%mul3A_427] : memref<320000xi32, #tpu.memory_space<hbm>> -> memref<128xi32, #tpu.memory_space<hbm>>
      %dma_wait3A_431 = tpu.memref_slice %arg4[%mul3A_427] : memref<320000xi32, #tpu.memory_space<hbm>> -> memref<128xi32, #tpu.memory_space<hbm>>
      tpu.wait_dma2 semaphore(%arg30 : memref<!tpu.dma_semaphore, #tpu.memory_space<semaphore_mem>>) src(%dma_wait3A_431 : memref<128xi32, #tpu.memory_space<hbm>>) dst(%arg14 : memref<128xi32, #tpu.memory_space<vmem>>)
      %dma_start3A = arith.constant 0 : i32
      %dma_start3A_432 = arith.constant 0 : i32
      %dma_start3A_433 = tpu.memref_slice %arg21[%dma_start3A, %dma_start3A_432] : memref<10000x128xf32, #tpu.memory_space<vmem_shared>> -> memref<10000x128xf32, #tpu.memory_space<vmem_shared>>
      tpu.enqueue_indirect_dma source(%arg20 : memref<128x128xf32, #tpu.memory_space<vmem>>) target(%dma_start3A_433 : memref<10000x128xf32, #tpu.memory_space<vmem_shared>>) offsets(%arg14 : memref<128xi32, #tpu.memory_space<vmem>>) semaphore(%arg39 : memref<!tpu.dma_semaphore, #tpu.memory_space<semaphore_mem>>) {add = true}
    } else {
    }
    %add3A_287 = arith.constant 2336 : i32
    %add3A_288 = arith.addi %add3A_287, %add3A : i32
    %lt3A_289 = arith.constant 2500 : i32
    %lt3A_290 = arith.cmpi slt, %add3A_288, %lt3A_289 : i32
    %convert_element_type3A_291 = arith.extui %lt3A_290 : i1 to i32
    %cond3A_292 = arith.constant 0 : i32
    %cond3A_293 = arith.cmpi ne, %convert_element_type3A_291, %cond3A_292 : i32
    scf.if %cond3A_293 {
      %dma_wait3A = arith.constant 0 : i32
      %dma_wait3A_424 = arith.constant 0 : i32
      %dma_wait3A_425 = tpu.memref_slice %arg21[%dma_wait3A, %dma_wait3A_424] : memref<10000x128xf32, #tpu.memory_space<vmem_shared>> -> memref<10000x128xf32, #tpu.memory_space<vmem_shared>>
      tpu.wait_indirect_dma semaphore(%arg38 : memref<!tpu.dma_semaphore, #tpu.memory_space<semaphore_mem>>) src(%arg19 : memref<128x128xf32, #tpu.memory_space<vmem>>) dst(%dma_wait3A_425 : memref<10000x128xf32, #tpu.memory_space<vmem_shared>>)
    } else {
    }
    %add3A_294 = arith.constant 2528 : i32
    %add3A_295 = arith.addi %add3A_294, %add3A : i32
    %lt3A_296 = arith.constant 2500 : i32
    %lt3A_297 = arith.cmpi slt, %add3A_295, %lt3A_296 : i32
    %convert_element_type3A_298 = arith.extui %lt3A_297 : i1 to i32
    %cond3A_299 = arith.constant 0 : i32
    %cond3A_300 = arith.cmpi ne, %convert_element_type3A_298, %cond3A_299 : i32
    scf.if %cond3A_300 {
      %add3A_424 = arith.constant 2528 : i32
      %add3A_425 = arith.addi %add3A_424, %add3A : i32
      %mul3A_426 = arith.constant 128 : i32
      %mul3A_427 = arith.muli %add3A_425, %mul3A_426 : i32
      %dma_start3A = tpu.memref_slice %arg3[%mul3A_427] : memref<320000xi32, #tpu.memory_space<hbm>> -> memref<128xi32, #tpu.memory_space<hbm>>
      %dma_start3A_428 = tpu.memref_slice %arg3[%mul3A_427] : memref<320000xi32, #tpu.memory_space<hbm>> -> memref<128xi32, #tpu.memory_space<hbm>>
      tpu.enqueue_dma source(%dma_start3A_428 : memref<128xi32, #tpu.memory_space<hbm>>) target(%arg7 : memref<128xi32, #tpu.memory_space<vmem>>) target_semaphore(%arg23 : memref<!tpu.dma_semaphore, #tpu.memory_space<semaphore_mem>>)
      %dma_start3A_429 = tpu.memref_slice %arg4[%mul3A_427] : memref<320000xi32, #tpu.memory_space<hbm>> -> memref<128xi32, #tpu.memory_space<hbm>>
      %dma_start3A_430 = tpu.memref_slice %arg4[%mul3A_427] : memref<320000xi32, #tpu.memory_space<hbm>> -> memref<128xi32, #tpu.memory_space<hbm>>
      tpu.enqueue_dma source(%dma_start3A_430 : memref<128xi32, #tpu.memory_space<hbm>>) target(%arg13 : memref<128xi32, #tpu.memory_space<vmem>>) target_semaphore(%arg29 : memref<!tpu.dma_semaphore, #tpu.memory_space<semaphore_mem>>)
    } else {
    }
    %add3A_301 = arith.constant 2432 : i32
    %add3A_302 = arith.addi %add3A_301, %add3A : i32
    %lt3A_303 = arith.constant 2500 : i32
    %lt3A_304 = arith.cmpi slt, %add3A_302, %lt3A_303 : i32
    %convert_element_type3A_305 = arith.extui %lt3A_304 : i1 to i32
    %cond3A_306 = arith.constant 0 : i32
    %cond3A_307 = arith.cmpi ne, %convert_element_type3A_305, %cond3A_306 : i32
    scf.if %cond3A_307 {
      %add3A_424 = arith.constant 2432 : i32
      %add3A_425 = arith.addi %add3A_424, %add3A : i32
      %mul3A_426 = arith.constant 128 : i32
      %mul3A_427 = arith.muli %add3A_425, %mul3A_426 : i32
      %dma_wait3A = tpu.memref_slice %arg3[%mul3A_427] : memref<320000xi32, #tpu.memory_space<hbm>> -> memref<128xi32, #tpu.memory_space<hbm>>
      %dma_wait3A_428 = tpu.memref_slice %arg3[%mul3A_427] : memref<320000xi32, #tpu.memory_space<hbm>> -> memref<128xi32, #tpu.memory_space<hbm>>
      tpu.wait_dma2 semaphore(%arg26 : memref<!tpu.dma_semaphore, #tpu.memory_space<semaphore_mem>>) src(%dma_wait3A_428 : memref<128xi32, #tpu.memory_space<hbm>>) dst(%arg10 : memref<128xi32, #tpu.memory_space<vmem>>)
      %dma_start3A = arith.constant 0 : i32
      %dma_start3A_429 = arith.constant 0 : i32
      %dma_start3A_430 = tpu.memref_slice %arg2[%dma_start3A, %dma_start3A_429] : memref<10000x128xf32, #tpu.memory_space<hbm>> -> memref<10000x128xf32, #tpu.memory_space<hbm>>
      tpu.enqueue_indirect_dma source(%dma_start3A_430 : memref<10000x128xf32, #tpu.memory_space<hbm>>) target(%arg19 : memref<128x128xf32, #tpu.memory_space<vmem>>) offsets(%arg10 : memref<128xi32, #tpu.memory_space<vmem>>) semaphore(%arg35 : memref<!tpu.dma_semaphore, #tpu.memory_space<semaphore_mem>>)
    } else {
    }
    %add3A_308 = arith.constant 2400 : i32
    %add3A_309 = arith.addi %add3A_308, %add3A : i32
    %lt3A_310 = arith.constant 2500 : i32
    %lt3A_311 = arith.cmpi slt, %add3A_309, %lt3A_310 : i32
    %convert_element_type3A_312 = arith.extui %lt3A_311 : i1 to i32
    %cond3A_313 = arith.constant 0 : i32
    %cond3A_314 = arith.cmpi ne, %convert_element_type3A_312, %cond3A_313 : i32
    scf.if %cond3A_314 {
      %add3A_424 = arith.constant 2400 : i32
      %add3A_425 = arith.addi %add3A_424, %add3A : i32
      %mul3A_426 = arith.constant 128 : i32
      %mul3A_427 = arith.muli %add3A_425, %mul3A_426 : i32
      %dma_wait3A = arith.constant 0 : i32
      %dma_wait3A_428 = arith.constant 0 : i32
      %dma_wait3A_429 = tpu.memref_slice %arg2[%dma_wait3A, %dma_wait3A_428] : memref<10000x128xf32, #tpu.memory_space<hbm>> -> memref<10000x128xf32, #tpu.memory_space<hbm>>
      tpu.wait_indirect_dma semaphore(%arg34 : memref<!tpu.dma_semaphore, #tpu.memory_space<semaphore_mem>>) src(%dma_wait3A_429 : memref<10000x128xf32, #tpu.memory_space<hbm>>) dst(%arg18 : memref<128x128xf32, #tpu.memory_space<vmem>>)
      %dma_wait3A_430 = tpu.memref_slice %arg4[%mul3A_427] : memref<320000xi32, #tpu.memory_space<hbm>> -> memref<128xi32, #tpu.memory_space<hbm>>
      %dma_wait3A_431 = tpu.memref_slice %arg4[%mul3A_427] : memref<320000xi32, #tpu.memory_space<hbm>> -> memref<128xi32, #tpu.memory_space<hbm>>
      tpu.wait_dma2 semaphore(%arg31 : memref<!tpu.dma_semaphore, #tpu.memory_space<semaphore_mem>>) src(%dma_wait3A_431 : memref<128xi32, #tpu.memory_space<hbm>>) dst(%arg15 : memref<128xi32, #tpu.memory_space<vmem>>)
      %dma_start3A = arith.constant 0 : i32
      %dma_start3A_432 = arith.constant 0 : i32
      %dma_start3A_433 = tpu.memref_slice %arg21[%dma_start3A, %dma_start3A_432] : memref<10000x128xf32, #tpu.memory_space<vmem_shared>> -> memref<10000x128xf32, #tpu.memory_space<vmem_shared>>
      tpu.enqueue_indirect_dma source(%arg18 : memref<128x128xf32, #tpu.memory_space<vmem>>) target(%dma_start3A_433 : memref<10000x128xf32, #tpu.memory_space<vmem_shared>>) offsets(%arg15 : memref<128xi32, #tpu.memory_space<vmem>>) semaphore(%arg37 : memref<!tpu.dma_semaphore, #tpu.memory_space<semaphore_mem>>) {add = true}
    } else {
    }
    %add3A_315 = arith.constant 2368 : i32
    %add3A_316 = arith.addi %add3A_315, %add3A : i32
    %lt3A_317 = arith.constant 2500 : i32
    %lt3A_318 = arith.cmpi slt, %add3A_316, %lt3A_317 : i32
    %convert_element_type3A_319 = arith.extui %lt3A_318 : i1 to i32
    %cond3A_320 = arith.constant 0 : i32
    %cond3A_321 = arith.cmpi ne, %convert_element_type3A_319, %cond3A_320 : i32
    scf.if %cond3A_321 {
      %dma_wait3A = arith.constant 0 : i32
      %dma_wait3A_424 = arith.constant 0 : i32
      %dma_wait3A_425 = tpu.memref_slice %arg21[%dma_wait3A, %dma_wait3A_424] : memref<10000x128xf32, #tpu.memory_space<vmem_shared>> -> memref<10000x128xf32, #tpu.memory_space<vmem_shared>>
      tpu.wait_indirect_dma semaphore(%arg39 : memref<!tpu.dma_semaphore, #tpu.memory_space<semaphore_mem>>) src(%arg20 : memref<128x128xf32, #tpu.memory_space<vmem>>) dst(%dma_wait3A_425 : memref<10000x128xf32, #tpu.memory_space<vmem_shared>>)
    } else {
    }
    %add3A_322 = arith.constant 2560 : i32
    %add3A_323 = arith.addi %add3A_322, %add3A : i32
    %lt3A_324 = arith.constant 2500 : i32
    %lt3A_325 = arith.cmpi slt, %add3A_323, %lt3A_324 : i32
    %convert_element_type3A_326 = arith.extui %lt3A_325 : i1 to i32
    %cond3A_327 = arith.constant 0 : i32
    %cond3A_328 = arith.cmpi ne, %convert_element_type3A_326, %cond3A_327 : i32
    scf.if %cond3A_328 {
      %add3A_424 = arith.constant 2560 : i32
      %add3A_425 = arith.addi %add3A_424, %add3A : i32
      %mul3A_426 = arith.constant 128 : i32
      %mul3A_427 = arith.muli %add3A_425, %mul3A_426 : i32
      %dma_start3A = tpu.memref_slice %arg3[%mul3A_427] : memref<320000xi32, #tpu.memory_space<hbm>> -> memref<128xi32, #tpu.memory_space<hbm>>
      %dma_start3A_428 = tpu.memref_slice %arg3[%mul3A_427] : memref<320000xi32, #tpu.memory_space<hbm>> -> memref<128xi32, #tpu.memory_space<hbm>>
      tpu.enqueue_dma source(%dma_start3A_428 : memref<128xi32, #tpu.memory_space<hbm>>) target(%arg8 : memref<128xi32, #tpu.memory_space<vmem>>) target_semaphore(%arg24 : memref<!tpu.dma_semaphore, #tpu.memory_space<semaphore_mem>>)
      %dma_start3A_429 = tpu.memref_slice %arg4[%mul3A_427] : memref<320000xi32, #tpu.memory_space<hbm>> -> memref<128xi32, #tpu.memory_space<hbm>>
      %dma_start3A_430 = tpu.memref_slice %arg4[%mul3A_427] : memref<320000xi32, #tpu.memory_space<hbm>> -> memref<128xi32, #tpu.memory_space<hbm>>
      tpu.enqueue_dma source(%dma_start3A_430 : memref<128xi32, #tpu.memory_space<hbm>>) target(%arg14 : memref<128xi32, #tpu.memory_space<vmem>>) target_semaphore(%arg30 : memref<!tpu.dma_semaphore, #tpu.memory_space<semaphore_mem>>)
    } else {
    }
    %add3A_329 = arith.constant 2464 : i32
    %add3A_330 = arith.addi %add3A_329, %add3A : i32
    %lt3A_331 = arith.constant 2500 : i32
    %lt3A_332 = arith.cmpi slt, %add3A_330, %lt3A_331 : i32
    %convert_element_type3A_333 = arith.extui %lt3A_332 : i1 to i32
    %cond3A_334 = arith.constant 0 : i32
    %cond3A_335 = arith.cmpi ne, %convert_element_type3A_333, %cond3A_334 : i32
    scf.if %cond3A_335 {
      %add3A_424 = arith.constant 2464 : i32
      %add3A_425 = arith.addi %add3A_424, %add3A : i32
      %mul3A_426 = arith.constant 128 : i32
      %mul3A_427 = arith.muli %add3A_425, %mul3A_426 : i32
      %dma_wait3A = tpu.memref_slice %arg3[%mul3A_427] : memref<320000xi32, #tpu.memory_space<hbm>> -> memref<128xi32, #tpu.memory_space<hbm>>
      %dma_wait3A_428 = tpu.memref_slice %arg3[%mul3A_427] : memref<320000xi32, #tpu.memory_space<hbm>> -> memref<128xi32, #tpu.memory_space<hbm>>
      tpu.wait_dma2 semaphore(%arg27 : memref<!tpu.dma_semaphore, #tpu.memory_space<semaphore_mem>>) src(%dma_wait3A_428 : memref<128xi32, #tpu.memory_space<hbm>>) dst(%arg11 : memref<128xi32, #tpu.memory_space<vmem>>)
      %dma_start3A = arith.constant 0 : i32
      %dma_start3A_429 = arith.constant 0 : i32
      %dma_start3A_430 = tpu.memref_slice %arg2[%dma_start3A, %dma_start3A_429] : memref<10000x128xf32, #tpu.memory_space<hbm>> -> memref<10000x128xf32, #tpu.memory_space<hbm>>
      tpu.enqueue_indirect_dma source(%dma_start3A_430 : memref<10000x128xf32, #tpu.memory_space<hbm>>) target(%arg20 : memref<128x128xf32, #tpu.memory_space<vmem>>) offsets(%arg11 : memref<128xi32, #tpu.memory_space<vmem>>) semaphore(%arg36 : memref<!tpu.dma_semaphore, #tpu.memory_space<semaphore_mem>>)
    } else {
    }
    %add3A_336 = arith.constant 2432 : i32
    %add3A_337 = arith.addi %add3A_336, %add3A : i32
    %lt3A_338 = arith.constant 2500 : i32
    %lt3A_339 = arith.cmpi slt, %add3A_337, %lt3A_338 : i32
    %convert_element_type3A_340 = arith.extui %lt3A_339 : i1 to i32
    %cond3A_341 = arith.constant 0 : i32
    %cond3A_342 = arith.cmpi ne, %convert_element_type3A_340, %cond3A_341 : i32
    scf.if %cond3A_342 {
      %add3A_424 = arith.constant 2432 : i32
      %add3A_425 = arith.addi %add3A_424, %add3A : i32
      %mul3A_426 = arith.constant 128 : i32
      %mul3A_427 = arith.muli %add3A_425, %mul3A_426 : i32
      %dma_wait3A = arith.constant 0 : i32
      %dma_wait3A_428 = arith.constant 0 : i32
      %dma_wait3A_429 = tpu.memref_slice %arg2[%dma_wait3A, %dma_wait3A_428] : memref<10000x128xf32, #tpu.memory_space<hbm>> -> memref<10000x128xf32, #tpu.memory_space<hbm>>
      tpu.wait_indirect_dma semaphore(%arg35 : memref<!tpu.dma_semaphore, #tpu.memory_space<semaphore_mem>>) src(%dma_wait3A_429 : memref<10000x128xf32, #tpu.memory_space<hbm>>) dst(%arg19 : memref<128x128xf32, #tpu.memory_space<vmem>>)
      %dma_wait3A_430 = tpu.memref_slice %arg4[%mul3A_427] : memref<320000xi32, #tpu.memory_space<hbm>> -> memref<128xi32, #tpu.memory_space<hbm>>
      %dma_wait3A_431 = tpu.memref_slice %arg4[%mul3A_427] : memref<320000xi32, #tpu.memory_space<hbm>> -> memref<128xi32, #tpu.memory_space<hbm>>
      tpu.wait_dma2 semaphore(%arg32 : memref<!tpu.dma_semaphore, #tpu.memory_space<semaphore_mem>>) src(%dma_wait3A_431 : memref<128xi32, #tpu.memory_space<hbm>>) dst(%arg16 : memref<128xi32, #tpu.memory_space<vmem>>)
      %dma_start3A = arith.constant 0 : i32
      %dma_start3A_432 = arith.constant 0 : i32
      %dma_start3A_433 = tpu.memref_slice %arg21[%dma_start3A, %dma_start3A_432] : memref<10000x128xf32, #tpu.memory_space<vmem_shared>> -> memref<10000x128xf32, #tpu.memory_space<vmem_shared>>
      tpu.enqueue_indirect_dma source(%arg19 : memref<128x128xf32, #tpu.memory_space<vmem>>) target(%dma_start3A_433 : memref<10000x128xf32, #tpu.memory_space<vmem_shared>>) offsets(%arg16 : memref<128xi32, #tpu.memory_space<vmem>>) semaphore(%arg38 : memref<!tpu.dma_semaphore, #tpu.memory_space<semaphore_mem>>) {add = true}
    } else {
    }
    %add3A_343 = arith.constant 2400 : i32
    %add3A_344 = arith.addi %add3A_343, %add3A : i32
    %lt3A_345 = arith.constant 2500 : i32
    %lt3A_346 = arith.cmpi slt, %add3A_344, %lt3A_345 : i32
    %convert_element_type3A_347 = arith.extui %lt3A_346 : i1 to i32
    %cond3A_348 = arith.constant 0 : i32
    %cond3A_349 = arith.cmpi ne, %convert_element_type3A_347, %cond3A_348 : i32
    scf.if %cond3A_349 {
      %dma_wait3A = arith.constant 0 : i32
      %dma_wait3A_424 = arith.constant 0 : i32
      %dma_wait3A_425 = tpu.memref_slice %arg21[%dma_wait3A, %dma_wait3A_424] : memref<10000x128xf32, #tpu.memory_space<vmem_shared>> -> memref<10000x128xf32, #tpu.memory_space<vmem_shared>>
      tpu.wait_indirect_dma semaphore(%arg37 : memref<!tpu.dma_semaphore, #tpu.memory_space<semaphore_mem>>) src(%arg18 : memref<128x128xf32, #tpu.memory_space<vmem>>) dst(%dma_wait3A_425 : memref<10000x128xf32, #tpu.memory_space<vmem_shared>>)
    } else {
    }
    %add3A_350 = arith.constant 2592 : i32
    %add3A_351 = arith.addi %add3A_350, %add3A : i32
    %lt3A_352 = arith.constant 2500 : i32
    %lt3A_353 = arith.cmpi slt, %add3A_351, %lt3A_352 : i32
    %convert_element_type3A_354 = arith.extui %lt3A_353 : i1 to i32
    %cond3A_355 = arith.constant 0 : i32
    %cond3A_356 = arith.cmpi ne, %convert_element_type3A_354, %cond3A_355 : i32
    scf.if %cond3A_356 {
      %add3A_424 = arith.constant 2592 : i32
      %add3A_425 = arith.addi %add3A_424, %add3A : i32
      %mul3A_426 = arith.constant 128 : i32
      %mul3A_427 = arith.muli %add3A_425, %mul3A_426 : i32
      %dma_start3A = tpu.memref_slice %arg3[%mul3A_427] : memref<320000xi32, #tpu.memory_space<hbm>> -> memref<128xi32, #tpu.memory_space<hbm>>
      %dma_start3A_428 = tpu.memref_slice %arg3[%mul3A_427] : memref<320000xi32, #tpu.memory_space<hbm>> -> memref<128xi32, #tpu.memory_space<hbm>>
      tpu.enqueue_dma source(%dma_start3A_428 : memref<128xi32, #tpu.memory_space<hbm>>) target(%arg9 : memref<128xi32, #tpu.memory_space<vmem>>) target_semaphore(%arg25 : memref<!tpu.dma_semaphore, #tpu.memory_space<semaphore_mem>>)
      %dma_start3A_429 = tpu.memref_slice %arg4[%mul3A_427] : memref<320000xi32, #tpu.memory_space<hbm>> -> memref<128xi32, #tpu.memory_space<hbm>>
      %dma_start3A_430 = tpu.memref_slice %arg4[%mul3A_427] : memref<320000xi32, #tpu.memory_space<hbm>> -> memref<128xi32, #tpu.memory_space<hbm>>
      tpu.enqueue_dma source(%dma_start3A_430 : memref<128xi32, #tpu.memory_space<hbm>>) target(%arg15 : memref<128xi32, #tpu.memory_space<vmem>>) target_semaphore(%arg31 : memref<!tpu.dma_semaphore, #tpu.memory_space<semaphore_mem>>)
    } else {
    }
    %add3A_357 = arith.constant 2496 : i32
    %add3A_358 = arith.addi %add3A_357, %add3A : i32
    %lt3A_359 = arith.constant 2500 : i32
    %lt3A_360 = arith.cmpi slt, %add3A_358, %lt3A_359 : i32
    %convert_element_type3A_361 = arith.extui %lt3A_360 : i1 to i32
    %cond3A_362 = arith.constant 0 : i32
    %cond3A_363 = arith.cmpi ne, %convert_element_type3A_361, %cond3A_362 : i32
    scf.if %cond3A_363 {
      %add3A_424 = arith.constant 2496 : i32
      %add3A_425 = arith.addi %add3A_424, %add3A : i32
      %mul3A_426 = arith.constant 128 : i32
      %mul3A_427 = arith.muli %add3A_425, %mul3A_426 : i32
      %dma_wait3A = tpu.memref_slice %arg3[%mul3A_427] : memref<320000xi32, #tpu.memory_space<hbm>> -> memref<128xi32, #tpu.memory_space<hbm>>
      %dma_wait3A_428 = tpu.memref_slice %arg3[%mul3A_427] : memref<320000xi32, #tpu.memory_space<hbm>> -> memref<128xi32, #tpu.memory_space<hbm>>
      tpu.wait_dma2 semaphore(%arg22 : memref<!tpu.dma_semaphore, #tpu.memory_space<semaphore_mem>>) src(%dma_wait3A_428 : memref<128xi32, #tpu.memory_space<hbm>>) dst(%arg6 : memref<128xi32, #tpu.memory_space<vmem>>)
      %dma_start3A = arith.constant 0 : i32
      %dma_start3A_429 = arith.constant 0 : i32
      %dma_start3A_430 = tpu.memref_slice %arg2[%dma_start3A, %dma_start3A_429] : memref<10000x128xf32, #tpu.memory_space<hbm>> -> memref<10000x128xf32, #tpu.memory_space<hbm>>
      tpu.enqueue_indirect_dma source(%dma_start3A_430 : memref<10000x128xf32, #tpu.memory_space<hbm>>) target(%arg18 : memref<128x128xf32, #tpu.memory_space<vmem>>) offsets(%arg6 : memref<128xi32, #tpu.memory_space<vmem>>) semaphore(%arg34 : memref<!tpu.dma_semaphore, #tpu.memory_space<semaphore_mem>>)
    } else {
    }
    %add3A_364 = arith.constant 2464 : i32
    %add3A_365 = arith.addi %add3A_364, %add3A : i32
    %lt3A_366 = arith.constant 2500 : i32
    %lt3A_367 = arith.cmpi slt, %add3A_365, %lt3A_366 : i32
    %convert_element_type3A_368 = arith.extui %lt3A_367 : i1 to i32
    %cond3A_369 = arith.constant 0 : i32
    %cond3A_370 = arith.cmpi ne, %convert_element_type3A_368, %cond3A_369 : i32
    scf.if %cond3A_370 {
      %add3A_424 = arith.constant 2464 : i32
      %add3A_425 = arith.addi %add3A_424, %add3A : i32
      %mul3A_426 = arith.constant 128 : i32
      %mul3A_427 = arith.muli %add3A_425, %mul3A_426 : i32
      %dma_wait3A = arith.constant 0 : i32
      %dma_wait3A_428 = arith.constant 0 : i32
      %dma_wait3A_429 = tpu.memref_slice %arg2[%dma_wait3A, %dma_wait3A_428] : memref<10000x128xf32, #tpu.memory_space<hbm>> -> memref<10000x128xf32, #tpu.memory_space<hbm>>
      tpu.wait_indirect_dma semaphore(%arg36 : memref<!tpu.dma_semaphore, #tpu.memory_space<semaphore_mem>>) src(%dma_wait3A_429 : memref<10000x128xf32, #tpu.memory_space<hbm>>) dst(%arg20 : memref<128x128xf32, #tpu.memory_space<vmem>>)
      %dma_wait3A_430 = tpu.memref_slice %arg4[%mul3A_427] : memref<320000xi32, #tpu.memory_space<hbm>> -> memref<128xi32, #tpu.memory_space<hbm>>
      %dma_wait3A_431 = tpu.memref_slice %arg4[%mul3A_427] : memref<320000xi32, #tpu.memory_space<hbm>> -> memref<128xi32, #tpu.memory_space<hbm>>
      tpu.wait_dma2 semaphore(%arg33 : memref<!tpu.dma_semaphore, #tpu.memory_space<semaphore_mem>>) src(%dma_wait3A_431 : memref<128xi32, #tpu.memory_space<hbm>>) dst(%arg17 : memref<128xi32, #tpu.memory_space<vmem>>)
      %dma_start3A = arith.constant 0 : i32
      %dma_start3A_432 = arith.constant 0 : i32
      %dma_start3A_433 = tpu.memref_slice %arg21[%dma_start3A, %dma_start3A_432] : memref<10000x128xf32, #tpu.memory_space<vmem_shared>> -> memref<10000x128xf32, #tpu.memory_space<vmem_shared>>
      tpu.enqueue_indirect_dma source(%arg20 : memref<128x128xf32, #tpu.memory_space<vmem>>) target(%dma_start3A_433 : memref<10000x128xf32, #tpu.memory_space<vmem_shared>>) offsets(%arg17 : memref<128xi32, #tpu.memory_space<vmem>>) semaphore(%arg39 : memref<!tpu.dma_semaphore, #tpu.memory_space<semaphore_mem>>) {add = true}
    } else {
    }
    %add3A_371 = arith.constant 2432 : i32
    %add3A_372 = arith.addi %add3A_371, %add3A : i32
    %lt3A_373 = arith.constant 2500 : i32
    %lt3A_374 = arith.cmpi slt, %add3A_372, %lt3A_373 : i32
    %convert_element_type3A_375 = arith.extui %lt3A_374 : i1 to i32
    %cond3A_376 = arith.constant 0 : i32
    %cond3A_377 = arith.cmpi ne, %convert_element_type3A_375, %cond3A_376 : i32
    scf.if %cond3A_377 {
      %dma_wait3A = arith.constant 0 : i32
      %dma_wait3A_424 = arith.constant 0 : i32
      %dma_wait3A_425 = tpu.memref_slice %arg21[%dma_wait3A, %dma_wait3A_424] : memref<10000x128xf32, #tpu.memory_space<vmem_shared>> -> memref<10000x128xf32, #tpu.memory_space<vmem_shared>>
      tpu.wait_indirect_dma semaphore(%arg38 : memref<!tpu.dma_semaphore, #tpu.memory_space<semaphore_mem>>) src(%arg19 : memref<128x128xf32, #tpu.memory_space<vmem>>) dst(%dma_wait3A_425 : memref<10000x128xf32, #tpu.memory_space<vmem_shared>>)
    } else {
    }
    %add3A_378 = arith.constant 2624 : i32
    %add3A_379 = arith.addi %add3A_378, %add3A : i32
    %lt3A_380 = arith.constant 2500 : i32
    %lt3A_381 = arith.cmpi slt, %add3A_379, %lt3A_380 : i32
    %convert_element_type3A_382 = arith.extui %lt3A_381 : i1 to i32
    %cond3A_383 = arith.constant 0 : i32
    %cond3A_384 = arith.cmpi ne, %convert_element_type3A_382, %cond3A_383 : i32
    scf.if %cond3A_384 {
      %add3A_424 = arith.constant 2624 : i32
      %add3A_425 = arith.addi %add3A_424, %add3A : i32
      %mul3A_426 = arith.constant 128 : i32
      %mul3A_427 = arith.muli %add3A_425, %mul3A_426 : i32
      %dma_start3A = tpu.memref_slice %arg3[%mul3A_427] : memref<320000xi32, #tpu.memory_space<hbm>> -> memref<128xi32, #tpu.memory_space<hbm>>
      %dma_start3A_428 = tpu.memref_slice %arg3[%mul3A_427] : memref<320000xi32, #tpu.memory_space<hbm>> -> memref<128xi32, #tpu.memory_space<hbm>>
      tpu.enqueue_dma source(%dma_start3A_428 : memref<128xi32, #tpu.memory_space<hbm>>) target(%arg10 : memref<128xi32, #tpu.memory_space<vmem>>) target_semaphore(%arg26 : memref<!tpu.dma_semaphore, #tpu.memory_space<semaphore_mem>>)
      %dma_start3A_429 = tpu.memref_slice %arg4[%mul3A_427] : memref<320000xi32, #tpu.memory_space<hbm>> -> memref<128xi32, #tpu.memory_space<hbm>>
      %dma_start3A_430 = tpu.memref_slice %arg4[%mul3A_427] : memref<320000xi32, #tpu.memory_space<hbm>> -> memref<128xi32, #tpu.memory_space<hbm>>
      tpu.enqueue_dma source(%dma_start3A_430 : memref<128xi32, #tpu.memory_space<hbm>>) target(%arg16 : memref<128xi32, #tpu.memory_space<vmem>>) target_semaphore(%arg32 : memref<!tpu.dma_semaphore, #tpu.memory_space<semaphore_mem>>)
    } else {
    }
    %add3A_385 = arith.constant 2528 : i32
    %add3A_386 = arith.addi %add3A_385, %add3A : i32
    %lt3A_387 = arith.constant 2500 : i32
    %lt3A_388 = arith.cmpi slt, %add3A_386, %lt3A_387 : i32
    %convert_element_type3A_389 = arith.extui %lt3A_388 : i1 to i32
    %cond3A_390 = arith.constant 0 : i32
    %cond3A_391 = arith.cmpi ne, %convert_element_type3A_389, %cond3A_390 : i32
    scf.if %cond3A_391 {
      %add3A_424 = arith.constant 2528 : i32
      %add3A_425 = arith.addi %add3A_424, %add3A : i32
      %mul3A_426 = arith.constant 128 : i32
      %mul3A_427 = arith.muli %add3A_425, %mul3A_426 : i32
      %dma_wait3A = tpu.memref_slice %arg3[%mul3A_427] : memref<320000xi32, #tpu.memory_space<hbm>> -> memref<128xi32, #tpu.memory_space<hbm>>
      %dma_wait3A_428 = tpu.memref_slice %arg3[%mul3A_427] : memref<320000xi32, #tpu.memory_space<hbm>> -> memref<128xi32, #tpu.memory_space<hbm>>
      tpu.wait_dma2 semaphore(%arg23 : memref<!tpu.dma_semaphore, #tpu.memory_space<semaphore_mem>>) src(%dma_wait3A_428 : memref<128xi32, #tpu.memory_space<hbm>>) dst(%arg7 : memref<128xi32, #tpu.memory_space<vmem>>)
      %dma_start3A = arith.constant 0 : i32
      %dma_start3A_429 = arith.constant 0 : i32
      %dma_start3A_430 = tpu.memref_slice %arg2[%dma_start3A, %dma_start3A_429] : memref<10000x128xf32, #tpu.memory_space<hbm>> -> memref<10000x128xf32, #tpu.memory_space<hbm>>
      tpu.enqueue_indirect_dma source(%dma_start3A_430 : memref<10000x128xf32, #tpu.memory_space<hbm>>) target(%arg19 : memref<128x128xf32, #tpu.memory_space<vmem>>) offsets(%arg7 : memref<128xi32, #tpu.memory_space<vmem>>) semaphore(%arg35 : memref<!tpu.dma_semaphore, #tpu.memory_space<semaphore_mem>>)
    } else {
    }
    %add3A_392 = arith.constant 2496 : i32
    %add3A_393 = arith.addi %add3A_392, %add3A : i32
    %lt3A_394 = arith.constant 2500 : i32
    %lt3A_395 = arith.cmpi slt, %add3A_393, %lt3A_394 : i32
    %convert_element_type3A_396 = arith.extui %lt3A_395 : i1 to i32
    %cond3A_397 = arith.constant 0 : i32
    %cond3A_398 = arith.cmpi ne, %convert_element_type3A_396, %cond3A_397 : i32
    scf.if %cond3A_398 {
      %add3A_424 = arith.constant 2496 : i32
      %add3A_425 = arith.addi %add3A_424, %add3A : i32
      %mul3A_426 = arith.constant 128 : i32
      %mul3A_427 = arith.muli %add3A_425, %mul3A_426 : i32
      %dma_wait3A = arith.constant 0 : i32
      %dma_wait3A_428 = arith.constant 0 : i32
      %dma_wait3A_429 = tpu.memref_slice %arg2[%dma_wait3A, %dma_wait3A_428] : memref<10000x128xf32, #tpu.memory_space<hbm>> -> memref<10000x128xf32, #tpu.memory_space<hbm>>
      tpu.wait_indirect_dma semaphore(%arg34 : memref<!tpu.dma_semaphore, #tpu.memory_space<semaphore_mem>>) src(%dma_wait3A_429 : memref<10000x128xf32, #tpu.memory_space<hbm>>) dst(%arg18 : memref<128x128xf32, #tpu.memory_space<vmem>>)
      %dma_wait3A_430 = tpu.memref_slice %arg4[%mul3A_427] : memref<320000xi32, #tpu.memory_space<hbm>> -> memref<128xi32, #tpu.memory_space<hbm>>
      %dma_wait3A_431 = tpu.memref_slice %arg4[%mul3A_427] : memref<320000xi32, #tpu.memory_space<hbm>> -> memref<128xi32, #tpu.memory_space<hbm>>
      tpu.wait_dma2 semaphore(%arg28 : memref<!tpu.dma_semaphore, #tpu.memory_space<semaphore_mem>>) src(%dma_wait3A_431 : memref<128xi32, #tpu.memory_space<hbm>>) dst(%arg12 : memref<128xi32, #tpu.memory_space<vmem>>)
      %dma_start3A = arith.constant 0 : i32
      %dma_start3A_432 = arith.constant 0 : i32
      %dma_start3A_433 = tpu.memref_slice %arg21[%dma_start3A, %dma_start3A_432] : memref<10000x128xf32, #tpu.memory_space<vmem_shared>> -> memref<10000x128xf32, #tpu.memory_space<vmem_shared>>
      tpu.enqueue_indirect_dma source(%arg18 : memref<128x128xf32, #tpu.memory_space<vmem>>) target(%dma_start3A_433 : memref<10000x128xf32, #tpu.memory_space<vmem_shared>>) offsets(%arg12 : memref<128xi32, #tpu.memory_space<vmem>>) semaphore(%arg37 : memref<!tpu.dma_semaphore, #tpu.memory_space<semaphore_mem>>) {add = true}
    } else {
    }
    %add3A_399 = arith.constant 2464 : i32
    %add3A_400 = arith.addi %add3A_399, %add3A : i32
    %lt3A_401 = arith.constant 2500 : i32
    %lt3A_402 = arith.cmpi slt, %add3A_400, %lt3A_401 : i32
    %convert_element_type3A_403 = arith.extui %lt3A_402 : i1 to i32
    %cond3A_404 = arith.constant 0 : i32
    %cond3A_405 = arith.cmpi ne, %convert_element_type3A_403, %cond3A_404 : i32
    scf.if %cond3A_405 {
      %dma_wait3A = arith.constant 0 : i32
      %dma_wait3A_424 = arith.constant 0 : i32
      %dma_wait3A_425 = tpu.memref_slice %arg21[%dma_wait3A, %dma_wait3A_424] : memref<10000x128xf32, #tpu.memory_space<vmem_shared>> -> memref<10000x128xf32, #tpu.memory_space<vmem_shared>>
      tpu.wait_indirect_dma semaphore(%arg39 : memref<!tpu.dma_semaphore, #tpu.memory_space<semaphore_mem>>) src(%arg20 : memref<128x128xf32, #tpu.memory_space<vmem>>) dst(%dma_wait3A_425 : memref<10000x128xf32, #tpu.memory_space<vmem_shared>>)
    } else {
    }
    %add3A_406 = arith.constant 2496 : i32
    %add3A_407 = arith.addi %add3A_406, %add3A : i32
    %lt3A_408 = arith.constant 2500 : i32
    %lt3A_409 = arith.cmpi slt, %add3A_407, %lt3A_408 : i32
    %convert_element_type3A_410 = arith.extui %lt3A_409 : i1 to i32
    %cond3A_411 = arith.constant 0 : i32
    %cond3A_412 = arith.cmpi ne, %convert_element_type3A_410, %cond3A_411 : i32
    scf.if %cond3A_412 {
      %dma_wait3A = arith.constant 0 : i32
      %dma_wait3A_424 = arith.constant 0 : i32
      %dma_wait3A_425 = tpu.memref_slice %arg21[%dma_wait3A, %dma_wait3A_424] : memref<10000x128xf32, #tpu.memory_space<vmem_shared>> -> memref<10000x128xf32, #tpu.memory_space<vmem_shared>>
      tpu.wait_indirect_dma semaphore(%arg37 : memref<!tpu.dma_semaphore, #tpu.memory_space<semaphore_mem>>) src(%arg18 : memref<128x128xf32, #tpu.memory_space<vmem>>) dst(%dma_wait3A_425 : memref<10000x128xf32, #tpu.memory_space<vmem_shared>>)
    } else {
    }
    %barrier3A_413 = arith.constant 0 : index
    tpu.barrier barrier_id(%barrier3A_413)
    %lt3A_414 = arith.constant 15 : i32
    %lt3A_415 = arith.cmpi slt, %arg1, %lt3A_414 : i32
    %convert_element_type3A_416 = arith.extui %lt3A_415 : i1 to i32
    %cond3A_417 = arith.constant 0 : i32
    %cond3A_418 = arith.cmpi ne, %convert_element_type3A_416, %cond3A_417 : i32
    scf.if %cond3A_418 {
      "tpu.region"() ({
        %run_scoped3A = tpu.sem_alloc : memref<!tpu.dma_semaphore, #tpu.memory_space<semaphore_mem>>
        %dma_start3A = arith.constant 0 : i32
        %dma_start3A_424 = tpu.memref_slice %arg5[%arg0, %mul3A_2, %dma_start3A] : memref<2x10000x128xf32, #tpu.memory_space<hbm>> -> memref<1x640x128xf32, #tpu.memory_space<hbm>>
        %dma_start3A_425 = tpu.memref_squeeze %dma_start3A_424 : memref<1x640x128xf32, #tpu.memory_space<hbm>> -> memref<640x128xf32, #tpu.memory_space<hbm>>
        %dma_start3A_426 = arith.constant 0 : i32
        %dma_start3A_427 = tpu.memref_slice %arg21[%mul3A_2, %dma_start3A_426] : memref<10000x128xf32, #tpu.memory_space<vmem_shared>> -> memref<640x128xf32, #tpu.memory_space<vmem_shared>>
        tpu.enqueue_dma source(%dma_start3A_427 : memref<640x128xf32, #tpu.memory_space<vmem_shared>>) target(%dma_start3A_425 : memref<640x128xf32, #tpu.memory_space<hbm>>) target_semaphore(%run_scoped3A : memref<!tpu.dma_semaphore, #tpu.memory_space<semaphore_mem>>)
        %dma_wait3A = arith.constant 0 : i32
        %dma_wait3A_428 = tpu.memref_slice %arg5[%arg0, %mul3A_2, %dma_wait3A] : memref<2x10000x128xf32, #tpu.memory_space<hbm>> -> memref<1x640x128xf32, #tpu.memory_space<hbm>>
        %dma_wait3A_429 = tpu.memref_squeeze %dma_wait3A_428 : memref<1x640x128xf32, #tpu.memory_space<hbm>> -> memref<640x128xf32, #tpu.memory_space<hbm>>
        %dma_wait3A_430 = arith.constant 0 : i32
        %dma_wait3A_431 = tpu.memref_slice %arg21[%mul3A_2, %dma_wait3A_430] : memref<10000x128xf32, #tpu.memory_space<vmem_shared>> -> memref<640x128xf32, #tpu.memory_space<vmem_shared>>
        tpu.wait_dma2 semaphore(%run_scoped3A : memref<!tpu.dma_semaphore, #tpu.memory_space<semaphore_mem>>) src(%dma_wait3A_431 : memref<640x128xf32, #tpu.memory_space<vmem_shared>>) dst(%dma_wait3A_429 : memref<640x128xf32, #tpu.memory_space<hbm>>)
        tpu.yield
      }) : () -> ()
    } else {
    }
    %eq3A_419 = arith.constant 15 : i32
    %eq3A_420 = arith.cmpi eq, %arg1, %eq3A_419 : i32
    %convert_element_type3A_421 = arith.extui %eq3A_420 : i1 to i32
    %cond3A_422 = arith.constant 0 : i32
    %cond3A_423 = arith.cmpi ne, %convert_element_type3A_421, %cond3A_422 : i32
    scf.if %cond3A_423 {
      "tpu.region"() ({
        %run_scoped3A = tpu.sem_alloc : memref<!tpu.dma_semaphore, #tpu.memory_space<semaphore_mem>>
        %dma_start3A = arith.constant 0 : i32
        %dma_start3A_424 = tpu.memref_slice %arg5[%arg0, %mul3A_2, %dma_start3A] : memref<2x10000x128xf32, #tpu.memory_space<hbm>> -> memref<1x400x128xf32, #tpu.memory_space<hbm>>
        %dma_start3A_425 = tpu.memref_squeeze %dma_start3A_424 : memref<1x400x128xf32, #tpu.memory_space<hbm>> -> memref<400x128xf32, #tpu.memory_space<hbm>>
        %dma_start3A_426 = arith.constant 0 : i32
        %dma_start3A_427 = tpu.memref_slice %arg21[%mul3A_2, %dma_start3A_426] : memref<10000x128xf32, #tpu.memory_space<vmem_shared>> -> memref<400x128xf32, #tpu.memory_space<vmem_shared>>
        tpu.enqueue_dma source(%dma_start3A_427 : memref<400x128xf32, #tpu.memory_space<vmem_shared>>) target(%dma_start3A_425 : memref<400x128xf32, #tpu.memory_space<hbm>>) target_semaphore(%run_scoped3A : memref<!tpu.dma_semaphore, #tpu.memory_space<semaphore_mem>>)
        %dma_wait3A = arith.constant 0 : i32
        %dma_wait3A_428 = tpu.memref_slice %arg5[%arg0, %mul3A_2, %dma_wait3A] : memref<2x10000x128xf32, #tpu.memory_space<hbm>> -> memref<1x400x128xf32, #tpu.memory_space<hbm>>
        %dma_wait3A_429 = tpu.memref_squeeze %dma_wait3A_428 : memref<1x400x128xf32, #tpu.memory_space<hbm>> -> memref<400x128xf32, #tpu.memory_space<hbm>>
        %dma_wait3A_430 = arith.constant 0 : i32
        %dma_wait3A_431 = tpu.memref_slice %arg21[%mul3A_2, %dma_wait3A_430] : memref<10000x128xf32, #tpu.memory_space<vmem_shared>> -> memref<400x128xf32, #tpu.memory_space<vmem_shared>>
        tpu.wait_dma2 semaphore(%run_scoped3A : memref<!tpu.dma_semaphore, #tpu.memory_space<semaphore_mem>>) src(%dma_wait3A_431 : memref<400x128xf32, #tpu.memory_space<vmem_shared>>) dst(%dma_wait3A_429 : memref<400x128xf32, #tpu.memory_space<hbm>>)
        tpu.yield
      }) : () -> ()
    } else {
    }
    return
  }
}

#map = affine_map<(d0, d1) -> (0, 0)>
#map1 = affine_map<(d0, d1) -> (0)>
#map2 = affine_map<(d0, d1) -> (0, 0, 0)>
module attributes {stable_mosaic.version = 14 : i64} {
  func.func @agg(%arg0: i32, %arg1: i32, %arg2: memref<10000x128xf32, #tpu.memory_space<hbm>>, %arg3: memref<320000xi32, #tpu.memory_space<hbm>>, %arg4: memref<320000xi32, #tpu.memory_space<hbm>>, %arg5: memref<2x10000x128xf32, #tpu.memory_space<hbm>>, %arg6: memref<128xi32, #tpu.memory_space<vmem>>, %arg7: memref<128xi32, #tpu.memory_space<vmem>>, %arg8: memref<128xi32, #tpu.memory_space<vmem>>, %arg9: memref<128xi32, #tpu.memory_space<vmem>>, %arg10: memref<128xi32, #tpu.memory_space<vmem>>, %arg11: memref<128xi32, #tpu.memory_space<vmem>>, %arg12: memref<128xi32, #tpu.memory_space<vmem>>, %arg13: memref<128xi32, #tpu.memory_space<vmem>>, %arg14: memref<128xi32, #tpu.memory_space<vmem>>, %arg15: memref<128xi32, #tpu.memory_space<vmem>>, %arg16: memref<128xi32, #tpu.memory_space<vmem>>, %arg17: memref<128xi32, #tpu.memory_space<vmem>>, %arg18: memref<128x128xf32, #tpu.memory_space<vmem>>, %arg19: memref<128x128xf32, #tpu.memory_space<vmem>>, %arg20: memref<128x128xf32, #tpu.memory_space<vmem>>, %arg21: memref<10000x128xf32, #tpu.memory_space<vmem_shared>>, %arg22: memref<!tpu.dma_semaphore, #tpu.memory_space<semaphore_mem>>, %arg23: memref<!tpu.dma_semaphore, #tpu.memory_space<semaphore_mem>>, %arg24: memref<!tpu.dma_semaphore, #tpu.memory_space<semaphore_mem>>, %arg25: memref<!tpu.dma_semaphore, #tpu.memory_space<semaphore_mem>>, %arg26: memref<!tpu.dma_semaphore, #tpu.memory_space<semaphore_mem>>, %arg27: memref<!tpu.dma_semaphore, #tpu.memory_space<semaphore_mem>>, %arg28: memref<!tpu.dma_semaphore, #tpu.memory_space<semaphore_mem>>, %arg29: memref<!tpu.dma_semaphore, #tpu.memory_space<semaphore_mem>>, %arg30: memref<!tpu.dma_semaphore, #tpu.memory_space<semaphore_mem>>, %arg31: memref<!tpu.dma_semaphore, #tpu.memory_space<semaphore_mem>>, %arg32: memref<!tpu.dma_semaphore, #tpu.memory_space<semaphore_mem>>, %arg33: memref<!tpu.dma_semaphore, #tpu.memory_space<semaphore_mem>>, %arg34: memref<!tpu.dma_semaphore, #tpu.memory_space<semaphore_mem>>, %arg35: memref<!tpu.dma_semaphore, #tpu.memory_space<semaphore_mem>>, %arg36: memref<!tpu.dma_semaphore, #tpu.memory_space<semaphore_mem>>, %arg37: memref<!tpu.dma_semaphore, #tpu.memory_space<semaphore_mem>>, %arg38: memref<!tpu.dma_semaphore, #tpu.memory_space<semaphore_mem>>, %arg39: memref<!tpu.dma_semaphore, #tpu.memory_space<semaphore_mem>>) attributes {dimension_semantics = [#tpu.dimension_semantics<core_parallel>, #tpu.dimension_semantics<subcore_parallel>], iteration_bounds = array<i64: 2, 16>, scalar_prefetch = 0 : i64, scratch_operands = 34 : i64, tpu.core_type = #tpu.core_type<sc_vector_subcore>, window_params = [{transform_indices = #map}, {transform_indices = #map1}, {transform_indices = #map1}, {transform_indices = #map2}]} {
    %mul3A = arith.constant 2 : i32
    %mul3A_0 = arith.muli %arg1, %mul3A : i32
    %add3A = arith.addi %mul3A_0, %arg0 : i32
    %mul3A_1 = arith.constant 640 : i32
    %mul3A_2 = arith.muli %arg1, %mul3A_1 : i32
    %lt3A = arith.constant 15 : i32
    %lt3A_3 = arith.cmpi slt, %arg1, %lt3A : i32
    %convert_element_type3A = arith.extui %lt3A_3 : i1 to i32
    %cond3A = arith.constant 0 : i32
    %cond3A_4 = arith.cmpi ne, %convert_element_type3A, %cond3A : i32
    scf.if %cond3A_4 {
      "tpu.region"() ({
        %run_scoped3A = tpu.sem_alloc : memref<!tpu.dma_semaphore, #tpu.memory_space<semaphore_mem>>
        %dma_start3A = arith.constant 0 : i32
        %dma_start3A_424 = tpu.memref_slice %arg21[%mul3A_2, %dma_start3A] : memref<10000x128xf32, #tpu.memory_space<vmem_shared>> -> memref<640x128xf32, #tpu.memory_space<vmem_shared>>
        %dma_start3A_425 = arith.constant 0 : i32
        %dma_start3A_426 = tpu.memref_slice %arg2[%mul3A_2, %dma_start3A_425] : memref<10000x128xf32, #tpu.memory_space<hbm>> -> memref<640x128xf32, #tpu.memory_space<hbm>>
        tpu.enqueue_dma source(%dma_start3A_426 : memref<640x128xf32, #tpu.memory_space<hbm>>) target(%dma_start3A_424 : memref<640x128xf32, #tpu.memory_space<vmem_shared>>) target_semaphore(%run_scoped3A : memref<!tpu.dma_semaphore, #tpu.memory_space<semaphore_mem>>)
        %dma_wait3A = arith.constant 0 : i32
        %dma_wait3A_427 = tpu.memref_slice %arg21[%mul3A_2, %dma_wait3A] : memref<10000x128xf32, #tpu.memory_space<vmem_shared>> -> memref<640x128xf32, #tpu.memory_space<vmem_shared>>
        %dma_wait3A_428 = arith.constant 0 : i32
        %dma_wait3A_429 = tpu.memref_slice %arg2[%mul3A_2, %dma_wait3A_428] : memref<10000x128xf32, #tpu.memory_space<hbm>> -> memref<640x128xf32, #tpu.memory_space<hbm>>
        tpu.wait_dma2 semaphore(%run_scoped3A : memref<!tpu.dma_semaphore, #tpu.memory_space<semaphore_mem>>) src(%dma_wait3A_429 : memref<640x128xf32, #tpu.memory_space<hbm>>) dst(%dma_wait3A_427 : memref<640x128xf32, #tpu.memory_space<vmem_shared>>)
        tpu.yield
      }) : () -> ()
    } else {
    }
    %eq3A = arith.constant 15 : i32
    %eq3A_5 = arith.cmpi eq, %arg1, %eq3A : i32
    %convert_element_type3A_6 = arith.extui %eq3A_5 : i1 to i32
    %cond3A_7 = arith.constant 0 : i32
    %cond3A_8 = arith.cmpi ne, %convert_element_type3A_6, %cond3A_7 : i32
    scf.if %cond3A_8 {
      "tpu.region"() ({
        %run_scoped3A = tpu.sem_alloc : memref<!tpu.dma_semaphore, #tpu.memory_space<semaphore_mem>>
        %dma_start3A = arith.constant 0 : i32
        %dma_start3A_424 = tpu.memref_slice %arg21[%mul3A_2, %dma_start3A] : memref<10000x128xf32, #tpu.memory_space<vmem_shared>> -> memref<400x128xf32, #tpu.memory_space<vmem_shared>>
        %dma_start3A_425 = arith.constant 0 : i32
        %dma_start3A_426 = tpu.memref_slice %arg2[%mul3A_2, %dma_start3A_425] : memref<10000x128xf32, #tpu.memory_space<hbm>> -> memref<400x128xf32, #tpu.memory_space<hbm>>
        tpu.enqueue_dma source(%dma_start3A_426 : memref<400x128xf32, #tpu.memory_space<hbm>>) target(%dma_start3A_424 : memref<400x128xf32, #tpu.memory_space<vmem_shared>>) target_semaphore(%run_scoped3A : memref<!tpu.dma_semaphore, #tpu.memory_space<semaphore_mem>>)
        %dma_wait3A = arith.constant 0 : i32
        %dma_wait3A_427 = tpu.memref_slice %arg21[%mul3A_2, %dma_wait3A] : memref<10000x128xf32, #tpu.memory_space<vmem_shared>> -> memref<400x128xf32, #tpu.memory_space<vmem_shared>>
        %dma_wait3A_428 = arith.constant 0 : i32
        %dma_wait3A_429 = tpu.memref_slice %arg2[%mul3A_2, %dma_wait3A_428] : memref<10000x128xf32, #tpu.memory_space<hbm>> -> memref<400x128xf32, #tpu.memory_space<hbm>>
        tpu.wait_dma2 semaphore(%run_scoped3A : memref<!tpu.dma_semaphore, #tpu.memory_space<semaphore_mem>>) src(%dma_wait3A_429 : memref<400x128xf32, #tpu.memory_space<hbm>>) dst(%dma_wait3A_427 : memref<400x128xf32, #tpu.memory_space<vmem_shared>>)
        tpu.yield
      }) : () -> ()
    } else {
    }
    %barrier3A = arith.constant 0 : index
    tpu.barrier barrier_id(%barrier3A)
    %add3A_9 = arith.constant 0 : i32
    %add3A_10 = arith.addi %add3A_9, %add3A : i32
    %lt3A_11 = arith.constant 2500 : i32
    %lt3A_12 = arith.cmpi slt, %add3A_10, %lt3A_11 : i32
    %convert_element_type3A_13 = arith.extui %lt3A_12 : i1 to i32
    %cond3A_14 = arith.constant 0 : i32
    %cond3A_15 = arith.cmpi ne, %convert_element_type3A_13, %cond3A_14 : i32
    scf.if %cond3A_15 {
      %add3A_424 = arith.constant 0 : i32
      %add3A_425 = arith.addi %add3A_424, %add3A : i32
      %mul3A_426 = arith.constant 128 : i32
      %mul3A_427 = arith.muli %add3A_425, %mul3A_426 : i32
      %dma_start3A = tpu.memref_slice %arg3[%mul3A_427] : memref<320000xi32, #tpu.memory_space<hbm>> -> memref<128xi32, #tpu.memory_space<hbm>>
      %dma_start3A_428 = tpu.memref_slice %arg3[%mul3A_427] : memref<320000xi32, #tpu.memory_space<hbm>> -> memref<128xi32, #tpu.memory_space<hbm>>
      tpu.enqueue_dma source(%dma_start3A_428 : memref<128xi32, #tpu.memory_space<hbm>>) target(%arg6 : memref<128xi32, #tpu.memory_space<vmem>>) target_semaphore(%arg22 : memref<!tpu.dma_semaphore, #tpu.memory_space<semaphore_mem>>)
      %dma_start3A_429 = tpu.memref_slice %arg4[%mul3A_427] : memref<320000xi32, #tpu.memory_space<hbm>> -> memref<128xi32, #tpu.memory_space<hbm>>
      %dma_start3A_430 = tpu.memref_slice %arg4[%mul3A_427] : memref<320000xi32, #tpu.memory_space<hbm>> -> memref<128xi32, #tpu.memory_space<hbm>>
      tpu.enqueue_dma source(%dma_start3A_430 : memref<128xi32, #tpu.memory_space<hbm>>) target(%arg12 : memref<128xi32, #tpu.memory_space<vmem>>) target_semaphore(%arg28 : memref<!tpu.dma_semaphore, #tpu.memory_space<semaphore_mem>>)
    } else {
    }
    %add3A_16 = arith.constant 32 : i32
    %add3A_17 = arith.addi %add3A_16, %add3A : i32
    %lt3A_18 = arith.constant 2500 : i32
    %lt3A_19 = arith.cmpi slt, %add3A_17, %lt3A_18 : i32
    %convert_element_type3A_20 = arith.extui %lt3A_19 : i1 to i32
    %cond3A_21 = arith.constant 0 : i32
    %cond3A_22 = arith.cmpi ne, %convert_element_type3A_20, %cond3A_21 : i32
    scf.if %cond3A_22 {
      %add3A_424 = arith.constant 32 : i32
      %add3A_425 = arith.addi %add3A_424, %add3A : i32
      %mul3A_426 = arith.constant 128 : i32
      %mul3A_427 = arith.muli %add3A_425, %mul3A_426 : i32
      %dma_start3A = tpu.memref_slice %arg3[%mul3A_427] : memref<320000xi32, #tpu.memory_space<hbm>> -> memref<128xi32, #tpu.memory_space<hbm>>
      %dma_start3A_428 = tpu.memref_slice %arg3[%mul3A_427] : memref<320000xi32, #tpu.memory_space<hbm>> -> memref<128xi32, #tpu.memory_space<hbm>>
      tpu.enqueue_dma source(%dma_start3A_428 : memref<128xi32, #tpu.memory_space<hbm>>) target(%arg7 : memref<128xi32, #tpu.memory_space<vmem>>) target_semaphore(%arg23 : memref<!tpu.dma_semaphore, #tpu.memory_space<semaphore_mem>>)
      %dma_start3A_429 = tpu.memref_slice %arg4[%mul3A_427] : memref<320000xi32, #tpu.memory_space<hbm>> -> memref<128xi32, #tpu.memory_space<hbm>>
      %dma_start3A_430 = tpu.memref_slice %arg4[%mul3A_427] : memref<320000xi32, #tpu.memory_space<hbm>> -> memref<128xi32, #tpu.memory_space<hbm>>
      tpu.enqueue_dma source(%dma_start3A_430 : memref<128xi32, #tpu.memory_space<hbm>>) target(%arg13 : memref<128xi32, #tpu.memory_space<vmem>>) target_semaphore(%arg29 : memref<!tpu.dma_semaphore, #tpu.memory_space<semaphore_mem>>)
    } else {
    }
    %add3A_23 = arith.constant 64 : i32
    %add3A_24 = arith.addi %add3A_23, %add3A : i32
    %lt3A_25 = arith.constant 2500 : i32
    %lt3A_26 = arith.cmpi slt, %add3A_24, %lt3A_25 : i32
    %convert_element_type3A_27 = arith.extui %lt3A_26 : i1 to i32
    %cond3A_28 = arith.constant 0 : i32
    %cond3A_29 = arith.cmpi ne, %convert_element_type3A_27, %cond3A_28 : i32
    scf.if %cond3A_29 {
      %add3A_424 = arith.constant 64 : i32
      %add3A_425 = arith.addi %add3A_424, %add3A : i32
      %mul3A_426 = arith.constant 128 : i32
      %mul3A_427 = arith.muli %add3A_425, %mul3A_426 : i32
      %dma_start3A = tpu.memref_slice %arg3[%mul3A_427] : memref<320000xi32, #tpu.memory_space<hbm>> -> memref<128xi32, #tpu.memory_space<hbm>>
      %dma_start3A_428 = tpu.memref_slice %arg3[%mul3A_427] : memref<320000xi32, #tpu.memory_space<hbm>> -> memref<128xi32, #tpu.memory_space<hbm>>
      tpu.enqueue_dma source(%dma_start3A_428 : memref<128xi32, #tpu.memory_space<hbm>>) target(%arg8 : memref<128xi32, #tpu.memory_space<vmem>>) target_semaphore(%arg24 : memref<!tpu.dma_semaphore, #tpu.memory_space<semaphore_mem>>)
      %dma_start3A_429 = tpu.memref_slice %arg4[%mul3A_427] : memref<320000xi32, #tpu.memory_space<hbm>> -> memref<128xi32, #tpu.memory_space<hbm>>
      %dma_start3A_430 = tpu.memref_slice %arg4[%mul3A_427] : memref<320000xi32, #tpu.memory_space<hbm>> -> memref<128xi32, #tpu.memory_space<hbm>>
      tpu.enqueue_dma source(%dma_start3A_430 : memref<128xi32, #tpu.memory_space<hbm>>) target(%arg14 : memref<128xi32, #tpu.memory_space<vmem>>) target_semaphore(%arg30 : memref<!tpu.dma_semaphore, #tpu.memory_space<semaphore_mem>>)
    } else {
    }
    %add3A_30 = arith.constant 96 : i32
    %add3A_31 = arith.addi %add3A_30, %add3A : i32
    %lt3A_32 = arith.constant 2500 : i32
    %lt3A_33 = arith.cmpi slt, %add3A_31, %lt3A_32 : i32
    %convert_element_type3A_34 = arith.extui %lt3A_33 : i1 to i32
    %cond3A_35 = arith.constant 0 : i32
    %cond3A_36 = arith.cmpi ne, %convert_element_type3A_34, %cond3A_35 : i32
    scf.if %cond3A_36 {
      %add3A_424 = arith.constant 96 : i32
      %add3A_425 = arith.addi %add3A_424, %add3A : i32
      %mul3A_426 = arith.constant 128 : i32
      %mul3A_427 = arith.muli %add3A_425, %mul3A_426 : i32
      %dma_start3A = tpu.memref_slice %arg3[%mul3A_427] : memref<320000xi32, #tpu.memory_space<hbm>> -> memref<128xi32, #tpu.memory_space<hbm>>
      %dma_start3A_428 = tpu.memref_slice %arg3[%mul3A_427] : memref<320000xi32, #tpu.memory_space<hbm>> -> memref<128xi32, #tpu.memory_space<hbm>>
      tpu.enqueue_dma source(%dma_start3A_428 : memref<128xi32, #tpu.memory_space<hbm>>) target(%arg9 : memref<128xi32, #tpu.memory_space<vmem>>) target_semaphore(%arg25 : memref<!tpu.dma_semaphore, #tpu.memory_space<semaphore_mem>>)
      %dma_start3A_429 = tpu.memref_slice %arg4[%mul3A_427] : memref<320000xi32, #tpu.memory_space<hbm>> -> memref<128xi32, #tpu.memory_space<hbm>>
      %dma_start3A_430 = tpu.memref_slice %arg4[%mul3A_427] : memref<320000xi32, #tpu.memory_space<hbm>> -> memref<128xi32, #tpu.memory_space<hbm>>
      tpu.enqueue_dma source(%dma_start3A_430 : memref<128xi32, #tpu.memory_space<hbm>>) target(%arg15 : memref<128xi32, #tpu.memory_space<vmem>>) target_semaphore(%arg31 : memref<!tpu.dma_semaphore, #tpu.memory_space<semaphore_mem>>)
    } else {
    }
    %add3A_37 = arith.constant 0 : i32
    %add3A_38 = arith.addi %add3A_37, %add3A : i32
    %lt3A_39 = arith.constant 2500 : i32
    %lt3A_40 = arith.cmpi slt, %add3A_38, %lt3A_39 : i32
    %convert_element_type3A_41 = arith.extui %lt3A_40 : i1 to i32
    %cond3A_42 = arith.constant 0 : i32
    %cond3A_43 = arith.cmpi ne, %convert_element_type3A_41, %cond3A_42 : i32
    scf.if %cond3A_43 {
      %add3A_424 = arith.constant 0 : i32
      %add3A_425 = arith.addi %add3A_424, %add3A : i32
      %mul3A_426 = arith.constant 128 : i32
      %mul3A_427 = arith.muli %add3A_425, %mul3A_426 : i32
      %dma_wait3A = tpu.memref_slice %arg3[%mul3A_427] : memref<320000xi32, #tpu.memory_space<hbm>> -> memref<128xi32, #tpu.memory_space<hbm>>
      %dma_wait3A_428 = tpu.memref_slice %arg3[%mul3A_427] : memref<320000xi32, #tpu.memory_space<hbm>> -> memref<128xi32, #tpu.memory_space<hbm>>
      tpu.wait_dma2 semaphore(%arg22 : memref<!tpu.dma_semaphore, #tpu.memory_space<semaphore_mem>>) src(%dma_wait3A_428 : memref<128xi32, #tpu.memory_space<hbm>>) dst(%arg6 : memref<128xi32, #tpu.memory_space<vmem>>)
      %dma_start3A = arith.constant 0 : i32
      %dma_start3A_429 = arith.constant 0 : i32
      %dma_start3A_430 = tpu.memref_slice %arg2[%dma_start3A, %dma_start3A_429] : memref<10000x128xf32, #tpu.memory_space<hbm>> -> memref<10000x128xf32, #tpu.memory_space<hbm>>
      tpu.enqueue_indirect_dma source(%dma_start3A_430 : memref<10000x128xf32, #tpu.memory_space<hbm>>) target(%arg18 : memref<128x128xf32, #tpu.memory_space<vmem>>) offsets(%arg6 : memref<128xi32, #tpu.memory_space<vmem>>) semaphore(%arg34 : memref<!tpu.dma_semaphore, #tpu.memory_space<semaphore_mem>>)
    } else {
    }
    %add3A_44 = arith.constant 128 : i32
    %add3A_45 = arith.addi %add3A_44, %add3A : i32
    %lt3A_46 = arith.constant 2500 : i32
    %lt3A_47 = arith.cmpi slt, %add3A_45, %lt3A_46 : i32
    %convert_element_type3A_48 = arith.extui %lt3A_47 : i1 to i32
    %cond3A_49 = arith.constant 0 : i32
    %cond3A_50 = arith.cmpi ne, %convert_element_type3A_48, %cond3A_49 : i32
    scf.if %cond3A_50 {
      %add3A_424 = arith.constant 128 : i32
      %add3A_425 = arith.addi %add3A_424, %add3A : i32
      %mul3A_426 = arith.constant 128 : i32
      %mul3A_427 = arith.muli %add3A_425, %mul3A_426 : i32
      %dma_start3A = tpu.memref_slice %arg3[%mul3A_427] : memref<320000xi32, #tpu.memory_space<hbm>> -> memref<128xi32, #tpu.memory_space<hbm>>
      %dma_start3A_428 = tpu.memref_slice %arg3[%mul3A_427] : memref<320000xi32, #tpu.memory_space<hbm>> -> memref<128xi32, #tpu.memory_space<hbm>>
      tpu.enqueue_dma source(%dma_start3A_428 : memref<128xi32, #tpu.memory_space<hbm>>) target(%arg10 : memref<128xi32, #tpu.memory_space<vmem>>) target_semaphore(%arg26 : memref<!tpu.dma_semaphore, #tpu.memory_space<semaphore_mem>>)
      %dma_start3A_429 = tpu.memref_slice %arg4[%mul3A_427] : memref<320000xi32, #tpu.memory_space<hbm>> -> memref<128xi32, #tpu.memory_space<hbm>>
      %dma_start3A_430 = tpu.memref_slice %arg4[%mul3A_427] : memref<320000xi32, #tpu.memory_space<hbm>> -> memref<128xi32, #tpu.memory_space<hbm>>
      tpu.enqueue_dma source(%dma_start3A_430 : memref<128xi32, #tpu.memory_space<hbm>>) target(%arg16 : memref<128xi32, #tpu.memory_space<vmem>>) target_semaphore(%arg32 : memref<!tpu.dma_semaphore, #tpu.memory_space<semaphore_mem>>)
    } else {
    }
    %add3A_51 = arith.constant 32 : i32
    %add3A_52 = arith.addi %add3A_51, %add3A : i32
    %lt3A_53 = arith.constant 2500 : i32
    %lt3A_54 = arith.cmpi slt, %add3A_52, %lt3A_53 : i32
    %convert_element_type3A_55 = arith.extui %lt3A_54 : i1 to i32
    %cond3A_56 = arith.constant 0 : i32
    %cond3A_57 = arith.cmpi ne, %convert_element_type3A_55, %cond3A_56 : i32
    scf.if %cond3A_57 {
      %add3A_424 = arith.constant 32 : i32
      %add3A_425 = arith.addi %add3A_424, %add3A : i32
      %mul3A_426 = arith.constant 128 : i32
      %mul3A_427 = arith.muli %add3A_425, %mul3A_426 : i32
      %dma_wait3A = tpu.memref_slice %arg3[%mul3A_427] : memref<320000xi32, #tpu.memory_space<hbm>> -> memref<128xi32, #tpu.memory_space<hbm>>
      %dma_wait3A_428 = tpu.memref_slice %arg3[%mul3A_427] : memref<320000xi32, #tpu.memory_space<hbm>> -> memref<128xi32, #tpu.memory_space<hbm>>
      tpu.wait_dma2 semaphore(%arg23 : memref<!tpu.dma_semaphore, #tpu.memory_space<semaphore_mem>>) src(%dma_wait3A_428 : memref<128xi32, #tpu.memory_space<hbm>>) dst(%arg7 : memref<128xi32, #tpu.memory_space<vmem>>)
      %dma_start3A = arith.constant 0 : i32
      %dma_start3A_429 = arith.constant 0 : i32
      %dma_start3A_430 = tpu.memref_slice %arg2[%dma_start3A, %dma_start3A_429] : memref<10000x128xf32, #tpu.memory_space<hbm>> -> memref<10000x128xf32, #tpu.memory_space<hbm>>
      tpu.enqueue_indirect_dma source(%dma_start3A_430 : memref<10000x128xf32, #tpu.memory_space<hbm>>) target(%arg19 : memref<128x128xf32, #tpu.memory_space<vmem>>) offsets(%arg7 : memref<128xi32, #tpu.memory_space<vmem>>) semaphore(%arg35 : memref<!tpu.dma_semaphore, #tpu.memory_space<semaphore_mem>>)
    } else {
    }
    %add3A_58 = arith.constant 0 : i32
    %add3A_59 = arith.addi %add3A_58, %add3A : i32
    %lt3A_60 = arith.constant 2500 : i32
    %lt3A_61 = arith.cmpi slt, %add3A_59, %lt3A_60 : i32
    %convert_element_type3A_62 = arith.extui %lt3A_61 : i1 to i32
    %cond3A_63 = arith.constant 0 : i32
    %cond3A_64 = arith.cmpi ne, %convert_element_type3A_62, %cond3A_63 : i32
    scf.if %cond3A_64 {
      %add3A_424 = arith.constant 0 : i32
      %add3A_425 = arith.addi %add3A_424, %add3A : i32
      %mul3A_426 = arith.constant 128 : i32
      %mul3A_427 = arith.muli %add3A_425, %mul3A_426 : i32
      %dma_wait3A = arith.constant 0 : i32
      %dma_wait3A_428 = arith.constant 0 : i32
      %dma_wait3A_429 = tpu.memref_slice %arg2[%dma_wait3A, %dma_wait3A_428] : memref<10000x128xf32, #tpu.memory_space<hbm>> -> memref<10000x128xf32, #tpu.memory_space<hbm>>
      tpu.wait_indirect_dma semaphore(%arg34 : memref<!tpu.dma_semaphore, #tpu.memory_space<semaphore_mem>>) src(%dma_wait3A_429 : memref<10000x128xf32, #tpu.memory_space<hbm>>) dst(%arg18 : memref<128x128xf32, #tpu.memory_space<vmem>>)
      %dma_wait3A_430 = tpu.memref_slice %arg4[%mul3A_427] : memref<320000xi32, #tpu.memory_space<hbm>> -> memref<128xi32, #tpu.memory_space<hbm>>
      %dma_wait3A_431 = tpu.memref_slice %arg4[%mul3A_427] : memref<320000xi32, #tpu.memory_space<hbm>> -> memref<128xi32, #tpu.memory_space<hbm>>
      tpu.wait_dma2 semaphore(%arg28 : memref<!tpu.dma_semaphore, #tpu.memory_space<semaphore_mem>>) src(%dma_wait3A_431 : memref<128xi32, #tpu.memory_space<hbm>>) dst(%arg12 : memref<128xi32, #tpu.memory_space<vmem>>)
      %dma_start3A = arith.constant 0 : i32
      %dma_start3A_432 = arith.constant 0 : i32
      %dma_start3A_433 = tpu.memref_slice %arg21[%dma_start3A, %dma_start3A_432] : memref<10000x128xf32, #tpu.memory_space<vmem_shared>> -> memref<10000x128xf32, #tpu.memory_space<vmem_shared>>
      tpu.enqueue_indirect_dma source(%arg18 : memref<128x128xf32, #tpu.memory_space<vmem>>) target(%dma_start3A_433 : memref<10000x128xf32, #tpu.memory_space<vmem_shared>>) offsets(%arg12 : memref<128xi32, #tpu.memory_space<vmem>>) semaphore(%arg37 : memref<!tpu.dma_semaphore, #tpu.memory_space<semaphore_mem>>) {add = true}
    } else {
    }
    %add3A_65 = arith.constant 160 : i32
    %add3A_66 = arith.addi %add3A_65, %add3A : i32
    %lt3A_67 = arith.constant 2500 : i32
    %lt3A_68 = arith.cmpi slt, %add3A_66, %lt3A_67 : i32
    %convert_element_type3A_69 = arith.extui %lt3A_68 : i1 to i32
    %cond3A_70 = arith.constant 0 : i32
    %cond3A_71 = arith.cmpi ne, %convert_element_type3A_69, %cond3A_70 : i32
    scf.if %cond3A_71 {
      %add3A_424 = arith.constant 160 : i32
      %add3A_425 = arith.addi %add3A_424, %add3A : i32
      %mul3A_426 = arith.constant 128 : i32
      %mul3A_427 = arith.muli %add3A_425, %mul3A_426 : i32
      %dma_start3A = tpu.memref_slice %arg3[%mul3A_427] : memref<320000xi32, #tpu.memory_space<hbm>> -> memref<128xi32, #tpu.memory_space<hbm>>
      %dma_start3A_428 = tpu.memref_slice %arg3[%mul3A_427] : memref<320000xi32, #tpu.memory_space<hbm>> -> memref<128xi32, #tpu.memory_space<hbm>>
      tpu.enqueue_dma source(%dma_start3A_428 : memref<128xi32, #tpu.memory_space<hbm>>) target(%arg11 : memref<128xi32, #tpu.memory_space<vmem>>) target_semaphore(%arg27 : memref<!tpu.dma_semaphore, #tpu.memory_space<semaphore_mem>>)
      %dma_start3A_429 = tpu.memref_slice %arg4[%mul3A_427] : memref<320000xi32, #tpu.memory_space<hbm>> -> memref<128xi32, #tpu.memory_space<hbm>>
      %dma_start3A_430 = tpu.memref_slice %arg4[%mul3A_427] : memref<320000xi32, #tpu.memory_space<hbm>> -> memref<128xi32, #tpu.memory_space<hbm>>
      tpu.enqueue_dma source(%dma_start3A_430 : memref<128xi32, #tpu.memory_space<hbm>>) target(%arg17 : memref<128xi32, #tpu.memory_space<vmem>>) target_semaphore(%arg33 : memref<!tpu.dma_semaphore, #tpu.memory_space<semaphore_mem>>)
    } else {
    }
    %add3A_72 = arith.constant 64 : i32
    %add3A_73 = arith.addi %add3A_72, %add3A : i32
    %lt3A_74 = arith.constant 2500 : i32
    %lt3A_75 = arith.cmpi slt, %add3A_73, %lt3A_74 : i32
    %convert_element_type3A_76 = arith.extui %lt3A_75 : i1 to i32
    %cond3A_77 = arith.constant 0 : i32
    %cond3A_78 = arith.cmpi ne, %convert_element_type3A_76, %cond3A_77 : i32
    scf.if %cond3A_78 {
      %add3A_424 = arith.constant 64 : i32
      %add3A_425 = arith.addi %add3A_424, %add3A : i32
      %mul3A_426 = arith.constant 128 : i32
      %mul3A_427 = arith.muli %add3A_425, %mul3A_426 : i32
      %dma_wait3A = tpu.memref_slice %arg3[%mul3A_427] : memref<320000xi32, #tpu.memory_space<hbm>> -> memref<128xi32, #tpu.memory_space<hbm>>
      %dma_wait3A_428 = tpu.memref_slice %arg3[%mul3A_427] : memref<320000xi32, #tpu.memory_space<hbm>> -> memref<128xi32, #tpu.memory_space<hbm>>
      tpu.wait_dma2 semaphore(%arg24 : memref<!tpu.dma_semaphore, #tpu.memory_space<semaphore_mem>>) src(%dma_wait3A_428 : memref<128xi32, #tpu.memory_space<hbm>>) dst(%arg8 : memref<128xi32, #tpu.memory_space<vmem>>)
      %dma_start3A = arith.constant 0 : i32
      %dma_start3A_429 = arith.constant 0 : i32
      %dma_start3A_430 = tpu.memref_slice %arg2[%dma_start3A, %dma_start3A_429] : memref<10000x128xf32, #tpu.memory_space<hbm>> -> memref<10000x128xf32, #tpu.memory_space<hbm>>
      tpu.enqueue_indirect_dma source(%dma_start3A_430 : memref<10000x128xf32, #tpu.memory_space<hbm>>) target(%arg20 : memref<128x128xf32, #tpu.memory_space<vmem>>) offsets(%arg8 : memref<128xi32, #tpu.memory_space<vmem>>) semaphore(%arg36 : memref<!tpu.dma_semaphore, #tpu.memory_space<semaphore_mem>>)
    } else {
    }
    %add3A_79 = arith.constant 32 : i32
    %add3A_80 = arith.addi %add3A_79, %add3A : i32
    %lt3A_81 = arith.constant 2500 : i32
    %lt3A_82 = arith.cmpi slt, %add3A_80, %lt3A_81 : i32
    %convert_element_type3A_83 = arith.extui %lt3A_82 : i1 to i32
    %cond3A_84 = arith.constant 0 : i32
    %cond3A_85 = arith.cmpi ne, %convert_element_type3A_83, %cond3A_84 : i32
    scf.if %cond3A_85 {
      %add3A_424 = arith.constant 32 : i32
      %add3A_425 = arith.addi %add3A_424, %add3A : i32
      %mul3A_426 = arith.constant 128 : i32
      %mul3A_427 = arith.muli %add3A_425, %mul3A_426 : i32
      %dma_wait3A = arith.constant 0 : i32
      %dma_wait3A_428 = arith.constant 0 : i32
      %dma_wait3A_429 = tpu.memref_slice %arg2[%dma_wait3A, %dma_wait3A_428] : memref<10000x128xf32, #tpu.memory_space<hbm>> -> memref<10000x128xf32, #tpu.memory_space<hbm>>
      tpu.wait_indirect_dma semaphore(%arg35 : memref<!tpu.dma_semaphore, #tpu.memory_space<semaphore_mem>>) src(%dma_wait3A_429 : memref<10000x128xf32, #tpu.memory_space<hbm>>) dst(%arg19 : memref<128x128xf32, #tpu.memory_space<vmem>>)
      %dma_wait3A_430 = tpu.memref_slice %arg4[%mul3A_427] : memref<320000xi32, #tpu.memory_space<hbm>> -> memref<128xi32, #tpu.memory_space<hbm>>
      %dma_wait3A_431 = tpu.memref_slice %arg4[%mul3A_427] : memref<320000xi32, #tpu.memory_space<hbm>> -> memref<128xi32, #tpu.memory_space<hbm>>
      tpu.wait_dma2 semaphore(%arg29 : memref<!tpu.dma_semaphore, #tpu.memory_space<semaphore_mem>>) src(%dma_wait3A_431 : memref<128xi32, #tpu.memory_space<hbm>>) dst(%arg13 : memref<128xi32, #tpu.memory_space<vmem>>)
      %dma_start3A = arith.constant 0 : i32
      %dma_start3A_432 = arith.constant 0 : i32
      %dma_start3A_433 = tpu.memref_slice %arg21[%dma_start3A, %dma_start3A_432] : memref<10000x128xf32, #tpu.memory_space<vmem_shared>> -> memref<10000x128xf32, #tpu.memory_space<vmem_shared>>
      tpu.enqueue_indirect_dma source(%arg19 : memref<128x128xf32, #tpu.memory_space<vmem>>) target(%dma_start3A_433 : memref<10000x128xf32, #tpu.memory_space<vmem_shared>>) offsets(%arg13 : memref<128xi32, #tpu.memory_space<vmem>>) semaphore(%arg38 : memref<!tpu.dma_semaphore, #tpu.memory_space<semaphore_mem>>) {add = true}
    } else {
    }
    %add3A_86 = arith.constant 0 : i32
    %add3A_87 = arith.addi %add3A_86, %add3A : i32
    %lt3A_88 = arith.constant 2500 : i32
    %lt3A_89 = arith.cmpi slt, %add3A_87, %lt3A_88 : i32
    %convert_element_type3A_90 = arith.extui %lt3A_89 : i1 to i32
    %cond3A_91 = arith.constant 0 : i32
    %cond3A_92 = arith.cmpi ne, %convert_element_type3A_90, %cond3A_91 : i32
    scf.if %cond3A_92 {
      %dma_wait3A = arith.constant 0 : i32
      %dma_wait3A_424 = arith.constant 0 : i32
      %dma_wait3A_425 = tpu.memref_slice %arg21[%dma_wait3A, %dma_wait3A_424] : memref<10000x128xf32, #tpu.memory_space<vmem_shared>> -> memref<10000x128xf32, #tpu.memory_space<vmem_shared>>
      tpu.wait_indirect_dma semaphore(%arg37 : memref<!tpu.dma_semaphore, #tpu.memory_space<semaphore_mem>>) src(%arg18 : memref<128x128xf32, #tpu.memory_space<vmem>>) dst(%dma_wait3A_425 : memref<10000x128xf32, #tpu.memory_space<vmem_shared>>)
    } else {
    }
    %add3A_93 = arith.constant 192 : i32
    %add3A_94 = arith.addi %add3A_93, %add3A : i32
    %lt3A_95 = arith.constant 2500 : i32
    %lt3A_96 = arith.cmpi slt, %add3A_94, %lt3A_95 : i32
    %convert_element_type3A_97 = arith.extui %lt3A_96 : i1 to i32
    %cond3A_98 = arith.constant 0 : i32
    %cond3A_99 = arith.cmpi ne, %convert_element_type3A_97, %cond3A_98 : i32
    scf.if %cond3A_99 {
      %add3A_424 = arith.constant 192 : i32
      %add3A_425 = arith.addi %add3A_424, %add3A : i32
      %mul3A_426 = arith.constant 128 : i32
      %mul3A_427 = arith.muli %add3A_425, %mul3A_426 : i32
      %dma_start3A = tpu.memref_slice %arg3[%mul3A_427] : memref<320000xi32, #tpu.memory_space<hbm>> -> memref<128xi32, #tpu.memory_space<hbm>>
      %dma_start3A_428 = tpu.memref_slice %arg3[%mul3A_427] : memref<320000xi32, #tpu.memory_space<hbm>> -> memref<128xi32, #tpu.memory_space<hbm>>
      tpu.enqueue_dma source(%dma_start3A_428 : memref<128xi32, #tpu.memory_space<hbm>>) target(%arg6 : memref<128xi32, #tpu.memory_space<vmem>>) target_semaphore(%arg22 : memref<!tpu.dma_semaphore, #tpu.memory_space<semaphore_mem>>)
      %dma_start3A_429 = tpu.memref_slice %arg4[%mul3A_427] : memref<320000xi32, #tpu.memory_space<hbm>> -> memref<128xi32, #tpu.memory_space<hbm>>
      %dma_start3A_430 = tpu.memref_slice %arg4[%mul3A_427] : memref<320000xi32, #tpu.memory_space<hbm>> -> memref<128xi32, #tpu.memory_space<hbm>>
      tpu.enqueue_dma source(%dma_start3A_430 : memref<128xi32, #tpu.memory_space<hbm>>) target(%arg12 : memref<128xi32, #tpu.memory_space<vmem>>) target_semaphore(%arg28 : memref<!tpu.dma_semaphore, #tpu.memory_space<semaphore_mem>>)
    } else {
    }
    %add3A_100 = arith.constant 96 : i32
    %add3A_101 = arith.addi %add3A_100, %add3A : i32
    %lt3A_102 = arith.constant 2500 : i32
    %lt3A_103 = arith.cmpi slt, %add3A_101, %lt3A_102 : i32
    %convert_element_type3A_104 = arith.extui %lt3A_103 : i1 to i32
    %cond3A_105 = arith.constant 0 : i32
    %cond3A_106 = arith.cmpi ne, %convert_element_type3A_104, %cond3A_105 : i32
    scf.if %cond3A_106 {
      %add3A_424 = arith.constant 96 : i32
      %add3A_425 = arith.addi %add3A_424, %add3A : i32
      %mul3A_426 = arith.constant 128 : i32
      %mul3A_427 = arith.muli %add3A_425, %mul3A_426 : i32
      %dma_wait3A = tpu.memref_slice %arg3[%mul3A_427] : memref<320000xi32, #tpu.memory_space<hbm>> -> memref<128xi32, #tpu.memory_space<hbm>>
      %dma_wait3A_428 = tpu.memref_slice %arg3[%mul3A_427] : memref<320000xi32, #tpu.memory_space<hbm>> -> memref<128xi32, #tpu.memory_space<hbm>>
      tpu.wait_dma2 semaphore(%arg25 : memref<!tpu.dma_semaphore, #tpu.memory_space<semaphore_mem>>) src(%dma_wait3A_428 : memref<128xi32, #tpu.memory_space<hbm>>) dst(%arg9 : memref<128xi32, #tpu.memory_space<vmem>>)
      %dma_start3A = arith.constant 0 : i32
      %dma_start3A_429 = arith.constant 0 : i32
      %dma_start3A_430 = tpu.memref_slice %arg2[%dma_start3A, %dma_start3A_429] : memref<10000x128xf32, #tpu.memory_space<hbm>> -> memref<10000x128xf32, #tpu.memory_space<hbm>>
      tpu.enqueue_indirect_dma source(%dma_start3A_430 : memref<10000x128xf32, #tpu.memory_space<hbm>>) target(%arg18 : memref<128x128xf32, #tpu.memory_space<vmem>>) offsets(%arg9 : memref<128xi32, #tpu.memory_space<vmem>>) semaphore(%arg34 : memref<!tpu.dma_semaphore, #tpu.memory_space<semaphore_mem>>)
    } else {
    }
    %add3A_107 = arith.constant 64 : i32
    %add3A_108 = arith.addi %add3A_107, %add3A : i32
    %lt3A_109 = arith.constant 2500 : i32
    %lt3A_110 = arith.cmpi slt, %add3A_108, %lt3A_109 : i32
    %convert_element_type3A_111 = arith.extui %lt3A_110 : i1 to i32
    %cond3A_112 = arith.constant 0 : i32
    %cond3A_113 = arith.cmpi ne, %convert_element_type3A_111, %cond3A_112 : i32
    scf.if %cond3A_113 {
      %add3A_424 = arith.constant 64 : i32
      %add3A_425 = arith.addi %add3A_424, %add3A : i32
      %mul3A_426 = arith.constant 128 : i32
      %mul3A_427 = arith.muli %add3A_425, %mul3A_426 : i32
      %dma_wait3A = arith.constant 0 : i32
      %dma_wait3A_428 = arith.constant 0 : i32
      %dma_wait3A_429 = tpu.memref_slice %arg2[%dma_wait3A, %dma_wait3A_428] : memref<10000x128xf32, #tpu.memory_space<hbm>> -> memref<10000x128xf32, #tpu.memory_space<hbm>>
      tpu.wait_indirect_dma semaphore(%arg36 : memref<!tpu.dma_semaphore, #tpu.memory_space<semaphore_mem>>) src(%dma_wait3A_429 : memref<10000x128xf32, #tpu.memory_space<hbm>>) dst(%arg20 : memref<128x128xf32, #tpu.memory_space<vmem>>)
      %dma_wait3A_430 = tpu.memref_slice %arg4[%mul3A_427] : memref<320000xi32, #tpu.memory_space<hbm>> -> memref<128xi32, #tpu.memory_space<hbm>>
      %dma_wait3A_431 = tpu.memref_slice %arg4[%mul3A_427] : memref<320000xi32, #tpu.memory_space<hbm>> -> memref<128xi32, #tpu.memory_space<hbm>>
      tpu.wait_dma2 semaphore(%arg30 : memref<!tpu.dma_semaphore, #tpu.memory_space<semaphore_mem>>) src(%dma_wait3A_431 : memref<128xi32, #tpu.memory_space<hbm>>) dst(%arg14 : memref<128xi32, #tpu.memory_space<vmem>>)
      %dma_start3A = arith.constant 0 : i32
      %dma_start3A_432 = arith.constant 0 : i32
      %dma_start3A_433 = tpu.memref_slice %arg21[%dma_start3A, %dma_start3A_432] : memref<10000x128xf32, #tpu.memory_space<vmem_shared>> -> memref<10000x128xf32, #tpu.memory_space<vmem_shared>>
      tpu.enqueue_indirect_dma source(%arg20 : memref<128x128xf32, #tpu.memory_space<vmem>>) target(%dma_start3A_433 : memref<10000x128xf32, #tpu.memory_space<vmem_shared>>) offsets(%arg14 : memref<128xi32, #tpu.memory_space<vmem>>) semaphore(%arg39 : memref<!tpu.dma_semaphore, #tpu.memory_space<semaphore_mem>>) {add = true}
    } else {
    }
    %add3A_114 = arith.constant 32 : i32
    %add3A_115 = arith.addi %add3A_114, %add3A : i32
    %lt3A_116 = arith.constant 2500 : i32
    %lt3A_117 = arith.cmpi slt, %add3A_115, %lt3A_116 : i32
    %convert_element_type3A_118 = arith.extui %lt3A_117 : i1 to i32
    %cond3A_119 = arith.constant 0 : i32
    %cond3A_120 = arith.cmpi ne, %convert_element_type3A_118, %cond3A_119 : i32
    scf.if %cond3A_120 {
      %dma_wait3A = arith.constant 0 : i32
      %dma_wait3A_424 = arith.constant 0 : i32
      %dma_wait3A_425 = tpu.memref_slice %arg21[%dma_wait3A, %dma_wait3A_424] : memref<10000x128xf32, #tpu.memory_space<vmem_shared>> -> memref<10000x128xf32, #tpu.memory_space<vmem_shared>>
      tpu.wait_indirect_dma semaphore(%arg38 : memref<!tpu.dma_semaphore, #tpu.memory_space<semaphore_mem>>) src(%arg19 : memref<128x128xf32, #tpu.memory_space<vmem>>) dst(%dma_wait3A_425 : memref<10000x128xf32, #tpu.memory_space<vmem_shared>>)
    } else {
    }
    %add3A_121 = arith.constant 224 : i32
    %add3A_122 = arith.addi %add3A_121, %add3A : i32
    %lt3A_123 = arith.constant 2500 : i32
    %lt3A_124 = arith.cmpi slt, %add3A_122, %lt3A_123 : i32
    %convert_element_type3A_125 = arith.extui %lt3A_124 : i1 to i32
    %cond3A_126 = arith.constant 0 : i32
    %cond3A_127 = arith.cmpi ne, %convert_element_type3A_125, %cond3A_126 : i32
    scf.if %cond3A_127 {
      %add3A_424 = arith.constant 224 : i32
      %add3A_425 = arith.addi %add3A_424, %add3A : i32
      %mul3A_426 = arith.constant 128 : i32
      %mul3A_427 = arith.muli %add3A_425, %mul3A_426 : i32
      %dma_start3A = tpu.memref_slice %arg3[%mul3A_427] : memref<320000xi32, #tpu.memory_space<hbm>> -> memref<128xi32, #tpu.memory_space<hbm>>
      %dma_start3A_428 = tpu.memref_slice %arg3[%mul3A_427] : memref<320000xi32, #tpu.memory_space<hbm>> -> memref<128xi32, #tpu.memory_space<hbm>>
      tpu.enqueue_dma source(%dma_start3A_428 : memref<128xi32, #tpu.memory_space<hbm>>) target(%arg7 : memref<128xi32, #tpu.memory_space<vmem>>) target_semaphore(%arg23 : memref<!tpu.dma_semaphore, #tpu.memory_space<semaphore_mem>>)
      %dma_start3A_429 = tpu.memref_slice %arg4[%mul3A_427] : memref<320000xi32, #tpu.memory_space<hbm>> -> memref<128xi32, #tpu.memory_space<hbm>>
      %dma_start3A_430 = tpu.memref_slice %arg4[%mul3A_427] : memref<320000xi32, #tpu.memory_space<hbm>> -> memref<128xi32, #tpu.memory_space<hbm>>
      tpu.enqueue_dma source(%dma_start3A_430 : memref<128xi32, #tpu.memory_space<hbm>>) target(%arg13 : memref<128xi32, #tpu.memory_space<vmem>>) target_semaphore(%arg29 : memref<!tpu.dma_semaphore, #tpu.memory_space<semaphore_mem>>)
    } else {
    }
    %add3A_128 = arith.constant 128 : i32
    %add3A_129 = arith.addi %add3A_128, %add3A : i32
    %lt3A_130 = arith.constant 2500 : i32
    %lt3A_131 = arith.cmpi slt, %add3A_129, %lt3A_130 : i32
    %convert_element_type3A_132 = arith.extui %lt3A_131 : i1 to i32
    %cond3A_133 = arith.constant 0 : i32
    %cond3A_134 = arith.cmpi ne, %convert_element_type3A_132, %cond3A_133 : i32
    scf.if %cond3A_134 {
      %add3A_424 = arith.constant 128 : i32
      %add3A_425 = arith.addi %add3A_424, %add3A : i32
      %mul3A_426 = arith.constant 128 : i32
      %mul3A_427 = arith.muli %add3A_425, %mul3A_426 : i32
      %dma_wait3A = tpu.memref_slice %arg3[%mul3A_427] : memref<320000xi32, #tpu.memory_space<hbm>> -> memref<128xi32, #tpu.memory_space<hbm>>
      %dma_wait3A_428 = tpu.memref_slice %arg3[%mul3A_427] : memref<320000xi32, #tpu.memory_space<hbm>> -> memref<128xi32, #tpu.memory_space<hbm>>
      tpu.wait_dma2 semaphore(%arg26 : memref<!tpu.dma_semaphore, #tpu.memory_space<semaphore_mem>>) src(%dma_wait3A_428 : memref<128xi32, #tpu.memory_space<hbm>>) dst(%arg10 : memref<128xi32, #tpu.memory_space<vmem>>)
      %dma_start3A = arith.constant 0 : i32
      %dma_start3A_429 = arith.constant 0 : i32
      %dma_start3A_430 = tpu.memref_slice %arg2[%dma_start3A, %dma_start3A_429] : memref<10000x128xf32, #tpu.memory_space<hbm>> -> memref<10000x128xf32, #tpu.memory_space<hbm>>
      tpu.enqueue_indirect_dma source(%dma_start3A_430 : memref<10000x128xf32, #tpu.memory_space<hbm>>) target(%arg19 : memref<128x128xf32, #tpu.memory_space<vmem>>) offsets(%arg10 : memref<128xi32, #tpu.memory_space<vmem>>) semaphore(%arg35 : memref<!tpu.dma_semaphore, #tpu.memory_space<semaphore_mem>>)
    } else {
    }
    %add3A_135 = arith.constant 96 : i32
    %add3A_136 = arith.addi %add3A_135, %add3A : i32
    %lt3A_137 = arith.constant 2500 : i32
    %lt3A_138 = arith.cmpi slt, %add3A_136, %lt3A_137 : i32
    %convert_element_type3A_139 = arith.extui %lt3A_138 : i1 to i32
    %cond3A_140 = arith.constant 0 : i32
    %cond3A_141 = arith.cmpi ne, %convert_element_type3A_139, %cond3A_140 : i32
    scf.if %cond3A_141 {
      %add3A_424 = arith.constant 96 : i32
      %add3A_425 = arith.addi %add3A_424, %add3A : i32
      %mul3A_426 = arith.constant 128 : i32
      %mul3A_427 = arith.muli %add3A_425, %mul3A_426 : i32
      %dma_wait3A = arith.constant 0 : i32
      %dma_wait3A_428 = arith.constant 0 : i32
      %dma_wait3A_429 = tpu.memref_slice %arg2[%dma_wait3A, %dma_wait3A_428] : memref<10000x128xf32, #tpu.memory_space<hbm>> -> memref<10000x128xf32, #tpu.memory_space<hbm>>
      tpu.wait_indirect_dma semaphore(%arg34 : memref<!tpu.dma_semaphore, #tpu.memory_space<semaphore_mem>>) src(%dma_wait3A_429 : memref<10000x128xf32, #tpu.memory_space<hbm>>) dst(%arg18 : memref<128x128xf32, #tpu.memory_space<vmem>>)
      %dma_wait3A_430 = tpu.memref_slice %arg4[%mul3A_427] : memref<320000xi32, #tpu.memory_space<hbm>> -> memref<128xi32, #tpu.memory_space<hbm>>
      %dma_wait3A_431 = tpu.memref_slice %arg4[%mul3A_427] : memref<320000xi32, #tpu.memory_space<hbm>> -> memref<128xi32, #tpu.memory_space<hbm>>
      tpu.wait_dma2 semaphore(%arg31 : memref<!tpu.dma_semaphore, #tpu.memory_space<semaphore_mem>>) src(%dma_wait3A_431 : memref<128xi32, #tpu.memory_space<hbm>>) dst(%arg15 : memref<128xi32, #tpu.memory_space<vmem>>)
      %dma_start3A = arith.constant 0 : i32
      %dma_start3A_432 = arith.constant 0 : i32
      %dma_start3A_433 = tpu.memref_slice %arg21[%dma_start3A, %dma_start3A_432] : memref<10000x128xf32, #tpu.memory_space<vmem_shared>> -> memref<10000x128xf32, #tpu.memory_space<vmem_shared>>
      tpu.enqueue_indirect_dma source(%arg18 : memref<128x128xf32, #tpu.memory_space<vmem>>) target(%dma_start3A_433 : memref<10000x128xf32, #tpu.memory_space<vmem_shared>>) offsets(%arg15 : memref<128xi32, #tpu.memory_space<vmem>>) semaphore(%arg37 : memref<!tpu.dma_semaphore, #tpu.memory_space<semaphore_mem>>) {add = true}
    } else {
    }
    %add3A_142 = arith.constant 64 : i32
    %add3A_143 = arith.addi %add3A_142, %add3A : i32
    %lt3A_144 = arith.constant 2500 : i32
    %lt3A_145 = arith.cmpi slt, %add3A_143, %lt3A_144 : i32
    %convert_element_type3A_146 = arith.extui %lt3A_145 : i1 to i32
    %cond3A_147 = arith.constant 0 : i32
    %cond3A_148 = arith.cmpi ne, %convert_element_type3A_146, %cond3A_147 : i32
    scf.if %cond3A_148 {
      %dma_wait3A = arith.constant 0 : i32
      %dma_wait3A_424 = arith.constant 0 : i32
      %dma_wait3A_425 = tpu.memref_slice %arg21[%dma_wait3A, %dma_wait3A_424] : memref<10000x128xf32, #tpu.memory_space<vmem_shared>> -> memref<10000x128xf32, #tpu.memory_space<vmem_shared>>
      tpu.wait_indirect_dma semaphore(%arg39 : memref<!tpu.dma_semaphore, #tpu.memory_space<semaphore_mem>>) src(%arg20 : memref<128x128xf32, #tpu.memory_space<vmem>>) dst(%dma_wait3A_425 : memref<10000x128xf32, #tpu.memory_space<vmem_shared>>)
    } else {
    }
    %add3A_149 = arith.constant 256 : i32
    %add3A_150 = arith.addi %add3A_149, %add3A : i32
    %lt3A_151 = arith.constant 2500 : i32
    %lt3A_152 = arith.cmpi slt, %add3A_150, %lt3A_151 : i32
    %convert_element_type3A_153 = arith.extui %lt3A_152 : i1 to i32
    %cond3A_154 = arith.constant 0 : i32
    %cond3A_155 = arith.cmpi ne, %convert_element_type3A_153, %cond3A_154 : i32
    scf.if %cond3A_155 {
      %add3A_424 = arith.constant 256 : i32
      %add3A_425 = arith.addi %add3A_424, %add3A : i32
      %mul3A_426 = arith.constant 128 : i32
      %mul3A_427 = arith.muli %add3A_425, %mul3A_426 : i32
      %dma_start3A = tpu.memref_slice %arg3[%mul3A_427] : memref<320000xi32, #tpu.memory_space<hbm>> -> memref<128xi32, #tpu.memory_space<hbm>>
      %dma_start3A_428 = tpu.memref_slice %arg3[%mul3A_427] : memref<320000xi32, #tpu.memory_space<hbm>> -> memref<128xi32, #tpu.memory_space<hbm>>
      tpu.enqueue_dma source(%dma_start3A_428 : memref<128xi32, #tpu.memory_space<hbm>>) target(%arg8 : memref<128xi32, #tpu.memory_space<vmem>>) target_semaphore(%arg24 : memref<!tpu.dma_semaphore, #tpu.memory_space<semaphore_mem>>)
      %dma_start3A_429 = tpu.memref_slice %arg4[%mul3A_427] : memref<320000xi32, #tpu.memory_space<hbm>> -> memref<128xi32, #tpu.memory_space<hbm>>
      %dma_start3A_430 = tpu.memref_slice %arg4[%mul3A_427] : memref<320000xi32, #tpu.memory_space<hbm>> -> memref<128xi32, #tpu.memory_space<hbm>>
      tpu.enqueue_dma source(%dma_start3A_430 : memref<128xi32, #tpu.memory_space<hbm>>) target(%arg14 : memref<128xi32, #tpu.memory_space<vmem>>) target_semaphore(%arg30 : memref<!tpu.dma_semaphore, #tpu.memory_space<semaphore_mem>>)
    } else {
    }
    %add3A_156 = arith.constant 160 : i32
    %add3A_157 = arith.addi %add3A_156, %add3A : i32
    %lt3A_158 = arith.constant 2500 : i32
    %lt3A_159 = arith.cmpi slt, %add3A_157, %lt3A_158 : i32
    %convert_element_type3A_160 = arith.extui %lt3A_159 : i1 to i32
    %cond3A_161 = arith.constant 0 : i32
    %cond3A_162 = arith.cmpi ne, %convert_element_type3A_160, %cond3A_161 : i32
    scf.if %cond3A_162 {
      %add3A_424 = arith.constant 160 : i32
      %add3A_425 = arith.addi %add3A_424, %add3A : i32
      %mul3A_426 = arith.constant 128 : i32
      %mul3A_427 = arith.muli %add3A_425, %mul3A_426 : i32
      %dma_wait3A = tpu.memref_slice %arg3[%mul3A_427] : memref<320000xi32, #tpu.memory_space<hbm>> -> memref<128xi32, #tpu.memory_space<hbm>>
      %dma_wait3A_428 = tpu.memref_slice %arg3[%mul3A_427] : memref<320000xi32, #tpu.memory_space<hbm>> -> memref<128xi32, #tpu.memory_space<hbm>>
      tpu.wait_dma2 semaphore(%arg27 : memref<!tpu.dma_semaphore, #tpu.memory_space<semaphore_mem>>) src(%dma_wait3A_428 : memref<128xi32, #tpu.memory_space<hbm>>) dst(%arg11 : memref<128xi32, #tpu.memory_space<vmem>>)
      %dma_start3A = arith.constant 0 : i32
      %dma_start3A_429 = arith.constant 0 : i32
      %dma_start3A_430 = tpu.memref_slice %arg2[%dma_start3A, %dma_start3A_429] : memref<10000x128xf32, #tpu.memory_space<hbm>> -> memref<10000x128xf32, #tpu.memory_space<hbm>>
      tpu.enqueue_indirect_dma source(%dma_start3A_430 : memref<10000x128xf32, #tpu.memory_space<hbm>>) target(%arg20 : memref<128x128xf32, #tpu.memory_space<vmem>>) offsets(%arg11 : memref<128xi32, #tpu.memory_space<vmem>>) semaphore(%arg36 : memref<!tpu.dma_semaphore, #tpu.memory_space<semaphore_mem>>)
    } else {
    }
    %add3A_163 = arith.constant 128 : i32
    %add3A_164 = arith.addi %add3A_163, %add3A : i32
    %lt3A_165 = arith.constant 2500 : i32
    %lt3A_166 = arith.cmpi slt, %add3A_164, %lt3A_165 : i32
    %convert_element_type3A_167 = arith.extui %lt3A_166 : i1 to i32
    %cond3A_168 = arith.constant 0 : i32
    %cond3A_169 = arith.cmpi ne, %convert_element_type3A_167, %cond3A_168 : i32
    scf.if %cond3A_169 {
      %add3A_424 = arith.constant 128 : i32
      %add3A_425 = arith.addi %add3A_424, %add3A : i32
      %mul3A_426 = arith.constant 128 : i32
      %mul3A_427 = arith.muli %add3A_425, %mul3A_426 : i32
      %dma_wait3A = arith.constant 0 : i32
      %dma_wait3A_428 = arith.constant 0 : i32
      %dma_wait3A_429 = tpu.memref_slice %arg2[%dma_wait3A, %dma_wait3A_428] : memref<10000x128xf32, #tpu.memory_space<hbm>> -> memref<10000x128xf32, #tpu.memory_space<hbm>>
      tpu.wait_indirect_dma semaphore(%arg35 : memref<!tpu.dma_semaphore, #tpu.memory_space<semaphore_mem>>) src(%dma_wait3A_429 : memref<10000x128xf32, #tpu.memory_space<hbm>>) dst(%arg19 : memref<128x128xf32, #tpu.memory_space<vmem>>)
      %dma_wait3A_430 = tpu.memref_slice %arg4[%mul3A_427] : memref<320000xi32, #tpu.memory_space<hbm>> -> memref<128xi32, #tpu.memory_space<hbm>>
      %dma_wait3A_431 = tpu.memref_slice %arg4[%mul3A_427] : memref<320000xi32, #tpu.memory_space<hbm>> -> memref<128xi32, #tpu.memory_space<hbm>>
      tpu.wait_dma2 semaphore(%arg32 : memref<!tpu.dma_semaphore, #tpu.memory_space<semaphore_mem>>) src(%dma_wait3A_431 : memref<128xi32, #tpu.memory_space<hbm>>) dst(%arg16 : memref<128xi32, #tpu.memory_space<vmem>>)
      %dma_start3A = arith.constant 0 : i32
      %dma_start3A_432 = arith.constant 0 : i32
      %dma_start3A_433 = tpu.memref_slice %arg21[%dma_start3A, %dma_start3A_432] : memref<10000x128xf32, #tpu.memory_space<vmem_shared>> -> memref<10000x128xf32, #tpu.memory_space<vmem_shared>>
      tpu.enqueue_indirect_dma source(%arg19 : memref<128x128xf32, #tpu.memory_space<vmem>>) target(%dma_start3A_433 : memref<10000x128xf32, #tpu.memory_space<vmem_shared>>) offsets(%arg16 : memref<128xi32, #tpu.memory_space<vmem>>) semaphore(%arg38 : memref<!tpu.dma_semaphore, #tpu.memory_space<semaphore_mem>>) {add = true}
    } else {
    }
    %add3A_170 = arith.constant 96 : i32
    %add3A_171 = arith.addi %add3A_170, %add3A : i32
    %lt3A_172 = arith.constant 2500 : i32
    %lt3A_173 = arith.cmpi slt, %add3A_171, %lt3A_172 : i32
    %convert_element_type3A_174 = arith.extui %lt3A_173 : i1 to i32
    %cond3A_175 = arith.constant 0 : i32
    %cond3A_176 = arith.cmpi ne, %convert_element_type3A_174, %cond3A_175 : i32
    scf.if %cond3A_176 {
      %dma_wait3A = arith.constant 0 : i32
      %dma_wait3A_424 = arith.constant 0 : i32
      %dma_wait3A_425 = tpu.memref_slice %arg21[%dma_wait3A, %dma_wait3A_424] : memref<10000x128xf32, #tpu.memory_space<vmem_shared>> -> memref<10000x128xf32, #tpu.memory_space<vmem_shared>>
      tpu.wait_indirect_dma semaphore(%arg37 : memref<!tpu.dma_semaphore, #tpu.memory_space<semaphore_mem>>) src(%arg18 : memref<128x128xf32, #tpu.memory_space<vmem>>) dst(%dma_wait3A_425 : memref<10000x128xf32, #tpu.memory_space<vmem_shared>>)
    } else {
    }
    %add3A_177 = arith.constant 288 : i32
    %add3A_178 = arith.addi %add3A_177, %add3A : i32
    %lt3A_179 = arith.constant 2500 : i32
    %lt3A_180 = arith.cmpi slt, %add3A_178, %lt3A_179 : i32
    %convert_element_type3A_181 = arith.extui %lt3A_180 : i1 to i32
    %cond3A_182 = arith.constant 0 : i32
    %cond3A_183 = arith.cmpi ne, %convert_element_type3A_181, %cond3A_182 : i32
    scf.if %cond3A_183 {
      %add3A_424 = arith.constant 288 : i32
      %add3A_425 = arith.addi %add3A_424, %add3A : i32
      %mul3A_426 = arith.constant 128 : i32
      %mul3A_427 = arith.muli %add3A_425, %mul3A_426 : i32
      %dma_start3A = tpu.memref_slice %arg3[%mul3A_427] : memref<320000xi32, #tpu.memory_space<hbm>> -> memref<128xi32, #tpu.memory_space<hbm>>
      %dma_start3A_428 = tpu.memref_slice %arg3[%mul3A_427] : memref<320000xi32, #tpu.memory_space<hbm>> -> memref<128xi32, #tpu.memory_space<hbm>>
      tpu.enqueue_dma source(%dma_start3A_428 : memref<128xi32, #tpu.memory_space<hbm>>) target(%arg9 : memref<128xi32, #tpu.memory_space<vmem>>) target_semaphore(%arg25 : memref<!tpu.dma_semaphore, #tpu.memory_space<semaphore_mem>>)
      %dma_start3A_429 = tpu.memref_slice %arg4[%mul3A_427] : memref<320000xi32, #tpu.memory_space<hbm>> -> memref<128xi32, #tpu.memory_space<hbm>>
      %dma_start3A_430 = tpu.memref_slice %arg4[%mul3A_427] : memref<320000xi32, #tpu.memory_space<hbm>> -> memref<128xi32, #tpu.memory_space<hbm>>
      tpu.enqueue_dma source(%dma_start3A_430 : memref<128xi32, #tpu.memory_space<hbm>>) target(%arg15 : memref<128xi32, #tpu.memory_space<vmem>>) target_semaphore(%arg31 : memref<!tpu.dma_semaphore, #tpu.memory_space<semaphore_mem>>)
    } else {
    }
    %add3A_184 = arith.constant 192 : i32
    %add3A_185 = arith.addi %add3A_184, %add3A : i32
    %lt3A_186 = arith.constant 2500 : i32
    %lt3A_187 = arith.cmpi slt, %add3A_185, %lt3A_186 : i32
    %convert_element_type3A_188 = arith.extui %lt3A_187 : i1 to i32
    %cond3A_189 = arith.constant 0 : i32
    %cond3A_190 = arith.cmpi ne, %convert_element_type3A_188, %cond3A_189 : i32
    scf.if %cond3A_190 {
      %add3A_424 = arith.constant 192 : i32
      %add3A_425 = arith.addi %add3A_424, %add3A : i32
      %mul3A_426 = arith.constant 128 : i32
      %mul3A_427 = arith.muli %add3A_425, %mul3A_426 : i32
      %dma_wait3A = tpu.memref_slice %arg3[%mul3A_427] : memref<320000xi32, #tpu.memory_space<hbm>> -> memref<128xi32, #tpu.memory_space<hbm>>
      %dma_wait3A_428 = tpu.memref_slice %arg3[%mul3A_427] : memref<320000xi32, #tpu.memory_space<hbm>> -> memref<128xi32, #tpu.memory_space<hbm>>
      tpu.wait_dma2 semaphore(%arg22 : memref<!tpu.dma_semaphore, #tpu.memory_space<semaphore_mem>>) src(%dma_wait3A_428 : memref<128xi32, #tpu.memory_space<hbm>>) dst(%arg6 : memref<128xi32, #tpu.memory_space<vmem>>)
      %dma_start3A = arith.constant 0 : i32
      %dma_start3A_429 = arith.constant 0 : i32
      %dma_start3A_430 = tpu.memref_slice %arg2[%dma_start3A, %dma_start3A_429] : memref<10000x128xf32, #tpu.memory_space<hbm>> -> memref<10000x128xf32, #tpu.memory_space<hbm>>
      tpu.enqueue_indirect_dma source(%dma_start3A_430 : memref<10000x128xf32, #tpu.memory_space<hbm>>) target(%arg18 : memref<128x128xf32, #tpu.memory_space<vmem>>) offsets(%arg6 : memref<128xi32, #tpu.memory_space<vmem>>) semaphore(%arg34 : memref<!tpu.dma_semaphore, #tpu.memory_space<semaphore_mem>>)
    } else {
    }
    %add3A_191 = arith.constant 160 : i32
    %add3A_192 = arith.addi %add3A_191, %add3A : i32
    %lt3A_193 = arith.constant 2500 : i32
    %lt3A_194 = arith.cmpi slt, %add3A_192, %lt3A_193 : i32
    %convert_element_type3A_195 = arith.extui %lt3A_194 : i1 to i32
    %cond3A_196 = arith.constant 0 : i32
    %cond3A_197 = arith.cmpi ne, %convert_element_type3A_195, %cond3A_196 : i32
    scf.if %cond3A_197 {
      %add3A_424 = arith.constant 160 : i32
      %add3A_425 = arith.addi %add3A_424, %add3A : i32
      %mul3A_426 = arith.constant 128 : i32
      %mul3A_427 = arith.muli %add3A_425, %mul3A_426 : i32
      %dma_wait3A = arith.constant 0 : i32
      %dma_wait3A_428 = arith.constant 0 : i32
      %dma_wait3A_429 = tpu.memref_slice %arg2[%dma_wait3A, %dma_wait3A_428] : memref<10000x128xf32, #tpu.memory_space<hbm>> -> memref<10000x128xf32, #tpu.memory_space<hbm>>
      tpu.wait_indirect_dma semaphore(%arg36 : memref<!tpu.dma_semaphore, #tpu.memory_space<semaphore_mem>>) src(%dma_wait3A_429 : memref<10000x128xf32, #tpu.memory_space<hbm>>) dst(%arg20 : memref<128x128xf32, #tpu.memory_space<vmem>>)
      %dma_wait3A_430 = tpu.memref_slice %arg4[%mul3A_427] : memref<320000xi32, #tpu.memory_space<hbm>> -> memref<128xi32, #tpu.memory_space<hbm>>
      %dma_wait3A_431 = tpu.memref_slice %arg4[%mul3A_427] : memref<320000xi32, #tpu.memory_space<hbm>> -> memref<128xi32, #tpu.memory_space<hbm>>
      tpu.wait_dma2 semaphore(%arg33 : memref<!tpu.dma_semaphore, #tpu.memory_space<semaphore_mem>>) src(%dma_wait3A_431 : memref<128xi32, #tpu.memory_space<hbm>>) dst(%arg17 : memref<128xi32, #tpu.memory_space<vmem>>)
      %dma_start3A = arith.constant 0 : i32
      %dma_start3A_432 = arith.constant 0 : i32
      %dma_start3A_433 = tpu.memref_slice %arg21[%dma_start3A, %dma_start3A_432] : memref<10000x128xf32, #tpu.memory_space<vmem_shared>> -> memref<10000x128xf32, #tpu.memory_space<vmem_shared>>
      tpu.enqueue_indirect_dma source(%arg20 : memref<128x128xf32, #tpu.memory_space<vmem>>) target(%dma_start3A_433 : memref<10000x128xf32, #tpu.memory_space<vmem_shared>>) offsets(%arg17 : memref<128xi32, #tpu.memory_space<vmem>>) semaphore(%arg39 : memref<!tpu.dma_semaphore, #tpu.memory_space<semaphore_mem>>) {add = true}
    } else {
    }
    %scan3A = arith.constant 0 : i32
    %scan3A_198 = arith.constant 0 : i32
    %scan3A_199 = arith.constant 11 : i32
    %scan3A_200 = arith.addi %scan3A_198, %scan3A_199 : i32
    %scan3A_201 = arith.constant 1 : i32
    scf.for %scan3A_424 = %scan3A_198 to %scan3A_200 step %scan3A_201  : i32 {
      %mul3A_425 = arith.constant 6 : i32
      %mul3A_426 = arith.muli %mul3A_425, %scan3A_424 : i32
      %add3A_427 = arith.constant 6 : i32
      %add3A_428 = arith.addi %add3A_427, %mul3A_426 : i32
      %add3A_429 = arith.constant 0 : i32
      %add3A_430 = arith.addi %add3A_428, %add3A_429 : i32
      %sub3A = arith.constant 2 : i32
      %sub3A_431 = arith.subi %add3A_430, %sub3A : i32
      %mul3A_432 = arith.constant 32 : i32
      %mul3A_433 = arith.muli %sub3A_431, %mul3A_432 : i32
      %add3A_434 = arith.addi %mul3A_433, %add3A : i32
      %lt3A_435 = arith.constant 2500 : i32
      %lt3A_436 = arith.cmpi slt, %add3A_434, %lt3A_435 : i32
      %convert_element_type3A_437 = arith.extui %lt3A_436 : i1 to i32
      %cond3A_438 = arith.constant 0 : i32
      %cond3A_439 = arith.cmpi ne, %convert_element_type3A_437, %cond3A_438 : i32
      scf.if %cond3A_439 {
        %dma_wait3A = arith.constant 0 : i32
        %dma_wait3A_668 = arith.constant 0 : i32
        %dma_wait3A_669 = tpu.memref_slice %arg21[%dma_wait3A, %dma_wait3A_668] : memref<10000x128xf32, #tpu.memory_space<vmem_shared>> -> memref<10000x128xf32, #tpu.memory_space<vmem_shared>>
        tpu.wait_indirect_dma semaphore(%arg38 : memref<!tpu.dma_semaphore, #tpu.memory_space<semaphore_mem>>) src(%arg19 : memref<128x128xf32, #tpu.memory_space<vmem>>) dst(%dma_wait3A_669 : memref<10000x128xf32, #tpu.memory_space<vmem_shared>>)
      } else {
      }
      %add3A_440 = arith.constant 4 : i32
      %add3A_441 = arith.addi %add3A_430, %add3A_440 : i32
      %mul3A_442 = arith.constant 32 : i32
      %mul3A_443 = arith.muli %add3A_441, %mul3A_442 : i32
      %add3A_444 = arith.addi %mul3A_443, %add3A : i32
      %lt3A_445 = arith.constant 2500 : i32
      %lt3A_446 = arith.cmpi slt, %add3A_444, %lt3A_445 : i32
      %convert_element_type3A_447 = arith.extui %lt3A_446 : i1 to i32
      %cond3A_448 = arith.constant 0 : i32
      %cond3A_449 = arith.cmpi ne, %convert_element_type3A_447, %cond3A_448 : i32
      scf.if %cond3A_449 {
        %mul3A_668 = arith.constant 32 : i32
        %mul3A_669 = arith.muli %add3A_441, %mul3A_668 : i32
        %add3A_670 = arith.addi %mul3A_669, %add3A : i32
        %mul3A_671 = arith.constant 128 : i32
        %mul3A_672 = arith.muli %add3A_670, %mul3A_671 : i32
        %dma_start3A = tpu.memref_slice %arg3[%mul3A_672] : memref<320000xi32, #tpu.memory_space<hbm>> -> memref<128xi32, #tpu.memory_space<hbm>>
        %dma_start3A_673 = tpu.memref_slice %arg3[%mul3A_672] : memref<320000xi32, #tpu.memory_space<hbm>> -> memref<128xi32, #tpu.memory_space<hbm>>
        tpu.enqueue_dma source(%dma_start3A_673 : memref<128xi32, #tpu.memory_space<hbm>>) target(%arg10 : memref<128xi32, #tpu.memory_space<vmem>>) target_semaphore(%arg26 : memref<!tpu.dma_semaphore, #tpu.memory_space<semaphore_mem>>)
        %dma_start3A_674 = tpu.memref_slice %arg4[%mul3A_672] : memref<320000xi32, #tpu.memory_space<hbm>> -> memref<128xi32, #tpu.memory_space<hbm>>
        %dma_start3A_675 = tpu.memref_slice %arg4[%mul3A_672] : memref<320000xi32, #tpu.memory_space<hbm>> -> memref<128xi32, #tpu.memory_space<hbm>>
        tpu.enqueue_dma source(%dma_start3A_675 : memref<128xi32, #tpu.memory_space<hbm>>) target(%arg16 : memref<128xi32, #tpu.memory_space<vmem>>) target_semaphore(%arg32 : memref<!tpu.dma_semaphore, #tpu.memory_space<semaphore_mem>>)
      } else {
      }
      %add3A_450 = arith.constant 1 : i32
      %add3A_451 = arith.addi %add3A_430, %add3A_450 : i32
      %mul3A_452 = arith.constant 32 : i32
      %mul3A_453 = arith.muli %add3A_451, %mul3A_452 : i32
      %add3A_454 = arith.addi %mul3A_453, %add3A : i32
      %lt3A_455 = arith.constant 2500 : i32
      %lt3A_456 = arith.cmpi slt, %add3A_454, %lt3A_455 : i32
      %convert_element_type3A_457 = arith.extui %lt3A_456 : i1 to i32
      %cond3A_458 = arith.constant 0 : i32
      %cond3A_459 = arith.cmpi ne, %convert_element_type3A_457, %cond3A_458 : i32
      scf.if %cond3A_459 {
        %mul3A_668 = arith.constant 32 : i32
        %mul3A_669 = arith.muli %add3A_451, %mul3A_668 : i32
        %add3A_670 = arith.addi %mul3A_669, %add3A : i32
        %mul3A_671 = arith.constant 128 : i32
        %mul3A_672 = arith.muli %add3A_670, %mul3A_671 : i32
        %dma_wait3A = tpu.memref_slice %arg3[%mul3A_672] : memref<320000xi32, #tpu.memory_space<hbm>> -> memref<128xi32, #tpu.memory_space<hbm>>
        %dma_wait3A_673 = tpu.memref_slice %arg3[%mul3A_672] : memref<320000xi32, #tpu.memory_space<hbm>> -> memref<128xi32, #tpu.memory_space<hbm>>
        tpu.wait_dma2 semaphore(%arg23 : memref<!tpu.dma_semaphore, #tpu.memory_space<semaphore_mem>>) src(%dma_wait3A_673 : memref<128xi32, #tpu.memory_space<hbm>>) dst(%arg7 : memref<128xi32, #tpu.memory_space<vmem>>)
        %dma_start3A = arith.constant 0 : i32
        %dma_start3A_674 = arith.constant 0 : i32
        %dma_start3A_675 = tpu.memref_slice %arg2[%dma_start3A, %dma_start3A_674] : memref<10000x128xf32, #tpu.memory_space<hbm>> -> memref<10000x128xf32, #tpu.memory_space<hbm>>
        tpu.enqueue_indirect_dma source(%dma_start3A_675 : memref<10000x128xf32, #tpu.memory_space<hbm>>) target(%arg19 : memref<128x128xf32, #tpu.memory_space<vmem>>) offsets(%arg7 : memref<128xi32, #tpu.memory_space<vmem>>) semaphore(%arg35 : memref<!tpu.dma_semaphore, #tpu.memory_space<semaphore_mem>>)
      } else {
      }
      %mul3A_460 = arith.constant 32 : i32
      %mul3A_461 = arith.muli %add3A_430, %mul3A_460 : i32
      %add3A_462 = arith.addi %mul3A_461, %add3A : i32
      %lt3A_463 = arith.constant 2500 : i32
      %lt3A_464 = arith.cmpi slt, %add3A_462, %lt3A_463 : i32
      %convert_element_type3A_465 = arith.extui %lt3A_464 : i1 to i32
      %cond3A_466 = arith.constant 0 : i32
      %cond3A_467 = arith.cmpi ne, %convert_element_type3A_465, %cond3A_466 : i32
      scf.if %cond3A_467 {
        %mul3A_668 = arith.constant 32 : i32
        %mul3A_669 = arith.muli %add3A_430, %mul3A_668 : i32
        %add3A_670 = arith.addi %mul3A_669, %add3A : i32
        %mul3A_671 = arith.constant 128 : i32
        %mul3A_672 = arith.muli %add3A_670, %mul3A_671 : i32
        %dma_wait3A = arith.constant 0 : i32
        %dma_wait3A_673 = arith.constant 0 : i32
        %dma_wait3A_674 = tpu.memref_slice %arg2[%dma_wait3A, %dma_wait3A_673] : memref<10000x128xf32, #tpu.memory_space<hbm>> -> memref<10000x128xf32, #tpu.memory_space<hbm>>
        tpu.wait_indirect_dma semaphore(%arg34 : memref<!tpu.dma_semaphore, #tpu.memory_space<semaphore_mem>>) src(%dma_wait3A_674 : memref<10000x128xf32, #tpu.memory_space<hbm>>) dst(%arg18 : memref<128x128xf32, #tpu.memory_space<vmem>>)
        %dma_wait3A_675 = tpu.memref_slice %arg4[%mul3A_672] : memref<320000xi32, #tpu.memory_space<hbm>> -> memref<128xi32, #tpu.memory_space<hbm>>
        %dma_wait3A_676 = tpu.memref_slice %arg4[%mul3A_672] : memref<320000xi32, #tpu.memory_space<hbm>> -> memref<128xi32, #tpu.memory_space<hbm>>
        tpu.wait_dma2 semaphore(%arg28 : memref<!tpu.dma_semaphore, #tpu.memory_space<semaphore_mem>>) src(%dma_wait3A_676 : memref<128xi32, #tpu.memory_space<hbm>>) dst(%arg12 : memref<128xi32, #tpu.memory_space<vmem>>)
        %dma_start3A = arith.constant 0 : i32
        %dma_start3A_677 = arith.constant 0 : i32
        %dma_start3A_678 = tpu.memref_slice %arg21[%dma_start3A, %dma_start3A_677] : memref<10000x128xf32, #tpu.memory_space<vmem_shared>> -> memref<10000x128xf32, #tpu.memory_space<vmem_shared>>
        tpu.enqueue_indirect_dma source(%arg18 : memref<128x128xf32, #tpu.memory_space<vmem>>) target(%dma_start3A_678 : memref<10000x128xf32, #tpu.memory_space<vmem_shared>>) offsets(%arg12 : memref<128xi32, #tpu.memory_space<vmem>>) semaphore(%arg37 : memref<!tpu.dma_semaphore, #tpu.memory_space<semaphore_mem>>) {add = true}
      } else {
      }
      %add3A_468 = arith.constant 1 : i32
      %add3A_469 = arith.addi %add3A_428, %add3A_468 : i32
      %sub3A_470 = arith.constant 2 : i32
      %sub3A_471 = arith.subi %add3A_469, %sub3A_470 : i32
      %mul3A_472 = arith.constant 32 : i32
      %mul3A_473 = arith.muli %sub3A_471, %mul3A_472 : i32
      %add3A_474 = arith.addi %mul3A_473, %add3A : i32
      %lt3A_475 = arith.constant 2500 : i32
      %lt3A_476 = arith.cmpi slt, %add3A_474, %lt3A_475 : i32
      %convert_element_type3A_477 = arith.extui %lt3A_476 : i1 to i32
      %cond3A_478 = arith.constant 0 : i32
      %cond3A_479 = arith.cmpi ne, %convert_element_type3A_477, %cond3A_478 : i32
      scf.if %cond3A_479 {
        %dma_wait3A = arith.constant 0 : i32
        %dma_wait3A_668 = arith.constant 0 : i32
        %dma_wait3A_669 = tpu.memref_slice %arg21[%dma_wait3A, %dma_wait3A_668] : memref<10000x128xf32, #tpu.memory_space<vmem_shared>> -> memref<10000x128xf32, #tpu.memory_space<vmem_shared>>
        tpu.wait_indirect_dma semaphore(%arg39 : memref<!tpu.dma_semaphore, #tpu.memory_space<semaphore_mem>>) src(%arg20 : memref<128x128xf32, #tpu.memory_space<vmem>>) dst(%dma_wait3A_669 : memref<10000x128xf32, #tpu.memory_space<vmem_shared>>)
      } else {
      }
      %add3A_480 = arith.constant 4 : i32
      %add3A_481 = arith.addi %add3A_469, %add3A_480 : i32
      %mul3A_482 = arith.constant 32 : i32
      %mul3A_483 = arith.muli %add3A_481, %mul3A_482 : i32
      %add3A_484 = arith.addi %mul3A_483, %add3A : i32
      %lt3A_485 = arith.constant 2500 : i32
      %lt3A_486 = arith.cmpi slt, %add3A_484, %lt3A_485 : i32
      %convert_element_type3A_487 = arith.extui %lt3A_486 : i1 to i32
      %cond3A_488 = arith.constant 0 : i32
      %cond3A_489 = arith.cmpi ne, %convert_element_type3A_487, %cond3A_488 : i32
      scf.if %cond3A_489 {
        %mul3A_668 = arith.constant 32 : i32
        %mul3A_669 = arith.muli %add3A_481, %mul3A_668 : i32
        %add3A_670 = arith.addi %mul3A_669, %add3A : i32
        %mul3A_671 = arith.constant 128 : i32
        %mul3A_672 = arith.muli %add3A_670, %mul3A_671 : i32
        %dma_start3A = tpu.memref_slice %arg3[%mul3A_672] : memref<320000xi32, #tpu.memory_space<hbm>> -> memref<128xi32, #tpu.memory_space<hbm>>
        %dma_start3A_673 = tpu.memref_slice %arg3[%mul3A_672] : memref<320000xi32, #tpu.memory_space<hbm>> -> memref<128xi32, #tpu.memory_space<hbm>>
        tpu.enqueue_dma source(%dma_start3A_673 : memref<128xi32, #tpu.memory_space<hbm>>) target(%arg11 : memref<128xi32, #tpu.memory_space<vmem>>) target_semaphore(%arg27 : memref<!tpu.dma_semaphore, #tpu.memory_space<semaphore_mem>>)
        %dma_start3A_674 = tpu.memref_slice %arg4[%mul3A_672] : memref<320000xi32, #tpu.memory_space<hbm>> -> memref<128xi32, #tpu.memory_space<hbm>>
        %dma_start3A_675 = tpu.memref_slice %arg4[%mul3A_672] : memref<320000xi32, #tpu.memory_space<hbm>> -> memref<128xi32, #tpu.memory_space<hbm>>
        tpu.enqueue_dma source(%dma_start3A_675 : memref<128xi32, #tpu.memory_space<hbm>>) target(%arg17 : memref<128xi32, #tpu.memory_space<vmem>>) target_semaphore(%arg33 : memref<!tpu.dma_semaphore, #tpu.memory_space<semaphore_mem>>)
      } else {
      }
      %add3A_490 = arith.constant 1 : i32
      %add3A_491 = arith.addi %add3A_469, %add3A_490 : i32
      %mul3A_492 = arith.constant 32 : i32
      %mul3A_493 = arith.muli %add3A_491, %mul3A_492 : i32
      %add3A_494 = arith.addi %mul3A_493, %add3A : i32
      %lt3A_495 = arith.constant 2500 : i32
      %lt3A_496 = arith.cmpi slt, %add3A_494, %lt3A_495 : i32
      %convert_element_type3A_497 = arith.extui %lt3A_496 : i1 to i32
      %cond3A_498 = arith.constant 0 : i32
      %cond3A_499 = arith.cmpi ne, %convert_element_type3A_497, %cond3A_498 : i32
      scf.if %cond3A_499 {
        %mul3A_668 = arith.constant 32 : i32
        %mul3A_669 = arith.muli %add3A_491, %mul3A_668 : i32
        %add3A_670 = arith.addi %mul3A_669, %add3A : i32
        %mul3A_671 = arith.constant 128 : i32
        %mul3A_672 = arith.muli %add3A_670, %mul3A_671 : i32
        %dma_wait3A = tpu.memref_slice %arg3[%mul3A_672] : memref<320000xi32, #tpu.memory_space<hbm>> -> memref<128xi32, #tpu.memory_space<hbm>>
        %dma_wait3A_673 = tpu.memref_slice %arg3[%mul3A_672] : memref<320000xi32, #tpu.memory_space<hbm>> -> memref<128xi32, #tpu.memory_space<hbm>>
        tpu.wait_dma2 semaphore(%arg24 : memref<!tpu.dma_semaphore, #tpu.memory_space<semaphore_mem>>) src(%dma_wait3A_673 : memref<128xi32, #tpu.memory_space<hbm>>) dst(%arg8 : memref<128xi32, #tpu.memory_space<vmem>>)
        %dma_start3A = arith.constant 0 : i32
        %dma_start3A_674 = arith.constant 0 : i32
        %dma_start3A_675 = tpu.memref_slice %arg2[%dma_start3A, %dma_start3A_674] : memref<10000x128xf32, #tpu.memory_space<hbm>> -> memref<10000x128xf32, #tpu.memory_space<hbm>>
        tpu.enqueue_indirect_dma source(%dma_start3A_675 : memref<10000x128xf32, #tpu.memory_space<hbm>>) target(%arg20 : memref<128x128xf32, #tpu.memory_space<vmem>>) offsets(%arg8 : memref<128xi32, #tpu.memory_space<vmem>>) semaphore(%arg36 : memref<!tpu.dma_semaphore, #tpu.memory_space<semaphore_mem>>)
      } else {
      }
      %mul3A_500 = arith.constant 32 : i32
      %mul3A_501 = arith.muli %add3A_469, %mul3A_500 : i32
      %add3A_502 = arith.addi %mul3A_501, %add3A : i32
      %lt3A_503 = arith.constant 2500 : i32
      %lt3A_504 = arith.cmpi slt, %add3A_502, %lt3A_503 : i32
      %convert_element_type3A_505 = arith.extui %lt3A_504 : i1 to i32
      %cond3A_506 = arith.constant 0 : i32
      %cond3A_507 = arith.cmpi ne, %convert_element_type3A_505, %cond3A_506 : i32
      scf.if %cond3A_507 {
        %mul3A_668 = arith.constant 32 : i32
        %mul3A_669 = arith.muli %add3A_469, %mul3A_668 : i32
        %add3A_670 = arith.addi %mul3A_669, %add3A : i32
        %mul3A_671 = arith.constant 128 : i32
        %mul3A_672 = arith.muli %add3A_670, %mul3A_671 : i32
        %dma_wait3A = arith.constant 0 : i32
        %dma_wait3A_673 = arith.constant 0 : i32
        %dma_wait3A_674 = tpu.memref_slice %arg2[%dma_wait3A, %dma_wait3A_673] : memref<10000x128xf32, #tpu.memory_space<hbm>> -> memref<10000x128xf32, #tpu.memory_space<hbm>>
        tpu.wait_indirect_dma semaphore(%arg35 : memref<!tpu.dma_semaphore, #tpu.memory_space<semaphore_mem>>) src(%dma_wait3A_674 : memref<10000x128xf32, #tpu.memory_space<hbm>>) dst(%arg19 : memref<128x128xf32, #tpu.memory_space<vmem>>)
        %dma_wait3A_675 = tpu.memref_slice %arg4[%mul3A_672] : memref<320000xi32, #tpu.memory_space<hbm>> -> memref<128xi32, #tpu.memory_space<hbm>>
        %dma_wait3A_676 = tpu.memref_slice %arg4[%mul3A_672] : memref<320000xi32, #tpu.memory_space<hbm>> -> memref<128xi32, #tpu.memory_space<hbm>>
        tpu.wait_dma2 semaphore(%arg29 : memref<!tpu.dma_semaphore, #tpu.memory_space<semaphore_mem>>) src(%dma_wait3A_676 : memref<128xi32, #tpu.memory_space<hbm>>) dst(%arg13 : memref<128xi32, #tpu.memory_space<vmem>>)
        %dma_start3A = arith.constant 0 : i32
        %dma_start3A_677 = arith.constant 0 : i32
        %dma_start3A_678 = tpu.memref_slice %arg21[%dma_start3A, %dma_start3A_677] : memref<10000x128xf32, #tpu.memory_space<vmem_shared>> -> memref<10000x128xf32, #tpu.memory_space<vmem_shared>>
        tpu.enqueue_indirect_dma source(%arg19 : memref<128x128xf32, #tpu.memory_space<vmem>>) target(%dma_start3A_678 : memref<10000x128xf32, #tpu.memory_space<vmem_shared>>) offsets(%arg13 : memref<128xi32, #tpu.memory_space<vmem>>) semaphore(%arg38 : memref<!tpu.dma_semaphore, #tpu.memory_space<semaphore_mem>>) {add = true}
      } else {
      }
      %add3A_508 = arith.constant 2 : i32
      %add3A_509 = arith.addi %add3A_428, %add3A_508 : i32
      %sub3A_510 = arith.constant 2 : i32
      %sub3A_511 = arith.subi %add3A_509, %sub3A_510 : i32
      %mul3A_512 = arith.constant 32 : i32
      %mul3A_513 = arith.muli %sub3A_511, %mul3A_512 : i32
      %add3A_514 = arith.addi %mul3A_513, %add3A : i32
      %lt3A_515 = arith.constant 2500 : i32
      %lt3A_516 = arith.cmpi slt, %add3A_514, %lt3A_515 : i32
      %convert_element_type3A_517 = arith.extui %lt3A_516 : i1 to i32
      %cond3A_518 = arith.constant 0 : i32
      %cond3A_519 = arith.cmpi ne, %convert_element_type3A_517, %cond3A_518 : i32
      scf.if %cond3A_519 {
        %dma_wait3A = arith.constant 0 : i32
        %dma_wait3A_668 = arith.constant 0 : i32
        %dma_wait3A_669 = tpu.memref_slice %arg21[%dma_wait3A, %dma_wait3A_668] : memref<10000x128xf32, #tpu.memory_space<vmem_shared>> -> memref<10000x128xf32, #tpu.memory_space<vmem_shared>>
        tpu.wait_indirect_dma semaphore(%arg37 : memref<!tpu.dma_semaphore, #tpu.memory_space<semaphore_mem>>) src(%arg18 : memref<128x128xf32, #tpu.memory_space<vmem>>) dst(%dma_wait3A_669 : memref<10000x128xf32, #tpu.memory_space<vmem_shared>>)
      } else {
      }
      %add3A_520 = arith.constant 4 : i32
      %add3A_521 = arith.addi %add3A_509, %add3A_520 : i32
      %mul3A_522 = arith.constant 32 : i32
      %mul3A_523 = arith.muli %add3A_521, %mul3A_522 : i32
      %add3A_524 = arith.addi %mul3A_523, %add3A : i32
      %lt3A_525 = arith.constant 2500 : i32
      %lt3A_526 = arith.cmpi slt, %add3A_524, %lt3A_525 : i32
      %convert_element_type3A_527 = arith.extui %lt3A_526 : i1 to i32
      %cond3A_528 = arith.constant 0 : i32
      %cond3A_529 = arith.cmpi ne, %convert_element_type3A_527, %cond3A_528 : i32
      scf.if %cond3A_529 {
        %mul3A_668 = arith.constant 32 : i32
        %mul3A_669 = arith.muli %add3A_521, %mul3A_668 : i32
        %add3A_670 = arith.addi %mul3A_669, %add3A : i32
        %mul3A_671 = arith.constant 128 : i32
        %mul3A_672 = arith.muli %add3A_670, %mul3A_671 : i32
        %dma_start3A = tpu.memref_slice %arg3[%mul3A_672] : memref<320000xi32, #tpu.memory_space<hbm>> -> memref<128xi32, #tpu.memory_space<hbm>>
        %dma_start3A_673 = tpu.memref_slice %arg3[%mul3A_672] : memref<320000xi32, #tpu.memory_space<hbm>> -> memref<128xi32, #tpu.memory_space<hbm>>
        tpu.enqueue_dma source(%dma_start3A_673 : memref<128xi32, #tpu.memory_space<hbm>>) target(%arg6 : memref<128xi32, #tpu.memory_space<vmem>>) target_semaphore(%arg22 : memref<!tpu.dma_semaphore, #tpu.memory_space<semaphore_mem>>)
        %dma_start3A_674 = tpu.memref_slice %arg4[%mul3A_672] : memref<320000xi32, #tpu.memory_space<hbm>> -> memref<128xi32, #tpu.memory_space<hbm>>
        %dma_start3A_675 = tpu.memref_slice %arg4[%mul3A_672] : memref<320000xi32, #tpu.memory_space<hbm>> -> memref<128xi32, #tpu.memory_space<hbm>>
        tpu.enqueue_dma source(%dma_start3A_675 : memref<128xi32, #tpu.memory_space<hbm>>) target(%arg12 : memref<128xi32, #tpu.memory_space<vmem>>) target_semaphore(%arg28 : memref<!tpu.dma_semaphore, #tpu.memory_space<semaphore_mem>>)
      } else {
      }
      %add3A_530 = arith.constant 1 : i32
      %add3A_531 = arith.addi %add3A_509, %add3A_530 : i32
      %mul3A_532 = arith.constant 32 : i32
      %mul3A_533 = arith.muli %add3A_531, %mul3A_532 : i32
      %add3A_534 = arith.addi %mul3A_533, %add3A : i32
      %lt3A_535 = arith.constant 2500 : i32
      %lt3A_536 = arith.cmpi slt, %add3A_534, %lt3A_535 : i32
      %convert_element_type3A_537 = arith.extui %lt3A_536 : i1 to i32
      %cond3A_538 = arith.constant 0 : i32
      %cond3A_539 = arith.cmpi ne, %convert_element_type3A_537, %cond3A_538 : i32
      scf.if %cond3A_539 {
        %mul3A_668 = arith.constant 32 : i32
        %mul3A_669 = arith.muli %add3A_531, %mul3A_668 : i32
        %add3A_670 = arith.addi %mul3A_669, %add3A : i32
        %mul3A_671 = arith.constant 128 : i32
        %mul3A_672 = arith.muli %add3A_670, %mul3A_671 : i32
        %dma_wait3A = tpu.memref_slice %arg3[%mul3A_672] : memref<320000xi32, #tpu.memory_space<hbm>> -> memref<128xi32, #tpu.memory_space<hbm>>
        %dma_wait3A_673 = tpu.memref_slice %arg3[%mul3A_672] : memref<320000xi32, #tpu.memory_space<hbm>> -> memref<128xi32, #tpu.memory_space<hbm>>
        tpu.wait_dma2 semaphore(%arg25 : memref<!tpu.dma_semaphore, #tpu.memory_space<semaphore_mem>>) src(%dma_wait3A_673 : memref<128xi32, #tpu.memory_space<hbm>>) dst(%arg9 : memref<128xi32, #tpu.memory_space<vmem>>)
        %dma_start3A = arith.constant 0 : i32
        %dma_start3A_674 = arith.constant 0 : i32
        %dma_start3A_675 = tpu.memref_slice %arg2[%dma_start3A, %dma_start3A_674] : memref<10000x128xf32, #tpu.memory_space<hbm>> -> memref<10000x128xf32, #tpu.memory_space<hbm>>
        tpu.enqueue_indirect_dma source(%dma_start3A_675 : memref<10000x128xf32, #tpu.memory_space<hbm>>) target(%arg18 : memref<128x128xf32, #tpu.memory_space<vmem>>) offsets(%arg9 : memref<128xi32, #tpu.memory_space<vmem>>) semaphore(%arg34 : memref<!tpu.dma_semaphore, #tpu.memory_space<semaphore_mem>>)
      } else {
      }
      %mul3A_540 = arith.constant 32 : i32
      %mul3A_541 = arith.muli %add3A_509, %mul3A_540 : i32
      %add3A_542 = arith.addi %mul3A_541, %add3A : i32
      %lt3A_543 = arith.constant 2500 : i32
      %lt3A_544 = arith.cmpi slt, %add3A_542, %lt3A_543 : i32
      %convert_element_type3A_545 = arith.extui %lt3A_544 : i1 to i32
      %cond3A_546 = arith.constant 0 : i32
      %cond3A_547 = arith.cmpi ne, %convert_element_type3A_545, %cond3A_546 : i32
      scf.if %cond3A_547 {
        %mul3A_668 = arith.constant 32 : i32
        %mul3A_669 = arith.muli %add3A_509, %mul3A_668 : i32
        %add3A_670 = arith.addi %mul3A_669, %add3A : i32
        %mul3A_671 = arith.constant 128 : i32
        %mul3A_672 = arith.muli %add3A_670, %mul3A_671 : i32
        %dma_wait3A = arith.constant 0 : i32
        %dma_wait3A_673 = arith.constant 0 : i32
        %dma_wait3A_674 = tpu.memref_slice %arg2[%dma_wait3A, %dma_wait3A_673] : memref<10000x128xf32, #tpu.memory_space<hbm>> -> memref<10000x128xf32, #tpu.memory_space<hbm>>
        tpu.wait_indirect_dma semaphore(%arg36 : memref<!tpu.dma_semaphore, #tpu.memory_space<semaphore_mem>>) src(%dma_wait3A_674 : memref<10000x128xf32, #tpu.memory_space<hbm>>) dst(%arg20 : memref<128x128xf32, #tpu.memory_space<vmem>>)
        %dma_wait3A_675 = tpu.memref_slice %arg4[%mul3A_672] : memref<320000xi32, #tpu.memory_space<hbm>> -> memref<128xi32, #tpu.memory_space<hbm>>
        %dma_wait3A_676 = tpu.memref_slice %arg4[%mul3A_672] : memref<320000xi32, #tpu.memory_space<hbm>> -> memref<128xi32, #tpu.memory_space<hbm>>
        tpu.wait_dma2 semaphore(%arg30 : memref<!tpu.dma_semaphore, #tpu.memory_space<semaphore_mem>>) src(%dma_wait3A_676 : memref<128xi32, #tpu.memory_space<hbm>>) dst(%arg14 : memref<128xi32, #tpu.memory_space<vmem>>)
        %dma_start3A = arith.constant 0 : i32
        %dma_start3A_677 = arith.constant 0 : i32
        %dma_start3A_678 = tpu.memref_slice %arg21[%dma_start3A, %dma_start3A_677] : memref<10000x128xf32, #tpu.memory_space<vmem_shared>> -> memref<10000x128xf32, #tpu.memory_space<vmem_shared>>
        tpu.enqueue_indirect_dma source(%arg20 : memref<128x128xf32, #tpu.memory_space<vmem>>) target(%dma_start3A_678 : memref<10000x128xf32, #tpu.memory_space<vmem_shared>>) offsets(%arg14 : memref<128xi32, #tpu.memory_space<vmem>>) semaphore(%arg39 : memref<!tpu.dma_semaphore, #tpu.memory_space<semaphore_mem>>) {add = true}
      } else {
      }
      %add3A_548 = arith.constant 3 : i32
      %add3A_549 = arith.addi %add3A_428, %add3A_548 : i32
      %sub3A_550 = arith.constant 2 : i32
      %sub3A_551 = arith.subi %add3A_549, %sub3A_550 : i32
      %mul3A_552 = arith.constant 32 : i32
      %mul3A_553 = arith.muli %sub3A_551, %mul3A_552 : i32
      %add3A_554 = arith.addi %mul3A_553, %add3A : i32
      %lt3A_555 = arith.constant 2500 : i32
      %lt3A_556 = arith.cmpi slt, %add3A_554, %lt3A_555 : i32
      %convert_element_type3A_557 = arith.extui %lt3A_556 : i1 to i32
      %cond3A_558 = arith.constant 0 : i32
      %cond3A_559 = arith.cmpi ne, %convert_element_type3A_557, %cond3A_558 : i32
      scf.if %cond3A_559 {
        %dma_wait3A = arith.constant 0 : i32
        %dma_wait3A_668 = arith.constant 0 : i32
        %dma_wait3A_669 = tpu.memref_slice %arg21[%dma_wait3A, %dma_wait3A_668] : memref<10000x128xf32, #tpu.memory_space<vmem_shared>> -> memref<10000x128xf32, #tpu.memory_space<vmem_shared>>
        tpu.wait_indirect_dma semaphore(%arg38 : memref<!tpu.dma_semaphore, #tpu.memory_space<semaphore_mem>>) src(%arg19 : memref<128x128xf32, #tpu.memory_space<vmem>>) dst(%dma_wait3A_669 : memref<10000x128xf32, #tpu.memory_space<vmem_shared>>)
      } else {
      }
      %add3A_560 = arith.constant 4 : i32
      %add3A_561 = arith.addi %add3A_549, %add3A_560 : i32
      %mul3A_562 = arith.constant 32 : i32
      %mul3A_563 = arith.muli %add3A_561, %mul3A_562 : i32
      %add3A_564 = arith.addi %mul3A_563, %add3A : i32
      %lt3A_565 = arith.constant 2500 : i32
      %lt3A_566 = arith.cmpi slt, %add3A_564, %lt3A_565 : i32
      %convert_element_type3A_567 = arith.extui %lt3A_566 : i1 to i32
      %cond3A_568 = arith.constant 0 : i32
      %cond3A_569 = arith.cmpi ne, %convert_element_type3A_567, %cond3A_568 : i32
      scf.if %cond3A_569 {
        %mul3A_668 = arith.constant 32 : i32
        %mul3A_669 = arith.muli %add3A_561, %mul3A_668 : i32
        %add3A_670 = arith.addi %mul3A_669, %add3A : i32
        %mul3A_671 = arith.constant 128 : i32
        %mul3A_672 = arith.muli %add3A_670, %mul3A_671 : i32
        %dma_start3A = tpu.memref_slice %arg3[%mul3A_672] : memref<320000xi32, #tpu.memory_space<hbm>> -> memref<128xi32, #tpu.memory_space<hbm>>
        %dma_start3A_673 = tpu.memref_slice %arg3[%mul3A_672] : memref<320000xi32, #tpu.memory_space<hbm>> -> memref<128xi32, #tpu.memory_space<hbm>>
        tpu.enqueue_dma source(%dma_start3A_673 : memref<128xi32, #tpu.memory_space<hbm>>) target(%arg7 : memref<128xi32, #tpu.memory_space<vmem>>) target_semaphore(%arg23 : memref<!tpu.dma_semaphore, #tpu.memory_space<semaphore_mem>>)
        %dma_start3A_674 = tpu.memref_slice %arg4[%mul3A_672] : memref<320000xi32, #tpu.memory_space<hbm>> -> memref<128xi32, #tpu.memory_space<hbm>>
        %dma_start3A_675 = tpu.memref_slice %arg4[%mul3A_672] : memref<320000xi32, #tpu.memory_space<hbm>> -> memref<128xi32, #tpu.memory_space<hbm>>
        tpu.enqueue_dma source(%dma_start3A_675 : memref<128xi32, #tpu.memory_space<hbm>>) target(%arg13 : memref<128xi32, #tpu.memory_space<vmem>>) target_semaphore(%arg29 : memref<!tpu.dma_semaphore, #tpu.memory_space<semaphore_mem>>)
      } else {
      }
      %add3A_570 = arith.constant 1 : i32
      %add3A_571 = arith.addi %add3A_549, %add3A_570 : i32
      %mul3A_572 = arith.constant 32 : i32
      %mul3A_573 = arith.muli %add3A_571, %mul3A_572 : i32
      %add3A_574 = arith.addi %mul3A_573, %add3A : i32
      %lt3A_575 = arith.constant 2500 : i32
      %lt3A_576 = arith.cmpi slt, %add3A_574, %lt3A_575 : i32
      %convert_element_type3A_577 = arith.extui %lt3A_576 : i1 to i32
      %cond3A_578 = arith.constant 0 : i32
      %cond3A_579 = arith.cmpi ne, %convert_element_type3A_577, %cond3A_578 : i32
      scf.if %cond3A_579 {
        %mul3A_668 = arith.constant 32 : i32
        %mul3A_669 = arith.muli %add3A_571, %mul3A_668 : i32
        %add3A_670 = arith.addi %mul3A_669, %add3A : i32
        %mul3A_671 = arith.constant 128 : i32
        %mul3A_672 = arith.muli %add3A_670, %mul3A_671 : i32
        %dma_wait3A = tpu.memref_slice %arg3[%mul3A_672] : memref<320000xi32, #tpu.memory_space<hbm>> -> memref<128xi32, #tpu.memory_space<hbm>>
        %dma_wait3A_673 = tpu.memref_slice %arg3[%mul3A_672] : memref<320000xi32, #tpu.memory_space<hbm>> -> memref<128xi32, #tpu.memory_space<hbm>>
        tpu.wait_dma2 semaphore(%arg26 : memref<!tpu.dma_semaphore, #tpu.memory_space<semaphore_mem>>) src(%dma_wait3A_673 : memref<128xi32, #tpu.memory_space<hbm>>) dst(%arg10 : memref<128xi32, #tpu.memory_space<vmem>>)
        %dma_start3A = arith.constant 0 : i32
        %dma_start3A_674 = arith.constant 0 : i32
        %dma_start3A_675 = tpu.memref_slice %arg2[%dma_start3A, %dma_start3A_674] : memref<10000x128xf32, #tpu.memory_space<hbm>> -> memref<10000x128xf32, #tpu.memory_space<hbm>>
        tpu.enqueue_indirect_dma source(%dma_start3A_675 : memref<10000x128xf32, #tpu.memory_space<hbm>>) target(%arg19 : memref<128x128xf32, #tpu.memory_space<vmem>>) offsets(%arg10 : memref<128xi32, #tpu.memory_space<vmem>>) semaphore(%arg35 : memref<!tpu.dma_semaphore, #tpu.memory_space<semaphore_mem>>)
      } else {
      }
      %mul3A_580 = arith.constant 32 : i32
      %mul3A_581 = arith.muli %add3A_549, %mul3A_580 : i32
      %add3A_582 = arith.addi %mul3A_581, %add3A : i32
      %lt3A_583 = arith.constant 2500 : i32
      %lt3A_584 = arith.cmpi slt, %add3A_582, %lt3A_583 : i32
      %convert_element_type3A_585 = arith.extui %lt3A_584 : i1 to i32
      %cond3A_586 = arith.constant 0 : i32
      %cond3A_587 = arith.cmpi ne, %convert_element_type3A_585, %cond3A_586 : i32
      scf.if %cond3A_587 {
        %mul3A_668 = arith.constant 32 : i32
        %mul3A_669 = arith.muli %add3A_549, %mul3A_668 : i32
        %add3A_670 = arith.addi %mul3A_669, %add3A : i32
        %mul3A_671 = arith.constant 128 : i32
        %mul3A_672 = arith.muli %add3A_670, %mul3A_671 : i32
        %dma_wait3A = arith.constant 0 : i32
        %dma_wait3A_673 = arith.constant 0 : i32
        %dma_wait3A_674 = tpu.memref_slice %arg2[%dma_wait3A, %dma_wait3A_673] : memref<10000x128xf32, #tpu.memory_space<hbm>> -> memref<10000x128xf32, #tpu.memory_space<hbm>>
        tpu.wait_indirect_dma semaphore(%arg34 : memref<!tpu.dma_semaphore, #tpu.memory_space<semaphore_mem>>) src(%dma_wait3A_674 : memref<10000x128xf32, #tpu.memory_space<hbm>>) dst(%arg18 : memref<128x128xf32, #tpu.memory_space<vmem>>)
        %dma_wait3A_675 = tpu.memref_slice %arg4[%mul3A_672] : memref<320000xi32, #tpu.memory_space<hbm>> -> memref<128xi32, #tpu.memory_space<hbm>>
        %dma_wait3A_676 = tpu.memref_slice %arg4[%mul3A_672] : memref<320000xi32, #tpu.memory_space<hbm>> -> memref<128xi32, #tpu.memory_space<hbm>>
        tpu.wait_dma2 semaphore(%arg31 : memref<!tpu.dma_semaphore, #tpu.memory_space<semaphore_mem>>) src(%dma_wait3A_676 : memref<128xi32, #tpu.memory_space<hbm>>) dst(%arg15 : memref<128xi32, #tpu.memory_space<vmem>>)
        %dma_start3A = arith.constant 0 : i32
        %dma_start3A_677 = arith.constant 0 : i32
        %dma_start3A_678 = tpu.memref_slice %arg21[%dma_start3A, %dma_start3A_677] : memref<10000x128xf32, #tpu.memory_space<vmem_shared>> -> memref<10000x128xf32, #tpu.memory_space<vmem_shared>>
        tpu.enqueue_indirect_dma source(%arg18 : memref<128x128xf32, #tpu.memory_space<vmem>>) target(%dma_start3A_678 : memref<10000x128xf32, #tpu.memory_space<vmem_shared>>) offsets(%arg15 : memref<128xi32, #tpu.memory_space<vmem>>) semaphore(%arg37 : memref<!tpu.dma_semaphore, #tpu.memory_space<semaphore_mem>>) {add = true}
      } else {
      }
      %add3A_588 = arith.constant 4 : i32
      %add3A_589 = arith.addi %add3A_428, %add3A_588 : i32
      %sub3A_590 = arith.constant 2 : i32
      %sub3A_591 = arith.subi %add3A_589, %sub3A_590 : i32
      %mul3A_592 = arith.constant 32 : i32
      %mul3A_593 = arith.muli %sub3A_591, %mul3A_592 : i32
      %add3A_594 = arith.addi %mul3A_593, %add3A : i32
      %lt3A_595 = arith.constant 2500 : i32
      %lt3A_596 = arith.cmpi slt, %add3A_594, %lt3A_595 : i32
      %convert_element_type3A_597 = arith.extui %lt3A_596 : i1 to i32
      %cond3A_598 = arith.constant 0 : i32
      %cond3A_599 = arith.cmpi ne, %convert_element_type3A_597, %cond3A_598 : i32
      scf.if %cond3A_599 {
        %dma_wait3A = arith.constant 0 : i32
        %dma_wait3A_668 = arith.constant 0 : i32
        %dma_wait3A_669 = tpu.memref_slice %arg21[%dma_wait3A, %dma_wait3A_668] : memref<10000x128xf32, #tpu.memory_space<vmem_shared>> -> memref<10000x128xf32, #tpu.memory_space<vmem_shared>>
        tpu.wait_indirect_dma semaphore(%arg39 : memref<!tpu.dma_semaphore, #tpu.memory_space<semaphore_mem>>) src(%arg20 : memref<128x128xf32, #tpu.memory_space<vmem>>) dst(%dma_wait3A_669 : memref<10000x128xf32, #tpu.memory_space<vmem_shared>>)
      } else {
      }
      %add3A_600 = arith.constant 4 : i32
      %add3A_601 = arith.addi %add3A_589, %add3A_600 : i32
      %mul3A_602 = arith.constant 32 : i32
      %mul3A_603 = arith.muli %add3A_601, %mul3A_602 : i32
      %add3A_604 = arith.addi %mul3A_603, %add3A : i32
      %lt3A_605 = arith.constant 2500 : i32
      %lt3A_606 = arith.cmpi slt, %add3A_604, %lt3A_605 : i32
      %convert_element_type3A_607 = arith.extui %lt3A_606 : i1 to i32
      %cond3A_608 = arith.constant 0 : i32
      %cond3A_609 = arith.cmpi ne, %convert_element_type3A_607, %cond3A_608 : i32
      scf.if %cond3A_609 {
        %mul3A_668 = arith.constant 32 : i32
        %mul3A_669 = arith.muli %add3A_601, %mul3A_668 : i32
        %add3A_670 = arith.addi %mul3A_669, %add3A : i32
        %mul3A_671 = arith.constant 128 : i32
        %mul3A_672 = arith.muli %add3A_670, %mul3A_671 : i32
        %dma_start3A = tpu.memref_slice %arg3[%mul3A_672] : memref<320000xi32, #tpu.memory_space<hbm>> -> memref<128xi32, #tpu.memory_space<hbm>>
        %dma_start3A_673 = tpu.memref_slice %arg3[%mul3A_672] : memref<320000xi32, #tpu.memory_space<hbm>> -> memref<128xi32, #tpu.memory_space<hbm>>
        tpu.enqueue_dma source(%dma_start3A_673 : memref<128xi32, #tpu.memory_space<hbm>>) target(%arg8 : memref<128xi32, #tpu.memory_space<vmem>>) target_semaphore(%arg24 : memref<!tpu.dma_semaphore, #tpu.memory_space<semaphore_mem>>)
        %dma_start3A_674 = tpu.memref_slice %arg4[%mul3A_672] : memref<320000xi32, #tpu.memory_space<hbm>> -> memref<128xi32, #tpu.memory_space<hbm>>
        %dma_start3A_675 = tpu.memref_slice %arg4[%mul3A_672] : memref<320000xi32, #tpu.memory_space<hbm>> -> memref<128xi32, #tpu.memory_space<hbm>>
        tpu.enqueue_dma source(%dma_start3A_675 : memref<128xi32, #tpu.memory_space<hbm>>) target(%arg14 : memref<128xi32, #tpu.memory_space<vmem>>) target_semaphore(%arg30 : memref<!tpu.dma_semaphore, #tpu.memory_space<semaphore_mem>>)
      } else {
      }
      %add3A_610 = arith.constant 1 : i32
      %add3A_611 = arith.addi %add3A_589, %add3A_610 : i32
      %mul3A_612 = arith.constant 32 : i32
      %mul3A_613 = arith.muli %add3A_611, %mul3A_612 : i32
      %add3A_614 = arith.addi %mul3A_613, %add3A : i32
      %lt3A_615 = arith.constant 2500 : i32
      %lt3A_616 = arith.cmpi slt, %add3A_614, %lt3A_615 : i32
      %convert_element_type3A_617 = arith.extui %lt3A_616 : i1 to i32
      %cond3A_618 = arith.constant 0 : i32
      %cond3A_619 = arith.cmpi ne, %convert_element_type3A_617, %cond3A_618 : i32
      scf.if %cond3A_619 {
        %mul3A_668 = arith.constant 32 : i32
        %mul3A_669 = arith.muli %add3A_611, %mul3A_668 : i32
        %add3A_670 = arith.addi %mul3A_669, %add3A : i32
        %mul3A_671 = arith.constant 128 : i32
        %mul3A_672 = arith.muli %add3A_670, %mul3A_671 : i32
        %dma_wait3A = tpu.memref_slice %arg3[%mul3A_672] : memref<320000xi32, #tpu.memory_space<hbm>> -> memref<128xi32, #tpu.memory_space<hbm>>
        %dma_wait3A_673 = tpu.memref_slice %arg3[%mul3A_672] : memref<320000xi32, #tpu.memory_space<hbm>> -> memref<128xi32, #tpu.memory_space<hbm>>
        tpu.wait_dma2 semaphore(%arg27 : memref<!tpu.dma_semaphore, #tpu.memory_space<semaphore_mem>>) src(%dma_wait3A_673 : memref<128xi32, #tpu.memory_space<hbm>>) dst(%arg11 : memref<128xi32, #tpu.memory_space<vmem>>)
        %dma_start3A = arith.constant 0 : i32
        %dma_start3A_674 = arith.constant 0 : i32
        %dma_start3A_675 = tpu.memref_slice %arg2[%dma_start3A, %dma_start3A_674] : memref<10000x128xf32, #tpu.memory_space<hbm>> -> memref<10000x128xf32, #tpu.memory_space<hbm>>
        tpu.enqueue_indirect_dma source(%dma_start3A_675 : memref<10000x128xf32, #tpu.memory_space<hbm>>) target(%arg20 : memref<128x128xf32, #tpu.memory_space<vmem>>) offsets(%arg11 : memref<128xi32, #tpu.memory_space<vmem>>) semaphore(%arg36 : memref<!tpu.dma_semaphore, #tpu.memory_space<semaphore_mem>>)
      } else {
      }
      %mul3A_620 = arith.constant 32 : i32
      %mul3A_621 = arith.muli %add3A_589, %mul3A_620 : i32
      %add3A_622 = arith.addi %mul3A_621, %add3A : i32
      %lt3A_623 = arith.constant 2500 : i32
      %lt3A_624 = arith.cmpi slt, %add3A_622, %lt3A_623 : i32
      %convert_element_type3A_625 = arith.extui %lt3A_624 : i1 to i32
      %cond3A_626 = arith.constant 0 : i32
      %cond3A_627 = arith.cmpi ne, %convert_element_type3A_625, %cond3A_626 : i32
      scf.if %cond3A_627 {
        %mul3A_668 = arith.constant 32 : i32
        %mul3A_669 = arith.muli %add3A_589, %mul3A_668 : i32
        %add3A_670 = arith.addi %mul3A_669, %add3A : i32
        %mul3A_671 = arith.constant 128 : i32
        %mul3A_672 = arith.muli %add3A_670, %mul3A_671 : i32
        %dma_wait3A = arith.constant 0 : i32
        %dma_wait3A_673 = arith.constant 0 : i32
        %dma_wait3A_674 = tpu.memref_slice %arg2[%dma_wait3A, %dma_wait3A_673] : memref<10000x128xf32, #tpu.memory_space<hbm>> -> memref<10000x128xf32, #tpu.memory_space<hbm>>
        tpu.wait_indirect_dma semaphore(%arg35 : memref<!tpu.dma_semaphore, #tpu.memory_space<semaphore_mem>>) src(%dma_wait3A_674 : memref<10000x128xf32, #tpu.memory_space<hbm>>) dst(%arg19 : memref<128x128xf32, #tpu.memory_space<vmem>>)
        %dma_wait3A_675 = tpu.memref_slice %arg4[%mul3A_672] : memref<320000xi32, #tpu.memory_space<hbm>> -> memref<128xi32, #tpu.memory_space<hbm>>
        %dma_wait3A_676 = tpu.memref_slice %arg4[%mul3A_672] : memref<320000xi32, #tpu.memory_space<hbm>> -> memref<128xi32, #tpu.memory_space<hbm>>
        tpu.wait_dma2 semaphore(%arg32 : memref<!tpu.dma_semaphore, #tpu.memory_space<semaphore_mem>>) src(%dma_wait3A_676 : memref<128xi32, #tpu.memory_space<hbm>>) dst(%arg16 : memref<128xi32, #tpu.memory_space<vmem>>)
        %dma_start3A = arith.constant 0 : i32
        %dma_start3A_677 = arith.constant 0 : i32
        %dma_start3A_678 = tpu.memref_slice %arg21[%dma_start3A, %dma_start3A_677] : memref<10000x128xf32, #tpu.memory_space<vmem_shared>> -> memref<10000x128xf32, #tpu.memory_space<vmem_shared>>
        tpu.enqueue_indirect_dma source(%arg19 : memref<128x128xf32, #tpu.memory_space<vmem>>) target(%dma_start3A_678 : memref<10000x128xf32, #tpu.memory_space<vmem_shared>>) offsets(%arg16 : memref<128xi32, #tpu.memory_space<vmem>>) semaphore(%arg38 : memref<!tpu.dma_semaphore, #tpu.memory_space<semaphore_mem>>) {add = true}
      } else {
      }
      %add3A_628 = arith.constant 5 : i32
      %add3A_629 = arith.addi %add3A_428, %add3A_628 : i32
      %sub3A_630 = arith.constant 2 : i32
      %sub3A_631 = arith.subi %add3A_629, %sub3A_630 : i32
      %mul3A_632 = arith.constant 32 : i32
      %mul3A_633 = arith.muli %sub3A_631, %mul3A_632 : i32
      %add3A_634 = arith.addi %mul3A_633, %add3A : i32
      %lt3A_635 = arith.constant 2500 : i32
      %lt3A_636 = arith.cmpi slt, %add3A_634, %lt3A_635 : i32
      %convert_element_type3A_637 = arith.extui %lt3A_636 : i1 to i32
      %cond3A_638 = arith.constant 0 : i32
      %cond3A_639 = arith.cmpi ne, %convert_element_type3A_637, %cond3A_638 : i32
      scf.if %cond3A_639 {
        %dma_wait3A = arith.constant 0 : i32
        %dma_wait3A_668 = arith.constant 0 : i32
        %dma_wait3A_669 = tpu.memref_slice %arg21[%dma_wait3A, %dma_wait3A_668] : memref<10000x128xf32, #tpu.memory_space<vmem_shared>> -> memref<10000x128xf32, #tpu.memory_space<vmem_shared>>
        tpu.wait_indirect_dma semaphore(%arg37 : memref<!tpu.dma_semaphore, #tpu.memory_space<semaphore_mem>>) src(%arg18 : memref<128x128xf32, #tpu.memory_space<vmem>>) dst(%dma_wait3A_669 : memref<10000x128xf32, #tpu.memory_space<vmem_shared>>)
      } else {
      }
      %add3A_640 = arith.constant 4 : i32
      %add3A_641 = arith.addi %add3A_629, %add3A_640 : i32
      %mul3A_642 = arith.constant 32 : i32
      %mul3A_643 = arith.muli %add3A_641, %mul3A_642 : i32
      %add3A_644 = arith.addi %mul3A_643, %add3A : i32
      %lt3A_645 = arith.constant 2500 : i32
      %lt3A_646 = arith.cmpi slt, %add3A_644, %lt3A_645 : i32
      %convert_element_type3A_647 = arith.extui %lt3A_646 : i1 to i32
      %cond3A_648 = arith.constant 0 : i32
      %cond3A_649 = arith.cmpi ne, %convert_element_type3A_647, %cond3A_648 : i32
      scf.if %cond3A_649 {
        %mul3A_668 = arith.constant 32 : i32
        %mul3A_669 = arith.muli %add3A_641, %mul3A_668 : i32
        %add3A_670 = arith.addi %mul3A_669, %add3A : i32
        %mul3A_671 = arith.constant 128 : i32
        %mul3A_672 = arith.muli %add3A_670, %mul3A_671 : i32
        %dma_start3A = tpu.memref_slice %arg3[%mul3A_672] : memref<320000xi32, #tpu.memory_space<hbm>> -> memref<128xi32, #tpu.memory_space<hbm>>
        %dma_start3A_673 = tpu.memref_slice %arg3[%mul3A_672] : memref<320000xi32, #tpu.memory_space<hbm>> -> memref<128xi32, #tpu.memory_space<hbm>>
        tpu.enqueue_dma source(%dma_start3A_673 : memref<128xi32, #tpu.memory_space<hbm>>) target(%arg9 : memref<128xi32, #tpu.memory_space<vmem>>) target_semaphore(%arg25 : memref<!tpu.dma_semaphore, #tpu.memory_space<semaphore_mem>>)
        %dma_start3A_674 = tpu.memref_slice %arg4[%mul3A_672] : memref<320000xi32, #tpu.memory_space<hbm>> -> memref<128xi32, #tpu.memory_space<hbm>>
        %dma_start3A_675 = tpu.memref_slice %arg4[%mul3A_672] : memref<320000xi32, #tpu.memory_space<hbm>> -> memref<128xi32, #tpu.memory_space<hbm>>
        tpu.enqueue_dma source(%dma_start3A_675 : memref<128xi32, #tpu.memory_space<hbm>>) target(%arg15 : memref<128xi32, #tpu.memory_space<vmem>>) target_semaphore(%arg31 : memref<!tpu.dma_semaphore, #tpu.memory_space<semaphore_mem>>)
      } else {
      }
      %add3A_650 = arith.constant 1 : i32
      %add3A_651 = arith.addi %add3A_629, %add3A_650 : i32
      %mul3A_652 = arith.constant 32 : i32
      %mul3A_653 = arith.muli %add3A_651, %mul3A_652 : i32
      %add3A_654 = arith.addi %mul3A_653, %add3A : i32
      %lt3A_655 = arith.constant 2500 : i32
      %lt3A_656 = arith.cmpi slt, %add3A_654, %lt3A_655 : i32
      %convert_element_type3A_657 = arith.extui %lt3A_656 : i1 to i32
      %cond3A_658 = arith.constant 0 : i32
      %cond3A_659 = arith.cmpi ne, %convert_element_type3A_657, %cond3A_658 : i32
      scf.if %cond3A_659 {
        %mul3A_668 = arith.constant 32 : i32
        %mul3A_669 = arith.muli %add3A_651, %mul3A_668 : i32
        %add3A_670 = arith.addi %mul3A_669, %add3A : i32
        %mul3A_671 = arith.constant 128 : i32
        %mul3A_672 = arith.muli %add3A_670, %mul3A_671 : i32
        %dma_wait3A = tpu.memref_slice %arg3[%mul3A_672] : memref<320000xi32, #tpu.memory_space<hbm>> -> memref<128xi32, #tpu.memory_space<hbm>>
        %dma_wait3A_673 = tpu.memref_slice %arg3[%mul3A_672] : memref<320000xi32, #tpu.memory_space<hbm>> -> memref<128xi32, #tpu.memory_space<hbm>>
        tpu.wait_dma2 semaphore(%arg22 : memref<!tpu.dma_semaphore, #tpu.memory_space<semaphore_mem>>) src(%dma_wait3A_673 : memref<128xi32, #tpu.memory_space<hbm>>) dst(%arg6 : memref<128xi32, #tpu.memory_space<vmem>>)
        %dma_start3A = arith.constant 0 : i32
        %dma_start3A_674 = arith.constant 0 : i32
        %dma_start3A_675 = tpu.memref_slice %arg2[%dma_start3A, %dma_start3A_674] : memref<10000x128xf32, #tpu.memory_space<hbm>> -> memref<10000x128xf32, #tpu.memory_space<hbm>>
        tpu.enqueue_indirect_dma source(%dma_start3A_675 : memref<10000x128xf32, #tpu.memory_space<hbm>>) target(%arg18 : memref<128x128xf32, #tpu.memory_space<vmem>>) offsets(%arg6 : memref<128xi32, #tpu.memory_space<vmem>>) semaphore(%arg34 : memref<!tpu.dma_semaphore, #tpu.memory_space<semaphore_mem>>)
      } else {
      }
      %mul3A_660 = arith.constant 32 : i32
      %mul3A_661 = arith.muli %add3A_629, %mul3A_660 : i32
      %add3A_662 = arith.addi %mul3A_661, %add3A : i32
      %lt3A_663 = arith.constant 2500 : i32
      %lt3A_664 = arith.cmpi slt, %add3A_662, %lt3A_663 : i32
      %convert_element_type3A_665 = arith.extui %lt3A_664 : i1 to i32
      %cond3A_666 = arith.constant 0 : i32
      %cond3A_667 = arith.cmpi ne, %convert_element_type3A_665, %cond3A_666 : i32
      scf.if %cond3A_667 {
        %mul3A_668 = arith.constant 32 : i32
        %mul3A_669 = arith.muli %add3A_629, %mul3A_668 : i32
        %add3A_670 = arith.addi %mul3A_669, %add3A : i32
        %mul3A_671 = arith.constant 128 : i32
        %mul3A_672 = arith.muli %add3A_670, %mul3A_671 : i32
        %dma_wait3A = arith.constant 0 : i32
        %dma_wait3A_673 = arith.constant 0 : i32
        %dma_wait3A_674 = tpu.memref_slice %arg2[%dma_wait3A, %dma_wait3A_673] : memref<10000x128xf32, #tpu.memory_space<hbm>> -> memref<10000x128xf32, #tpu.memory_space<hbm>>
        tpu.wait_indirect_dma semaphore(%arg36 : memref<!tpu.dma_semaphore, #tpu.memory_space<semaphore_mem>>) src(%dma_wait3A_674 : memref<10000x128xf32, #tpu.memory_space<hbm>>) dst(%arg20 : memref<128x128xf32, #tpu.memory_space<vmem>>)
        %dma_wait3A_675 = tpu.memref_slice %arg4[%mul3A_672] : memref<320000xi32, #tpu.memory_space<hbm>> -> memref<128xi32, #tpu.memory_space<hbm>>
        %dma_wait3A_676 = tpu.memref_slice %arg4[%mul3A_672] : memref<320000xi32, #tpu.memory_space<hbm>> -> memref<128xi32, #tpu.memory_space<hbm>>
        tpu.wait_dma2 semaphore(%arg33 : memref<!tpu.dma_semaphore, #tpu.memory_space<semaphore_mem>>) src(%dma_wait3A_676 : memref<128xi32, #tpu.memory_space<hbm>>) dst(%arg17 : memref<128xi32, #tpu.memory_space<vmem>>)
        %dma_start3A = arith.constant 0 : i32
        %dma_start3A_677 = arith.constant 0 : i32
        %dma_start3A_678 = tpu.memref_slice %arg21[%dma_start3A, %dma_start3A_677] : memref<10000x128xf32, #tpu.memory_space<vmem_shared>> -> memref<10000x128xf32, #tpu.memory_space<vmem_shared>>
        tpu.enqueue_indirect_dma source(%arg20 : memref<128x128xf32, #tpu.memory_space<vmem>>) target(%dma_start3A_678 : memref<10000x128xf32, #tpu.memory_space<vmem_shared>>) offsets(%arg17 : memref<128xi32, #tpu.memory_space<vmem>>) semaphore(%arg39 : memref<!tpu.dma_semaphore, #tpu.memory_space<semaphore_mem>>) {add = true}
      } else {
      }
    }
    %scan3A_202 = arith.constant 11 : i32
    %add3A_203 = arith.constant 2240 : i32
    %add3A_204 = arith.addi %add3A_203, %add3A : i32
    %lt3A_205 = arith.constant 2500 : i32
    %lt3A_206 = arith.cmpi slt, %add3A_204, %lt3A_205 : i32
    %convert_element_type3A_207 = arith.extui %lt3A_206 : i1 to i32
    %cond3A_208 = arith.constant 0 : i32
    %cond3A_209 = arith.cmpi ne, %convert_element_type3A_207, %cond3A_208 : i32
    scf.if %cond3A_209 {
      %dma_wait3A = arith.constant 0 : i32
      %dma_wait3A_424 = arith.constant 0 : i32
      %dma_wait3A_425 = tpu.memref_slice %arg21[%dma_wait3A, %dma_wait3A_424] : memref<10000x128xf32, #tpu.memory_space<vmem_shared>> -> memref<10000x128xf32, #tpu.memory_space<vmem_shared>>
      tpu.wait_indirect_dma semaphore(%arg38 : memref<!tpu.dma_semaphore, #tpu.memory_space<semaphore_mem>>) src(%arg19 : memref<128x128xf32, #tpu.memory_space<vmem>>) dst(%dma_wait3A_425 : memref<10000x128xf32, #tpu.memory_space<vmem_shared>>)
    } else {
    }
    %add3A_210 = arith.constant 2432 : i32
    %add3A_211 = arith.addi %add3A_210, %add3A : i32
    %lt3A_212 = arith.constant 2500 : i32
    %lt3A_213 = arith.cmpi slt, %add3A_211, %lt3A_212 : i32
    %convert_element_type3A_214 = arith.extui %lt3A_213 : i1 to i32
    %cond3A_215 = arith.constant 0 : i32
    %cond3A_216 = arith.cmpi ne, %convert_element_type3A_214, %cond3A_215 : i32
    scf.if %cond3A_216 {
      %add3A_424 = arith.constant 2432 : i32
      %add3A_425 = arith.addi %add3A_424, %add3A : i32
      %mul3A_426 = arith.constant 128 : i32
      %mul3A_427 = arith.muli %add3A_425, %mul3A_426 : i32
      %dma_start3A = tpu.memref_slice %arg3[%mul3A_427] : memref<320000xi32, #tpu.memory_space<hbm>> -> memref<128xi32, #tpu.memory_space<hbm>>
      %dma_start3A_428 = tpu.memref_slice %arg3[%mul3A_427] : memref<320000xi32, #tpu.memory_space<hbm>> -> memref<128xi32, #tpu.memory_space<hbm>>
      tpu.enqueue_dma source(%dma_start3A_428 : memref<128xi32, #tpu.memory_space<hbm>>) target(%arg10 : memref<128xi32, #tpu.memory_space<vmem>>) target_semaphore(%arg26 : memref<!tpu.dma_semaphore, #tpu.memory_space<semaphore_mem>>)
      %dma_start3A_429 = tpu.memref_slice %arg4[%mul3A_427] : memref<320000xi32, #tpu.memory_space<hbm>> -> memref<128xi32, #tpu.memory_space<hbm>>
      %dma_start3A_430 = tpu.memref_slice %arg4[%mul3A_427] : memref<320000xi32, #tpu.memory_space<hbm>> -> memref<128xi32, #tpu.memory_space<hbm>>
      tpu.enqueue_dma source(%dma_start3A_430 : memref<128xi32, #tpu.memory_space<hbm>>) target(%arg16 : memref<128xi32, #tpu.memory_space<vmem>>) target_semaphore(%arg32 : memref<!tpu.dma_semaphore, #tpu.memory_space<semaphore_mem>>)
    } else {
    }
    %add3A_217 = arith.constant 2336 : i32
    %add3A_218 = arith.addi %add3A_217, %add3A : i32
    %lt3A_219 = arith.constant 2500 : i32
    %lt3A_220 = arith.cmpi slt, %add3A_218, %lt3A_219 : i32
    %convert_element_type3A_221 = arith.extui %lt3A_220 : i1 to i32
    %cond3A_222 = arith.constant 0 : i32
    %cond3A_223 = arith.cmpi ne, %convert_element_type3A_221, %cond3A_222 : i32
    scf.if %cond3A_223 {
      %add3A_424 = arith.constant 2336 : i32
      %add3A_425 = arith.addi %add3A_424, %add3A : i32
      %mul3A_426 = arith.constant 128 : i32
      %mul3A_427 = arith.muli %add3A_425, %mul3A_426 : i32
      %dma_wait3A = tpu.memref_slice %arg3[%mul3A_427] : memref<320000xi32, #tpu.memory_space<hbm>> -> memref<128xi32, #tpu.memory_space<hbm>>
      %dma_wait3A_428 = tpu.memref_slice %arg3[%mul3A_427] : memref<320000xi32, #tpu.memory_space<hbm>> -> memref<128xi32, #tpu.memory_space<hbm>>
      tpu.wait_dma2 semaphore(%arg23 : memref<!tpu.dma_semaphore, #tpu.memory_space<semaphore_mem>>) src(%dma_wait3A_428 : memref<128xi32, #tpu.memory_space<hbm>>) dst(%arg7 : memref<128xi32, #tpu.memory_space<vmem>>)
      %dma_start3A = arith.constant 0 : i32
      %dma_start3A_429 = arith.constant 0 : i32
      %dma_start3A_430 = tpu.memref_slice %arg2[%dma_start3A, %dma_start3A_429] : memref<10000x128xf32, #tpu.memory_space<hbm>> -> memref<10000x128xf32, #tpu.memory_space<hbm>>
      tpu.enqueue_indirect_dma source(%dma_start3A_430 : memref<10000x128xf32, #tpu.memory_space<hbm>>) target(%arg19 : memref<128x128xf32, #tpu.memory_space<vmem>>) offsets(%arg7 : memref<128xi32, #tpu.memory_space<vmem>>) semaphore(%arg35 : memref<!tpu.dma_semaphore, #tpu.memory_space<semaphore_mem>>)
    } else {
    }
    %add3A_224 = arith.constant 2304 : i32
    %add3A_225 = arith.addi %add3A_224, %add3A : i32
    %lt3A_226 = arith.constant 2500 : i32
    %lt3A_227 = arith.cmpi slt, %add3A_225, %lt3A_226 : i32
    %convert_element_type3A_228 = arith.extui %lt3A_227 : i1 to i32
    %cond3A_229 = arith.constant 0 : i32
    %cond3A_230 = arith.cmpi ne, %convert_element_type3A_228, %cond3A_229 : i32
    scf.if %cond3A_230 {
      %add3A_424 = arith.constant 2304 : i32
      %add3A_425 = arith.addi %add3A_424, %add3A : i32
      %mul3A_426 = arith.constant 128 : i32
      %mul3A_427 = arith.muli %add3A_425, %mul3A_426 : i32
      %dma_wait3A = arith.constant 0 : i32
      %dma_wait3A_428 = arith.constant 0 : i32
      %dma_wait3A_429 = tpu.memref_slice %arg2[%dma_wait3A, %dma_wait3A_428] : memref<10000x128xf32, #tpu.memory_space<hbm>> -> memref<10000x128xf32, #tpu.memory_space<hbm>>
      tpu.wait_indirect_dma semaphore(%arg34 : memref<!tpu.dma_semaphore, #tpu.memory_space<semaphore_mem>>) src(%dma_wait3A_429 : memref<10000x128xf32, #tpu.memory_space<hbm>>) dst(%arg18 : memref<128x128xf32, #tpu.memory_space<vmem>>)
      %dma_wait3A_430 = tpu.memref_slice %arg4[%mul3A_427] : memref<320000xi32, #tpu.memory_space<hbm>> -> memref<128xi32, #tpu.memory_space<hbm>>
      %dma_wait3A_431 = tpu.memref_slice %arg4[%mul3A_427] : memref<320000xi32, #tpu.memory_space<hbm>> -> memref<128xi32, #tpu.memory_space<hbm>>
      tpu.wait_dma2 semaphore(%arg28 : memref<!tpu.dma_semaphore, #tpu.memory_space<semaphore_mem>>) src(%dma_wait3A_431 : memref<128xi32, #tpu.memory_space<hbm>>) dst(%arg12 : memref<128xi32, #tpu.memory_space<vmem>>)
      %dma_start3A = arith.constant 0 : i32
      %dma_start3A_432 = arith.constant 0 : i32
      %dma_start3A_433 = tpu.memref_slice %arg21[%dma_start3A, %dma_start3A_432] : memref<10000x128xf32, #tpu.memory_space<vmem_shared>> -> memref<10000x128xf32, #tpu.memory_space<vmem_shared>>
      tpu.enqueue_indirect_dma source(%arg18 : memref<128x128xf32, #tpu.memory_space<vmem>>) target(%dma_start3A_433 : memref<10000x128xf32, #tpu.memory_space<vmem_shared>>) offsets(%arg12 : memref<128xi32, #tpu.memory_space<vmem>>) semaphore(%arg37 : memref<!tpu.dma_semaphore, #tpu.memory_space<semaphore_mem>>) {add = true}
    } else {
    }
    %add3A_231 = arith.constant 2272 : i32
    %add3A_232 = arith.addi %add3A_231, %add3A : i32
    %lt3A_233 = arith.constant 2500 : i32
    %lt3A_234 = arith.cmpi slt, %add3A_232, %lt3A_233 : i32
    %convert_element_type3A_235 = arith.extui %lt3A_234 : i1 to i32
    %cond3A_236 = arith.constant 0 : i32
    %cond3A_237 = arith.cmpi ne, %convert_element_type3A_235, %cond3A_236 : i32
    scf.if %cond3A_237 {
      %dma_wait3A = arith.constant 0 : i32
      %dma_wait3A_424 = arith.constant 0 : i32
      %dma_wait3A_425 = tpu.memref_slice %arg21[%dma_wait3A, %dma_wait3A_424] : memref<10000x128xf32, #tpu.memory_space<vmem_shared>> -> memref<10000x128xf32, #tpu.memory_space<vmem_shared>>
      tpu.wait_indirect_dma semaphore(%arg39 : memref<!tpu.dma_semaphore, #tpu.memory_space<semaphore_mem>>) src(%arg20 : memref<128x128xf32, #tpu.memory_space<vmem>>) dst(%dma_wait3A_425 : memref<10000x128xf32, #tpu.memory_space<vmem_shared>>)
    } else {
    }
    %add3A_238 = arith.constant 2464 : i32
    %add3A_239 = arith.addi %add3A_238, %add3A : i32
    %lt3A_240 = arith.constant 2500 : i32
    %lt3A_241 = arith.cmpi slt, %add3A_239, %lt3A_240 : i32
    %convert_element_type3A_242 = arith.extui %lt3A_241 : i1 to i32
    %cond3A_243 = arith.constant 0 : i32
    %cond3A_244 = arith.cmpi ne, %convert_element_type3A_242, %cond3A_243 : i32
    scf.if %cond3A_244 {
      %add3A_424 = arith.constant 2464 : i32
      %add3A_425 = arith.addi %add3A_424, %add3A : i32
      %mul3A_426 = arith.constant 128 : i32
      %mul3A_427 = arith.muli %add3A_425, %mul3A_426 : i32
      %dma_start3A = tpu.memref_slice %arg3[%mul3A_427] : memref<320000xi32, #tpu.memory_space<hbm>> -> memref<128xi32, #tpu.memory_space<hbm>>
      %dma_start3A_428 = tpu.memref_slice %arg3[%mul3A_427] : memref<320000xi32, #tpu.memory_space<hbm>> -> memref<128xi32, #tpu.memory_space<hbm>>
      tpu.enqueue_dma source(%dma_start3A_428 : memref<128xi32, #tpu.memory_space<hbm>>) target(%arg11 : memref<128xi32, #tpu.memory_space<vmem>>) target_semaphore(%arg27 : memref<!tpu.dma_semaphore, #tpu.memory_space<semaphore_mem>>)
      %dma_start3A_429 = tpu.memref_slice %arg4[%mul3A_427] : memref<320000xi32, #tpu.memory_space<hbm>> -> memref<128xi32, #tpu.memory_space<hbm>>
      %dma_start3A_430 = tpu.memref_slice %arg4[%mul3A_427] : memref<320000xi32, #tpu.memory_space<hbm>> -> memref<128xi32, #tpu.memory_space<hbm>>
      tpu.enqueue_dma source(%dma_start3A_430 : memref<128xi32, #tpu.memory_space<hbm>>) target(%arg17 : memref<128xi32, #tpu.memory_space<vmem>>) target_semaphore(%arg33 : memref<!tpu.dma_semaphore, #tpu.memory_space<semaphore_mem>>)
    } else {
    }
    %add3A_245 = arith.constant 2368 : i32
    %add3A_246 = arith.addi %add3A_245, %add3A : i32
    %lt3A_247 = arith.constant 2500 : i32
    %lt3A_248 = arith.cmpi slt, %add3A_246, %lt3A_247 : i32
    %convert_element_type3A_249 = arith.extui %lt3A_248 : i1 to i32
    %cond3A_250 = arith.constant 0 : i32
    %cond3A_251 = arith.cmpi ne, %convert_element_type3A_249, %cond3A_250 : i32
    scf.if %cond3A_251 {
      %add3A_424 = arith.constant 2368 : i32
      %add3A_425 = arith.addi %add3A_424, %add3A : i32
      %mul3A_426 = arith.constant 128 : i32
      %mul3A_427 = arith.muli %add3A_425, %mul3A_426 : i32
      %dma_wait3A = tpu.memref_slice %arg3[%mul3A_427] : memref<320000xi32, #tpu.memory_space<hbm>> -> memref<128xi32, #tpu.memory_space<hbm>>
      %dma_wait3A_428 = tpu.memref_slice %arg3[%mul3A_427] : memref<320000xi32, #tpu.memory_space<hbm>> -> memref<128xi32, #tpu.memory_space<hbm>>
      tpu.wait_dma2 semaphore(%arg24 : memref<!tpu.dma_semaphore, #tpu.memory_space<semaphore_mem>>) src(%dma_wait3A_428 : memref<128xi32, #tpu.memory_space<hbm>>) dst(%arg8 : memref<128xi32, #tpu.memory_space<vmem>>)
      %dma_start3A = arith.constant 0 : i32
      %dma_start3A_429 = arith.constant 0 : i32
      %dma_start3A_430 = tpu.memref_slice %arg2[%dma_start3A, %dma_start3A_429] : memref<10000x128xf32, #tpu.memory_space<hbm>> -> memref<10000x128xf32, #tpu.memory_space<hbm>>
      tpu.enqueue_indirect_dma source(%dma_start3A_430 : memref<10000x128xf32, #tpu.memory_space<hbm>>) target(%arg20 : memref<128x128xf32, #tpu.memory_space<vmem>>) offsets(%arg8 : memref<128xi32, #tpu.memory_space<vmem>>) semaphore(%arg36 : memref<!tpu.dma_semaphore, #tpu.memory_space<semaphore_mem>>)
    } else {
    }
    %add3A_252 = arith.constant 2336 : i32
    %add3A_253 = arith.addi %add3A_252, %add3A : i32
    %lt3A_254 = arith.constant 2500 : i32
    %lt3A_255 = arith.cmpi slt, %add3A_253, %lt3A_254 : i32
    %convert_element_type3A_256 = arith.extui %lt3A_255 : i1 to i32
    %cond3A_257 = arith.constant 0 : i32
    %cond3A_258 = arith.cmpi ne, %convert_element_type3A_256, %cond3A_257 : i32
    scf.if %cond3A_258 {
      %add3A_424 = arith.constant 2336 : i32
      %add3A_425 = arith.addi %add3A_424, %add3A : i32
      %mul3A_426 = arith.constant 128 : i32
      %mul3A_427 = arith.muli %add3A_425, %mul3A_426 : i32
      %dma_wait3A = arith.constant 0 : i32
      %dma_wait3A_428 = arith.constant 0 : i32
      %dma_wait3A_429 = tpu.memref_slice %arg2[%dma_wait3A, %dma_wait3A_428] : memref<10000x128xf32, #tpu.memory_space<hbm>> -> memref<10000x128xf32, #tpu.memory_space<hbm>>
      tpu.wait_indirect_dma semaphore(%arg35 : memref<!tpu.dma_semaphore, #tpu.memory_space<semaphore_mem>>) src(%dma_wait3A_429 : memref<10000x128xf32, #tpu.memory_space<hbm>>) dst(%arg19 : memref<128x128xf32, #tpu.memory_space<vmem>>)
      %dma_wait3A_430 = tpu.memref_slice %arg4[%mul3A_427] : memref<320000xi32, #tpu.memory_space<hbm>> -> memref<128xi32, #tpu.memory_space<hbm>>
      %dma_wait3A_431 = tpu.memref_slice %arg4[%mul3A_427] : memref<320000xi32, #tpu.memory_space<hbm>> -> memref<128xi32, #tpu.memory_space<hbm>>
      tpu.wait_dma2 semaphore(%arg29 : memref<!tpu.dma_semaphore, #tpu.memory_space<semaphore_mem>>) src(%dma_wait3A_431 : memref<128xi32, #tpu.memory_space<hbm>>) dst(%arg13 : memref<128xi32, #tpu.memory_space<vmem>>)
      %dma_start3A = arith.constant 0 : i32
      %dma_start3A_432 = arith.constant 0 : i32
      %dma_start3A_433 = tpu.memref_slice %arg21[%dma_start3A, %dma_start3A_432] : memref<10000x128xf32, #tpu.memory_space<vmem_shared>> -> memref<10000x128xf32, #tpu.memory_space<vmem_shared>>
      tpu.enqueue_indirect_dma source(%arg19 : memref<128x128xf32, #tpu.memory_space<vmem>>) target(%dma_start3A_433 : memref<10000x128xf32, #tpu.memory_space<vmem_shared>>) offsets(%arg13 : memref<128xi32, #tpu.memory_space<vmem>>) semaphore(%arg38 : memref<!tpu.dma_semaphore, #tpu.memory_space<semaphore_mem>>) {add = true}
    } else {
    }
    %add3A_259 = arith.constant 2304 : i32
    %add3A_260 = arith.addi %add3A_259, %add3A : i32
    %lt3A_261 = arith.constant 2500 : i32
    %lt3A_262 = arith.cmpi slt, %add3A_260, %lt3A_261 : i32
    %convert_element_type3A_263 = arith.extui %lt3A_262 : i1 to i32
    %cond3A_264 = arith.constant 0 : i32
    %cond3A_265 = arith.cmpi ne, %convert_element_type3A_263, %cond3A_264 : i32
    scf.if %cond3A_265 {
      %dma_wait3A = arith.constant 0 : i32
      %dma_wait3A_424 = arith.constant 0 : i32
      %dma_wait3A_425 = tpu.memref_slice %arg21[%dma_wait3A, %dma_wait3A_424] : memref<10000x128xf32, #tpu.memory_space<vmem_shared>> -> memref<10000x128xf32, #tpu.memory_space<vmem_shared>>
      tpu.wait_indirect_dma semaphore(%arg37 : memref<!tpu.dma_semaphore, #tpu.memory_space<semaphore_mem>>) src(%arg18 : memref<128x128xf32, #tpu.memory_space<vmem>>) dst(%dma_wait3A_425 : memref<10000x128xf32, #tpu.memory_space<vmem_shared>>)
    } else {
    }
    %add3A_266 = arith.constant 2496 : i32
    %add3A_267 = arith.addi %add3A_266, %add3A : i32
    %lt3A_268 = arith.constant 2500 : i32
    %lt3A_269 = arith.cmpi slt, %add3A_267, %lt3A_268 : i32
    %convert_element_type3A_270 = arith.extui %lt3A_269 : i1 to i32
    %cond3A_271 = arith.constant 0 : i32
    %cond3A_272 = arith.cmpi ne, %convert_element_type3A_270, %cond3A_271 : i32
    scf.if %cond3A_272 {
      %add3A_424 = arith.constant 2496 : i32
      %add3A_425 = arith.addi %add3A_424, %add3A : i32
      %mul3A_426 = arith.constant 128 : i32
      %mul3A_427 = arith.muli %add3A_425, %mul3A_426 : i32
      %dma_start3A = tpu.memref_slice %arg3[%mul3A_427] : memref<320000xi32, #tpu.memory_space<hbm>> -> memref<128xi32, #tpu.memory_space<hbm>>
      %dma_start3A_428 = tpu.memref_slice %arg3[%mul3A_427] : memref<320000xi32, #tpu.memory_space<hbm>> -> memref<128xi32, #tpu.memory_space<hbm>>
      tpu.enqueue_dma source(%dma_start3A_428 : memref<128xi32, #tpu.memory_space<hbm>>) target(%arg6 : memref<128xi32, #tpu.memory_space<vmem>>) target_semaphore(%arg22 : memref<!tpu.dma_semaphore, #tpu.memory_space<semaphore_mem>>)
      %dma_start3A_429 = tpu.memref_slice %arg4[%mul3A_427] : memref<320000xi32, #tpu.memory_space<hbm>> -> memref<128xi32, #tpu.memory_space<hbm>>
      %dma_start3A_430 = tpu.memref_slice %arg4[%mul3A_427] : memref<320000xi32, #tpu.memory_space<hbm>> -> memref<128xi32, #tpu.memory_space<hbm>>
      tpu.enqueue_dma source(%dma_start3A_430 : memref<128xi32, #tpu.memory_space<hbm>>) target(%arg12 : memref<128xi32, #tpu.memory_space<vmem>>) target_semaphore(%arg28 : memref<!tpu.dma_semaphore, #tpu.memory_space<semaphore_mem>>)
    } else {
    }
    %add3A_273 = arith.constant 2400 : i32
    %add3A_274 = arith.addi %add3A_273, %add3A : i32
    %lt3A_275 = arith.constant 2500 : i32
    %lt3A_276 = arith.cmpi slt, %add3A_274, %lt3A_275 : i32
    %convert_element_type3A_277 = arith.extui %lt3A_276 : i1 to i32
    %cond3A_278 = arith.constant 0 : i32
    %cond3A_279 = arith.cmpi ne, %convert_element_type3A_277, %cond3A_278 : i32
    scf.if %cond3A_279 {
      %add3A_424 = arith.constant 2400 : i32
      %add3A_425 = arith.addi %add3A_424, %add3A : i32
      %mul3A_426 = arith.constant 128 : i32
      %mul3A_427 = arith.muli %add3A_425, %mul3A_426 : i32
      %dma_wait3A = tpu.memref_slice %arg3[%mul3A_427] : memref<320000xi32, #tpu.memory_space<hbm>> -> memref<128xi32, #tpu.memory_space<hbm>>
      %dma_wait3A_428 = tpu.memref_slice %arg3[%mul3A_427] : memref<320000xi32, #tpu.memory_space<hbm>> -> memref<128xi32, #tpu.memory_space<hbm>>
      tpu.wait_dma2 semaphore(%arg25 : memref<!tpu.dma_semaphore, #tpu.memory_space<semaphore_mem>>) src(%dma_wait3A_428 : memref<128xi32, #tpu.memory_space<hbm>>) dst(%arg9 : memref<128xi32, #tpu.memory_space<vmem>>)
      %dma_start3A = arith.constant 0 : i32
      %dma_start3A_429 = arith.constant 0 : i32
      %dma_start3A_430 = tpu.memref_slice %arg2[%dma_start3A, %dma_start3A_429] : memref<10000x128xf32, #tpu.memory_space<hbm>> -> memref<10000x128xf32, #tpu.memory_space<hbm>>
      tpu.enqueue_indirect_dma source(%dma_start3A_430 : memref<10000x128xf32, #tpu.memory_space<hbm>>) target(%arg18 : memref<128x128xf32, #tpu.memory_space<vmem>>) offsets(%arg9 : memref<128xi32, #tpu.memory_space<vmem>>) semaphore(%arg34 : memref<!tpu.dma_semaphore, #tpu.memory_space<semaphore_mem>>)
    } else {
    }
    %add3A_280 = arith.constant 2368 : i32
    %add3A_281 = arith.addi %add3A_280, %add3A : i32
    %lt3A_282 = arith.constant 2500 : i32
    %lt3A_283 = arith.cmpi slt, %add3A_281, %lt3A_282 : i32
    %convert_element_type3A_284 = arith.extui %lt3A_283 : i1 to i32
    %cond3A_285 = arith.constant 0 : i32
    %cond3A_286 = arith.cmpi ne, %convert_element_type3A_284, %cond3A_285 : i32
    scf.if %cond3A_286 {
      %add3A_424 = arith.constant 2368 : i32
      %add3A_425 = arith.addi %add3A_424, %add3A : i32
      %mul3A_426 = arith.constant 128 : i32
      %mul3A_427 = arith.muli %add3A_425, %mul3A_426 : i32
      %dma_wait3A = arith.constant 0 : i32
      %dma_wait3A_428 = arith.constant 0 : i32
      %dma_wait3A_429 = tpu.memref_slice %arg2[%dma_wait3A, %dma_wait3A_428] : memref<10000x128xf32, #tpu.memory_space<hbm>> -> memref<10000x128xf32, #tpu.memory_space<hbm>>
      tpu.wait_indirect_dma semaphore(%arg36 : memref<!tpu.dma_semaphore, #tpu.memory_space<semaphore_mem>>) src(%dma_wait3A_429 : memref<10000x128xf32, #tpu.memory_space<hbm>>) dst(%arg20 : memref<128x128xf32, #tpu.memory_space<vmem>>)
      %dma_wait3A_430 = tpu.memref_slice %arg4[%mul3A_427] : memref<320000xi32, #tpu.memory_space<hbm>> -> memref<128xi32, #tpu.memory_space<hbm>>
      %dma_wait3A_431 = tpu.memref_slice %arg4[%mul3A_427] : memref<320000xi32, #tpu.memory_space<hbm>> -> memref<128xi32, #tpu.memory_space<hbm>>
      tpu.wait_dma2 semaphore(%arg30 : memref<!tpu.dma_semaphore, #tpu.memory_space<semaphore_mem>>) src(%dma_wait3A_431 : memref<128xi32, #tpu.memory_space<hbm>>) dst(%arg14 : memref<128xi32, #tpu.memory_space<vmem>>)
      %dma_start3A = arith.constant 0 : i32
      %dma_start3A_432 = arith.constant 0 : i32
      %dma_start3A_433 = tpu.memref_slice %arg21[%dma_start3A, %dma_start3A_432] : memref<10000x128xf32, #tpu.memory_space<vmem_shared>> -> memref<10000x128xf32, #tpu.memory_space<vmem_shared>>
      tpu.enqueue_indirect_dma source(%arg20 : memref<128x128xf32, #tpu.memory_space<vmem>>) target(%dma_start3A_433 : memref<10000x128xf32, #tpu.memory_space<vmem_shared>>) offsets(%arg14 : memref<128xi32, #tpu.memory_space<vmem>>) semaphore(%arg39 : memref<!tpu.dma_semaphore, #tpu.memory_space<semaphore_mem>>) {add = true}
    } else {
    }
    %add3A_287 = arith.constant 2336 : i32
    %add3A_288 = arith.addi %add3A_287, %add3A : i32
    %lt3A_289 = arith.constant 2500 : i32
    %lt3A_290 = arith.cmpi slt, %add3A_288, %lt3A_289 : i32
    %convert_element_type3A_291 = arith.extui %lt3A_290 : i1 to i32
    %cond3A_292 = arith.constant 0 : i32
    %cond3A_293 = arith.cmpi ne, %convert_element_type3A_291, %cond3A_292 : i32
    scf.if %cond3A_293 {
      %dma_wait3A = arith.constant 0 : i32
      %dma_wait3A_424 = arith.constant 0 : i32
      %dma_wait3A_425 = tpu.memref_slice %arg21[%dma_wait3A, %dma_wait3A_424] : memref<10000x128xf32, #tpu.memory_space<vmem_shared>> -> memref<10000x128xf32, #tpu.memory_space<vmem_shared>>
      tpu.wait_indirect_dma semaphore(%arg38 : memref<!tpu.dma_semaphore, #tpu.memory_space<semaphore_mem>>) src(%arg19 : memref<128x128xf32, #tpu.memory_space<vmem>>) dst(%dma_wait3A_425 : memref<10000x128xf32, #tpu.memory_space<vmem_shared>>)
    } else {
    }
    %add3A_294 = arith.constant 2528 : i32
    %add3A_295 = arith.addi %add3A_294, %add3A : i32
    %lt3A_296 = arith.constant 2500 : i32
    %lt3A_297 = arith.cmpi slt, %add3A_295, %lt3A_296 : i32
    %convert_element_type3A_298 = arith.extui %lt3A_297 : i1 to i32
    %cond3A_299 = arith.constant 0 : i32
    %cond3A_300 = arith.cmpi ne, %convert_element_type3A_298, %cond3A_299 : i32
    scf.if %cond3A_300 {
      %add3A_424 = arith.constant 2528 : i32
      %add3A_425 = arith.addi %add3A_424, %add3A : i32
      %mul3A_426 = arith.constant 128 : i32
      %mul3A_427 = arith.muli %add3A_425, %mul3A_426 : i32
      %dma_start3A = tpu.memref_slice %arg3[%mul3A_427] : memref<320000xi32, #tpu.memory_space<hbm>> -> memref<128xi32, #tpu.memory_space<hbm>>
      %dma_start3A_428 = tpu.memref_slice %arg3[%mul3A_427] : memref<320000xi32, #tpu.memory_space<hbm>> -> memref<128xi32, #tpu.memory_space<hbm>>
      tpu.enqueue_dma source(%dma_start3A_428 : memref<128xi32, #tpu.memory_space<hbm>>) target(%arg7 : memref<128xi32, #tpu.memory_space<vmem>>) target_semaphore(%arg23 : memref<!tpu.dma_semaphore, #tpu.memory_space<semaphore_mem>>)
      %dma_start3A_429 = tpu.memref_slice %arg4[%mul3A_427] : memref<320000xi32, #tpu.memory_space<hbm>> -> memref<128xi32, #tpu.memory_space<hbm>>
      %dma_start3A_430 = tpu.memref_slice %arg4[%mul3A_427] : memref<320000xi32, #tpu.memory_space<hbm>> -> memref<128xi32, #tpu.memory_space<hbm>>
      tpu.enqueue_dma source(%dma_start3A_430 : memref<128xi32, #tpu.memory_space<hbm>>) target(%arg13 : memref<128xi32, #tpu.memory_space<vmem>>) target_semaphore(%arg29 : memref<!tpu.dma_semaphore, #tpu.memory_space<semaphore_mem>>)
    } else {
    }
    %add3A_301 = arith.constant 2432 : i32
    %add3A_302 = arith.addi %add3A_301, %add3A : i32
    %lt3A_303 = arith.constant 2500 : i32
    %lt3A_304 = arith.cmpi slt, %add3A_302, %lt3A_303 : i32
    %convert_element_type3A_305 = arith.extui %lt3A_304 : i1 to i32
    %cond3A_306 = arith.constant 0 : i32
    %cond3A_307 = arith.cmpi ne, %convert_element_type3A_305, %cond3A_306 : i32
    scf.if %cond3A_307 {
      %add3A_424 = arith.constant 2432 : i32
      %add3A_425 = arith.addi %add3A_424, %add3A : i32
      %mul3A_426 = arith.constant 128 : i32
      %mul3A_427 = arith.muli %add3A_425, %mul3A_426 : i32
      %dma_wait3A = tpu.memref_slice %arg3[%mul3A_427] : memref<320000xi32, #tpu.memory_space<hbm>> -> memref<128xi32, #tpu.memory_space<hbm>>
      %dma_wait3A_428 = tpu.memref_slice %arg3[%mul3A_427] : memref<320000xi32, #tpu.memory_space<hbm>> -> memref<128xi32, #tpu.memory_space<hbm>>
      tpu.wait_dma2 semaphore(%arg26 : memref<!tpu.dma_semaphore, #tpu.memory_space<semaphore_mem>>) src(%dma_wait3A_428 : memref<128xi32, #tpu.memory_space<hbm>>) dst(%arg10 : memref<128xi32, #tpu.memory_space<vmem>>)
      %dma_start3A = arith.constant 0 : i32
      %dma_start3A_429 = arith.constant 0 : i32
      %dma_start3A_430 = tpu.memref_slice %arg2[%dma_start3A, %dma_start3A_429] : memref<10000x128xf32, #tpu.memory_space<hbm>> -> memref<10000x128xf32, #tpu.memory_space<hbm>>
      tpu.enqueue_indirect_dma source(%dma_start3A_430 : memref<10000x128xf32, #tpu.memory_space<hbm>>) target(%arg19 : memref<128x128xf32, #tpu.memory_space<vmem>>) offsets(%arg10 : memref<128xi32, #tpu.memory_space<vmem>>) semaphore(%arg35 : memref<!tpu.dma_semaphore, #tpu.memory_space<semaphore_mem>>)
    } else {
    }
    %add3A_308 = arith.constant 2400 : i32
    %add3A_309 = arith.addi %add3A_308, %add3A : i32
    %lt3A_310 = arith.constant 2500 : i32
    %lt3A_311 = arith.cmpi slt, %add3A_309, %lt3A_310 : i32
    %convert_element_type3A_312 = arith.extui %lt3A_311 : i1 to i32
    %cond3A_313 = arith.constant 0 : i32
    %cond3A_314 = arith.cmpi ne, %convert_element_type3A_312, %cond3A_313 : i32
    scf.if %cond3A_314 {
      %add3A_424 = arith.constant 2400 : i32
      %add3A_425 = arith.addi %add3A_424, %add3A : i32
      %mul3A_426 = arith.constant 128 : i32
      %mul3A_427 = arith.muli %add3A_425, %mul3A_426 : i32
      %dma_wait3A = arith.constant 0 : i32
      %dma_wait3A_428 = arith.constant 0 : i32
      %dma_wait3A_429 = tpu.memref_slice %arg2[%dma_wait3A, %dma_wait3A_428] : memref<10000x128xf32, #tpu.memory_space<hbm>> -> memref<10000x128xf32, #tpu.memory_space<hbm>>
      tpu.wait_indirect_dma semaphore(%arg34 : memref<!tpu.dma_semaphore, #tpu.memory_space<semaphore_mem>>) src(%dma_wait3A_429 : memref<10000x128xf32, #tpu.memory_space<hbm>>) dst(%arg18 : memref<128x128xf32, #tpu.memory_space<vmem>>)
      %dma_wait3A_430 = tpu.memref_slice %arg4[%mul3A_427] : memref<320000xi32, #tpu.memory_space<hbm>> -> memref<128xi32, #tpu.memory_space<hbm>>
      %dma_wait3A_431 = tpu.memref_slice %arg4[%mul3A_427] : memref<320000xi32, #tpu.memory_space<hbm>> -> memref<128xi32, #tpu.memory_space<hbm>>
      tpu.wait_dma2 semaphore(%arg31 : memref<!tpu.dma_semaphore, #tpu.memory_space<semaphore_mem>>) src(%dma_wait3A_431 : memref<128xi32, #tpu.memory_space<hbm>>) dst(%arg15 : memref<128xi32, #tpu.memory_space<vmem>>)
      %dma_start3A = arith.constant 0 : i32
      %dma_start3A_432 = arith.constant 0 : i32
      %dma_start3A_433 = tpu.memref_slice %arg21[%dma_start3A, %dma_start3A_432] : memref<10000x128xf32, #tpu.memory_space<vmem_shared>> -> memref<10000x128xf32, #tpu.memory_space<vmem_shared>>
      tpu.enqueue_indirect_dma source(%arg18 : memref<128x128xf32, #tpu.memory_space<vmem>>) target(%dma_start3A_433 : memref<10000x128xf32, #tpu.memory_space<vmem_shared>>) offsets(%arg15 : memref<128xi32, #tpu.memory_space<vmem>>) semaphore(%arg37 : memref<!tpu.dma_semaphore, #tpu.memory_space<semaphore_mem>>) {add = true}
    } else {
    }
    %add3A_315 = arith.constant 2368 : i32
    %add3A_316 = arith.addi %add3A_315, %add3A : i32
    %lt3A_317 = arith.constant 2500 : i32
    %lt3A_318 = arith.cmpi slt, %add3A_316, %lt3A_317 : i32
    %convert_element_type3A_319 = arith.extui %lt3A_318 : i1 to i32
    %cond3A_320 = arith.constant 0 : i32
    %cond3A_321 = arith.cmpi ne, %convert_element_type3A_319, %cond3A_320 : i32
    scf.if %cond3A_321 {
      %dma_wait3A = arith.constant 0 : i32
      %dma_wait3A_424 = arith.constant 0 : i32
      %dma_wait3A_425 = tpu.memref_slice %arg21[%dma_wait3A, %dma_wait3A_424] : memref<10000x128xf32, #tpu.memory_space<vmem_shared>> -> memref<10000x128xf32, #tpu.memory_space<vmem_shared>>
      tpu.wait_indirect_dma semaphore(%arg39 : memref<!tpu.dma_semaphore, #tpu.memory_space<semaphore_mem>>) src(%arg20 : memref<128x128xf32, #tpu.memory_space<vmem>>) dst(%dma_wait3A_425 : memref<10000x128xf32, #tpu.memory_space<vmem_shared>>)
    } else {
    }
    %add3A_322 = arith.constant 2560 : i32
    %add3A_323 = arith.addi %add3A_322, %add3A : i32
    %lt3A_324 = arith.constant 2500 : i32
    %lt3A_325 = arith.cmpi slt, %add3A_323, %lt3A_324 : i32
    %convert_element_type3A_326 = arith.extui %lt3A_325 : i1 to i32
    %cond3A_327 = arith.constant 0 : i32
    %cond3A_328 = arith.cmpi ne, %convert_element_type3A_326, %cond3A_327 : i32
    scf.if %cond3A_328 {
      %add3A_424 = arith.constant 2560 : i32
      %add3A_425 = arith.addi %add3A_424, %add3A : i32
      %mul3A_426 = arith.constant 128 : i32
      %mul3A_427 = arith.muli %add3A_425, %mul3A_426 : i32
      %dma_start3A = tpu.memref_slice %arg3[%mul3A_427] : memref<320000xi32, #tpu.memory_space<hbm>> -> memref<128xi32, #tpu.memory_space<hbm>>
      %dma_start3A_428 = tpu.memref_slice %arg3[%mul3A_427] : memref<320000xi32, #tpu.memory_space<hbm>> -> memref<128xi32, #tpu.memory_space<hbm>>
      tpu.enqueue_dma source(%dma_start3A_428 : memref<128xi32, #tpu.memory_space<hbm>>) target(%arg8 : memref<128xi32, #tpu.memory_space<vmem>>) target_semaphore(%arg24 : memref<!tpu.dma_semaphore, #tpu.memory_space<semaphore_mem>>)
      %dma_start3A_429 = tpu.memref_slice %arg4[%mul3A_427] : memref<320000xi32, #tpu.memory_space<hbm>> -> memref<128xi32, #tpu.memory_space<hbm>>
      %dma_start3A_430 = tpu.memref_slice %arg4[%mul3A_427] : memref<320000xi32, #tpu.memory_space<hbm>> -> memref<128xi32, #tpu.memory_space<hbm>>
      tpu.enqueue_dma source(%dma_start3A_430 : memref<128xi32, #tpu.memory_space<hbm>>) target(%arg14 : memref<128xi32, #tpu.memory_space<vmem>>) target_semaphore(%arg30 : memref<!tpu.dma_semaphore, #tpu.memory_space<semaphore_mem>>)
    } else {
    }
    %add3A_329 = arith.constant 2464 : i32
    %add3A_330 = arith.addi %add3A_329, %add3A : i32
    %lt3A_331 = arith.constant 2500 : i32
    %lt3A_332 = arith.cmpi slt, %add3A_330, %lt3A_331 : i32
    %convert_element_type3A_333 = arith.extui %lt3A_332 : i1 to i32
    %cond3A_334 = arith.constant 0 : i32
    %cond3A_335 = arith.cmpi ne, %convert_element_type3A_333, %cond3A_334 : i32
    scf.if %cond3A_335 {
      %add3A_424 = arith.constant 2464 : i32
      %add3A_425 = arith.addi %add3A_424, %add3A : i32
      %mul3A_426 = arith.constant 128 : i32
      %mul3A_427 = arith.muli %add3A_425, %mul3A_426 : i32
      %dma_wait3A = tpu.memref_slice %arg3[%mul3A_427] : memref<320000xi32, #tpu.memory_space<hbm>> -> memref<128xi32, #tpu.memory_space<hbm>>
      %dma_wait3A_428 = tpu.memref_slice %arg3[%mul3A_427] : memref<320000xi32, #tpu.memory_space<hbm>> -> memref<128xi32, #tpu.memory_space<hbm>>
      tpu.wait_dma2 semaphore(%arg27 : memref<!tpu.dma_semaphore, #tpu.memory_space<semaphore_mem>>) src(%dma_wait3A_428 : memref<128xi32, #tpu.memory_space<hbm>>) dst(%arg11 : memref<128xi32, #tpu.memory_space<vmem>>)
      %dma_start3A = arith.constant 0 : i32
      %dma_start3A_429 = arith.constant 0 : i32
      %dma_start3A_430 = tpu.memref_slice %arg2[%dma_start3A, %dma_start3A_429] : memref<10000x128xf32, #tpu.memory_space<hbm>> -> memref<10000x128xf32, #tpu.memory_space<hbm>>
      tpu.enqueue_indirect_dma source(%dma_start3A_430 : memref<10000x128xf32, #tpu.memory_space<hbm>>) target(%arg20 : memref<128x128xf32, #tpu.memory_space<vmem>>) offsets(%arg11 : memref<128xi32, #tpu.memory_space<vmem>>) semaphore(%arg36 : memref<!tpu.dma_semaphore, #tpu.memory_space<semaphore_mem>>)
    } else {
    }
    %add3A_336 = arith.constant 2432 : i32
    %add3A_337 = arith.addi %add3A_336, %add3A : i32
    %lt3A_338 = arith.constant 2500 : i32
    %lt3A_339 = arith.cmpi slt, %add3A_337, %lt3A_338 : i32
    %convert_element_type3A_340 = arith.extui %lt3A_339 : i1 to i32
    %cond3A_341 = arith.constant 0 : i32
    %cond3A_342 = arith.cmpi ne, %convert_element_type3A_340, %cond3A_341 : i32
    scf.if %cond3A_342 {
      %add3A_424 = arith.constant 2432 : i32
      %add3A_425 = arith.addi %add3A_424, %add3A : i32
      %mul3A_426 = arith.constant 128 : i32
      %mul3A_427 = arith.muli %add3A_425, %mul3A_426 : i32
      %dma_wait3A = arith.constant 0 : i32
      %dma_wait3A_428 = arith.constant 0 : i32
      %dma_wait3A_429 = tpu.memref_slice %arg2[%dma_wait3A, %dma_wait3A_428] : memref<10000x128xf32, #tpu.memory_space<hbm>> -> memref<10000x128xf32, #tpu.memory_space<hbm>>
      tpu.wait_indirect_dma semaphore(%arg35 : memref<!tpu.dma_semaphore, #tpu.memory_space<semaphore_mem>>) src(%dma_wait3A_429 : memref<10000x128xf32, #tpu.memory_space<hbm>>) dst(%arg19 : memref<128x128xf32, #tpu.memory_space<vmem>>)
      %dma_wait3A_430 = tpu.memref_slice %arg4[%mul3A_427] : memref<320000xi32, #tpu.memory_space<hbm>> -> memref<128xi32, #tpu.memory_space<hbm>>
      %dma_wait3A_431 = tpu.memref_slice %arg4[%mul3A_427] : memref<320000xi32, #tpu.memory_space<hbm>> -> memref<128xi32, #tpu.memory_space<hbm>>
      tpu.wait_dma2 semaphore(%arg32 : memref<!tpu.dma_semaphore, #tpu.memory_space<semaphore_mem>>) src(%dma_wait3A_431 : memref<128xi32, #tpu.memory_space<hbm>>) dst(%arg16 : memref<128xi32, #tpu.memory_space<vmem>>)
      %dma_start3A = arith.constant 0 : i32
      %dma_start3A_432 = arith.constant 0 : i32
      %dma_start3A_433 = tpu.memref_slice %arg21[%dma_start3A, %dma_start3A_432] : memref<10000x128xf32, #tpu.memory_space<vmem_shared>> -> memref<10000x128xf32, #tpu.memory_space<vmem_shared>>
      tpu.enqueue_indirect_dma source(%arg19 : memref<128x128xf32, #tpu.memory_space<vmem>>) target(%dma_start3A_433 : memref<10000x128xf32, #tpu.memory_space<vmem_shared>>) offsets(%arg16 : memref<128xi32, #tpu.memory_space<vmem>>) semaphore(%arg38 : memref<!tpu.dma_semaphore, #tpu.memory_space<semaphore_mem>>) {add = true}
    } else {
    }
    %add3A_343 = arith.constant 2400 : i32
    %add3A_344 = arith.addi %add3A_343, %add3A : i32
    %lt3A_345 = arith.constant 2500 : i32
    %lt3A_346 = arith.cmpi slt, %add3A_344, %lt3A_345 : i32
    %convert_element_type3A_347 = arith.extui %lt3A_346 : i1 to i32
    %cond3A_348 = arith.constant 0 : i32
    %cond3A_349 = arith.cmpi ne, %convert_element_type3A_347, %cond3A_348 : i32
    scf.if %cond3A_349 {
      %dma_wait3A = arith.constant 0 : i32
      %dma_wait3A_424 = arith.constant 0 : i32
      %dma_wait3A_425 = tpu.memref_slice %arg21[%dma_wait3A, %dma_wait3A_424] : memref<10000x128xf32, #tpu.memory_space<vmem_shared>> -> memref<10000x128xf32, #tpu.memory_space<vmem_shared>>
      tpu.wait_indirect_dma semaphore(%arg37 : memref<!tpu.dma_semaphore, #tpu.memory_space<semaphore_mem>>) src(%arg18 : memref<128x128xf32, #tpu.memory_space<vmem>>) dst(%dma_wait3A_425 : memref<10000x128xf32, #tpu.memory_space<vmem_shared>>)
    } else {
    }
    %add3A_350 = arith.constant 2592 : i32
    %add3A_351 = arith.addi %add3A_350, %add3A : i32
    %lt3A_352 = arith.constant 2500 : i32
    %lt3A_353 = arith.cmpi slt, %add3A_351, %lt3A_352 : i32
    %convert_element_type3A_354 = arith.extui %lt3A_353 : i1 to i32
    %cond3A_355 = arith.constant 0 : i32
    %cond3A_356 = arith.cmpi ne, %convert_element_type3A_354, %cond3A_355 : i32
    scf.if %cond3A_356 {
      %add3A_424 = arith.constant 2592 : i32
      %add3A_425 = arith.addi %add3A_424, %add3A : i32
      %mul3A_426 = arith.constant 128 : i32
      %mul3A_427 = arith.muli %add3A_425, %mul3A_426 : i32
      %dma_start3A = tpu.memref_slice %arg3[%mul3A_427] : memref<320000xi32, #tpu.memory_space<hbm>> -> memref<128xi32, #tpu.memory_space<hbm>>
      %dma_start3A_428 = tpu.memref_slice %arg3[%mul3A_427] : memref<320000xi32, #tpu.memory_space<hbm>> -> memref<128xi32, #tpu.memory_space<hbm>>
      tpu.enqueue_dma source(%dma_start3A_428 : memref<128xi32, #tpu.memory_space<hbm>>) target(%arg9 : memref<128xi32, #tpu.memory_space<vmem>>) target_semaphore(%arg25 : memref<!tpu.dma_semaphore, #tpu.memory_space<semaphore_mem>>)
      %dma_start3A_429 = tpu.memref_slice %arg4[%mul3A_427] : memref<320000xi32, #tpu.memory_space<hbm>> -> memref<128xi32, #tpu.memory_space<hbm>>
      %dma_start3A_430 = tpu.memref_slice %arg4[%mul3A_427] : memref<320000xi32, #tpu.memory_space<hbm>> -> memref<128xi32, #tpu.memory_space<hbm>>
      tpu.enqueue_dma source(%dma_start3A_430 : memref<128xi32, #tpu.memory_space<hbm>>) target(%arg15 : memref<128xi32, #tpu.memory_space<vmem>>) target_semaphore(%arg31 : memref<!tpu.dma_semaphore, #tpu.memory_space<semaphore_mem>>)
    } else {
    }
    %add3A_357 = arith.constant 2496 : i32
    %add3A_358 = arith.addi %add3A_357, %add3A : i32
    %lt3A_359 = arith.constant 2500 : i32
    %lt3A_360 = arith.cmpi slt, %add3A_358, %lt3A_359 : i32
    %convert_element_type3A_361 = arith.extui %lt3A_360 : i1 to i32
    %cond3A_362 = arith.constant 0 : i32
    %cond3A_363 = arith.cmpi ne, %convert_element_type3A_361, %cond3A_362 : i32
    scf.if %cond3A_363 {
      %add3A_424 = arith.constant 2496 : i32
      %add3A_425 = arith.addi %add3A_424, %add3A : i32
      %mul3A_426 = arith.constant 128 : i32
      %mul3A_427 = arith.muli %add3A_425, %mul3A_426 : i32
      %dma_wait3A = tpu.memref_slice %arg3[%mul3A_427] : memref<320000xi32, #tpu.memory_space<hbm>> -> memref<128xi32, #tpu.memory_space<hbm>>
      %dma_wait3A_428 = tpu.memref_slice %arg3[%mul3A_427] : memref<320000xi32, #tpu.memory_space<hbm>> -> memref<128xi32, #tpu.memory_space<hbm>>
      tpu.wait_dma2 semaphore(%arg22 : memref<!tpu.dma_semaphore, #tpu.memory_space<semaphore_mem>>) src(%dma_wait3A_428 : memref<128xi32, #tpu.memory_space<hbm>>) dst(%arg6 : memref<128xi32, #tpu.memory_space<vmem>>)
      %dma_start3A = arith.constant 0 : i32
      %dma_start3A_429 = arith.constant 0 : i32
      %dma_start3A_430 = tpu.memref_slice %arg2[%dma_start3A, %dma_start3A_429] : memref<10000x128xf32, #tpu.memory_space<hbm>> -> memref<10000x128xf32, #tpu.memory_space<hbm>>
      tpu.enqueue_indirect_dma source(%dma_start3A_430 : memref<10000x128xf32, #tpu.memory_space<hbm>>) target(%arg18 : memref<128x128xf32, #tpu.memory_space<vmem>>) offsets(%arg6 : memref<128xi32, #tpu.memory_space<vmem>>) semaphore(%arg34 : memref<!tpu.dma_semaphore, #tpu.memory_space<semaphore_mem>>)
    } else {
    }
    %add3A_364 = arith.constant 2464 : i32
    %add3A_365 = arith.addi %add3A_364, %add3A : i32
    %lt3A_366 = arith.constant 2500 : i32
    %lt3A_367 = arith.cmpi slt, %add3A_365, %lt3A_366 : i32
    %convert_element_type3A_368 = arith.extui %lt3A_367 : i1 to i32
    %cond3A_369 = arith.constant 0 : i32
    %cond3A_370 = arith.cmpi ne, %convert_element_type3A_368, %cond3A_369 : i32
    scf.if %cond3A_370 {
      %add3A_424 = arith.constant 2464 : i32
      %add3A_425 = arith.addi %add3A_424, %add3A : i32
      %mul3A_426 = arith.constant 128 : i32
      %mul3A_427 = arith.muli %add3A_425, %mul3A_426 : i32
      %dma_wait3A = arith.constant 0 : i32
      %dma_wait3A_428 = arith.constant 0 : i32
      %dma_wait3A_429 = tpu.memref_slice %arg2[%dma_wait3A, %dma_wait3A_428] : memref<10000x128xf32, #tpu.memory_space<hbm>> -> memref<10000x128xf32, #tpu.memory_space<hbm>>
      tpu.wait_indirect_dma semaphore(%arg36 : memref<!tpu.dma_semaphore, #tpu.memory_space<semaphore_mem>>) src(%dma_wait3A_429 : memref<10000x128xf32, #tpu.memory_space<hbm>>) dst(%arg20 : memref<128x128xf32, #tpu.memory_space<vmem>>)
      %dma_wait3A_430 = tpu.memref_slice %arg4[%mul3A_427] : memref<320000xi32, #tpu.memory_space<hbm>> -> memref<128xi32, #tpu.memory_space<hbm>>
      %dma_wait3A_431 = tpu.memref_slice %arg4[%mul3A_427] : memref<320000xi32, #tpu.memory_space<hbm>> -> memref<128xi32, #tpu.memory_space<hbm>>
      tpu.wait_dma2 semaphore(%arg33 : memref<!tpu.dma_semaphore, #tpu.memory_space<semaphore_mem>>) src(%dma_wait3A_431 : memref<128xi32, #tpu.memory_space<hbm>>) dst(%arg17 : memref<128xi32, #tpu.memory_space<vmem>>)
      %dma_start3A = arith.constant 0 : i32
      %dma_start3A_432 = arith.constant 0 : i32
      %dma_start3A_433 = tpu.memref_slice %arg21[%dma_start3A, %dma_start3A_432] : memref<10000x128xf32, #tpu.memory_space<vmem_shared>> -> memref<10000x128xf32, #tpu.memory_space<vmem_shared>>
      tpu.enqueue_indirect_dma source(%arg20 : memref<128x128xf32, #tpu.memory_space<vmem>>) target(%dma_start3A_433 : memref<10000x128xf32, #tpu.memory_space<vmem_shared>>) offsets(%arg17 : memref<128xi32, #tpu.memory_space<vmem>>) semaphore(%arg39 : memref<!tpu.dma_semaphore, #tpu.memory_space<semaphore_mem>>) {add = true}
    } else {
    }
    %add3A_371 = arith.constant 2432 : i32
    %add3A_372 = arith.addi %add3A_371, %add3A : i32
    %lt3A_373 = arith.constant 2500 : i32
    %lt3A_374 = arith.cmpi slt, %add3A_372, %lt3A_373 : i32
    %convert_element_type3A_375 = arith.extui %lt3A_374 : i1 to i32
    %cond3A_376 = arith.constant 0 : i32
    %cond3A_377 = arith.cmpi ne, %convert_element_type3A_375, %cond3A_376 : i32
    scf.if %cond3A_377 {
      %dma_wait3A = arith.constant 0 : i32
      %dma_wait3A_424 = arith.constant 0 : i32
      %dma_wait3A_425 = tpu.memref_slice %arg21[%dma_wait3A, %dma_wait3A_424] : memref<10000x128xf32, #tpu.memory_space<vmem_shared>> -> memref<10000x128xf32, #tpu.memory_space<vmem_shared>>
      tpu.wait_indirect_dma semaphore(%arg38 : memref<!tpu.dma_semaphore, #tpu.memory_space<semaphore_mem>>) src(%arg19 : memref<128x128xf32, #tpu.memory_space<vmem>>) dst(%dma_wait3A_425 : memref<10000x128xf32, #tpu.memory_space<vmem_shared>>)
    } else {
    }
    %add3A_378 = arith.constant 2624 : i32
    %add3A_379 = arith.addi %add3A_378, %add3A : i32
    %lt3A_380 = arith.constant 2500 : i32
    %lt3A_381 = arith.cmpi slt, %add3A_379, %lt3A_380 : i32
    %convert_element_type3A_382 = arith.extui %lt3A_381 : i1 to i32
    %cond3A_383 = arith.constant 0 : i32
    %cond3A_384 = arith.cmpi ne, %convert_element_type3A_382, %cond3A_383 : i32
    scf.if %cond3A_384 {
      %add3A_424 = arith.constant 2624 : i32
      %add3A_425 = arith.addi %add3A_424, %add3A : i32
      %mul3A_426 = arith.constant 128 : i32
      %mul3A_427 = arith.muli %add3A_425, %mul3A_426 : i32
      %dma_start3A = tpu.memref_slice %arg3[%mul3A_427] : memref<320000xi32, #tpu.memory_space<hbm>> -> memref<128xi32, #tpu.memory_space<hbm>>
      %dma_start3A_428 = tpu.memref_slice %arg3[%mul3A_427] : memref<320000xi32, #tpu.memory_space<hbm>> -> memref<128xi32, #tpu.memory_space<hbm>>
      tpu.enqueue_dma source(%dma_start3A_428 : memref<128xi32, #tpu.memory_space<hbm>>) target(%arg10 : memref<128xi32, #tpu.memory_space<vmem>>) target_semaphore(%arg26 : memref<!tpu.dma_semaphore, #tpu.memory_space<semaphore_mem>>)
      %dma_start3A_429 = tpu.memref_slice %arg4[%mul3A_427] : memref<320000xi32, #tpu.memory_space<hbm>> -> memref<128xi32, #tpu.memory_space<hbm>>
      %dma_start3A_430 = tpu.memref_slice %arg4[%mul3A_427] : memref<320000xi32, #tpu.memory_space<hbm>> -> memref<128xi32, #tpu.memory_space<hbm>>
      tpu.enqueue_dma source(%dma_start3A_430 : memref<128xi32, #tpu.memory_space<hbm>>) target(%arg16 : memref<128xi32, #tpu.memory_space<vmem>>) target_semaphore(%arg32 : memref<!tpu.dma_semaphore, #tpu.memory_space<semaphore_mem>>)
    } else {
    }
    %add3A_385 = arith.constant 2528 : i32
    %add3A_386 = arith.addi %add3A_385, %add3A : i32
    %lt3A_387 = arith.constant 2500 : i32
    %lt3A_388 = arith.cmpi slt, %add3A_386, %lt3A_387 : i32
    %convert_element_type3A_389 = arith.extui %lt3A_388 : i1 to i32
    %cond3A_390 = arith.constant 0 : i32
    %cond3A_391 = arith.cmpi ne, %convert_element_type3A_389, %cond3A_390 : i32
    scf.if %cond3A_391 {
      %add3A_424 = arith.constant 2528 : i32
      %add3A_425 = arith.addi %add3A_424, %add3A : i32
      %mul3A_426 = arith.constant 128 : i32
      %mul3A_427 = arith.muli %add3A_425, %mul3A_426 : i32
      %dma_wait3A = tpu.memref_slice %arg3[%mul3A_427] : memref<320000xi32, #tpu.memory_space<hbm>> -> memref<128xi32, #tpu.memory_space<hbm>>
      %dma_wait3A_428 = tpu.memref_slice %arg3[%mul3A_427] : memref<320000xi32, #tpu.memory_space<hbm>> -> memref<128xi32, #tpu.memory_space<hbm>>
      tpu.wait_dma2 semaphore(%arg23 : memref<!tpu.dma_semaphore, #tpu.memory_space<semaphore_mem>>) src(%dma_wait3A_428 : memref<128xi32, #tpu.memory_space<hbm>>) dst(%arg7 : memref<128xi32, #tpu.memory_space<vmem>>)
      %dma_start3A = arith.constant 0 : i32
      %dma_start3A_429 = arith.constant 0 : i32
      %dma_start3A_430 = tpu.memref_slice %arg2[%dma_start3A, %dma_start3A_429] : memref<10000x128xf32, #tpu.memory_space<hbm>> -> memref<10000x128xf32, #tpu.memory_space<hbm>>
      tpu.enqueue_indirect_dma source(%dma_start3A_430 : memref<10000x128xf32, #tpu.memory_space<hbm>>) target(%arg19 : memref<128x128xf32, #tpu.memory_space<vmem>>) offsets(%arg7 : memref<128xi32, #tpu.memory_space<vmem>>) semaphore(%arg35 : memref<!tpu.dma_semaphore, #tpu.memory_space<semaphore_mem>>)
    } else {
    }
    %add3A_392 = arith.constant 2496 : i32
    %add3A_393 = arith.addi %add3A_392, %add3A : i32
    %lt3A_394 = arith.constant 2500 : i32
    %lt3A_395 = arith.cmpi slt, %add3A_393, %lt3A_394 : i32
    %convert_element_type3A_396 = arith.extui %lt3A_395 : i1 to i32
    %cond3A_397 = arith.constant 0 : i32
    %cond3A_398 = arith.cmpi ne, %convert_element_type3A_396, %cond3A_397 : i32
    scf.if %cond3A_398 {
      %add3A_424 = arith.constant 2496 : i32
      %add3A_425 = arith.addi %add3A_424, %add3A : i32
      %mul3A_426 = arith.constant 128 : i32
      %mul3A_427 = arith.muli %add3A_425, %mul3A_426 : i32
      %dma_wait3A = arith.constant 0 : i32
      %dma_wait3A_428 = arith.constant 0 : i32
      %dma_wait3A_429 = tpu.memref_slice %arg2[%dma_wait3A, %dma_wait3A_428] : memref<10000x128xf32, #tpu.memory_space<hbm>> -> memref<10000x128xf32, #tpu.memory_space<hbm>>
      tpu.wait_indirect_dma semaphore(%arg34 : memref<!tpu.dma_semaphore, #tpu.memory_space<semaphore_mem>>) src(%dma_wait3A_429 : memref<10000x128xf32, #tpu.memory_space<hbm>>) dst(%arg18 : memref<128x128xf32, #tpu.memory_space<vmem>>)
      %dma_wait3A_430 = tpu.memref_slice %arg4[%mul3A_427] : memref<320000xi32, #tpu.memory_space<hbm>> -> memref<128xi32, #tpu.memory_space<hbm>>
      %dma_wait3A_431 = tpu.memref_slice %arg4[%mul3A_427] : memref<320000xi32, #tpu.memory_space<hbm>> -> memref<128xi32, #tpu.memory_space<hbm>>
      tpu.wait_dma2 semaphore(%arg28 : memref<!tpu.dma_semaphore, #tpu.memory_space<semaphore_mem>>) src(%dma_wait3A_431 : memref<128xi32, #tpu.memory_space<hbm>>) dst(%arg12 : memref<128xi32, #tpu.memory_space<vmem>>)
      %dma_start3A = arith.constant 0 : i32
      %dma_start3A_432 = arith.constant 0 : i32
      %dma_start3A_433 = tpu.memref_slice %arg21[%dma_start3A, %dma_start3A_432] : memref<10000x128xf32, #tpu.memory_space<vmem_shared>> -> memref<10000x128xf32, #tpu.memory_space<vmem_shared>>
      tpu.enqueue_indirect_dma source(%arg18 : memref<128x128xf32, #tpu.memory_space<vmem>>) target(%dma_start3A_433 : memref<10000x128xf32, #tpu.memory_space<vmem_shared>>) offsets(%arg12 : memref<128xi32, #tpu.memory_space<vmem>>) semaphore(%arg37 : memref<!tpu.dma_semaphore, #tpu.memory_space<semaphore_mem>>) {add = true}
    } else {
    }
    %add3A_399 = arith.constant 2464 : i32
    %add3A_400 = arith.addi %add3A_399, %add3A : i32
    %lt3A_401 = arith.constant 2500 : i32
    %lt3A_402 = arith.cmpi slt, %add3A_400, %lt3A_401 : i32
    %convert_element_type3A_403 = arith.extui %lt3A_402 : i1 to i32
    %cond3A_404 = arith.constant 0 : i32
    %cond3A_405 = arith.cmpi ne, %convert_element_type3A_403, %cond3A_404 : i32
    scf.if %cond3A_405 {
      %dma_wait3A = arith.constant 0 : i32
      %dma_wait3A_424 = arith.constant 0 : i32
      %dma_wait3A_425 = tpu.memref_slice %arg21[%dma_wait3A, %dma_wait3A_424] : memref<10000x128xf32, #tpu.memory_space<vmem_shared>> -> memref<10000x128xf32, #tpu.memory_space<vmem_shared>>
      tpu.wait_indirect_dma semaphore(%arg39 : memref<!tpu.dma_semaphore, #tpu.memory_space<semaphore_mem>>) src(%arg20 : memref<128x128xf32, #tpu.memory_space<vmem>>) dst(%dma_wait3A_425 : memref<10000x128xf32, #tpu.memory_space<vmem_shared>>)
    } else {
    }
    %add3A_406 = arith.constant 2496 : i32
    %add3A_407 = arith.addi %add3A_406, %add3A : i32
    %lt3A_408 = arith.constant 2500 : i32
    %lt3A_409 = arith.cmpi slt, %add3A_407, %lt3A_408 : i32
    %convert_element_type3A_410 = arith.extui %lt3A_409 : i1 to i32
    %cond3A_411 = arith.constant 0 : i32
    %cond3A_412 = arith.cmpi ne, %convert_element_type3A_410, %cond3A_411 : i32
    scf.if %cond3A_412 {
      %dma_wait3A = arith.constant 0 : i32
      %dma_wait3A_424 = arith.constant 0 : i32
      %dma_wait3A_425 = tpu.memref_slice %arg21[%dma_wait3A, %dma_wait3A_424] : memref<10000x128xf32, #tpu.memory_space<vmem_shared>> -> memref<10000x128xf32, #tpu.memory_space<vmem_shared>>
      tpu.wait_indirect_dma semaphore(%arg37 : memref<!tpu.dma_semaphore, #tpu.memory_space<semaphore_mem>>) src(%arg18 : memref<128x128xf32, #tpu.memory_space<vmem>>) dst(%dma_wait3A_425 : memref<10000x128xf32, #tpu.memory_space<vmem_shared>>)
    } else {
    }
    %barrier3A_413 = arith.constant 0 : index
    tpu.barrier barrier_id(%barrier3A_413)
    %lt3A_414 = arith.constant 15 : i32
    %lt3A_415 = arith.cmpi slt, %arg1, %lt3A_414 : i32
    %convert_element_type3A_416 = arith.extui %lt3A_415 : i1 to i32
    %cond3A_417 = arith.constant 0 : i32
    %cond3A_418 = arith.cmpi ne, %convert_element_type3A_416, %cond3A_417 : i32
    scf.if %cond3A_418 {
      "tpu.region"() ({
        %run_scoped3A = tpu.sem_alloc : memref<!tpu.dma_semaphore, #tpu.memory_space<semaphore_mem>>
        %dma_start3A = arith.constant 0 : i32
        %dma_start3A_424 = tpu.memref_slice %arg5[%arg0, %mul3A_2, %dma_start3A] : memref<2x10000x128xf32, #tpu.memory_space<hbm>> -> memref<1x640x128xf32, #tpu.memory_space<hbm>>
        %dma_start3A_425 = tpu.memref_squeeze %dma_start3A_424 : memref<1x640x128xf32, #tpu.memory_space<hbm>> -> memref<640x128xf32, #tpu.memory_space<hbm>>
        %dma_start3A_426 = arith.constant 0 : i32
        %dma_start3A_427 = tpu.memref_slice %arg21[%mul3A_2, %dma_start3A_426] : memref<10000x128xf32, #tpu.memory_space<vmem_shared>> -> memref<640x128xf32, #tpu.memory_space<vmem_shared>>
        tpu.enqueue_dma source(%dma_start3A_427 : memref<640x128xf32, #tpu.memory_space<vmem_shared>>) target(%dma_start3A_425 : memref<640x128xf32, #tpu.memory_space<hbm>>) target_semaphore(%run_scoped3A : memref<!tpu.dma_semaphore, #tpu.memory_space<semaphore_mem>>)
        %dma_wait3A = arith.constant 0 : i32
        %dma_wait3A_428 = tpu.memref_slice %arg5[%arg0, %mul3A_2, %dma_wait3A] : memref<2x10000x128xf32, #tpu.memory_space<hbm>> -> memref<1x640x128xf32, #tpu.memory_space<hbm>>
        %dma_wait3A_429 = tpu.memref_squeeze %dma_wait3A_428 : memref<1x640x128xf32, #tpu.memory_space<hbm>> -> memref<640x128xf32, #tpu.memory_space<hbm>>
        %dma_wait3A_430 = arith.constant 0 : i32
        %dma_wait3A_431 = tpu.memref_slice %arg21[%mul3A_2, %dma_wait3A_430] : memref<10000x128xf32, #tpu.memory_space<vmem_shared>> -> memref<640x128xf32, #tpu.memory_space<vmem_shared>>
        tpu.wait_dma2 semaphore(%run_scoped3A : memref<!tpu.dma_semaphore, #tpu.memory_space<semaphore_mem>>) src(%dma_wait3A_431 : memref<640x128xf32, #tpu.memory_space<vmem_shared>>) dst(%dma_wait3A_429 : memref<640x128xf32, #tpu.memory_space<hbm>>)
        tpu.yield
      }) : () -> ()
    } else {
    }
    %eq3A_419 = arith.constant 15 : i32
    %eq3A_420 = arith.cmpi eq, %arg1, %eq3A_419 : i32
    %convert_element_type3A_421 = arith.extui %eq3A_420 : i1 to i32
    %cond3A_422 = arith.constant 0 : i32
    %cond3A_423 = arith.cmpi ne, %convert_element_type3A_421, %cond3A_422 : i32
    scf.if %cond3A_423 {
      "tpu.region"() ({
        %run_scoped3A = tpu.sem_alloc : memref<!tpu.dma_semaphore, #tpu.memory_space<semaphore_mem>>
        %dma_start3A = arith.constant 0 : i32
        %dma_start3A_424 = tpu.memref_slice %arg5[%arg0, %mul3A_2, %dma_start3A] : memref<2x10000x128xf32, #tpu.memory_space<hbm>> -> memref<1x400x128xf32, #tpu.memory_space<hbm>>
        %dma_start3A_425 = tpu.memref_squeeze %dma_start3A_424 : memref<1x400x128xf32, #tpu.memory_space<hbm>> -> memref<400x128xf32, #tpu.memory_space<hbm>>
        %dma_start3A_426 = arith.constant 0 : i32
        %dma_start3A_427 = tpu.memref_slice %arg21[%mul3A_2, %dma_start3A_426] : memref<10000x128xf32, #tpu.memory_space<vmem_shared>> -> memref<400x128xf32, #tpu.memory_space<vmem_shared>>
        tpu.enqueue_dma source(%dma_start3A_427 : memref<400x128xf32, #tpu.memory_space<vmem_shared>>) target(%dma_start3A_425 : memref<400x128xf32, #tpu.memory_space<hbm>>) target_semaphore(%run_scoped3A : memref<!tpu.dma_semaphore, #tpu.memory_space<semaphore_mem>>)
        %dma_wait3A = arith.constant 0 : i32
        %dma_wait3A_428 = tpu.memref_slice %arg5[%arg0, %mul3A_2, %dma_wait3A] : memref<2x10000x128xf32, #tpu.memory_space<hbm>> -> memref<1x400x128xf32, #tpu.memory_space<hbm>>
        %dma_wait3A_429 = tpu.memref_squeeze %dma_wait3A_428 : memref<1x400x128xf32, #tpu.memory_space<hbm>> -> memref<400x128xf32, #tpu.memory_space<hbm>>
        %dma_wait3A_430 = arith.constant 0 : i32
        %dma_wait3A_431 = tpu.memref_slice %arg21[%mul3A_2, %dma_wait3A_430] : memref<10000x128xf32, #tpu.memory_space<vmem_shared>> -> memref<400x128xf32, #tpu.memory_space<vmem_shared>>
        tpu.wait_dma2 semaphore(%run_scoped3A : memref<!tpu.dma_semaphore, #tpu.memory_space<semaphore_mem>>) src(%dma_wait3A_431 : memref<400x128xf32, #tpu.memory_space<vmem_shared>>) dst(%dma_wait3A_429 : memref<400x128xf32, #tpu.memory_space<hbm>>)
        tpu.yield
      }) : () -> ()
    } else {
    }
    return
  }
}

module attributes {stable_mosaic.version = 14 : i64} {
  func.func @body(%arg0: i32, %arg1: memref<1000x128xf32, #tpu.memory_space<vmem>>, %arg2: memref<2x128xf32, #tpu.memory_space<vmem>>, %arg3: memref<1x128xf32, #tpu.memory_space<vmem>>, %arg4: memref<1x128xf32, #tpu.memory_space<vmem>>, %arg5: memref<1x1x1000xi32, #tpu.memory_space<vmem>>, %arg6: memref<1000x128xf32, #tpu.memory_space<vmem>>, %arg7: memref<512x128xf32, #tpu.memory_space<vmem>>, %arg8: memref<1000x128xf32, #tpu.memory_space<vmem>>) attributes {dimension_semantics = [#tpu.dimension_semantics<arbitrary>], iteration_bounds = array<i64: 10>, scalar_prefetch = 0 : i64, scratch_operands = 0 : i64, tpu.core_type = #tpu.core_type<tc>, window_params = [{transform_indices = @transform_0, window_bounds = array<i64: 1000, 128>}, {pipeline_mode = #tpu.pipeline_mode<synchronous>, transform_indices = @transform_1, window_bounds = array<i64: 2, 128>}, {pipeline_mode = #tpu.pipeline_mode<synchronous>, transform_indices = @transform_2, window_bounds = array<i64: 1, 128>}, {pipeline_mode = #tpu.pipeline_mode<synchronous>, transform_indices = @transform_3, window_bounds = array<i64: 1, 128>}, {transform_indices = @transform_4, window_bounds = array<i64: 1, 1, 1000>}, {transform_indices = @transform_5, window_bounds = array<i64: 1000, 128>}, {transform_indices = @transform_6, window_bounds = array<i64: 512, 128>}, {transform_indices = @transform_7, window_bounds = array<i64: 1000, 128>}]} {
    %get3A = arith.constant 0 : index
    %get3A_0 = arith.constant 0 : index
    %get3A_1 = vector.load %arg2[%get3A, %get3A_0] : memref<2x128xf32, #tpu.memory_space<vmem>>, vector<1x128xf32>
    %mul3A = arith.constant 9.99999974E-5 : f32
    %mul3A_2 = vector.broadcast %mul3A : f32 to vector<1x128xf32>
    %mul3A_3 = arith.mulf %get3A_1, %mul3A_2 : vector<1x128xf32>
    %get3A_4 = arith.constant 1 : index
    %get3A_5 = arith.constant 0 : index
    %get3A_6 = vector.load %arg2[%get3A_4, %get3A_5] : memref<2x128xf32, #tpu.memory_space<vmem>>, vector<1x128xf32>
    %mul3A_7 = arith.constant 9.99999974E-5 : f32
    %mul3A_8 = vector.broadcast %mul3A_7 : f32 to vector<1x128xf32>
    %mul3A_9 = arith.mulf %get3A_6, %mul3A_8 : vector<1x128xf32>
    %mul3A_10 = arith.mulf %mul3A_3, %mul3A_3 : vector<1x128xf32>
    %sub3A = arith.subf %mul3A_9, %mul3A_10 : vector<1x128xf32>
    %max3A = arith.constant 0.000000e+00 : f32
    %max3A_11 = vector.broadcast %max3A : f32 to vector<1x128xf32>
    %max3A_12 = arith.maximumf %sub3A, %max3A_11 : vector<1x128xf32>
    %get3A_13 = arith.constant 0 : index
    %get3A_14 = arith.constant 0 : index
    %get3A_15 = vector.load %arg3[%get3A_13, %get3A_14] : memref<1x128xf32, #tpu.memory_space<vmem>>, vector<1x128xf32>
    %add3A = arith.constant 9.99999974E-6 : f32
    %add3A_16 = vector.broadcast %add3A : f32 to vector<1x128xf32>
    %add3A_17 = arith.addf %max3A_12, %add3A_16 : vector<1x128xf32>
    %rsqrt3A = math.rsqrt %add3A_17 : vector<1x128xf32>
    %mul3A_18 = arith.mulf %get3A_15, %rsqrt3A : vector<1x128xf32>
    %get3A_19 = arith.constant 0 : index
    %get3A_20 = arith.constant 0 : index
    %get3A_21 = vector.load %arg4[%get3A_19, %get3A_20] : memref<1x128xf32, #tpu.memory_space<vmem>>, vector<1x128xf32>
    %mul3A_22 = arith.mulf %mul3A_3, %mul3A_18 : vector<1x128xf32>
    %sub3A_23 = arith.subf %get3A_21, %mul3A_22 : vector<1x128xf32>
    %get3A_24 = arith.constant 0 : index
    %get3A_25 = arith.constant 0 : index
    %get3A_26 = vector.load %arg1[%get3A_24, %get3A_25] : memref<1000x128xf32, #tpu.memory_space<vmem>>, vector<1000x128xf32>
    %mul3A_27 = vector.broadcast %mul3A_18 : vector<1x128xf32> to vector<1000x128xf32>
    %mul3A_28 = arith.mulf %get3A_26, %mul3A_27 : vector<1000x128xf32>
    %add3A_29 = vector.broadcast %sub3A_23 : vector<1x128xf32> to vector<1000x128xf32>
    %add3A_30 = arith.addf %mul3A_28, %add3A_29 : vector<1000x128xf32>
    %swap3A = arith.constant 0 : index
    %swap3A_31 = arith.constant 0 : index
    %swap3A_32 = vector.load %arg6[%swap3A, %swap3A_31] : memref<1000x128xf32, #tpu.memory_space<vmem>>, vector<1000x128xf32>
    tpu.vector_store %arg6[%swap3A, %swap3A_31], %add3A_30 {strides = array<i32>} : memref<1000x128xf32, #tpu.memory_space<vmem>>, vector<1000x128xf32>,
    %get3A_33 = arith.constant 0 : index
    %get3A_34 = arith.constant 0 : index
    %get3A_35 = arith.constant 0 : index
    %get3A_36 = vector.load %arg5[%get3A_33, %get3A_34, %get3A_35] : memref<1x1x1000xi32, #tpu.memory_space<vmem>>, vector<1x1x1000xi32>
    %get3A_37 = vector.shape_cast %get3A_36 : vector<1x1x1000xi32> to vector<1x1000xi32>
    %iota3A = tpu.iota {dimensions = array<i32: 0>} : vector<512x1000xi32>
    %eq3A = vector.broadcast %get3A_37 : vector<1x1000xi32> to vector<512x1000xi32>
    %eq3A_38 = arith.cmpi eq, %iota3A, %eq3A : vector<512x1000xi32>
    %convert_element_type3A = arith.extui %eq3A_38 : vector<512x1000xi1> to vector<512x1000xi32>
    %convert_element_type3A_39 = arith.sitofp %convert_element_type3A : vector<512x1000xi32> to vector<512x1000xf32>
    %eq3A_40 = arith.constant 0 : i32
    %eq3A_41 = arith.cmpi eq, %arg0, %eq3A_40 : i32
    %convert_element_type3A_42 = arith.extui %eq3A_41 : i1 to i32
    %cond3A = arith.constant 0 : i32
    %cond3A_43 = arith.cmpi ne, %convert_element_type3A_42, %cond3A : i32
    scf.if %cond3A_43 {
      %broadcast_in_dim3A = arith.constant 0.000000e+00 : f32
      %broadcast_in_dim3A_55 = vector.broadcast %broadcast_in_dim3A : f32 to vector<512x128xf32>
      %swap3A_56 = arith.constant 0 : index
      %swap3A_57 = arith.constant 0 : index
      %swap3A_58 = vector.load %arg7[%swap3A_56, %swap3A_57] : memref<512x128xf32, #tpu.memory_space<vmem>>, vector<512x128xf32>
      tpu.vector_store %arg7[%swap3A_56, %swap3A_57], %broadcast_in_dim3A_55 {strides = array<i32>} : memref<512x128xf32, #tpu.memory_space<vmem>>, vector<512x128xf32>,
    } else {
    }
    %get3A_44 = arith.constant 0 : index
    %get3A_45 = arith.constant 0 : index
    %get3A_46 = vector.load %arg7[%get3A_44, %get3A_45] : memref<512x128xf32, #tpu.memory_space<vmem>>, vector<512x128xf32>
    %dot_general3A = arith.constant dense<0.000000e+00> : vector<512x128xf32>
    %dot_general3A_47 = tpu.matmul %convert_element_type3A_39, %add3A_30, %dot_general3A {dimension_numbers = #tpu.dot_dimension_numbers<[1], [0], [0], [1], [0, 0, 1, 1], [], []>, transpose_lhs_hint = false} : vector<512x1000xf32>, vector<1000x128xf32>, vector<512x128xf32> -> vector<512x128xf32>
    %add3A_48 = arith.addf %get3A_46, %dot_general3A_47 : vector<512x128xf32>
    %swap3A_49 = arith.constant 0 : index
    %swap3A_50 = arith.constant 0 : index
    %swap3A_51 = vector.load %arg7[%swap3A_49, %swap3A_50] : memref<512x128xf32, #tpu.memory_space<vmem>>, vector<512x128xf32>
    tpu.vector_store %arg7[%swap3A_49, %swap3A_50], %add3A_48 {strides = array<i32>} : memref<512x128xf32, #tpu.memory_space<vmem>>, vector<512x128xf32>,
    %swap3A_52 = arith.constant 0 : index
    %swap3A_53 = arith.constant 0 : index
    %swap3A_54 = vector.load %arg8[%swap3A_52, %swap3A_53] : memref<1000x128xf32, #tpu.memory_space<vmem>>, vector<1000x128xf32>
    tpu.vector_store %arg8[%swap3A_52, %swap3A_53], %add3A_30 {strides = array<i32>} : memref<1000x128xf32, #tpu.memory_space<vmem>>, vector<1000x128xf32>,
    return
  }
  func.func @transform_0(%arg0: i32) -> (i32, i32) {
    %c0_i32 = arith.constant 0 : i32
    %c0_i32_0 = arith.constant 0 : i32
    return %arg0, %c0_i32 : i32, i32
  }
  func.func @transform_1(%arg0: i32) -> (i32, i32) {
    %c0_i32 = arith.constant 0 : i32
    %c0_i32_0 = arith.constant 0 : i32
    %c0_i32_1 = arith.constant 0 : i32
    return %c0_i32, %c0_i32_0 : i32, i32
  }
  func.func @transform_2(%arg0: i32) -> (i32, i32) {
    %c0_i32 = arith.constant 0 : i32
    %c0_i32_0 = arith.constant 0 : i32
    %c0_i32_1 = arith.constant 0 : i32
    return %c0_i32, %c0_i32_0 : i32, i32
  }
  func.func @transform_3(%arg0: i32) -> (i32, i32) {
    %c0_i32 = arith.constant 0 : i32
    %c0_i32_0 = arith.constant 0 : i32
    %c0_i32_1 = arith.constant 0 : i32
    return %c0_i32, %c0_i32_0 : i32, i32
  }
  func.func @transform_4(%arg0: i32) -> (i32, i32, i32) {
    %c0_i32 = arith.constant 0 : i32
    %c0_i32_0 = arith.constant 0 : i32
    %c0_i32_1 = arith.constant 0 : i32
    return %arg0, %c0_i32, %c0_i32_0 : i32, i32, i32
  }
  func.func @transform_5(%arg0: i32) -> (i32, i32) {
    %c0_i32 = arith.constant 0 : i32
    %c0_i32_0 = arith.constant 0 : i32
    return %arg0, %c0_i32 : i32, i32
  }
  func.func @transform_6(%arg0: i32) -> (i32, i32) {
    %c0_i32 = arith.constant 0 : i32
    %c0_i32_0 = arith.constant 0 : i32
    %c0_i32_1 = arith.constant 0 : i32
    return %c0_i32, %c0_i32_0 : i32, i32
  }
  func.func @transform_7(%arg0: i32) -> (i32, i32) {
    %c0_i32 = arith.constant 0 : i32
    %c0_i32_0 = arith.constant 0 : i32
    return %arg0, %c0_i32 : i32, i32
  }
}

module attributes {stable_mosaic.version = 14 : i64} {
  func.func @_mlp_body(%arg0: i32, %arg1: memref<1000x128xf32, #tpu.memory_space<vmem>>, %arg2: memref<2x1000x128xf32, #tpu.memory_space<vmem>>, %arg3: memref<128x128xf32, #tpu.memory_space<vmem>>, %arg4: memref<1x128xf32, #tpu.memory_space<vmem>>, %arg5: memref<128x128xf32, #tpu.memory_space<vmem>>, %arg6: memref<1x128xf32, #tpu.memory_space<vmem>>, %arg7: memref<1000x128xf32, #tpu.memory_space<vmem>>, %arg8: memref<2x128xf32, #tpu.memory_space<vmem>>) attributes {dimension_semantics = [#tpu.dimension_semantics<arbitrary>], iteration_bounds = array<i64: 10>, scalar_prefetch = 0 : i64, scratch_operands = 0 : i64, tpu.core_type = #tpu.core_type<tc>, window_params = [{transform_indices = @transform_0, window_bounds = array<i64: 1000, 128>}, {transform_indices = @transform_1, window_bounds = array<i64: 2, 1000, 128>}, {pipeline_mode = #tpu.pipeline_mode<synchronous>, transform_indices = @transform_2, window_bounds = array<i64: 128, 128>}, {pipeline_mode = #tpu.pipeline_mode<synchronous>, transform_indices = @transform_3, window_bounds = array<i64: 1, 128>}, {pipeline_mode = #tpu.pipeline_mode<synchronous>, transform_indices = @transform_4, window_bounds = array<i64: 128, 128>}, {pipeline_mode = #tpu.pipeline_mode<synchronous>, transform_indices = @transform_5, window_bounds = array<i64: 1, 128>}, {transform_indices = @transform_6, window_bounds = array<i64: 1000, 128>}, {pipeline_mode = #tpu.pipeline_mode<synchronous>, transform_indices = @transform_7, window_bounds = array<i64: 2, 128>}]} {
    %get3A = arith.constant 0 : index
    %get3A_0 = arith.constant 0 : index
    %get3A_1 = arith.constant 0 : index
    %get3A_2 = vector.load %arg2[%get3A, %get3A_0, %get3A_1] : memref<2x1000x128xf32, #tpu.memory_space<vmem>>, vector<1x1000x128xf32>
    %get3A_3 = vector.shape_cast %get3A_2 : vector<1x1000x128xf32> to vector<1000x128xf32>
    %get3A_4 = arith.constant 1 : index
    %get3A_5 = arith.constant 0 : index
    %get3A_6 = arith.constant 0 : index
    %get3A_7 = vector.load %arg2[%get3A_4, %get3A_5, %get3A_6] : memref<2x1000x128xf32, #tpu.memory_space<vmem>>, vector<1x1000x128xf32>
    %get3A_8 = vector.shape_cast %get3A_7 : vector<1x1000x128xf32> to vector<1000x128xf32>
    %add3A = arith.addf %get3A_3, %get3A_8 : vector<1000x128xf32>
    %get3A_9 = arith.constant 0 : index
    %get3A_10 = arith.constant 0 : index
    %get3A_11 = vector.load %arg1[%get3A_9, %get3A_10] : memref<1000x128xf32, #tpu.memory_space<vmem>>, vector<1000x128xf32>
    %sub3A = arith.subf %add3A, %get3A_11 : vector<1000x128xf32>
    %get3A_12 = arith.constant 0 : index
    %get3A_13 = arith.constant 0 : index
    %get3A_14 = vector.load %arg3[%get3A_12, %get3A_13] : memref<128x128xf32, #tpu.memory_space<vmem>>, vector<128x128xf32>
    %dot_general3A = arith.constant dense<0.000000e+00> : vector<1000x128xf32>
    %dot_general3A_15 = tpu.matmul %sub3A, %get3A_14, %dot_general3A {dimension_numbers = #tpu.dot_dimension_numbers<[1], [0], [0], [1], [0, 0, 1, 1], [], []>, transpose_lhs_hint = false} : vector<1000x128xf32>, vector<128x128xf32>, vector<1000x128xf32> -> vector<1000x128xf32>
    %get3A_16 = arith.constant 0 : index
    %get3A_17 = arith.constant 0 : index
    %get3A_18 = vector.load %arg4[%get3A_16, %get3A_17] : memref<1x128xf32, #tpu.memory_space<vmem>>, vector<1x128xf32>
    %add3A_19 = vector.broadcast %get3A_18 : vector<1x128xf32> to vector<1000x128xf32>
    %add3A_20 = arith.addf %dot_general3A_15, %add3A_19 : vector<1000x128xf32>
    %max3A = arith.constant 0.000000e+00 : f32
    %max3A_21 = vector.broadcast %max3A : f32 to vector<1000x128xf32>
    %max3A_22 = arith.maximumf %add3A_20, %max3A_21 : vector<1000x128xf32>
    %get3A_23 = arith.constant 0 : index
    %get3A_24 = arith.constant 0 : index
    %get3A_25 = vector.load %arg5[%get3A_23, %get3A_24] : memref<128x128xf32, #tpu.memory_space<vmem>>, vector<128x128xf32>
    %dot_general3A_26 = arith.constant dense<0.000000e+00> : vector<1000x128xf32>
    %dot_general3A_27 = tpu.matmul %max3A_22, %get3A_25, %dot_general3A_26 {dimension_numbers = #tpu.dot_dimension_numbers<[1], [0], [0], [1], [0, 0, 1, 1], [], []>, transpose_lhs_hint = false} : vector<1000x128xf32>, vector<128x128xf32>, vector<1000x128xf32> -> vector<1000x128xf32>
    %get3A_28 = arith.constant 0 : index
    %get3A_29 = arith.constant 0 : index
    %get3A_30 = vector.load %arg6[%get3A_28, %get3A_29] : memref<1x128xf32, #tpu.memory_space<vmem>>, vector<1x128xf32>
    %add3A_31 = vector.broadcast %get3A_30 : vector<1x128xf32> to vector<1000x128xf32>
    %add3A_32 = arith.addf %dot_general3A_27, %add3A_31 : vector<1000x128xf32>
    %max3A_33 = arith.constant 0.000000e+00 : f32
    %max3A_34 = vector.broadcast %max3A_33 : f32 to vector<1000x128xf32>
    %max3A_35 = arith.maximumf %add3A_32, %max3A_34 : vector<1000x128xf32>
    %swap3A = arith.constant 0 : index
    %swap3A_36 = arith.constant 0 : index
    %swap3A_37 = vector.load %arg7[%swap3A, %swap3A_36] : memref<1000x128xf32, #tpu.memory_space<vmem>>, vector<1000x128xf32>
    tpu.vector_store %arg7[%swap3A, %swap3A_36], %max3A_35 {strides = array<i32>} : memref<1000x128xf32, #tpu.memory_space<vmem>>, vector<1000x128xf32>,
    %eq3A = arith.constant 0 : i32
    %eq3A_38 = arith.cmpi eq, %arg0, %eq3A : i32
    %convert_element_type3A = arith.extui %eq3A_38 : i1 to i32
    %cond3A = arith.constant 0 : i32
    %cond3A_39 = arith.cmpi ne, %convert_element_type3A, %cond3A : i32
    scf.if %cond3A_39 {
      %broadcast_in_dim3A_51 = arith.constant 0.000000e+00 : f32
      %broadcast_in_dim3A_52 = vector.broadcast %broadcast_in_dim3A_51 : f32 to vector<2x128xf32>
      %swap3A_53 = arith.constant 0 : index
      %swap3A_54 = arith.constant 0 : index
      %swap3A_55 = vector.load %arg8[%swap3A_53, %swap3A_54] : memref<2x128xf32, #tpu.memory_space<vmem>>, vector<2x128xf32>
      tpu.vector_store %arg8[%swap3A_53, %swap3A_54], %broadcast_in_dim3A_52 {strides = array<i32>} : memref<2x128xf32, #tpu.memory_space<vmem>>, vector<2x128xf32>,
    } else {
    }
    %get3A_40 = arith.constant 0 : index
    %get3A_41 = arith.constant 0 : index
    %get3A_42 = vector.load %arg8[%get3A_40, %get3A_41] : memref<2x128xf32, #tpu.memory_space<vmem>>, vector<2x128xf32>
    %reduce_sum3A = arith.constant dense<0.000000e+00> : vector<128xf32>
    %reduce_sum3A_43 = vector.multi_reduction <add>, %max3A_35, %reduce_sum3A [0] : vector<1000x128xf32> to vector<128xf32>
    %broadcast_in_dim3A = vector.shape_cast %reduce_sum3A_43 : vector<128xf32> to vector<1x128xf32>
    %mul3A = arith.mulf %max3A_35, %max3A_35 : vector<1000x128xf32>
    %reduce_sum3A_44 = arith.constant dense<0.000000e+00> : vector<128xf32>
    %reduce_sum3A_45 = vector.multi_reduction <add>, %mul3A, %reduce_sum3A_44 [0] : vector<1000x128xf32> to vector<128xf32>
    %broadcast_in_dim3A_46 = vector.shape_cast %reduce_sum3A_45 : vector<128xf32> to vector<1x128xf32>
    %concatenate3A = tpu.concatenate %broadcast_in_dim3A, %broadcast_in_dim3A_46 in 0 : vector<1x128xf32>, vector<1x128xf32> -> vector<2x128xf32>
    %add3A_47 = arith.addf %get3A_42, %concatenate3A : vector<2x128xf32>
    %swap3A_48 = arith.constant 0 : index
    %swap3A_49 = arith.constant 0 : index
    %swap3A_50 = vector.load %arg8[%swap3A_48, %swap3A_49] : memref<2x128xf32, #tpu.memory_space<vmem>>, vector<2x128xf32>
    tpu.vector_store %arg8[%swap3A_48, %swap3A_49], %add3A_47 {strides = array<i32>} : memref<2x128xf32, #tpu.memory_space<vmem>>, vector<2x128xf32>,
    return
  }
  func.func @transform_0(%arg0: i32) -> (i32, i32) {
    %c0_i32 = arith.constant 0 : i32
    %c0_i32_0 = arith.constant 0 : i32
    return %arg0, %c0_i32 : i32, i32
  }
  func.func @transform_1(%arg0: i32) -> (i32, i32, i32) {
    %c0_i32 = arith.constant 0 : i32
    %c0_i32_0 = arith.constant 0 : i32
    %c0_i32_1 = arith.constant 0 : i32
    return %c0_i32, %arg0, %c0_i32_0 : i32, i32, i32
  }
  func.func @transform_2(%arg0: i32) -> (i32, i32) {
    %c0_i32 = arith.constant 0 : i32
    %c0_i32_0 = arith.constant 0 : i32
    %c0_i32_1 = arith.constant 0 : i32
    return %c0_i32, %c0_i32_0 : i32, i32
  }
  func.func @transform_3(%arg0: i32) -> (i32, i32) {
    %c0_i32 = arith.constant 0 : i32
    %c0_i32_0 = arith.constant 0 : i32
    %c0_i32_1 = arith.constant 0 : i32
    return %c0_i32, %c0_i32_0 : i32, i32
  }
  func.func @transform_4(%arg0: i32) -> (i32, i32) {
    %c0_i32 = arith.constant 0 : i32
    %c0_i32_0 = arith.constant 0 : i32
    %c0_i32_1 = arith.constant 0 : i32
    return %c0_i32, %c0_i32_0 : i32, i32
  }
  func.func @transform_5(%arg0: i32) -> (i32, i32) {
    %c0_i32 = arith.constant 0 : i32
    %c0_i32_0 = arith.constant 0 : i32
    %c0_i32_1 = arith.constant 0 : i32
    return %c0_i32, %c0_i32_0 : i32, i32
  }
  func.func @transform_6(%arg0: i32) -> (i32, i32) {
    %c0_i32 = arith.constant 0 : i32
    %c0_i32_0 = arith.constant 0 : i32
    return %arg0, %c0_i32 : i32, i32
  }
  func.func @transform_7(%arg0: i32) -> (i32, i32) {
    %c0_i32 = arith.constant 0 : i32
    %c0_i32_0 = arith.constant 0 : i32
    %c0_i32_1 = arith.constant 0 : i32
    return %c0_i32, %c0_i32_0 : i32, i32
  }
}

module attributes {stable_mosaic.version = 14 : i64} {
  func.func @body(%arg0: i32, %arg1: memref<1000x128xf32, #tpu.memory_space<vmem>>, %arg2: memref<2x128xf32, #tpu.memory_space<vmem>>, %arg3: memref<1x128xf32, #tpu.memory_space<vmem>>, %arg4: memref<1x128xf32, #tpu.memory_space<vmem>>, %arg5: memref<1x1x1000xi32, #tpu.memory_space<vmem>>, %arg6: memref<8x128xf32, #tpu.memory_space<vmem>>, %arg7: memref<8x128xf32, #tpu.memory_space<vmem>>, %arg8: memref<1000x128xf32, #tpu.memory_space<vmem>>, %arg9: memref<512x128xf32, #tpu.memory_space<vmem>>) attributes {dimension_semantics = [#tpu.dimension_semantics<arbitrary>], iteration_bounds = array<i64: 10>, scalar_prefetch = 0 : i64, scratch_operands = 0 : i64, tpu.core_type = #tpu.core_type<tc>, window_params = [{transform_indices = @transform_0, window_bounds = array<i64: 1000, 128>}, {pipeline_mode = #tpu.pipeline_mode<synchronous>, transform_indices = @transform_1, window_bounds = array<i64: 2, 128>}, {pipeline_mode = #tpu.pipeline_mode<synchronous>, transform_indices = @transform_2, window_bounds = array<i64: 1, 128>}, {pipeline_mode = #tpu.pipeline_mode<synchronous>, transform_indices = @transform_3, window_bounds = array<i64: 1, 128>}, {transform_indices = @transform_4, window_bounds = array<i64: 1, 1, 1000>}, {transform_indices = @transform_5, window_bounds = array<i64: 8, 128>}, {transform_indices = @transform_6, window_bounds = array<i64: 8, 128>}, {transform_indices = @transform_7, window_bounds = array<i64: 1000, 128>}, {transform_indices = @transform_8, window_bounds = array<i64: 512, 128>}]} {
    %get3A = arith.constant 0 : index
    %get3A_0 = arith.constant 0 : index
    %get3A_1 = vector.load %arg2[%get3A, %get3A_0] : memref<2x128xf32, #tpu.memory_space<vmem>>, vector<1x128xf32>
    %mul3A = arith.constant 9.99999974E-5 : f32
    %mul3A_2 = vector.broadcast %mul3A : f32 to vector<1x128xf32>
    %mul3A_3 = arith.mulf %get3A_1, %mul3A_2 : vector<1x128xf32>
    %get3A_4 = arith.constant 1 : index
    %get3A_5 = arith.constant 0 : index
    %get3A_6 = vector.load %arg2[%get3A_4, %get3A_5] : memref<2x128xf32, #tpu.memory_space<vmem>>, vector<1x128xf32>
    %mul3A_7 = arith.constant 9.99999974E-5 : f32
    %mul3A_8 = vector.broadcast %mul3A_7 : f32 to vector<1x128xf32>
    %mul3A_9 = arith.mulf %get3A_6, %mul3A_8 : vector<1x128xf32>
    %mul3A_10 = arith.mulf %mul3A_3, %mul3A_3 : vector<1x128xf32>
    %sub3A = arith.subf %mul3A_9, %mul3A_10 : vector<1x128xf32>
    %max3A = arith.constant 0.000000e+00 : f32
    %max3A_11 = vector.broadcast %max3A : f32 to vector<1x128xf32>
    %max3A_12 = arith.maximumf %sub3A, %max3A_11 : vector<1x128xf32>
    %get3A_13 = arith.constant 0 : index
    %get3A_14 = arith.constant 0 : index
    %get3A_15 = vector.load %arg3[%get3A_13, %get3A_14] : memref<1x128xf32, #tpu.memory_space<vmem>>, vector<1x128xf32>
    %add3A = arith.constant 9.99999974E-6 : f32
    %add3A_16 = vector.broadcast %add3A : f32 to vector<1x128xf32>
    %add3A_17 = arith.addf %max3A_12, %add3A_16 : vector<1x128xf32>
    %rsqrt3A = math.rsqrt %add3A_17 : vector<1x128xf32>
    %mul3A_18 = arith.mulf %get3A_15, %rsqrt3A : vector<1x128xf32>
    %get3A_19 = arith.constant 0 : index
    %get3A_20 = arith.constant 0 : index
    %get3A_21 = vector.load %arg4[%get3A_19, %get3A_20] : memref<1x128xf32, #tpu.memory_space<vmem>>, vector<1x128xf32>
    %mul3A_22 = arith.mulf %mul3A_3, %mul3A_18 : vector<1x128xf32>
    %sub3A_23 = arith.subf %get3A_21, %mul3A_22 : vector<1x128xf32>
    %get3A_24 = arith.constant 0 : index
    %get3A_25 = arith.constant 0 : index
    %get3A_26 = vector.load %arg1[%get3A_24, %get3A_25] : memref<1000x128xf32, #tpu.memory_space<vmem>>, vector<1000x128xf32>
    %mul3A_27 = vector.broadcast %mul3A_18 : vector<1x128xf32> to vector<1000x128xf32>
    %mul3A_28 = arith.mulf %get3A_26, %mul3A_27 : vector<1000x128xf32>
    %add3A_29 = vector.broadcast %sub3A_23 : vector<1x128xf32> to vector<1000x128xf32>
    %add3A_30 = arith.addf %mul3A_28, %add3A_29 : vector<1000x128xf32>
    %swap3A = arith.constant 0 : index
    %swap3A_31 = arith.constant 0 : index
    %swap3A_32 = vector.load %arg8[%swap3A, %swap3A_31] : memref<1000x128xf32, #tpu.memory_space<vmem>>, vector<1000x128xf32>
    tpu.vector_store %arg8[%swap3A, %swap3A_31], %add3A_30 {strides = array<i32>} : memref<1000x128xf32, #tpu.memory_space<vmem>>, vector<1000x128xf32>,
    %get3A_33 = arith.constant 0 : index
    %get3A_34 = arith.constant 0 : index
    %get3A_35 = arith.constant 0 : index
    %get3A_36 = vector.load %arg5[%get3A_33, %get3A_34, %get3A_35] : memref<1x1x1000xi32, #tpu.memory_space<vmem>>, vector<1x1x1000xi32>
    %get3A_37 = vector.shape_cast %get3A_36 : vector<1x1x1000xi32> to vector<1x1000xi32>
    %iota3A = tpu.iota {dimensions = array<i32: 0>} : vector<512x1000xi32>
    %eq3A = vector.broadcast %get3A_37 : vector<1x1000xi32> to vector<512x1000xi32>
    %eq3A_38 = arith.cmpi eq, %iota3A, %eq3A : vector<512x1000xi32>
    %convert_element_type3A = arith.extui %eq3A_38 : vector<512x1000xi1> to vector<512x1000xi32>
    %convert_element_type3A_39 = arith.sitofp %convert_element_type3A : vector<512x1000xi32> to vector<512x1000xf32>
    %eq3A_40 = arith.constant 0 : i32
    %eq3A_41 = arith.cmpi eq, %arg0, %eq3A_40 : i32
    %convert_element_type3A_42 = arith.extui %eq3A_41 : i1 to i32
    %cond3A = arith.constant 0 : i32
    %cond3A_43 = arith.cmpi ne, %convert_element_type3A_42, %cond3A : i32
    scf.if %cond3A_43 {
      %broadcast_in_dim3A = arith.constant 0.000000e+00 : f32
      %broadcast_in_dim3A_52 = vector.broadcast %broadcast_in_dim3A : f32 to vector<512x128xf32>
      %swap3A_53 = arith.constant 0 : index
      %swap3A_54 = arith.constant 0 : index
      %swap3A_55 = vector.load %arg9[%swap3A_53, %swap3A_54] : memref<512x128xf32, #tpu.memory_space<vmem>>, vector<512x128xf32>
      tpu.vector_store %arg9[%swap3A_53, %swap3A_54], %broadcast_in_dim3A_52 {strides = array<i32>} : memref<512x128xf32, #tpu.memory_space<vmem>>, vector<512x128xf32>,
    } else {
    }
    %get3A_44 = arith.constant 0 : index
    %get3A_45 = arith.constant 0 : index
    %get3A_46 = vector.load %arg9[%get3A_44, %get3A_45] : memref<512x128xf32, #tpu.memory_space<vmem>>, vector<512x128xf32>
    %dot_general3A = arith.constant dense<0.000000e+00> : vector<512x128xf32>
    %dot_general3A_47 = tpu.matmul %convert_element_type3A_39, %add3A_30, %dot_general3A {dimension_numbers = #tpu.dot_dimension_numbers<[1], [0], [0], [1], [0, 0, 1, 1], [], []>, transpose_lhs_hint = false} : vector<512x1000xf32>, vector<1000x128xf32>, vector<512x128xf32> -> vector<512x128xf32>
    %add3A_48 = arith.addf %get3A_46, %dot_general3A_47 : vector<512x128xf32>
    %swap3A_49 = arith.constant 0 : index
    %swap3A_50 = arith.constant 0 : index
    %swap3A_51 = vector.load %arg9[%swap3A_49, %swap3A_50] : memref<512x128xf32, #tpu.memory_space<vmem>>, vector<512x128xf32>
    tpu.vector_store %arg9[%swap3A_49, %swap3A_50], %add3A_48 {strides = array<i32>} : memref<512x128xf32, #tpu.memory_space<vmem>>, vector<512x128xf32>,
    return
  }
  func.func @transform_0(%arg0: i32) -> (i32, i32) {
    %c0_i32 = arith.constant 0 : i32
    %c0_i32_0 = arith.constant 0 : i32
    return %arg0, %c0_i32 : i32, i32
  }
  func.func @transform_1(%arg0: i32) -> (i32, i32) {
    %c0_i32 = arith.constant 0 : i32
    %c0_i32_0 = arith.constant 0 : i32
    %c0_i32_1 = arith.constant 0 : i32
    return %c0_i32, %c0_i32_0 : i32, i32
  }
  func.func @transform_2(%arg0: i32) -> (i32, i32) {
    %c0_i32 = arith.constant 0 : i32
    %c0_i32_0 = arith.constant 0 : i32
    %c0_i32_1 = arith.constant 0 : i32
    return %c0_i32, %c0_i32_0 : i32, i32
  }
  func.func @transform_3(%arg0: i32) -> (i32, i32) {
    %c0_i32 = arith.constant 0 : i32
    %c0_i32_0 = arith.constant 0 : i32
    %c0_i32_1 = arith.constant 0 : i32
    return %c0_i32, %c0_i32_0 : i32, i32
  }
  func.func @transform_4(%arg0: i32) -> (i32, i32, i32) {
    %c0_i32 = arith.constant 0 : i32
    %c0_i32_0 = arith.constant 0 : i32
    %c0_i32_1 = arith.constant 0 : i32
    return %arg0, %c0_i32, %c0_i32_0 : i32, i32, i32
  }
  func.func @transform_5(%arg0: i32) -> (i32, i32) {
    %c0_i32 = arith.constant 0 : i32
    %c0_i32_0 = arith.constant 0 : i32
    %c0_i32_1 = arith.constant 0 : i32
    return %c0_i32, %c0_i32_0 : i32, i32
  }
  func.func @transform_6(%arg0: i32) -> (i32, i32) {
    %c0_i32 = arith.constant 0 : i32
    %c0_i32_0 = arith.constant 0 : i32
    %c0_i32_1 = arith.constant 0 : i32
    return %c0_i32, %c0_i32_0 : i32, i32
  }
  func.func @transform_7(%arg0: i32) -> (i32, i32) {
    %c1_i32 = arith.constant 1 : i32
    %c0_i32 = arith.constant 0 : i32
    return %arg0, %c1_i32 : i32, i32
  }
  func.func @transform_8(%arg0: i32) -> (i32, i32) {
    %c0_i32 = arith.constant 0 : i32
    %c1_i32 = arith.constant 1 : i32
    %c0_i32_0 = arith.constant 0 : i32
    return %c0_i32, %c1_i32 : i32, i32
  }
}

</mosaic_0001>

<sc_bundles>
// kernel: kernel.11.cloned.1.call-start
scs
__scs_entry_jumppad:
0x0: {  	(pc) =	sbr.rel $0x88, $3  }
0x1: {  	(tag) =	ssettag $0x0;
	lr =	simm.s32 $0x1  }
0x2: {  	[smem:$0x3F92] =	sst lr;
	_ =	strace $0xD0000000  }
0x3: {  	_ = 	snop  }
0x4: {  	_ = 	snop  }
0x5: {  	_ = 	snop  }
0x6: {  	_ = 	snop  }
0x7: {  	_ = 	snop  }
__scs_overlays_trampoline_lowered:
0x8: {  	[smem:$0x3FA1] =	sst s0  }
0x9: {  	[smem:$0x3FA2] =	sst s1  }
0xa: {  	[smem:$0x3FA3] =	sst s2  }
0xb: {  	[smem:$0x3FA4] =	sst s3  }
0xc: {  	[smem:$0x3FA5] =	sst s4  }
0xd: {  	[smem:$0x3FA6] =	sst s5  }
0xe: {  	[smem:$0x3FA7] =	sst s6  }
0xf: {  	[smem:$0x3FA8] =	sst s7  }
0x10: {  	[smem:$0x3FA9] =	sst s8  }
0x11: {  	[smem:$0x3FAA] =	sst s9;
	s0 =	simm.s32 @!p0 $0x0  }
0x12: {  	s1 =	sld [smem:$0x3F90];
	s0 =	simm.s32 @p0 $0x1  }
0x13: {  	[smem:$0x3FAB] =	sst s0;
	s0 =	simm.s32 @!p1 $0x0  }
0x14: {  	s2 =	sld [smem:$0x3F8F];
	s0 =	simm.s32 @p1 $0x1  }
0x15: {  	[smem:$0x3FAC] =	sst s0;
	s0 =	simm.s32 @!p2 $0x0  }
0x16: {  	s3 =	sld [smem:$0x3FDB];
	s0 =	simm.s32 @p2 $0x1  }
0x17: {  	s4 =	simm.s32 $0x1BF5;
	[smem:$0x3FAE] =	sst s0  }
0x18: {  	s0 =	sld [smem:$0x3F91];
	_ =	swait.ge [sflag:s4], $0x0  }
0x19: {  	s7 =	sld [smem:$0x3F92]  }
0x1a: {  	s8 =	sadd.s32 $0xFFFFE003, lr  }
0x1b: {  	s9 =	sadd.s32 $0xFFFFFEF7, lr;
	s5 =	simm.s32 $0xFFFFFFFF;
	p2 =	slt.u32 s8, $0xFFFFF086  }
0x1c: {  	p1 =	slt.u32 s9, $0xF7A;
	s5 =	simm.s32 @!p2 $0x0  }
0x1d: {  	s5 =	simm.s32 @p1 $0x1;
	p0 =	seq.s32 s7, s2  }
0x1e: {  	s7 =	smul.u32 @!p0 $0xF7A, s2;
	p2 =	seq.s32 @!p0 s5, $0x0  }
0x1f: {  	s9 =	smul.u32 $0xF7A, s1;
	s8 =	simm.s32 @!p0 $0x1BF5;
	p2 =	por !p2, p0  }
0x20: {  	[sflag:s8] =	ssyncset.s32 @!p0 $0xFFFFF086;
	s6 =	sadd.s32 @!p0 s3, s7;
	s7 =	simm.s32 @!p0 $0x108  }
0x21: {  	s3 =	sadd.s32 s3, s9;
	s6 =	sadd.s32 @!p0 $0x88, s6;
	s7 =	simm.s32 @p2 $0x1082  }
0x22: {  	[simem:s7], [sflag:s8] =	dma.local @!p0 [hbm:s6], $0xF7A  }
0x23: {  	s9 =	sor.u32 $0xD0000000, s2;
	s6 =	simm.s32 $0x108;
	_ =	swait.ge @!p0 [sflag:s8], $0x0  }
0x24: {  	s3 =	sadd.s32 $0x88, s3;
	s6 =	simm.s32 @!p1 $0x1082;
	[sflag:s4] =	ssyncset.s32 $0xFFFFF086  }
0x25: {  	[simem:s6], [sflag:s4] =	dma.local [hbm:s3], $0xF7A  }
0x26: {  	[smem:$0x3F92] =	sst s1;
	(tag) =	ssettag s2;
	_ =	strace s9  }
0x27: {  	s1 =	sld [smem:$0x3FA2]  }
0x28: {  	s2 =	sld [smem:$0x3FA3]  }
0x29: {  	s4 =	sld [smem:$0x3FA5]  }
0x2a: {  	p0 =	seq.s32 s5, $0x0;
	s5 =	sld [smem:$0x3FA6]  }
0x2b: {  	s6 =	sld [smem:$0x3FA7]  }
0x2c: {  	s7 =	sld [smem:$0x3FA8]  }
0x2d: {  	s3 =	simm.s32 $0x108;
	s8 =	sld [smem:$0x3FA9]  }
0x2e: {  	s3 =	simm.s32 @!p0 $0x1082;
	s9 =	sld [smem:$0x3FAA]  }
0x2f: {  	lr =	sadd.s32 s0, s3;
	s0 =	sld [smem:$0x3FA1]  }
0x30: {  	s3 =	sld [smem:$0x3FA4]  }
0x31: {  	[smem:$0x3FAD] =	sst s10  }
0x32: {  	s10 =	sld [smem:$0x3FAB];
	_ =	sdelay $0x3  }
0x33: {  	p0 =	seq.s32 s10, $0x1;
	s10 =	sld [smem:$0x3FAD];
	_ =	sdelay $0x3  }
0x34: {  	[smem:$0x3FAD] =	sst s10  }
0x35: {  	s10 =	sld [smem:$0x3FAC];
	_ =	sdelay $0x3  }
0x36: {  	p1 =	seq.s32 s10, $0x1;
	s10 =	sld [smem:$0x3FAD];
	_ =	sdelay $0x3  }
0x37: {  	[smem:$0x3FAD] =	sst s10  }
0x38: {  	s10 =	sld [smem:$0x3FAE]  }
0x39: {  	_ = 	snop;
	(pc) =	sbr.ind lr, $3  }
0x3a: {  	_ = 	snop  }
0x3b: {  	_ = 	snop  }
0x3c: {  	p2 =	seq.s32 s10, $0x1;
	s10 =	sld [smem:$0x3FAD]  }
0x3d: {  	_ =	shalt  }
0x3e: {  	_ =	shalt  }
0x3f: {  	_ =	shalt  }
0x40: {  	_ =	shalt  }
0x41: {  	_ =	shalt  }
0x42: {  	_ =	shalt  }
0x43: {  	_ =	shalt  }
0x44: {  	_ =	shalt  }
0x45: {  	_ =	shalt  }
0x46: {  	_ =	shalt  }
0x47: {  	_ =	shalt  }
0x48: {  	_ =	shalt  }
0x49: {  	_ =	shalt  }
0x4a: {  	_ =	shalt  }
0x4b: {  	_ =	shalt  }
0x4c: {  	_ =	shalt  }
0x4d: {  	_ =	shalt  }
0x4e: {  	_ =	shalt  }
0x4f: {  	_ =	shalt  }
0x50: {  	_ =	shalt  }
0x51: {  	_ =	shalt  }
0x52: {  	_ =	shalt  }
0x53: {  	_ =	shalt  }
0x54: {  	_ =	shalt  }
0x55: {  	_ =	shalt  }
0x56: {  	_ =	shalt  }
0x57: {  	_ =	shalt  }
0x58: {  	_ =	shalt  }
0x59: {  	_ =	shalt  }
0x5a: {  	_ =	shalt  }
0x5b: {  	_ =	shalt  }
0x5c: {  	_ =	shalt  }
0x5d: {  	_ =	shalt  }
0x5e: {  	_ =	shalt  }
0x5f: {  	_ =	shalt  }
0x60: {  	_ =	shalt  }
0x61: {  	_ =	shalt  }
0x62: {  	_ =	shalt  }
0x63: {  	_ =	shalt  }
0x64: {  	_ =	shalt  }
0x65: {  	_ =	shalt  }
0x66: {  	_ =	shalt  }
0x67: {  	_ =	shalt  }
0x68: {  	_ =	shalt  }
0x69: {  	_ =	shalt  }
0x6a: {  	_ =	shalt  }
0x6b: {  	_ =	shalt  }
0x6c: {  	_ =	shalt  }
0x6d: {  	_ =	shalt  }
0x6e: {  	_ =	shalt  }
0x6f: {  	_ =	shalt  }
0x70: {  	_ =	shalt  }
0x71: {  	_ =	shalt  }
0x72: {  	_ =	shalt  }
0x73: {  	_ =	shalt  }
0x74: {  	_ =	shalt  }
0x75: {  	_ =	shalt  }
0x76: {  	_ =	shalt  }
0x77: {  	_ =	shalt  }
0x78: {  	_ =	shalt  }
0x79: {  	_ =	shalt  }
0x7a: {  	_ =	shalt  }
0x7b: {  	_ =	shalt  }
0x7c: {  	_ =	shalt  }
0x7d: {  	_ =	shalt  }
0x7e: {  	_ =	shalt  }
0x7f: {  	_ =	shalt  }
0x80: {  	_ =	shalt  }
0x81: {  	_ =	shalt  }
0x82: {  	_ =	shalt  }
0x83: {  	_ =	shalt  }
0x84: {  	_ =	shalt  }
0x85: {  	_ =	shalt  }
0x86: {  	_ =	shalt  }
0x87: {  	_ =	shalt  }
.Lfunc_end0:
.L_simem_size_0:
called_computation.1_lowered:
.L_overlay_start_0:
0x88: {  	s2 =	sld [smem:$0x3FD9]  }
0x89: {  	s3 =	sld [smem:$0x3FFE];
	_ =	sdelay $0x1  }
0x8a: {  	s1 =	srdreg.scid  }
0x8b: {  	s0 =	sand.u32 $0x1, s1  }
0x8c: {  	s16 =	sshll.u32 s0, $0xA;
	s2 =	sadd.s32 s3, s2  }
0x8d: {  	s2 =	sadd.s32 s2, s16  }
0x8e: {  	[smem:$0x3FB9] =	sst s2  }
0x8f: {  	_ = 	snop  }
0x90: {  	(tm) =	ssettm $0x1  }
0x91: {  	s17 =	sld [smem:$0x3FFB];
	_ =	sdelay $0x3  }
0x92: {  	_ =	strace s17  }
0x93: {  	s2 =	sld [smem:$0x3FFC];
	_ =	sdelay $0x3  }
0x94: {  	_ =	strace s2  }
0x95: {  	s2 =	sld [smem:$0x3FFD];
	_ =	sdelay $0x3  }
0x96: {  	_ =	strace s2  }
0x97: {  	_ =	strace $0x8FFFFFFF  }
0x98: {  	s18 =	sld [smem:$0x3FDB];
	_ =	sdelay $0x1  }
0x99: {  	s19 =	simm.s32 $_scs_section_size  }
0x9a: {  	s4 =	simm.s32 $_size__tile_overlayer_lowered;
	s5 =	simm.s32 $_tile_overlayer_lowered  }
0x9b: {  	s22 =	simm.s32 $0x1BFF;
	s21 =	sshll.u32 s5, $0x1;
	s2 =	sadd.s32 s19, s18  }
0x9c: {  	s6 =	simm.s32 $0x0;
	s20 =	sshll.u32 s4, $0x1;
	s4 =	sadd.s32 s21, s2  }
0x9d: {  	[timem:s6], [sflag:s22] =	dma.local [hbm:s4], s20  }
0x9e: {  	_ =	swait.ge [sflag:s22], s20  }
0x9f: {  	s3 =	ssub.s32 $0x0, s20;
	[sflag:s22] =	ssyncset.done $0x0  }
0xa0: {  	[sflag:s22] =	ssyncadd.s32 s3;
	_ =	sdelay $0x1  }
0xa1: {  	s23 =	simm.s32 $0x1B8B  }
0xa2: {  	_ =	swait.ge [sflag:s23], $0x1  }
0xa3: {  	[sflag:s23] =	ssyncset.done $0x0  }
0xa4: {  	s25 =	simm.s32 $0x1B8E;
	s24 =	sld [smem:$0x3FFE];
	[sflag:s23] =	ssyncadd.s32 $0xFFFFFFFF  }
0xa5: {  	s26 =	simm.s32 $execute0_lowered;
	[smem:$0x3FD2] =	sst s25  }
0xa6: {  	s4 =	sshll.u32 s26, $0x1;
	_ =	strace $0x80000049;
	[dreg:$0x1] =	wrdreg $0xFFFFFFFF  }
0xa7: {  	s28 =	simm.s32 $_size_execute0_lowered;
	s2 =	sadd.s32 s2, s4;
	[dreg:$0x0] =	wrdreg $0x0  }
0xa8: {  	s4 =	sshll.u32 s28, $0x1;
	[dreg:$0x2] =	wrdreg s2  }
0xa9: {  	[dreg:$0x3] =	wrdreg s4  }
0xaa: {  	[dreg:$0x4] =	wrdreg $0xC0  }
0xab: {  	_ =	task [dreg:s6], $0x5FFFF  }
0xac: {  	[dreg:$0x1] =	wrdreg $0xFFFFFFFF  }
0xad: {  	[dreg:$0x0] =	wrdreg $0x60  }
0xae: {  	[dreg:$0x2] =	wrdreg s24  }
0xaf: {  	[dreg:$0x3] =	wrdreg $0xC6000  }
0xb0: {  	[dreg:$0x4] =	wrdreg $0x9  }
0xb1: {  	_ =	task.clear_ibuf [dreg:s6], $0x5FFFF;
	_ =	strace $0x90000049  }
0xb2: {  	s29 =	simm.s32 $0x9;
	_ =	strace $0x8000004B  }
0xb3: {  	_ =	swait.ge [sflag:s29], $0x1  }
0xb4: {  	[sflag:s29] =	ssyncadd.s32 $0xFFFFFFFF  }
0xb5: {  	_ =	strace $0x9000004B  }
0xb6: {  	_ =	sfence  }
0xb7: {  	s30 =	sld [smem:$0x0];
	_ =	sdelay $0x2  }
0xb8: {  	s31 =	sshll.u32 s1, $0xD;
	s1 =	sshrl.u32 s1, $0x2  }
0xb9: {  	s3 =	sand.u32 $0x4000, s31;
	s1 =	sadd.s32 s1, s30  }
0xba: {  	s0 =	sor.u32 s3, s0;
	s1 =	sshll.u32 s1, $0x11  }
0xbb: {  	s0 =	sor.u32 s1, s0  }
0xbc: {  	s0 =	sadd.s32 $0x8F2B, s0  }
0xbd: {  	[sflag:s0] =	ssyncadd.remote.s32 $0x1  }
0xbe: {  	_ =	sfence.sel $0xFFFF  }
0xbf: {  	[dreg:$0x0] =	wrdreg $0xFFFFFFFF;
	(pc) =	sbr.abs _section_cstart, $3  }
0xc0: {  	[dreg:$0x1] =	wrdreg $0xFFFFFFFF  }
0xc1: {  	_ =	task.clear_ibuf [dreg:s6], $0x2FFFF;
	_ =	strace $0x9FFFFFFF  }
0xc2: {  	(tm) =	ssettm $0x7FFFFFFF  }
0xc3: {  	_ =	shalt  }
tec
execute0_lowered:
.L_overlay_start_1:
0x0: {  	(tag) =	ssettag $0x1  }
0x1: {  	s0 =	rddreg [dreg:$0x0]  }
0x2: {  	s1 =	rddreg [dreg:$0x1];
	s3 =	simm.s32 $0x0;
	s2 =	srdreg.scid  }
0x3: {  	s15 =	stileid.u32;
	s29 =	simm.s32 $0x1;
	s31 =	simm.s32 $0x2  }
0x4: {  	s28 =	simm.s32 $0xE;
	s30 =	simm.s32 $0x10;
	[smem:$0x7FF] =	sst s3  }
0x5: {  	s2 =	sand.u32 $0x1, s2;
	s4 =	sshll.u32 s15, $0x5;
	s6 =	sadd.s32 $0xCE00, s0  }
0x6: {  	s9 =	sadd.s32 $0x3000, s0;
	s12 =	sadd.s32 $0x3DE00, s0;
	s5 =	sshll.u32 s2, $0x4  }
0x7: {  	s23 =	smul.u32 $0x14000, s15;
	s7 =	ssub.s32 $0x2, s2;
	s8 =	sor.u32 s5, s4  }
0x8: {  	p0 =	seq.s32 s15, $0xF;
	s10 =	sshrl.u32 s7, $0x1;
	s11 =	sor.u32 $0x200, s8  }
0x9: {  	_ =	strace $0x8000004A;
	s7 =	ssub.s32 s7, s10;
	s13 =	sadd.s32 s6, s11  }
0xa: {  	s16 =	sor.u32 $0x400, s8;
	s14 =	sadd.s32 s9, s11;
	[dreg:$0x5] =	wrdreg s13  }
0xb: {  	s17 =	sor.u32 $0x600, s8;
	s10 =	sadd.s32 s9, s16;
	[dreg:$0x6] =	wrdreg s14  }
0xc: {  	p1 =	sgt.u32 s15, $0x1;
	s18 =	sadd.s32 s6, s17;
	[dreg:$0x8] =	wrdreg s10  }
0xd: {  	s20 =	sor.u32 $0x800, s8;
	s19 =	sadd.s32 s9, s17;
	[dreg:$0x9] =	wrdreg s18  }
0xe: {  	s22 =	sor.u32 $0xA00, s8;
	s21 =	sadd.s32 s6, s20;
	[dreg:$0xa] =	wrdreg s19  }
0xf: {  	s2 =	smul.u32 $0x138800, s2;
	s24 =	sadd.s32 s6, s22;
	[dreg:$0xb] =	wrdreg s21  }
0x10: {  	s26 =	sor.u32 $0xC00, s8;
	s25 =	sadd.s32 s9, s22;
	[dreg:$0xd] =	wrdreg s24  }
0x11: {  	s17 =	sadd.s32 s6, s26;
	s13 =	sadd.s32 s6, s16;
	[dreg:$0xe] =	wrdreg s25  }
0x12: {  	s10 =	sadd.s32 s9, s20;
	s14 =	sshrl.u32 s2, $0x3;
	[dreg:$0x10] =	wrdreg s17  }
0x13: {  	s2 =	sadd.s32 s23, s2;
	s16 =	sadd.s32 s4, s9;
	[dreg:$0x7] =	wrdreg s13  }
0x14: {  	s19 =	sor.u32 $0xE00, s8;
	[dreg:$0xc] =	wrdreg s10;
	s10 =	sadd.s32 s9, s26  }
0x15: {  	s21 =	sor.u32 $0x1000, s8;
	s18 =	sadd.s32 s5, s16;
	[dreg:$0x11] =	wrdreg s10  }
0x16: {  	s23 =	sor.u32 $0x1200, s8;
	s20 =	sadd.s32 s6, s19;
	[dreg:$0x3] =	wrdreg s18  }
0x17: {  	s25 =	sor.u32 $0x9800, s8;
	s22 =	sadd.s32 s6, s21;
	[dreg:$0x12] =	wrdreg s20  }
0x18: {  	s17 =	sor.u32 $0x9C00, s8;
	s24 =	sadd.s32 s6, s23;
	[dreg:$0x14] =	wrdreg s22  }
0x19: {  	s11 =	sadd.s32 s12, s14;
	s26 =	sadd.s32 s6, s25;
	[dreg:$0x16] =	wrdreg s24  }
0x1a: {  	s2 =	sshrl.u32 s2, $0x3;
	s14 =	sadd.s32 s6, s8;
	[dreg:$0x18] =	wrdreg s26  }
0x1b: {  	s16 =	sadd.s32 s9, s8;
	s2 =	sadd.s32 s12, s2;
	[dreg:$0x1c] =	wrdreg s14  }
0x1c: {  	s12 =	sor.u32 $0x9A00, s8;
	[dreg:$0x1d] =	wrdreg s16;
	s18 =	smul.u32 $0x50000, s15  }
0x1d: {  	s14 =	sadd.s32 $0x16C00, s0;
	s0 =	sadd.s32 $0x3C400, s0;
	s24 =	sadd.s32 $0x25800, s11  }
0x1e: {  	s26 =	sadd.s32 $0x12C000, s1;
	s8 =	simm.s32 $0x80;
	[dreg:$0xf] =	wrdreg s2  }
0x1f: {  	s16 =	simm.s32 $0x4600;
	s10 =	simm.s32 $0x3;
	[smem:$0x7FA] =	sst s0  }
0x20: {  	s11 =	simm.s32 $0x8;
	s2 =	sadd.s32 s9, s19;
	[smem:$0x7FB] =	sst s24  }
0x21: {  	s13 =	sadd.s32 s6, s12;
	s19 =	sadd.s32 s4, s6;
	[smem:$0x7FD] =	sst s26  }
0x22: {  	s4 =	simm.s32 $0x600;
	s24 =	simm.s32 $0x500;
	s0 =	simm.s32 $0x7  }
0x23: {  	s26 =	simm.s32 $0x280;
	[dreg:$0x13] =	wrdreg s2;
	s2 =	sadd.s32 s9, s21  }
0x24: {  	[dreg:$0x1a] =	wrdreg s13;
	s20 =	sshrl.u32 s18, $0x2;
	s21 =	smul.u32 $0x2800, s15  }
0x25: {  	s15 =	simm.s32 $0x100;
	[dreg:$0x15] =	wrdreg s2;
	s2 =	sadd.s32 s9, s23  }
0x26: {  	s18 =	simm.s32 $0x400;
	s22 =	sadd.s32 s20, s1;
	[dreg:$0x17] =	wrdreg s2  }
0x27: {  	s13 =	simm.s32 $0x0;
	s2 =	sadd.s32 s9, s25;
	[smem:$0x7F8] =	sst s22  }
0x28: {  	s23 =	sadd.s32 s14, s21;
	s25 =	smax.u32 s7, $0x1;
	[dreg:$0x19] =	wrdreg s2  }
0x29: {  	s22 =	simm.s32 $0x480;
	s21 =	simm.s32 $0xD;
	[smem:$0x7F9] =	sst s23  }
0x2a: {  	s7 =	simm.s32 $0x12;
	s2 =	sadd.s32 s9, s12;
	[smem:$0x7FC] =	sst s25  }
.Ltmp0:
0x2b: {  	s9 =	sadd.s32 s9, s17;
	[dreg:$0x1b] =	wrdreg s2;
	(pc) =	sbr.rel .LBB2_1-.Ltmp0, $4  }
0x2c: {  	s23 =	simm.s32 $0x300;
	s25 =	simm.s32 $0x380;
	[dreg:$0x1e] =	wrdreg s9  }
0x2d: {  	s2 =	sadd.s32 s6, s17;
	s6 =	simm.s32 $0x580;
	s9 =	simm.s32 $0x8600  }
0x2e: {  	[dreg:$0x1f] =	wrdreg s2;
	s2 =	sadd.s32 s5, s19;
	s19 =	simm.s32 $0x180  }
0x2f: {  	s5 =	simm.s32 $0x11;
	[dreg:$0x4] =	wrdreg s2;
	s2 =	simm.s32 $0xF  }
.LBB2_7:
0x30: {  	s12 =	sld [smem:$0x7FD]  }
0x31: {  	s13 =	sld [smem:$0x7FB];
	_ =	sdelay $0x1  }
0x32: {  	s10 =	simm.s32 $0x1FD3;
	s20 =	simm.s32 $0x13;
	s12 =	sshrl.u32 s12, $0x3  }
0x33: {  	[hbm:s13], [sflag:s10] =	dma.local [spmem:s12], $0x1900  }
0x34: {  	s15 =	simm.s32 $0x100;
	_ =	swait.ge [sflag:s20], $0x1900  }
0x35: {  	s19 =	simm.s32 $0x180;
	s31 =	simm.s32 $0x2;
	[sflag:s20] =	ssyncset.done $0x0  }
0x36: {  	s10 =	simm.s32 $0x3;
	s13 =	sld [smem:$0x7F7];
	[sflag:s20] =	ssyncadd.s32 $0xFFFFE700  }
.LBB2_8:
0x37: {  	s12 =	sld [smem:$0x7FC];
	_ =	sdelay $0x1  }
0x38: {  	s13 =	sadd.s32 $0x1, s13  }
0x39: {  	p2 =	sne.s32 s13, s12  }
.Ltmp1:
0x3a: {  	_ = 	snop;
	(pc) =	sbr.rel @!p2 .LBB2_9-.Ltmp1, $1  }
0x3b: {  	_ =	sdelay $0x3  }
.LBB2_1:
0x3c: {  	s12 =	sld [smem:$0x7FD]  }
0x3d: {  	s17 =	sld [smem:$0x7FA];
	_ =	sdelay $0x1  }
0x3e: {  	[smem:$0x7F7] =	sst s13;
	s13 =	simm.s32 @p0 $0x1FD3;
	s12 =	sshrl.u32 @p0 s12, $0x3  }
0x3f: {  	[spmem:s12], [sflag:s13] =	dma.local @p0 [hbm:s17], $0x1900  }
0x40: {  	s12 =	simm.s32 @p0 $0x13  }
0x41: {  	s13 =	stileid.u32;
	_ =	swait.ge @p0 [sflag:s12], $0x1900  }
0x42: {  	s13 =	sshll.u32 @!p0 s13, $0x6;
	[sflag:s12] =	ssyncset.done @p0 $0x0  }
0x43: {  	[sflag:s12] =	ssyncadd.s32 @p0 $0xFFFFE700;
	s12 =	sor.u32 @!p0 $0x1C13, s13;
	s13 =	sld [smem:$0x7F8]  }
0x44: {  	s17 =	sld [smem:$0x7F9];
	_ =	sdelay $0x1  }
0x45: {  	s13 =	sshrl.u32 @!p0 s13, $0x3  }
0x46: {  	[spmem:s13], [sflag:s12] =	dma.local @!p0 [hbm:s17], $0x2800  }
0x47: {  	s12 =	simm.s32 @!p0 $0x13  }
0x48: {  	_ =	swait.ge @!p0 [sflag:s12], $0x2800  }
0x49: {  	[sflag:s12] =	ssyncset.done @!p0 $0x0  }
0x4a: {  	[sflag:s12] =	ssyncadd.s32 @!p0 $0xFFFFD800  }
0x4b: {  	[bflag:$0x0] =	sbarrier.arrive $0xFFFF  }
0x4c: {  	s13 =	rddreg [dreg:$0x1c]  }
0x4d: {  	[tilespmem:s3], [sflag:$0x1] =	stream.linear.gather [hbm4b:s13+s3], $0x80, $0x38;
	[tilespmem:$0x1FE80] =	vst v63  }
0x4e: {  	s17 =	rddreg [dreg:$0x1d]  }
0x4f: {  	[tilespmem:s23], [sflag:$0x7] =	stream.linear.gather [hbm4b:s17+s3], $0x80, $0x38;
	[tilespmem:$0x1FE80] =	vst v63  }
0x50: {  	s20 =	rddreg [dreg:$0x5]  }
0x51: {  	[tilespmem:s8], [sflag:$0x2] =	stream.linear.gather [hbm4b:s20+s3], $0x80, $0x38;
	[tilespmem:$0x1FE80] =	vst v63  }
0x52: {  	s13 =	rddreg [dreg:$0x6]  }
0x53: {  	[tilespmem:s25], [sflag:$0x8] =	stream.linear.gather [hbm4b:s13+s3], $0x80, $0x38;
	[tilespmem:$0x1FE80] =	vst v63  }
0x54: {  	s17 =	rddreg [dreg:$0x7]  }
0x55: {  	[tilespmem:s15], [sflag:$0x3] =	stream.linear.gather [hbm4b:s17+s3], $0x80, $0x38;
	[tilespmem:$0x1FE80] =	vst v63  }
0x56: {  	s20 =	rddreg [dreg:$0x8]  }
0x57: {  	[tilespmem:s18], [sflag:$0x9] =	stream.linear.gather [hbm4b:s20+s3], $0x80, $0x38;
	[tilespmem:$0x1FE80] =	vst v63  }
0x58: {  	s13 =	rddreg [dreg:$0x9]  }
0x59: {  	[tilespmem:s19], [sflag:$0x4] =	stream.linear.gather [hbm4b:s13+s3], $0x80, $0x38;
	[tilespmem:$0x1FE80] =	vst v63  }
0x5a: {  	s17 =	rddreg [dreg:$0xa]  }
0x5b: {  	[tilespmem:s22], [sflag:$0xA] =	stream.linear.gather [hbm4b:s17+s3], $0x80, $0x38;
	[tilespmem:$0x1FE80] =	vst v63  }
0x5c: {  	_ =	swait.ge [sflag:s29], $0x80  }
0x5d: {  	[sflag:s29] =	ssyncset.done $0x0  }
0x5e: {  	[sflag:s29] =	ssyncadd.s32 $0xFFFFFF80  }
0x5f: {  	[tilespmem:s4], [sflag:$0xD] =	stream.indirect.gather [hbm4b:s14+s8], $0x80, s3, s8, $0xb8;
	[tilespmem:$0x1FE80] =	vst v63  }
0x60: {  	s20 =	simm.s32 $0x200;
	s18 =	rddreg [dreg:$0xb]  }
0x61: {  	[tilespmem:s20], [sflag:$0x5] =	stream.linear.gather [hbm4b:s18+s3], $0x80, $0x38;
	[tilespmem:$0x1FE80] =	vst v63  }
0x62: {  	s22 =	rddreg [dreg:$0xc]  }
0x63: {  	[tilespmem:s24], [sflag:$0xB] =	stream.linear.gather [hbm4b:s22+s3], $0x80, $0x38;
	[tilespmem:$0x1FE80] =	vst v63  }
0x64: {  	_ =	swait.ge [sflag:s31], $0x80  }
0x65: {  	[sflag:s31] =	ssyncset.done $0x0  }
0x66: {  	[sflag:s31] =	ssyncadd.s32 $0xFFFFFF80  }
0x67: {  	[tilespmem:s16], [sflag:$0xE] =	stream.indirect.gather [hbm4b:s14+s8], $0x80, s8, s8, $0xb8;
	[tilespmem:$0x1FE80] =	vst v63  }
0x68: {  	_ =	swait.ge [sflag:s21], $0x4000  }
0x69: {  	[sflag:s21] =	ssyncset.done $0x0  }
0x6a: {  	[sflag:s21] =	ssyncadd.s32 $0xFFFFC000  }
0x6b: {  	_ =	swait.ge [sflag:s0], $0x80  }
0x6c: {  	[sflag:s0] =	ssyncset.done $0x0  }
0x6d: {  	[sflag:s0] =	ssyncadd.s32 $0xFFFFFF80  }
0x6e: {  	[spmem:s1] =	stream.indirect.scatter.add.f32 [tilespmem:s4], [sflag:$0x10], $0x80, s23, s8, $0xb8;
	[tilespmem:$0x1FE80] =	vst v63  }
0x6f: {  	s4 =	rddreg [dreg:$0xd]  }
0x70: {  	[tilespmem:s26], [sflag:$0x6] =	stream.linear.gather [hbm4b:s4+s3], $0x80, $0x38;
	[tilespmem:$0x1FE80] =	vst v63  }
0x71: {  	s13 =	rddreg [dreg:$0xe]  }
0x72: {  	[tilespmem:s6], [sflag:$0xC] =	stream.linear.gather [hbm4b:s13+s3], $0x80, $0x38;
	[tilespmem:$0x1FE80] =	vst v63  }
0x73: {  	_ =	swait.ge [sflag:s10], $0x80  }
0x74: {  	[sflag:s10] =	ssyncset.done $0x0  }
0x75: {  	[sflag:s10] =	ssyncadd.s32 $0xFFFFFF80  }
0x76: {  	[tilespmem:s9], [sflag:$0xF] =	stream.indirect.gather [hbm4b:s14+s8], $0x80, s15, s8, $0xb8;
	[tilespmem:$0x1FE80] =	vst v63  }
0x77: {  	_ =	swait.ge [sflag:s28], $0x4000  }
0x78: {  	[sflag:s28] =	ssyncset.done $0x0  }
0x79: {  	[sflag:s28] =	ssyncadd.s32 $0xFFFFC000  }
0x7a: {  	_ =	swait.ge [sflag:s11], $0x80  }
0x7b: {  	[sflag:s11] =	ssyncset.done $0x0  }
0x7c: {  	[sflag:s11] =	ssyncadd.s32 $0xFFFFFF80  }
0x7d: {  	[spmem:s1] =	stream.indirect.scatter.add.f32 [tilespmem:s16], [sflag:$0x11], $0x80, s25, s8, $0xb8;
	[tilespmem:$0x1FE80] =	vst v63  }
0x7e: {  	_ =	swait.ge [sflag:s30], $0x4000  }
0x7f: {  	[sflag:s30] =	ssyncset.done $0x0  }
0x80: {  	s16 =	rddreg [dreg:$0x10];
	[sflag:s30] =	ssyncadd.s32 $0xFFFFC000  }
0x81: {  	[tilespmem:s3], [sflag:$0x1] =	stream.linear.gather [hbm4b:s16+s3], $0x80, $0x38;
	[tilespmem:$0x1FE80] =	vst v63  }
0x82: {  	s17 =	rddreg [dreg:$0x11];
	s16 =	simm.s32 $0x4  }
0x83: {  	[tilespmem:s23], [sflag:$0x7] =	stream.linear.gather [hbm4b:s17+s3], $0x80, $0x38;
	[tilespmem:$0x1FE80] =	vst v63  }
0x84: {  	_ =	swait.ge [sflag:s16], $0x80  }
0x85: {  	[sflag:s16] =	ssyncset.done $0x0  }
0x86: {  	s4 =	simm.s32 $0x600;
	[sflag:s16] =	ssyncadd.s32 $0xFFFFFF80  }
0x87: {  	[tilespmem:s4], [sflag:$0xD] =	stream.indirect.gather [hbm4b:s14+s8], $0x80, s19, s8, $0xb8;
	[tilespmem:$0x1FE80] =	vst v63  }
0x88: {  	_ =	swait.ge [sflag:s2], $0x4000  }
0x89: {  	[sflag:s2] =	ssyncset.done $0x0  }
0x8a: {  	s6 =	simm.s32 $0x9;
	[sflag:s2] =	ssyncadd.s32 $0xFFFFC000  }
0x8b: {  	_ =	swait.ge [sflag:s6], $0x80  }
0x8c: {  	[sflag:s6] =	ssyncset.done $0x0  }
0x8d: {  	s18 =	simm.s32 $0x400;
	s9 =	simm.s32 $0x8600;
	[sflag:s6] =	ssyncadd.s32 $0xFFFFFF80  }
0x8e: {  	[spmem:s1] =	stream.indirect.scatter.add.f32 [tilespmem:s9], [sflag:$0x12], $0x80, s18, s8, $0xb8;
	[tilespmem:$0x1FE80] =	vst v63  }
0x8f: {  	_ =	swait.ge [sflag:s5], $0x4000  }
0x90: {  	[sflag:s5] =	ssyncset.done $0x0  }
0x91: {  	s12 =	rddreg [dreg:$0x12];
	[sflag:s5] =	ssyncadd.s32 $0xFFFFC000  }
0x92: {  	[tilespmem:s8], [sflag:$0x2] =	stream.linear.gather [hbm4b:s12+s3], $0x80, $0x38;
	[tilespmem:$0x1FE80] =	vst v63  }
0x93: {  	s24 =	simm.s32 $0x5;
	s12 =	rddreg [dreg:$0x13]  }
0x94: {  	[tilespmem:s25], [sflag:$0x8] =	stream.linear.gather [hbm4b:s12+s3], $0x80, $0x38;
	[tilespmem:$0x1FE80] =	vst v63  }
0x95: {  	_ =	swait.ge [sflag:s24], $0x80  }
0x96: {  	[sflag:s24] =	ssyncset.done $0x0  }
0x97: {  	s26 =	simm.s32 $0x4600;
	s12 =	simm.s32 $0x200;
	[sflag:s24] =	ssyncadd.s32 $0xFFFFFF80  }
0x98: {  	[tilespmem:s26], [sflag:$0xE] =	stream.indirect.gather [hbm4b:s14+s8], $0x80, s12, s8, $0xb8;
	[tilespmem:$0x1FE80] =	vst v63  }
0x99: {  	_ =	swait.ge [sflag:s21], $0x4000  }
0x9a: {  	[sflag:s21] =	ssyncset.done $0x0  }
0x9b: {  	s20 =	simm.s32 $0xA;
	[sflag:s21] =	ssyncadd.s32 $0xFFFFC000  }
0x9c: {  	_ =	swait.ge [sflag:s20], $0x80  }
0x9d: {  	[sflag:s20] =	ssyncset.done $0x0  }
0x9e: {  	s13 =	simm.s32 $0x480;
	[sflag:s20] =	ssyncadd.s32 $0xFFFFFF80  }
0x9f: {  	[spmem:s1] =	stream.indirect.scatter.add.f32 [tilespmem:s4], [sflag:$0x10], $0x80, s13, s8, $0xb8;
	[tilespmem:$0x1FE80] =	vst v63  }
0xa0: {  	_ =	swait.ge [sflag:s7], $0x4000  }
0xa1: {  	[sflag:s7] =	ssyncset.done $0x0  }
0xa2: {  	s12 =	rddreg [dreg:$0x14];
	[sflag:s7] =	ssyncadd.s32 $0xFFFFC000  }
0xa3: {  	[tilespmem:s15], [sflag:$0x3] =	stream.linear.gather [hbm4b:s12+s3], $0x80, $0x38;
	[tilespmem:$0x1FE80] =	vst v63  }
0xa4: {  	s18 =	simm.s32 $0x400;
	s12 =	rddreg [dreg:$0x15]  }
0xa5: {  	[tilespmem:s18], [sflag:$0x9] =	stream.linear.gather [hbm4b:s12+s3], $0x80, $0x38;
	[tilespmem:$0x1FE80] =	vst v63  }
0xa6: {  	s18 =	simm.s32 $0x6  }
0xa7: {  	_ =	swait.ge [sflag:s18], $0x80  }
0xa8: {  	[sflag:s18] =	ssyncset.done $0x0  }
0xa9: {  	s17 =	simm.s32 $0x280;
	[sflag:s18] =	ssyncadd.s32 $0xFFFFFF80  }
0xaa: {  	[tilespmem:s9], [sflag:$0xF] =	stream.indirect.gather [hbm4b:s14+s8], $0x80, s17, s8, $0xb8;
	[tilespmem:$0x1FE80] =	vst v63  }
0xab: {  	_ =	swait.ge [sflag:s28], $0x4000  }
0xac: {  	[sflag:s28] =	ssyncset.done $0x0  }
0xad: {  	s22 =	simm.s32 $0xB;
	[sflag:s28] =	ssyncadd.s32 $0xFFFFC000  }
0xae: {  	_ =	swait.ge [sflag:s22], $0x80  }
0xaf: {  	[sflag:s22] =	ssyncset.done $0x0  }
0xb0: {  	s17 =	simm.s32 $0x500;
	[sflag:s22] =	ssyncadd.s32 $0xFFFFFF80  }
0xb1: {  	[spmem:s1] =	stream.indirect.scatter.add.f32 [tilespmem:s26], [sflag:$0x11], $0x80, s17, s8, $0xb8;
	[tilespmem:$0x1FE80] =	vst v63  }
0xb2: {  	_ =	swait.ge [sflag:s30], $0x4000  }
0xb3: {  	[sflag:s30] =	ssyncset.done $0x0  }
0xb4: {  	s18 =	rddreg [dreg:$0x16];
	[sflag:s30] =	ssyncadd.s32 $0xFFFFC000  }
0xb5: {  	[tilespmem:s19], [sflag:$0x4] =	stream.linear.gather [hbm4b:s18+s3], $0x80, $0x38;
	[tilespmem:$0x1FE80] =	vst v63  }
0xb6: {  	s17 =	rddreg [dreg:$0x17]  }
0xb7: {  	[tilespmem:s13], [sflag:$0xA] =	stream.linear.gather [hbm4b:s17+s3], $0x80, $0x38;
	[tilespmem:$0x1FE80] =	vst v63  }
0xb8: {  	_ =	swait.ge [sflag:s29], $0x80  }
0xb9: {  	[sflag:s29] =	ssyncset.done $0x0  }
0xba: {  	[sflag:s29] =	ssyncadd.s32 $0xFFFFFF80  }
0xbb: {  	[tilespmem:s4], [sflag:$0xD] =	stream.indirect.gather [hbm4b:s14+s8], $0x80, s3, s8, $0xb8;
	[tilespmem:$0x1FE80] =	vst v63  }
0xbc: {  	_ =	swait.ge [sflag:s2], $0x4000  }
0xbd: {  	[sflag:s2] =	ssyncset.done $0x0  }
0xbe: {  	s18 =	simm.s32 $0xC;
	[sflag:s2] =	ssyncadd.s32 $0xFFFFC000  }
0xbf: {  	_ =	swait.ge [sflag:s18], $0x80  }
0xc0: {  	[sflag:s18] =	ssyncset.done $0x0  }
0xc1: {  	s13 =	simm.s32 $0x580;
	[sflag:s18] =	ssyncadd.s32 $0xFFFFFF80  }
0xc2: {  	[spmem:s1] =	stream.indirect.scatter.add.f32 [tilespmem:s9], [sflag:$0x12], $0x80, s13, s8, $0xb8;
	[tilespmem:$0x1FE80] =	vst v63  }
0xc3: {  	_ =	swait.ge [sflag:s5], $0x4000  }
0xc4: {  	s17 =	rddreg [dreg:$0x4];
	[sflag:s5] =	ssyncset.done $0x0  }
0xc5: {  	s18 =	rddreg [dreg:$0x3];
	s12 =	sadd.s32 $0x0, s17;
	[sflag:s5] =	ssyncadd.s32 $0xFFFFC000  }
0xc6: {  	s13 =	sadd.s32 $0x0, s18;
	s18 =	simm.s32 $0x200;
	s17 =	sadd.s32 $0x1400, s12  }
0xc7: {  	[tilespmem:s18], [sflag:$0x5] =	stream.linear.gather [hbm4b:s17+s3], $0x80, $0x38;
	[tilespmem:$0x1FE80] =	vst v63  }
0xc8: {  	s17 =	sadd.s32 $0x1400, s13;
	s18 =	simm.s32 $0x500  }
0xc9: {  	[tilespmem:s18], [sflag:$0xB] =	stream.linear.gather [hbm4b:s17+s3], $0x80, $0x38;
	[tilespmem:$0x1FE80] =	vst v63  }
0xca: {  	_ =	swait.ge [sflag:s31], $0x80  }
0xcb: {  	[sflag:s31] =	ssyncset.done $0x0  }
0xcc: {  	[sflag:s31] =	ssyncadd.s32 $0xFFFFFF80  }
0xcd: {  	[tilespmem:s26], [sflag:$0xE] =	stream.indirect.gather [hbm4b:s14+s8], $0x80, s8, s8, $0xb8;
	[tilespmem:$0x1FE80] =	vst v63  }
0xce: {  	_ =	swait.ge [sflag:s21], $0x4000  }
0xcf: {  	[sflag:s21] =	ssyncset.done $0x0  }
0xd0: {  	[sflag:s21] =	ssyncadd.s32 $0xFFFFC000  }
0xd1: {  	_ =	swait.ge [sflag:s0], $0x80  }
0xd2: {  	[sflag:s0] =	ssyncset.done $0x0  }
0xd3: {  	[sflag:s0] =	ssyncadd.s32 $0xFFFFFF80  }
0xd4: {  	[spmem:s1] =	stream.indirect.scatter.add.f32 [tilespmem:s4], [sflag:$0x10], $0x80, s23, s8, $0xb8;
	[tilespmem:$0x1FE80] =	vst v63  }
0xd5: {  	_ =	swait.ge [sflag:s7], $0x4000  }
0xd6: {  	[sflag:s7] =	ssyncset.done $0x0  }
0xd7: {  	s18 =	sadd.s32 $0x1600, s12;
	s31 =	simm.s32 $0x280;
	[sflag:s7] =	ssyncadd.s32 $0xFFFFC000  }
0xd8: {  	[tilespmem:s31], [sflag:$0x6] =	stream.linear.gather [hbm4b:s18+s3], $0x80, $0x38;
	[tilespmem:$0x1FE80] =	vst v63  }
0xd9: {  	s0 =	sadd.s32 $0x1600, s13;
	s31 =	simm.s32 $0x580  }
0xda: {  	[tilespmem:s31], [sflag:$0xC] =	stream.linear.gather [hbm4b:s0+s3], $0x80, $0x38;
	[tilespmem:$0x1FE80] =	vst v63  }
0xdb: {  	_ =	swait.ge [sflag:s10], $0x80  }
0xdc: {  	[sflag:s10] =	ssyncset.done $0x0  }
0xdd: {  	[sflag:s10] =	ssyncadd.s32 $0xFFFFFF80  }
0xde: {  	[tilespmem:s9], [sflag:$0xF] =	stream.indirect.gather [hbm4b:s14+s8], $0x80, s15, s8, $0xb8;
	[tilespmem:$0x1FE80] =	vst v63  }
0xdf: {  	_ =	swait.ge [sflag:s28], $0x4000  }
0xe0: {  	[sflag:s28] =	ssyncset.done $0x0  }
0xe1: {  	[sflag:s28] =	ssyncadd.s32 $0xFFFFC000  }
0xe2: {  	_ =	swait.ge [sflag:s11], $0x80  }
0xe3: {  	[sflag:s11] =	ssyncset.done $0x0  }
0xe4: {  	[sflag:s11] =	ssyncadd.s32 $0xFFFFFF80  }
0xe5: {  	[spmem:s1] =	stream.indirect.scatter.add.f32 [tilespmem:s26], [sflag:$0x11], $0x80, s25, s8, $0xb8;
	[tilespmem:$0x1FE80] =	vst v63  }
0xe6: {  	_ =	swait.ge [sflag:s30], $0x4000  }
0xe7: {  	[sflag:s30] =	ssyncset.done $0x0  }
0xe8: {  	s11 =	sadd.s32 $0x1800, s12;
	[sflag:s30] =	ssyncadd.s32 $0xFFFFC000  }
0xe9: {  	[tilespmem:s3], [sflag:$0x1] =	stream.linear.gather [hbm4b:s11+s3], $0x80, $0x38;
	[tilespmem:$0x1FE80] =	vst v63  }
0xea: {  	s31 =	sadd.s32 $0x1800, s13  }
0xeb: {  	[tilespmem:s23], [sflag:$0x7] =	stream.linear.gather [hbm4b:s31+s3], $0x80, $0x38;
	[tilespmem:$0x1FE80] =	vst v63  }
0xec: {  	_ =	swait.ge [sflag:s16], $0x80  }
0xed: {  	[sflag:s16] =	ssyncset.done $0x0  }
0xee: {  	[sflag:s16] =	ssyncadd.s32 $0xFFFFFF80  }
0xef: {  	[tilespmem:s4], [sflag:$0xD] =	stream.indirect.gather [hbm4b:s14+s8], $0x80, s19, s8, $0xb8;
	[tilespmem:$0x1FE80] =	vst v63  }
0xf0: {  	_ =	swait.ge [sflag:s2], $0x4000  }
0xf1: {  	[sflag:s2] =	ssyncset.done $0x0  }
0xf2: {  	[sflag:s2] =	ssyncadd.s32 $0xFFFFC000  }
0xf3: {  	_ =	swait.ge [sflag:s6], $0x80  }
0xf4: {  	[sflag:s6] =	ssyncset.done $0x0  }
0xf5: {  	s0 =	simm.s32 $0x400;
	[sflag:s6] =	ssyncadd.s32 $0xFFFFFF80  }
0xf6: {  	[spmem:s1] =	stream.indirect.scatter.add.f32 [tilespmem:s9], [sflag:$0x12], $0x80, s0, s8, $0xb8;
	[tilespmem:$0x1FE80] =	vst v63  }
0xf7: {  	_ =	swait.ge [sflag:s5], $0x4000  }
0xf8: {  	[sflag:s5] =	ssyncset.done $0x0  }
0xf9: {  	s16 =	sadd.s32 $0x1A00, s12;
	[sflag:s5] =	ssyncadd.s32 $0xFFFFC000  }
0xfa: {  	[tilespmem:s8], [sflag:$0x2] =	stream.linear.gather [hbm4b:s16+s3], $0x80, $0x38;
	[tilespmem:$0x1FE80] =	vst v63  }
0xfb: {  	s23 =	sadd.s32 $0x1A00, s13  }
0xfc: {  	[tilespmem:s25], [sflag:$0x8] =	stream.linear.gather [hbm4b:s23+s3], $0x80, $0x38;
	[tilespmem:$0x1FE80] =	vst v63  }
0xfd: {  	_ =	swait.ge [sflag:s24], $0x80  }
0xfe: {  	[sflag:s24] =	ssyncset.done $0x0  }
0xff: {  	s31 =	simm.s32 $0x200;
	[sflag:s24] =	ssyncadd.s32 $0xFFFFFF80  }
0x100: {  	[tilespmem:s26], [sflag:$0xE] =	stream.indirect.gather [hbm4b:s14+s8], $0x80, s31, s8, $0xb8;
	[tilespmem:$0x1FE80] =	vst v63  }
0x101: {  	_ =	swait.ge [sflag:s21], $0x4000  }
0x102: {  	[sflag:s21] =	ssyncset.done $0x0  }
0x103: {  	[sflag:s21] =	ssyncadd.s32 $0xFFFFC000  }
0x104: {  	_ =	swait.ge [sflag:s20], $0x80  }
0x105: {  	[sflag:s20] =	ssyncset.done $0x0  }
0x106: {  	s11 =	simm.s32 $0x480;
	[sflag:s20] =	ssyncadd.s32 $0xFFFFFF80  }
0x107: {  	[spmem:s1] =	stream.indirect.scatter.add.f32 [tilespmem:s4], [sflag:$0x10], $0x80, s11, s8, $0xb8;
	[tilespmem:$0x1FE80] =	vst v63  }
0x108: {  	_ =	swait.ge [sflag:s7], $0x4000  }
0x109: {  	[sflag:s7] =	ssyncset.done $0x0  }
0x10a: {  	s16 =	sadd.s32 $0x1C00, s12;
	[sflag:s7] =	ssyncadd.s32 $0xFFFFC000  }
0x10b: {  	[tilespmem:s15], [sflag:$0x3] =	stream.linear.gather [hbm4b:s16+s3], $0x80, $0x38;
	[tilespmem:$0x1FE80] =	vst v63  }
0x10c: {  	s25 =	simm.s32 $0x6;
	s20 =	sadd.s32 $0x1C00, s13  }
0x10d: {  	[tilespmem:s0], [sflag:$0x9] =	stream.linear.gather [hbm4b:s20+s3], $0x80, $0x38;
	[tilespmem:$0x1FE80] =	vst v63  }
0x10e: {  	_ =	swait.ge [sflag:s25], $0x80  }
0x10f: {  	[sflag:s25] =	ssyncset.done $0x0  }
0x110: {  	s18 =	simm.s32 $0x280;
	[sflag:s25] =	ssyncadd.s32 $0xFFFFFF80  }
0x111: {  	[tilespmem:s9], [sflag:$0xF] =	stream.indirect.gather [hbm4b:s14+s8], $0x80, s18, s8, $0xb8;
	[tilespmem:$0x1FE80] =	vst v63  }
0x112: {  	_ =	swait.ge [sflag:s28], $0x4000  }
0x113: {  	[sflag:s28] =	ssyncset.done $0x0  }
0x114: {  	[sflag:s28] =	ssyncadd.s32 $0xFFFFC000  }
0x115: {  	_ =	swait.ge [sflag:s22], $0x80  }
0x116: {  	[sflag:s22] =	ssyncset.done $0x0  }
0x117: {  	s23 =	simm.s32 $0x500;
	[sflag:s22] =	ssyncadd.s32 $0xFFFFFF80  }
0x118: {  	[spmem:s1] =	stream.indirect.scatter.add.f32 [tilespmem:s26], [sflag:$0x11], $0x80, s23, s8, $0xb8;
	[tilespmem:$0x1FE80] =	vst v63  }
0x119: {  	_ =	swait.ge [sflag:s30], $0x4000  }
0x11a: {  	[sflag:s30] =	ssyncset.done $0x0  }
0x11b: {  	s12 =	sadd.s32 $0x1E00, s12;
	[sflag:s30] =	ssyncadd.s32 $0xFFFFC000  }
0x11c: {  	[tilespmem:s19], [sflag:$0x4] =	stream.linear.gather [hbm4b:s12+s3], $0x80, $0x38;
	[tilespmem:$0x1FE80] =	vst v63  }
0x11d: {  	s24 =	sadd.s32 $0x1E00, s13  }
0x11e: {  	[tilespmem:s11], [sflag:$0xA] =	stream.linear.gather [hbm4b:s24+s3], $0x80, $0x38;
	[tilespmem:$0x1FE80] =	vst v63  }
0x11f: {  	_ =	swait.ge [sflag:s29], $0x80  }
0x120: {  	[sflag:s29] =	ssyncset.done $0x0  }
0x121: {  	[sflag:s29] =	ssyncadd.s32 $0xFFFFFF80  }
0x122: {  	[tilespmem:s4], [sflag:$0xD] =	stream.indirect.gather [hbm4b:s14+s8], $0x80, s3, s8, $0xb8;
	[tilespmem:$0x1FE80] =	vst v63  }
0x123: {  	_ =	swait.ge [sflag:s2], $0x4000  }
0x124: {  	s10 =	simm.s32 $0x8;
	[sflag:s2] =	ssyncset.done $0x0  }
0x125: {  	s6 =	simm.s32 $0x2;
	s25 =	simm.s32 $0xC;
	[sflag:s2] =	ssyncadd.s32 $0xFFFFC000  }
0x126: {  	s31 =	simm.s32 $0xC;
	s15 =	simm.s32 $0x100;
	_ =	swait.ge [sflag:s25], $0x80  }
0x127: {  	s0 =	simm.s32 $0x7;
	s12 =	simm.s32 $0xC00;
	[sflag:s25] =	ssyncset.done $0x0  }
0x128: {  	s11 =	simm.s32 $0x3;
	s29 =	simm.s32 $0x1;
	[sflag:s31] =	ssyncadd.s32 $0xFFFFFF80  }
.LBB2_2:
0x129: {  	s20 =	simm.s32 $0x580  }
0x12a: {  	[spmem:s1] =	stream.indirect.scatter.add.f32 [tilespmem:s9], [sflag:$0x12], $0x80, s20, s8, $0xb8;
	[tilespmem:$0x1FE80] =	vst v63  }
0x12b: {  	_ =	swait.ge [sflag:s5], $0x4000  }
0x12c: {  	s17 =	smov.u32 s12;
	s19 =	simm.s32 $0x200;
	s13 =	rddreg [dreg:$0x4]  }
0x12d: {  	s18 =	rddreg [dreg:$0x3];
	[sflag:s5] =	ssyncset.done $0x0;
	s13 =	sadd.s32 s17, s13  }
0x12e: {  	[sflag:s5] =	ssyncadd.s32 $0xFFFFC000;
	s17 =	sadd.s32 s17, s18;
	s23 =	sadd.s32 $0x1400, s13  }
0x12f: {  	[tilespmem:s19], [sflag:$0x5] =	stream.linear.gather [hbm4b:s23+s3], $0x80, $0x38;
	[tilespmem:$0x1FE80] =	vst v63  }
0x130: {  	s16 =	simm.s32 $0x500;
	s18 =	sadd.s32 $0x1400, s17  }
0x131: {  	[tilespmem:s16], [sflag:$0xB] =	stream.linear.gather [hbm4b:s18+s3], $0x80, $0x38;
	[tilespmem:$0x1FE80] =	vst v63  }
0x132: {  	_ =	swait.ge [sflag:s6], $0x80  }
0x133: {  	[sflag:s6] =	ssyncset.done $0x0  }
0x134: {  	[sflag:s6] =	ssyncadd.s32 $0xFFFFFF80  }
0x135: {  	[tilespmem:s26], [sflag:$0xE] =	stream.indirect.gather [hbm4b:s14+s8], $0x80, s8, s8, $0xb8;
	[tilespmem:$0x1FE80] =	vst v63  }
0x136: {  	_ =	swait.ge [sflag:s21], $0x4000  }
0x137: {  	[sflag:s21] =	ssyncset.done $0x0  }
0x138: {  	[sflag:s21] =	ssyncadd.s32 $0xFFFFC000  }
0x139: {  	_ =	swait.ge [sflag:s0], $0x80  }
0x13a: {  	[sflag:s0] =	ssyncset.done $0x0  }
0x13b: {  	s23 =	simm.s32 $0x300;
	[sflag:s0] =	ssyncadd.s32 $0xFFFFFF80  }
0x13c: {  	[spmem:s1] =	stream.indirect.scatter.add.f32 [tilespmem:s4], [sflag:$0x10], $0x80, s23, s8, $0xb8;
	[tilespmem:$0x1FE80] =	vst v63  }
0x13d: {  	_ =	swait.ge [sflag:s7], $0x4000  }
0x13e: {  	[sflag:s7] =	ssyncset.done $0x0  }
0x13f: {  	s31 =	simm.s32 $0x280;
	s24 =	sadd.s32 $0x1600, s13;
	[sflag:s7] =	ssyncadd.s32 $0xFFFFC000  }
0x140: {  	[tilespmem:s31], [sflag:$0x6] =	stream.linear.gather [hbm4b:s24+s3], $0x80, $0x38;
	[tilespmem:$0x1FE80] =	vst v63  }
0x141: {  	s25 =	sadd.s32 $0x1600, s17  }
0x142: {  	[tilespmem:s20], [sflag:$0xC] =	stream.linear.gather [hbm4b:s25+s3], $0x80, $0x38;
	[tilespmem:$0x1FE80] =	vst v63  }
0x143: {  	_ =	swait.ge [sflag:s11], $0x80  }
0x144: {  	[sflag:s11] =	ssyncset.done $0x0  }
0x145: {  	[sflag:s11] =	ssyncadd.s32 $0xFFFFFF80  }
0x146: {  	[tilespmem:s9], [sflag:$0xF] =	stream.indirect.gather [hbm4b:s14+s8], $0x80, s15, s8, $0xb8;
	[tilespmem:$0x1FE80] =	vst v63  }
0x147: {  	_ =	swait.ge [sflag:s28], $0x4000  }
0x148: {  	[sflag:s28] =	ssyncset.done $0x0  }
0x149: {  	[sflag:s28] =	ssyncadd.s32 $0xFFFFC000  }
0x14a: {  	_ =	swait.ge [sflag:s10], $0x80  }
0x14b: {  	[sflag:s10] =	ssyncset.done $0x0  }
0x14c: {  	s22 =	simm.s32 $0x380;
	[sflag:s10] =	ssyncadd.s32 $0xFFFFFF80  }
0x14d: {  	[spmem:s1] =	stream.indirect.scatter.add.f32 [tilespmem:s26], [sflag:$0x11], $0x80, s22, s8, $0xb8;
	[tilespmem:$0x1FE80] =	vst v63  }
0x14e: {  	_ =	swait.ge [sflag:s30], $0x4000  }
0x14f: {  	[sflag:s30] =	ssyncset.done $0x0  }
0x150: {  	s20 =	sadd.s32 $0x1800, s13;
	[sflag:s30] =	ssyncadd.s32 $0xFFFFC000  }
0x151: {  	[tilespmem:s3], [sflag:$0x1] =	stream.linear.gather [hbm4b:s20+s3], $0x80, $0x38;
	[tilespmem:$0x1FE80] =	vst v63  }
0x152: {  	s24 =	sadd.s32 $0x1800, s17;
	s25 =	simm.s32 $0x4  }
0x153: {  	[tilespmem:s23], [sflag:$0x7] =	stream.linear.gather [hbm4b:s24+s3], $0x80, $0x38;
	[tilespmem:$0x1FE80] =	vst v63  }
0x154: {  	_ =	swait.ge [sflag:s25], $0x80  }
0x155: {  	[sflag:s25] =	ssyncset.done $0x0  }
0x156: {  	s24 =	simm.s32 $0x180;
	[sflag:s25] =	ssyncadd.s32 $0xFFFFFF80  }
0x157: {  	[tilespmem:s4], [sflag:$0xD] =	stream.indirect.gather [hbm4b:s14+s8], $0x80, s24, s8, $0xb8;
	[tilespmem:$0x1FE80] =	vst v63  }
0x158: {  	_ =	swait.ge [sflag:s2], $0x4000  }
0x159: {  	[sflag:s2] =	ssyncset.done $0x0  }
0x15a: {  	s20 =	simm.s32 $0x9;
	[sflag:s2] =	ssyncadd.s32 $0xFFFFC000  }
0x15b: {  	_ =	swait.ge [sflag:s20], $0x80  }
0x15c: {  	[sflag:s20] =	ssyncset.done $0x0  }
0x15d: {  	[sflag:s20] =	ssyncadd.s32 $0xFFFFFF80;
	s20 =	simm.s32 $0x400  }
0x15e: {  	[spmem:s1] =	stream.indirect.scatter.add.f32 [tilespmem:s9], [sflag:$0x12], $0x80, s20, s8, $0xb8;
	[tilespmem:$0x1FE80] =	vst v63  }
0x15f: {  	_ =	swait.ge [sflag:s5], $0x4000  }
0x160: {  	[sflag:s5] =	ssyncset.done $0x0  }
0x161: {  	s25 =	sadd.s32 $0x1A00, s13;
	[sflag:s5] =	ssyncadd.s32 $0xFFFFC000  }
0x162: {  	[tilespmem:s8], [sflag:$0x2] =	stream.linear.gather [hbm4b:s25+s3], $0x80, $0x38;
	[tilespmem:$0x1FE80] =	vst v63  }
0x163: {  	s18 =	sadd.s32 $0x1A00, s17  }
0x164: {  	[tilespmem:s22], [sflag:$0x8] =	stream.linear.gather [hbm4b:s18+s3], $0x80, $0x38;
	[tilespmem:$0x1FE80] =	vst v63  }
0x165: {  	s22 =	simm.s32 $0x5  }
0x166: {  	_ =	swait.ge [sflag:s22], $0x80  }
0x167: {  	[sflag:s22] =	ssyncset.done $0x0  }
0x168: {  	[sflag:s22] =	ssyncadd.s32 $0xFFFFFF80  }
0x169: {  	[tilespmem:s26], [sflag:$0xE] =	stream.indirect.gather [hbm4b:s14+s8], $0x80, s19, s8, $0xb8;
	[tilespmem:$0x1FE80] =	vst v63  }
0x16a: {  	_ =	swait.ge [sflag:s21], $0x4000  }
0x16b: {  	[sflag:s21] =	ssyncset.done $0x0  }
0x16c: {  	s19 =	simm.s32 $0xA;
	[sflag:s21] =	ssyncadd.s32 $0xFFFFC000  }
0x16d: {  	_ =	swait.ge [sflag:s19], $0x80  }
0x16e: {  	[sflag:s19] =	ssyncset.done $0x0  }
0x16f: {  	[sflag:s19] =	ssyncadd.s32 $0xFFFFFF80;
	s19 =	simm.s32 $0x480  }
0x170: {  	[spmem:s1] =	stream.indirect.scatter.add.f32 [tilespmem:s4], [sflag:$0x10], $0x80, s19, s8, $0xb8;
	[tilespmem:$0x1FE80] =	vst v63  }
0x171: {  	_ =	swait.ge [sflag:s7], $0x4000  }
0x172: {  	[sflag:s7] =	ssyncset.done $0x0  }
0x173: {  	s22 =	sadd.s32 $0x1C00, s13;
	[sflag:s7] =	ssyncadd.s32 $0xFFFFC000  }
0x174: {  	[tilespmem:s15], [sflag:$0x3] =	stream.linear.gather [hbm4b:s22+s3], $0x80, $0x38;
	[tilespmem:$0x1FE80] =	vst v63  }
0x175: {  	s18 =	sadd.s32 $0x1C00, s17  }
0x176: {  	[tilespmem:s20], [sflag:$0x9] =	stream.linear.gather [hbm4b:s18+s3], $0x80, $0x38;
	[tilespmem:$0x1FE80] =	vst v63  }
0x177: {  	s18 =	simm.s32 $0x6  }
0x178: {  	_ =	swait.ge [sflag:s18], $0x80  }
0x179: {  	[sflag:s18] =	ssyncset.done $0x0  }
0x17a: {  	[sflag:s18] =	ssyncadd.s32 $0xFFFFFF80  }
0x17b: {  	[tilespmem:s9], [sflag:$0xF] =	stream.indirect.gather [hbm4b:s14+s8], $0x80, s31, s8, $0xb8;
	[tilespmem:$0x1FE80] =	vst v63  }
0x17c: {  	_ =	swait.ge [sflag:s28], $0x4000  }
0x17d: {  	[sflag:s28] =	ssyncset.done $0x0  }
0x17e: {  	s20 =	simm.s32 $0xB;
	[sflag:s28] =	ssyncadd.s32 $0xFFFFC000  }
0x17f: {  	_ =	swait.ge [sflag:s20], $0x80  }
0x180: {  	[sflag:s20] =	ssyncset.done $0x0  }
0x181: {  	[sflag:s20] =	ssyncadd.s32 $0xFFFFFF80  }
0x182: {  	[spmem:s1] =	stream.indirect.scatter.add.f32 [tilespmem:s26], [sflag:$0x11], $0x80, s16, s8, $0xb8;
	[tilespmem:$0x1FE80] =	vst v63  }
0x183: {  	_ =	swait.ge [sflag:s30], $0x4000  }
0x184: {  	[sflag:s30] =	ssyncset.done $0x0  }
0x185: {  	s13 =	sadd.s32 $0x1E00, s13;
	[sflag:s30] =	ssyncadd.s32 $0xFFFFC000  }
0x186: {  	[tilespmem:s24], [sflag:$0x4] =	stream.linear.gather [hbm4b:s13+s3], $0x80, $0x38;
	[tilespmem:$0x1FE80] =	vst v63  }
0x187: {  	s17 =	sadd.s32 $0x1E00, s17  }
0x188: {  	[tilespmem:s19], [sflag:$0xA] =	stream.linear.gather [hbm4b:s17+s3], $0x80, $0x38;
	[tilespmem:$0x1FE80] =	vst v63  }
0x189: {  	_ =	swait.ge [sflag:s29], $0x80  }
0x18a: {  	[sflag:s29] =	ssyncset.done $0x0  }
0x18b: {  	[sflag:s29] =	ssyncadd.s32 $0xFFFFFF80  }
0x18c: {  	[tilespmem:s4], [sflag:$0xD] =	stream.indirect.gather [hbm4b:s14+s8], $0x80, s3, s8, $0xb8;
	[tilespmem:$0x1FE80] =	vst v63  }
0x18d: {  	p2 =	sne.s32 s12, $0x7800;
	_ =	swait.ge [sflag:s2], $0x4000  }
.Ltmp2:
0x18e: {  	[sflag:s2] =	ssyncset.done $0x0;
	(pc) =	sbr.rel @p2 .LBB2_2-.Ltmp2, $4  }
0x18f: {  	s24 =	simm.s32 $0xC;
	[sflag:s2] =	ssyncadd.s32 $0xFFFFC000  }
0x190: {  	s12 =	sadd.s32 $0xC00, s12;
	_ =	swait.ge [sflag:s24], $0x80  }
0x191: {  	s25 =	simm.s32 $0x380;
	s22 =	simm.s32 $0x400;
	[sflag:s24] =	ssyncset.done $0x0  }
0x192: {  	s31 =	simm.s32 $0x480;
	s20 =	simm.s32 $0x180;
	[sflag:s24] =	ssyncadd.s32 $0xFFFFFF80  }
0x193: {  	s13 =	simm.s32 $0x580  }
0x194: {  	[spmem:s1] =	stream.indirect.scatter.add.f32 [tilespmem:s9], [sflag:$0x12], $0x80, s13, s8, $0xb8;
	[tilespmem:$0x1FE80] =	vst v63  }
0x195: {  	_ =	swait.ge [sflag:s5], $0x4000  }
0x196: {  	[sflag:s5] =	ssyncset.done $0x0  }
0x197: {  	s19 =	simm.s32 $0x200;
	s12 =	rddreg [dreg:$0x18];
	[sflag:s5] =	ssyncadd.s32 $0xFFFFC000  }
0x198: {  	[tilespmem:s19], [sflag:$0x5] =	stream.linear.gather [hbm4b:s12+s3], $0x80, $0x38;
	[tilespmem:$0x1FE80] =	vst v63  }
0x199: {  	s16 =	simm.s32 $0x500;
	s24 =	rddreg [dreg:$0x19]  }
0x19a: {  	[tilespmem:s16], [sflag:$0xB] =	stream.linear.gather [hbm4b:s24+s3], $0x80, $0x38;
	[tilespmem:$0x1FE80] =	vst v63  }
0x19b: {  	_ =	swait.ge [sflag:s6], $0x80  }
0x19c: {  	[sflag:s6] =	ssyncset.done $0x0  }
0x19d: {  	[sflag:s6] =	ssyncadd.s32 $0xFFFFFF80  }
0x19e: {  	[tilespmem:s26], [sflag:$0xE] =	stream.indirect.gather [hbm4b:s14+s8], $0x80, s8, s8, $0xb8;
	[tilespmem:$0x1FE80] =	vst v63  }
0x19f: {  	_ =	swait.ge [sflag:s21], $0x4000  }
0x1a0: {  	[sflag:s21] =	ssyncset.done $0x0  }
0x1a1: {  	[sflag:s21] =	ssyncadd.s32 $0xFFFFC000  }
0x1a2: {  	_ =	swait.ge [sflag:s0], $0x80  }
0x1a3: {  	[sflag:s0] =	ssyncset.done $0x0  }
0x1a4: {  	[sflag:s0] =	ssyncadd.s32 $0xFFFFFF80  }
0x1a5: {  	[spmem:s1] =	stream.indirect.scatter.add.f32 [tilespmem:s4], [sflag:$0x10], $0x80, s23, s8, $0xb8;
	[tilespmem:$0x1FE80] =	vst v63  }
0x1a6: {  	_ =	swait.ge [sflag:s7], $0x4000  }
0x1a7: {  	[sflag:s7] =	ssyncset.done $0x0  }
0x1a8: {  	s6 =	simm.s32 $0x280;
	s29 =	rddreg [dreg:$0x1a];
	[sflag:s7] =	ssyncadd.s32 $0xFFFFC000  }
0x1a9: {  	[tilespmem:s6], [sflag:$0x6] =	stream.linear.gather [hbm4b:s29+s3], $0x80, $0x38;
	[tilespmem:$0x1FE80] =	vst v63  }
0x1aa: {  	s0 =	rddreg [dreg:$0x1b]  }
0x1ab: {  	[tilespmem:s13], [sflag:$0xC] =	stream.linear.gather [hbm4b:s0+s3], $0x80, $0x38;
	[tilespmem:$0x1FE80] =	vst v63  }
0x1ac: {  	_ =	swait.ge [sflag:s11], $0x80  }
0x1ad: {  	[sflag:s11] =	ssyncset.done $0x0  }
0x1ae: {  	[sflag:s11] =	ssyncadd.s32 $0xFFFFFF80  }
0x1af: {  	[tilespmem:s9], [sflag:$0xF] =	stream.indirect.gather [hbm4b:s14+s8], $0x80, s15, s8, $0xb8;
	[tilespmem:$0x1FE80] =	vst v63  }
0x1b0: {  	_ =	swait.ge [sflag:s28], $0x4000  }
0x1b1: {  	[sflag:s28] =	ssyncset.done $0x0  }
0x1b2: {  	[sflag:s28] =	ssyncadd.s32 $0xFFFFC000  }
0x1b3: {  	_ =	swait.ge [sflag:s10], $0x80  }
0x1b4: {  	[sflag:s10] =	ssyncset.done $0x0  }
0x1b5: {  	[sflag:s10] =	ssyncadd.s32 $0xFFFFFF80  }
0x1b6: {  	[spmem:s1] =	stream.indirect.scatter.add.f32 [tilespmem:s26], [sflag:$0x11], $0x80, s25, s8, $0xb8;
	[tilespmem:$0x1FE80] =	vst v63  }
0x1b7: {  	_ =	swait.ge [sflag:s30], $0x4000  }
0x1b8: {  	[sflag:s30] =	ssyncset.done $0x0  }
0x1b9: {  	s12 =	simm.s32 @!p1 $0x0;
	s13 =	rddreg [dreg:$0x1f];
	[sflag:s30] =	ssyncadd.s32 $0xFFFFC000  }
0x1ba: {  	[tilespmem:s12], [sflag:$0x1] =	stream.linear.gather @!p1 [hbm4b:s13+s12], $0x80, $0x38;
	[tilespmem:$0x1FE80] =	vst v63  }
0x1bb: {  	s17 =	rddreg [dreg:$0x1e];
	s13 =	simm.s32 @!p1 $0x300  }
0x1bc: {  	[tilespmem:s13], [sflag:$0x7] =	stream.linear.gather @!p1 [hbm4b:s17+s12], $0x80, $0x38;
	[tilespmem:$0x1FE80] =	vst v63  }
0x1bd: {  	s17 =	simm.s32 $0x4  }
0x1be: {  	_ =	swait.ge [sflag:s17], $0x80  }
0x1bf: {  	[sflag:s17] =	ssyncset.done $0x0  }
0x1c0: {  	[sflag:s17] =	ssyncadd.s32 $0xFFFFFF80  }
0x1c1: {  	[tilespmem:s4], [sflag:$0xD] =	stream.indirect.gather [hbm4b:s14+s8], $0x80, s20, s8, $0xb8;
	[tilespmem:$0x1FE80] =	vst v63  }
0x1c2: {  	_ =	swait.ge [sflag:s2], $0x4000  }
0x1c3: {  	[sflag:s2] =	ssyncset.done $0x0  }
0x1c4: {  	s24 =	simm.s32 $0x9;
	[sflag:s2] =	ssyncadd.s32 $0xFFFFC000  }
0x1c5: {  	_ =	swait.ge [sflag:s24], $0x80  }
0x1c6: {  	[sflag:s24] =	ssyncset.done $0x0  }
0x1c7: {  	[sflag:s24] =	ssyncadd.s32 $0xFFFFFF80  }
0x1c8: {  	[spmem:s1] =	stream.indirect.scatter.add.f32 [tilespmem:s9], [sflag:$0x12], $0x80, s22, s8, $0xb8;
	[tilespmem:$0x1FE80] =	vst v63  }
0x1c9: {  	_ =	swait.ge [sflag:s5], $0x4000  }
0x1ca: {  	[sflag:s5] =	ssyncset.done $0x0  }
0x1cb: {  	s25 =	simm.s32 $0x5;
	[sflag:s5] =	ssyncadd.s32 $0xFFFFC000  }
0x1cc: {  	_ =	swait.ge [sflag:s25], $0x80  }
0x1cd: {  	[sflag:s25] =	ssyncset.done $0x0  }
0x1ce: {  	[sflag:s25] =	ssyncadd.s32 $0xFFFFFF80  }
0x1cf: {  	[tilespmem:s26], [sflag:$0xE] =	stream.indirect.gather [hbm4b:s14+s8], $0x80, s19, s8, $0xb8;
	[tilespmem:$0x1FE80] =	vst v63  }
0x1d0: {  	_ =	swait.ge [sflag:s21], $0x4000  }
0x1d1: {  	[sflag:s21] =	ssyncset.done $0x0  }
0x1d2: {  	s29 =	simm.s32 $0xA;
	[sflag:s21] =	ssyncadd.s32 $0xFFFFC000  }
0x1d3: {  	_ =	swait.ge [sflag:s29], $0x80  }
0x1d4: {  	[sflag:s29] =	ssyncset.done $0x0  }
0x1d5: {  	[sflag:s29] =	ssyncadd.s32 $0xFFFFFF80  }
0x1d6: {  	[spmem:s1] =	stream.indirect.scatter.add.f32 [tilespmem:s4], [sflag:$0x10], $0x80, s31, s8, $0xb8;
	[tilespmem:$0x1FE80] =	vst v63  }
0x1d7: {  	_ =	swait.ge [sflag:s7], $0x4000  }
0x1d8: {  	[sflag:s7] =	ssyncset.done $0x0  }
0x1d9: {  	[sflag:s7] =	ssyncadd.s32 $0xFFFFC000  }
0x1da: {  	_ =	swait.ge [sflag:s18], $0x80  }
0x1db: {  	[sflag:s18] =	ssyncset.done $0x0  }
0x1dc: {  	[sflag:s18] =	ssyncadd.s32 $0xFFFFFF80  }
0x1dd: {  	[tilespmem:s9], [sflag:$0xF] =	stream.indirect.gather [hbm4b:s14+s8], $0x80, s6, s8, $0xb8;
	[tilespmem:$0x1FE80] =	vst v63  }
0x1de: {  	_ =	swait.ge [sflag:s28], $0x4000  }
0x1df: {  	[sflag:s28] =	ssyncset.done $0x0  }
0x1e0: {  	s31 =	simm.s32 $0xB;
	[sflag:s28] =	ssyncadd.s32 $0xFFFFC000  }
0x1e1: {  	s0 =	simm.s32 $0x7;
	_ =	swait.ge [sflag:s31], $0x80  }
0x1e2: {  	s11 =	simm.s32 $0x8;
	s24 =	simm.s32 $0x500;
	[sflag:s31] =	ssyncset.done $0x0  }
.Ltmp3:
0x1e3: {  	s22 =	simm.s32 $0x480;
	[sflag:s31] =	ssyncadd.s32 $0xFFFFFF80;
	(pc) =	sbr.rel @p1 .LBB2_5-.Ltmp3, $4  }
0x1e4: {  	[spmem:s1] =	stream.indirect.scatter.add.f32 [tilespmem:s26], [sflag:$0x11], $0x80, s16, s8, $0xb8;
	[tilespmem:$0x1FE80] =	vst v63  }
0x1e5: {  	s25 =	simm.s32 $0x380;
	s4 =	simm.s32 $0x600;
	_ =	swait.ge [sflag:s30], $0x4000  }
0x1e6: {  	s18 =	simm.s32 $0x400;
	s9 =	simm.s32 $0x8600;
	[sflag:s30] =	ssyncset.done $0x0  }
0x1e7: {  	s26 =	simm.s32 $0x280;
	s16 =	simm.s32 $0x4600;
	[sflag:s30] =	ssyncadd.s32 $0xFFFFC000  }
0x1e8: {  	s29 =	simm.s32 $0x1  }
0x1e9: {  	_ =	swait.ge [sflag:s29], $0x80  }
0x1ea: {  	[sflag:s29] =	ssyncset.done $0x0  }
0x1eb: {  	[sflag:s29] =	ssyncadd.s32 $0xFFFFFF80  }
0x1ec: {  	[tilespmem:s4], [sflag:$0xD] =	stream.indirect.gather [hbm4b:s14+s8], $0x80, s3, s8, $0xb8;
	[tilespmem:$0x1FE80] =	vst v63  }
0x1ed: {  	_ =	swait.ge [sflag:s2], $0x4000  }
0x1ee: {  	[sflag:s2] =	ssyncset.done $0x0  }
0x1ef: {  	s6 =	simm.s32 $0xC;
	[sflag:s2] =	ssyncadd.s32 $0xFFFFC000  }
0x1f0: {  	_ =	swait.ge [sflag:s6], $0x80  }
0x1f1: {  	[sflag:s6] =	ssyncset.done $0x0  }
0x1f2: {  	s31 =	simm.s32 $0x580;
	[sflag:s6] =	ssyncadd.s32 $0xFFFFFF80  }
0x1f3: {  	[spmem:s1] =	stream.indirect.scatter.add.f32 [tilespmem:s9], [sflag:$0x12], $0x80, s31, s8, $0xb8;
	[tilespmem:$0x1FE80] =	vst v63  }
0x1f4: {  	_ =	swait.ge [sflag:s5], $0x4000  }
0x1f5: {  	[sflag:s5] =	ssyncset.done $0x0  }
0x1f6: {  	[sflag:s5] =	ssyncadd.s32 $0xFFFFC000  }
0x1f7: {  	_ =	swait.ge [sflag:s21], $0x4000  }
0x1f8: {  	[sflag:s21] =	ssyncset.done $0x0  }
0x1f9: {  	[sflag:s21] =	ssyncadd.s32 $0xFFFFC000  }
0x1fa: {  	_ =	swait.ge [sflag:s0], $0x80  }
0x1fb: {  	[sflag:s0] =	ssyncset.done $0x0  }
0x1fc: {  	[sflag:s0] =	ssyncadd.s32 $0xFFFFFF80  }
0x1fd: {  	[spmem:s1] =	stream.indirect.scatter.add.f32 [tilespmem:s4], [sflag:$0x10], $0x80, s23, s8, $0xb8;
	[tilespmem:$0x1FE80] =	vst v63  }
0x1fe: {  	_ =	swait.ge [sflag:s7], $0x4000  }
0x1ff: {  	[sflag:s7] =	ssyncset.done $0x0  }
0x200: {  	[sflag:s7] =	ssyncadd.s32 $0xFFFFC000  }
.Ltmp4:
0x201: {  	_ =	swait.ge [sflag:s30], $0x4000;
	(pc) =	sbr.rel .LBB2_6-.Ltmp4, $4  }
0x202: {  	[sflag:s30] =	ssyncset.done $0x0  }
0x203: {  	[sflag:s30] =	ssyncadd.s32 $0xFFFFC000  }
0x204: {  	[bflag:$0x0] =	sbarrier.arrive $0xFFFF  }
0x205: {  	s6 =	simm.s32 $0x580  }
.LBB2_5:
0x206: {  	_ =	swait.ge [sflag:s2], $0x4000  }
0x207: {  	[sflag:s2] =	ssyncset.done $0x0  }
0x208: {  	s6 =	simm.s32 $0xC;
	[sflag:s2] =	ssyncadd.s32 $0xFFFFC000  }
0x209: {  	_ =	swait.ge [sflag:s6], $0x80  }
0x20a: {  	[sflag:s6] =	ssyncset.done $0x0  }
0x20b: {  	s31 =	simm.s32 $0x580;
	[sflag:s6] =	ssyncadd.s32 $0xFFFFFF80  }
0x20c: {  	[spmem:s1] =	stream.indirect.scatter.add.f32 [tilespmem:s9], [sflag:$0x12], $0x80, s31, s8, $0xb8;
	[tilespmem:$0x1FE80] =	vst v63  }
0x20d: {  	_ =	swait.ge [sflag:s5], $0x4000  }
0x20e: {  	[sflag:s5] =	ssyncset.done $0x0  }
0x20f: {  	[sflag:s5] =	ssyncadd.s32 $0xFFFFC000  }
.Ltmp5:
0x210: {  	_ =	swait.ge [sflag:s7], $0x4000;
	(pc) =	sbr.rel @p0 .LBB2_7-.Ltmp5, $4  }
0x211: {  	[sflag:s7] =	ssyncset.done $0x0  }
0x212: {  	[sflag:s7] =	ssyncadd.s32 $0xFFFFC000  }
0x213: {  	[bflag:$0x0] =	sbarrier.arrive $0xFFFF  }
0x214: {  	s29 =	simm.s32 $0x1;
	s6 =	simm.s32 $0x580  }
.LBB2_6:
0x215: {  	s13 =	sld [smem:$0x7F8]  }
0x216: {  	s12 =	stileid.u32  }
0x217: {  	s17 =	rddreg [dreg:$0xf];
	s10 =	simm.s32 $0x13;
	s12 =	sshll.u32 s12, $0x6  }
.Ltmp6:
0x218: {  	s12 =	sor.u32 $0x1C13, s12;
	s13 =	sshrl.u32 s13, $0x3;
	(pc) =	sbr.rel .LBB2_8-.Ltmp6, $4  }
0x219: {  	[hbm:s17], [sflag:s12] =	dma.local [spmem:s13], $0x2800  }
0x21a: {  	s15 =	simm.s32 $0x100;
	_ =	swait.ge [sflag:s10], $0x2800  }
0x21b: {  	s19 =	simm.s32 $0x180;
	s31 =	simm.s32 $0x2;
	[sflag:s10] =	ssyncset.done $0x0  }
0x21c: {  	s13 =	sld [smem:$0x7F7];
	[sflag:s10] =	ssyncadd.s32 $0xFFFFD800;
	s10 =	simm.s32 $0x3  }
.LBB2_9:
0x21d: {  	_ =	sfence.sel $0x180000  }
0x21e: {  	[bflag:$0x0] =	sbarrier.arrive $0xFFFF  }
0x21f: {  	_ =	strace $0x9000004A  }
0x220: {  	s0 =	stileid.u32;
	[bflag:$0x2] =	sbarrier.arrive $0xFFFF  }
0x221: {  	p0 =	sne.s32 s0, $0x0;
	s0 =	rddreg [dreg:$0x2]  }
0x222: {  	s0 =	sadd.s32 @!p0 $0x100000, s0  }
0x223: {  	[sflag:s0] =	ssyncadd.tile.s32 @!p0 $0x1;
	_ =	shalt  }
.Lfunc_end2:
_tile_overlayer_lowered:
.L_overlay_start_2:
0x224: {  	(tag) =	ssettag $0x2  }
0x225: {  	s0 =	rddreg [dreg:$0x0];
	s2 =	stileid.u32  }
0x226: {  	s1 =	rddreg [dreg:$0x1];
	p0 =	sne.s32 s2, $0x0  }
0x227: {  	s3 =	rddreg [dreg:$0x2];
	[bflag:$0x3] =	sbarrier.arrive $0xFFFF;
	s2 =	simm.s32 @!p0 $0x1C13  }
0x228: {  	[timem:s3], [sflag:s2] =	dma.local @!p0 [hbm:s0], s1  }
0x229: {  	s0 =	simm.s32 @!p0 $0x13  }
0x22a: {  	_ =	swait.ge @!p0 [sflag:s0], s1  }
0x22b: {  	s1 =	ssub.s32 @!p0 $0x0, s1;
	[sflag:s0] =	ssyncset.done @!p0 $0x0  }
0x22c: {  	[sflag:s0] =	ssyncadd.s32 @!p0 s1  }
0x22d: {  	[bflag:$0x3] =	sbarrier.arrive $0xFFFF  }
0x22e: {  	_ =	shalt  }

// kernel: kernel.8.cloned.1.call-start
scs
__scs_entry_jumppad:
0x0: {  	(pc) =	sbr.rel $0x88, $3  }
0x1: {  	(tag) =	ssettag $0x0;
	lr =	simm.s32 $0x1  }
0x2: {  	[smem:$0x3F92] =	sst lr;
	_ =	strace $0xD0000000  }
0x3: {  	_ = 	snop  }
0x4: {  	_ = 	snop  }
0x5: {  	_ = 	snop  }
0x6: {  	_ = 	snop  }
0x7: {  	_ = 	snop  }
__scs_overlays_trampoline_lowered:
0x8: {  	[smem:$0x3FA1] =	sst s0  }
0x9: {  	[smem:$0x3FA2] =	sst s1  }
0xa: {  	[smem:$0x3FA3] =	sst s2  }
0xb: {  	[smem:$0x3FA4] =	sst s3  }
0xc: {  	[smem:$0x3FA5] =	sst s4  }
0xd: {  	[smem:$0x3FA6] =	sst s5  }
0xe: {  	[smem:$0x3FA7] =	sst s6  }
0xf: {  	[smem:$0x3FA8] =	sst s7  }
0x10: {  	[smem:$0x3FA9] =	sst s8  }
0x11: {  	[smem:$0x3FAA] =	sst s9;
	s0 =	simm.s32 @!p0 $0x0  }
0x12: {  	s1 =	sld [smem:$0x3F90];
	s0 =	simm.s32 @p0 $0x1  }
0x13: {  	[smem:$0x3FAB] =	sst s0;
	s0 =	simm.s32 @!p1 $0x0  }
0x14: {  	s2 =	sld [smem:$0x3F8F];
	s0 =	simm.s32 @p1 $0x1  }
0x15: {  	[smem:$0x3FAC] =	sst s0;
	s0 =	simm.s32 @!p2 $0x0  }
0x16: {  	s3 =	sld [smem:$0x3FDB];
	s0 =	simm.s32 @p2 $0x1  }
0x17: {  	s4 =	simm.s32 $0x1BF5;
	[smem:$0x3FAE] =	sst s0  }
0x18: {  	s0 =	sld [smem:$0x3F91];
	_ =	swait.ge [sflag:s4], $0x0  }
0x19: {  	s7 =	sld [smem:$0x3F92]  }
0x1a: {  	s8 =	sadd.s32 $0xFFFFE003, lr  }
0x1b: {  	s9 =	sadd.s32 $0xFFFFFEF7, lr;
	s5 =	simm.s32 $0xFFFFFFFF;
	p2 =	slt.u32 s8, $0xFFFFF086  }
0x1c: {  	p1 =	slt.u32 s9, $0xF7A;
	s5 =	simm.s32 @!p2 $0x0  }
0x1d: {  	s5 =	simm.s32 @p1 $0x1;
	p0 =	seq.s32 s7, s2  }
0x1e: {  	s7 =	smul.u32 @!p0 $0xF7A, s2;
	p2 =	seq.s32 @!p0 s5, $0x0  }
0x1f: {  	s9 =	smul.u32 $0xF7A, s1;
	s8 =	simm.s32 @!p0 $0x1BF5;
	p2 =	por !p2, p0  }
0x20: {  	[sflag:s8] =	ssyncset.s32 @!p0 $0xFFFFF086;
	s6 =	sadd.s32 @!p0 s3, s7;
	s7 =	simm.s32 @!p0 $0x108  }
0x21: {  	s3 =	sadd.s32 s3, s9;
	s6 =	sadd.s32 @!p0 $0x88, s6;
	s7 =	simm.s32 @p2 $0x1082  }
0x22: {  	[simem:s7], [sflag:s8] =	dma.local @!p0 [hbm:s6], $0xF7A  }
0x23: {  	s9 =	sor.u32 $0xD0000000, s2;
	s6 =	simm.s32 $0x108;
	_ =	swait.ge @!p0 [sflag:s8], $0x0  }
0x24: {  	s3 =	sadd.s32 $0x88, s3;
	s6 =	simm.s32 @!p1 $0x1082;
	[sflag:s4] =	ssyncset.s32 $0xFFFFF086  }
0x25: {  	[simem:s6], [sflag:s4] =	dma.local [hbm:s3], $0xF7A  }
0x26: {  	[smem:$0x3F92] =	sst s1;
	(tag) =	ssettag s2;
	_ =	strace s9  }
0x27: {  	s1 =	sld [smem:$0x3FA2]  }
0x28: {  	s2 =	sld [smem:$0x3FA3]  }
0x29: {  	s4 =	sld [smem:$0x3FA5]  }
0x2a: {  	p0 =	seq.s32 s5, $0x0;
	s5 =	sld [smem:$0x3FA6]  }
0x2b: {  	s6 =	sld [smem:$0x3FA7]  }
0x2c: {  	s7 =	sld [smem:$0x3FA8]  }
0x2d: {  	s3 =	simm.s32 $0x108;
	s8 =	sld [smem:$0x3FA9]  }
0x2e: {  	s3 =	simm.s32 @!p0 $0x1082;
	s9 =	sld [smem:$0x3FAA]  }
0x2f: {  	lr =	sadd.s32 s0, s3;
	s0 =	sld [smem:$0x3FA1]  }
0x30: {  	s3 =	sld [smem:$0x3FA4]  }
0x31: {  	[smem:$0x3FAD] =	sst s10  }
0x32: {  	s10 =	sld [smem:$0x3FAB];
	_ =	sdelay $0x3  }
0x33: {  	p0 =	seq.s32 s10, $0x1;
	s10 =	sld [smem:$0x3FAD];
	_ =	sdelay $0x3  }
0x34: {  	[smem:$0x3FAD] =	sst s10  }
0x35: {  	s10 =	sld [smem:$0x3FAC];
	_ =	sdelay $0x3  }
0x36: {  	p1 =	seq.s32 s10, $0x1;
	s10 =	sld [smem:$0x3FAD];
	_ =	sdelay $0x3  }
0x37: {  	[smem:$0x3FAD] =	sst s10  }
0x38: {  	s10 =	sld [smem:$0x3FAE]  }
0x39: {  	_ = 	snop;
	(pc) =	sbr.ind lr, $3  }
0x3a: {  	_ = 	snop  }
0x3b: {  	_ = 	snop  }
0x3c: {  	p2 =	seq.s32 s10, $0x1;
	s10 =	sld [smem:$0x3FAD]  }
0x3d: {  	_ =	shalt  }
0x3e: {  	_ =	shalt  }
0x3f: {  	_ =	shalt  }
0x40: {  	_ =	shalt  }
0x41: {  	_ =	shalt  }
0x42: {  	_ =	shalt  }
0x43: {  	_ =	shalt  }
0x44: {  	_ =	shalt  }
0x45: {  	_ =	shalt  }
0x46: {  	_ =	shalt  }
0x47: {  	_ =	shalt  }
0x48: {  	_ =	shalt  }
0x49: {  	_ =	shalt  }
0x4a: {  	_ =	shalt  }
0x4b: {  	_ =	shalt  }
0x4c: {  	_ =	shalt  }
0x4d: {  	_ =	shalt  }
0x4e: {  	_ =	shalt  }
0x4f: {  	_ =	shalt  }
0x50: {  	_ =	shalt  }
0x51: {  	_ =	shalt  }
0x52: {  	_ =	shalt  }
0x53: {  	_ =	shalt  }
0x54: {  	_ =	shalt  }
0x55: {  	_ =	shalt  }
0x56: {  	_ =	shalt  }
0x57: {  	_ =	shalt  }
0x58: {  	_ =	shalt  }
0x59: {  	_ =	shalt  }
0x5a: {  	_ =	shalt  }
0x5b: {  	_ =	shalt  }
0x5c: {  	_ =	shalt  }
0x5d: {  	_ =	shalt  }
0x5e: {  	_ =	shalt  }
0x5f: {  	_ =	shalt  }
0x60: {  	_ =	shalt  }
0x61: {  	_ =	shalt  }
0x62: {  	_ =	shalt  }
0x63: {  	_ =	shalt  }
0x64: {  	_ =	shalt  }
0x65: {  	_ =	shalt  }
0x66: {  	_ =	shalt  }
0x67: {  	_ =	shalt  }
0x68: {  	_ =	shalt  }
0x69: {  	_ =	shalt  }
0x6a: {  	_ =	shalt  }
0x6b: {  	_ =	shalt  }
0x6c: {  	_ =	shalt  }
0x6d: {  	_ =	shalt  }
0x6e: {  	_ =	shalt  }
0x6f: {  	_ =	shalt  }
0x70: {  	_ =	shalt  }
0x71: {  	_ =	shalt  }
0x72: {  	_ =	shalt  }
0x73: {  	_ =	shalt  }
0x74: {  	_ =	shalt  }
0x75: {  	_ =	shalt  }
0x76: {  	_ =	shalt  }
0x77: {  	_ =	shalt  }
0x78: {  	_ =	shalt  }
0x79: {  	_ =	shalt  }
0x7a: {  	_ =	shalt  }
0x7b: {  	_ =	shalt  }
0x7c: {  	_ =	shalt  }
0x7d: {  	_ =	shalt  }
0x7e: {  	_ =	shalt  }
0x7f: {  	_ =	shalt  }
0x80: {  	_ =	shalt  }
0x81: {  	_ =	shalt  }
0x82: {  	_ =	shalt  }
0x83: {  	_ =	shalt  }
0x84: {  	_ =	shalt  }
0x85: {  	_ =	shalt  }
0x86: {  	_ =	shalt  }
0x87: {  	_ =	shalt  }
.Lfunc_end0:
.L_simem_size_0:
called_computation_lowered:
.L_overlay_start_0:
0x88: {  	s2 =	sld [smem:$0x3FD9]  }
0x89: {  	s3 =	sld [smem:$0x3FFE];
	_ =	sdelay $0x1  }
0x8a: {  	s1 =	srdreg.scid  }
0x8b: {  	s0 =	sand.u32 $0x1, s1  }
0x8c: {  	s14 =	sshll.u32 s0, $0xA;
	s2 =	sadd.s32 s3, s2  }
0x8d: {  	s2 =	sadd.s32 s2, s14  }
0x8e: {  	[smem:$0x3FB9] =	sst s2  }
0x8f: {  	_ = 	snop  }
0x90: {  	s2 =	sld [smem:$0x3FD0];
	_ =	sdelay $0x2  }
0x91: {  	s4 =	simm.s32 $0xA;
	s5 =	simm.s32 $0x10;
	s15 =	sld [smem:$0x3FC9]  }
0x92: {  	[smem:s5], [sflag:s4] =	dma.local [hbm:s2], $0x1  }
0x93: {  	_ =	swait.eq [sflag:s4], $0x1  }
0x94: {  	[sflag:s4] =	ssyncset.done $0x0  }
0x95: {  	[sflag:s4] =	ssyncadd.s32 $0xFFFFFFFF  }
0x96: {  	s16 =	sld [smem:$0x10];
	(tm) =	ssettm $0x1  }
0x97: {  	s17 =	sld [smem:$0x3FFB];
	_ =	sdelay $0x3  }
0x98: {  	_ =	strace s17  }
0x99: {  	s4 =	sld [smem:$0x3FFC];
	_ =	sdelay $0x3  }
0x9a: {  	_ =	strace s4  }
0x9b: {  	s4 =	sld [smem:$0x3FFD];
	_ =	sdelay $0x3  }
0x9c: {  	_ =	strace s4  }
0x9d: {  	_ =	strace $0x8FFFFFFF  }
0x9e: {  	s18 =	sld [smem:$0x3FDB];
	_ =	sdelay $0x1  }
0x9f: {  	s19 =	simm.s32 $_scs_section_size  }
0xa0: {  	s6 =	simm.s32 $_size__tile_overlayer_lowered;
	s7 =	simm.s32 $_tile_overlayer_lowered  }
0xa1: {  	s22 =	simm.s32 $0x1BFF;
	s21 =	sshll.u32 s7, $0x1;
	s4 =	sadd.s32 s19, s18  }
0xa2: {  	s8 =	simm.s32 $0x0;
	s20 =	sshll.u32 s6, $0x1;
	s6 =	sadd.s32 s21, s4  }
0xa3: {  	[timem:s8], [sflag:s22] =	dma.local [hbm:s6], s20  }
0xa4: {  	_ =	swait.ge [sflag:s22], s20  }
0xa5: {  	s5 =	ssub.s32 $0x0, s20;
	[sflag:s22] =	ssyncset.done $0x0  }
0xa6: {  	[sflag:s22] =	ssyncadd.s32 s5;
	_ =	sdelay $0x1  }
0xa7: {  	s23 =	simm.s32 $0x1B8B  }
0xa8: {  	_ =	swait.ge [sflag:s23], $0x1  }
0xa9: {  	[sflag:s23] =	ssyncset.done $0x0  }
0xaa: {  	s25 =	simm.s32 $0x1B8E;
	s24 =	sld [smem:$0x3FFE];
	[sflag:s23] =	ssyncadd.s32 $0xFFFFFFFF  }
0xab: {  	s26 =	simm.s32 $execute0_lowered;
	[smem:$0x3FD2] =	sst s25  }
0xac: {  	s6 =	sshll.u32 s26, $0x1;
	_ =	strace $0x80000046;
	[dreg:$0x1] =	wrdreg $0xFFFFFFFF  }
0xad: {  	s28 =	simm.s32 $_size_execute0_lowered;
	s4 =	sadd.s32 s4, s6;
	[dreg:$0x0] =	wrdreg $0x0  }
0xae: {  	s6 =	sshll.u32 s28, $0x1;
	[dreg:$0x2] =	wrdreg s4  }
0xaf: {  	[dreg:$0x3] =	wrdreg s6  }
0xb0: {  	[dreg:$0x4] =	wrdreg $0xC0  }
0xb1: {  	_ =	task [dreg:s8], $0x5FFFF  }
0xb2: {  	[dreg:$0x1] =	wrdreg $0xFFFFFFFF  }
0xb3: {  	[dreg:$0x0] =	wrdreg $0x60  }
0xb4: {  	[dreg:$0x2] =	wrdreg s15  }
0xb5: {  	[dreg:$0x3] =	wrdreg s24  }
0xb6: {  	[dreg:$0x4] =	wrdreg s16  }
0xb7: {  	[dreg:$0x5] =	wrdreg $0xC6000  }
0xb8: {  	[dreg:$0x6] =	wrdreg $0x9  }
0xb9: {  	_ =	task.clear_ibuf [dreg:s8], $0x7FFFF;
	_ =	strace $0x90000046  }
0xba: {  	s29 =	simm.s32 $0x9;
	_ =	strace $0x80000048  }
0xbb: {  	_ =	swait.ge [sflag:s29], $0x1  }
0xbc: {  	[sflag:s29] =	ssyncadd.s32 $0xFFFFFFFF  }
0xbd: {  	_ =	strace $0x90000048  }
0xbe: {  	_ =	sfence  }
0xbf: {  	s30 =	sld [smem:$0x0];
	_ =	sdelay $0x2  }
0xc0: {  	s31 =	sshll.u32 s1, $0xD;
	s1 =	sshrl.u32 s1, $0x2  }
0xc1: {  	s3 =	sand.u32 $0x4000, s31;
	s1 =	sadd.s32 s1, s30  }
0xc2: {  	s0 =	sor.u32 s3, s0;
	s1 =	sshll.u32 s1, $0x11  }
0xc3: {  	s0 =	sor.u32 s1, s0  }
0xc4: {  	s0 =	sadd.s32 $0x8F2B, s0  }
0xc5: {  	[sflag:s0] =	ssyncadd.remote.s32 $0x1  }
0xc6: {  	_ =	sfence.sel $0xFFFF  }
0xc7: {  	[dreg:$0x0] =	wrdreg $0xFFFFFFFF;
	(pc) =	sbr.abs _section_cstart, $3  }
0xc8: {  	[dreg:$0x1] =	wrdreg $0xFFFFFFFF  }
0xc9: {  	_ =	task.clear_ibuf [dreg:s8], $0x2FFFF;
	_ =	strace $0x9FFFFFFF  }
0xca: {  	(tm) =	ssettm $0x7FFFFFFF  }
0xcb: {  	_ =	shalt  }
tec
execute0_lowered:
.L_overlay_start_1:
0x0: {  	(tag) =	ssettag $0x1  }
0x1: {  	s1 =	rddreg [dreg:$0x0]  }
0x2: {  	s3 =	rddreg [dreg:$0x1]  }
0x3: {  	s0 =	rddreg [dreg:$0x2]  }
0x4: {  	s2 =	rddreg [dreg:$0x3]  }
0x5: {  	s4 =	simm.s32 $0x0;
	s5 =	srdreg.scid;
	s13 =	stileid.u32  }
0x6: {  	s29 =	simm.s32 $0x1;
	s31 =	simm.s32 $0x2;
	s28 =	simm.s32 $0xE  }
0x7: {  	s30 =	simm.s32 $0x10;
	[smem:$0x7FF] =	sst s4;
	s5 =	sand.u32 $0x1, s5  }
0x8: {  	s7 =	sshll.u32 s13, $0x5;
	s9 =	sadd.s32 $0xCE00, s3;
	s8 =	sshll.u32 s5, $0x4  }
0x9: {  	s3 =	sadd.s32 $0x3000, s3;
	s6 =	ssub.s32 $0x2, s5;
	s11 =	sor.u32 s8, s7  }
0xa: {  	p0 =	seq.s32 s13, $0xF;
	s10 =	sshrl.u32 s6, $0x1;
	s16 =	sor.u32 $0x200, s11  }
0xb: {  	_ =	strace $0x80000047;
	s6 =	ssub.s32 s6, s10;
	s12 =	sadd.s32 s9, s16  }
0xc: {  	s17 =	sor.u32 $0x400, s11;
	s10 =	sadd.s32 s3, s16;
	[dreg:$0x7] =	wrdreg s12  }
0xd: {  	s19 =	sor.u32 $0x600, s11;
	s18 =	sadd.s32 s9, s17;
	[dreg:$0x8] =	wrdreg s10  }
0xe: {  	s21 =	sor.u32 $0x800, s11;
	s20 =	sadd.s32 s9, s19;
	[dreg:$0x9] =	wrdreg s18  }
0xf: {  	s23 =	sor.u32 $0xA00, s11;
	s22 =	sadd.s32 s9, s21;
	[dreg:$0xb] =	wrdreg s20  }
0x10: {  	s25 =	sor.u32 $0xC00, s11;
	s24 =	sadd.s32 s9, s23;
	[dreg:$0xd] =	wrdreg s22  }
0x11: {  	s14 =	sor.u32 $0xE00, s11;
	s26 =	sadd.s32 s9, s25;
	[dreg:$0xf] =	wrdreg s24  }
0x12: {  	p1 =	sgt.u32 s13, $0x1;
	s15 =	sadd.s32 s9, s14;
	[dreg:$0x11] =	wrdreg s26  }
0x13: {  	s16 =	sor.u32 $0x1000, s11;
	s10 =	sadd.s32 s3, s17;
	[dreg:$0x13] =	wrdreg s15  }
0x14: {  	s5 =	smul.u32 $0x138800, s5;
	s17 =	sadd.s32 s9, s16;
	[dreg:$0xa] =	wrdreg s10  }
0x15: {  	s18 =	sor.u32 $0x1200, s11;
	s24 =	sadd.s32 s9, s11;
	[dreg:$0x15] =	wrdreg s17  }
0x16: {  	s20 =	sor.u32 $0x9800, s11;
	s10 =	sadd.s32 s3, s19;
	[dreg:$0x1d] =	wrdreg s24  }
0x17: {  	s12 =	sadd.s32 s7, s3;
	s19 =	sadd.s32 s9, s18;
	[dreg:$0xc] =	wrdreg s10  }
0x18: {  	s7 =	sadd.s32 s7, s9;
	s15 =	sadd.s32 s8, s12;
	[dreg:$0x17] =	wrdreg s19  }
0x19: {  	s22 =	sor.u32 $0x9A00, s11;
	s17 =	sadd.s32 s8, s7;
	[dreg:$0x5] =	wrdreg s15  }
0x1a: {  	s26 =	sor.u32 $0x9C00, s11;
	s24 =	smax.u32 s6, $0x1;
	[dreg:$0x6] =	wrdreg s17  }
0x1b: {  	s6 =	simm.s32 $0x580;
	s10 =	sadd.s32 s3, s21;
	[smem:$0x7FB] =	sst s24  }
0x1c: {  	s12 =	simm.s32 $0x8;
	s21 =	sadd.s32 s9, s20;
	[dreg:$0xe] =	wrdreg s10  }
0x1d: {  	s7 =	simm.s32 $0x11;
	s10 =	sadd.s32 s3, s23;
	[dreg:$0x19] =	wrdreg s21  }
0x1e: {  	s15 =	simm.s32 $0x100;
	s23 =	sadd.s32 s9, s22;
	[dreg:$0x10] =	wrdreg s10  }
0x1f: {  	s24 =	simm.s32 $0x500;
	s9 =	sadd.s32 s9, s26;
	[dreg:$0x1b] =	wrdreg s23  }
0x20: {  	s10 =	sadd.s32 s3, s25;
	s25 =	sadd.s32 s3, s11;
	[dreg:$0x1f] =	wrdreg s9  }
0x21: {  	s9 =	simm.s32 $0x80;
	s11 =	simm.s32 $0x3;
	[dreg:$0x12] =	wrdreg s10  }
0x22: {  	s10 =	sadd.s32 s3, s14;
	[dreg:$0x1e] =	wrdreg s25;
	s14 =	smul.u32 $0x50000, s13  }
0x23: {  	s25 =	sadd.s32 $0x12C000, s2;
	[dreg:$0x14] =	wrdreg s10;
	s10 =	sadd.s32 s3, s16  }
0x24: {  	s16 =	smul.u32 $0x14000, s13;
	[smem:$0x7FC] =	sst s25;
	s25 =	simm.s32 $0x380  }
0x25: {  	[dreg:$0x16] =	wrdreg s10;
	s10 =	sadd.s32 s3, s18;
	s18 =	sshrl.u32 s14, $0x2  }
0x26: {  	s14 =	simm.s32 $0x0;
	[dreg:$0x18] =	wrdreg s10;
	s10 =	sadd.s32 s3, s20  }
0x27: {  	s19 =	sadd.s32 s16, s5;
	s5 =	sshrl.u32 s5, $0x3;
	s20 =	smul.u32 $0x2800, s13  }
0x28: {  	s21 =	sadd.s32 s18, s2;
	s18 =	simm.s32 $0x400;
	s16 =	simm.s32 $0x4600  }
0x29: {  	[dreg:$0x1a] =	wrdreg s10;
	s10 =	sadd.s32 s3, s22;
	s3 =	sadd.s32 s3, s26  }
0x2a: {  	s5 =	sadd.s32 s0, s5;
	s8 =	sshrl.u32 s19, $0x3;
	[smem:$0x7F8] =	sst s21  }
0x2b: {  	s26 =	sadd.s32 $0x25800, s1;
	s19 =	simm.s32 $0x180;
	[dreg:$0x1c] =	wrdreg s10  }
0x2c: {  	s21 =	simm.s32 $0xD;
	[smem:$0x7F6] =	sst s3;
	s0 =	sadd.s32 s0, s8  }
.Ltmp0:
0x2d: {  	s22 =	sadd.s32 s1, s20;
	[smem:$0x7FD] =	sst s26;
	(pc) =	sbr.rel .LBB2_1-.Ltmp0, $4  }
0x2e: {  	s23 =	sadd.s32 $0x25800, s5;
	s5 =	simm.s32 $0x600;
	[smem:$0x7F7] =	sst s0  }
0x2f: {  	s26 =	simm.s32 $0x280;
	s10 =	simm.s32 $0x8600;
	[smem:$0x7F9] =	sst s22  }
0x30: {  	s3 =	simm.s32 $0xF;
	s8 =	simm.s32 $0x12;
	[smem:$0x7FA] =	sst s23  }
0x31: {  	s23 =	simm.s32 $0x300;
	s22 =	simm.s32 $0x480;
	s0 =	simm.s32 $0x7  }
.LBB2_7:
0x32: {  	s13 =	sld [smem:$0x7FC]  }
0x33: {  	s14 =	sld [smem:$0x7FA];
	_ =	sdelay $0x1  }
0x34: {  	s11 =	simm.s32 $0x1FD3;
	s20 =	simm.s32 $0x13;
	s13 =	sshrl.u32 s13, $0x3  }
0x35: {  	[hbm:s14], [sflag:s11] =	dma.local [spmem:s13], $0x1900  }
0x36: {  	s15 =	simm.s32 $0x100;
	_ =	swait.ge [sflag:s20], $0x1900  }
0x37: {  	s19 =	simm.s32 $0x180;
	s31 =	simm.s32 $0x2;
	[sflag:s20] =	ssyncset.done $0x0  }
0x38: {  	s11 =	simm.s32 $0x3;
	s14 =	sld [smem:$0x7F5];
	[sflag:s20] =	ssyncadd.s32 $0xFFFFE700  }
.LBB2_8:
0x39: {  	s13 =	sld [smem:$0x7FB];
	_ =	sdelay $0x1  }
0x3a: {  	s14 =	sadd.s32 $0x1, s14  }
0x3b: {  	p2 =	sne.s32 s14, s13  }
.Ltmp1:
0x3c: {  	_ = 	snop;
	(pc) =	sbr.rel @!p2 .LBB2_9-.Ltmp1, $1  }
0x3d: {  	_ =	sdelay $0x3  }
.LBB2_1:
0x3e: {  	s13 =	sld [smem:$0x7FC]  }
0x3f: {  	s17 =	sld [smem:$0x7FD];
	_ =	sdelay $0x1  }
0x40: {  	[smem:$0x7F5] =	sst s14;
	s14 =	simm.s32 @p0 $0x1FD3;
	s13 =	sshrl.u32 @p0 s13, $0x3  }
0x41: {  	[spmem:s13], [sflag:s14] =	dma.local @p0 [hbm:s17], $0x1900  }
0x42: {  	s13 =	simm.s32 @p0 $0x13  }
0x43: {  	s14 =	stileid.u32;
	_ =	swait.ge @p0 [sflag:s13], $0x1900  }
0x44: {  	s14 =	sshll.u32 @!p0 s14, $0x6;
	[sflag:s13] =	ssyncset.done @p0 $0x0  }
0x45: {  	[sflag:s13] =	ssyncadd.s32 @p0 $0xFFFFE700;
	s13 =	sor.u32 @!p0 $0x1C13, s14;
	s14 =	sld [smem:$0x7F8]  }
0x46: {  	s17 =	sld [smem:$0x7F9];
	_ =	sdelay $0x1  }
0x47: {  	s14 =	sshrl.u32 @!p0 s14, $0x3  }
0x48: {  	[spmem:s14], [sflag:s13] =	dma.local @!p0 [hbm:s17], $0x2800  }
0x49: {  	s13 =	simm.s32 @!p0 $0x13  }
0x4a: {  	_ =	swait.ge @!p0 [sflag:s13], $0x2800  }
0x4b: {  	[sflag:s13] =	ssyncset.done @!p0 $0x0  }
0x4c: {  	[sflag:s13] =	ssyncadd.s32 @!p0 $0xFFFFD800  }
0x4d: {  	[bflag:$0x0] =	sbarrier.arrive $0xFFFF  }
0x4e: {  	s14 =	rddreg [dreg:$0x1d]  }
0x4f: {  	[tilespmem:s4], [sflag:$0x1] =	stream.linear.gather [hbm4b:s14+s4], $0x80, $0x38;
	[tilespmem:$0x1FE80] =	vst v63  }
0x50: {  	s17 =	rddreg [dreg:$0x1e]  }
0x51: {  	[tilespmem:s23], [sflag:$0x7] =	stream.linear.gather [hbm4b:s17+s4], $0x80, $0x38;
	[tilespmem:$0x1FE80] =	vst v63  }
0x52: {  	s20 =	rddreg [dreg:$0x7]  }
0x53: {  	[tilespmem:s9], [sflag:$0x2] =	stream.linear.gather [hbm4b:s20+s4], $0x80, $0x38;
	[tilespmem:$0x1FE80] =	vst v63  }
0x54: {  	s14 =	rddreg [dreg:$0x8]  }
0x55: {  	[tilespmem:s25], [sflag:$0x8] =	stream.linear.gather [hbm4b:s14+s4], $0x80, $0x38;
	[tilespmem:$0x1FE80] =	vst v63  }
0x56: {  	s17 =	rddreg [dreg:$0x9]  }
0x57: {  	[tilespmem:s15], [sflag:$0x3] =	stream.linear.gather [hbm4b:s17+s4], $0x80, $0x38;
	[tilespmem:$0x1FE80] =	vst v63  }
0x58: {  	s20 =	rddreg [dreg:$0xa]  }
0x59: {  	[tilespmem:s18], [sflag:$0x9] =	stream.linear.gather [hbm4b:s20+s4], $0x80, $0x38;
	[tilespmem:$0x1FE80] =	vst v63  }
0x5a: {  	s14 =	rddreg [dreg:$0xb]  }
0x5b: {  	[tilespmem:s19], [sflag:$0x4] =	stream.linear.gather [hbm4b:s14+s4], $0x80, $0x38;
	[tilespmem:$0x1FE80] =	vst v63  }
0x5c: {  	s17 =	rddreg [dreg:$0xc]  }
0x5d: {  	[tilespmem:s22], [sflag:$0xA] =	stream.linear.gather [hbm4b:s17+s4], $0x80, $0x38;
	[tilespmem:$0x1FE80] =	vst v63  }
0x5e: {  	_ =	swait.ge [sflag:s29], $0x80  }
0x5f: {  	[sflag:s29] =	ssyncset.done $0x0  }
0x60: {  	[sflag:s29] =	ssyncadd.s32 $0xFFFFFF80  }
0x61: {  	[tilespmem:s5], [sflag:$0xD] =	stream.indirect.gather [hbm4b:s1+s9], $0x80, s4, s9, $0xb8;
	[tilespmem:$0x1FE80] =	vst v63  }
0x62: {  	s20 =	simm.s32 $0x200;
	s18 =	rddreg [dreg:$0xd]  }
0x63: {  	[tilespmem:s20], [sflag:$0x5] =	stream.linear.gather [hbm4b:s18+s4], $0x80, $0x38;
	[tilespmem:$0x1FE80] =	vst v63  }
0x64: {  	s22 =	rddreg [dreg:$0xe]  }
0x65: {  	[tilespmem:s24], [sflag:$0xB] =	stream.linear.gather [hbm4b:s22+s4], $0x80, $0x38;
	[tilespmem:$0x1FE80] =	vst v63  }
0x66: {  	_ =	swait.ge [sflag:s31], $0x80  }
0x67: {  	[sflag:s31] =	ssyncset.done $0x0  }
0x68: {  	[sflag:s31] =	ssyncadd.s32 $0xFFFFFF80  }
0x69: {  	[tilespmem:s16], [sflag:$0xE] =	stream.indirect.gather [hbm4b:s1+s9], $0x80, s9, s9, $0xb8;
	[tilespmem:$0x1FE80] =	vst v63  }
0x6a: {  	_ =	swait.ge [sflag:s21], $0x4000  }
0x6b: {  	[sflag:s21] =	ssyncset.done $0x0  }
0x6c: {  	[sflag:s21] =	ssyncadd.s32 $0xFFFFC000  }
0x6d: {  	_ =	swait.ge [sflag:s0], $0x80  }
0x6e: {  	[sflag:s0] =	ssyncset.done $0x0  }
0x6f: {  	[sflag:s0] =	ssyncadd.s32 $0xFFFFFF80  }
0x70: {  	[spmem:s2] =	stream.indirect.scatter.add.f32 [tilespmem:s5], [sflag:$0x10], $0x80, s23, s9, $0xb8;
	[tilespmem:$0x1FE80] =	vst v63  }
0x71: {  	s5 =	rddreg [dreg:$0xf]  }
0x72: {  	[tilespmem:s26], [sflag:$0x6] =	stream.linear.gather [hbm4b:s5+s4], $0x80, $0x38;
	[tilespmem:$0x1FE80] =	vst v63  }
0x73: {  	s14 =	rddreg [dreg:$0x10]  }
0x74: {  	[tilespmem:s6], [sflag:$0xC] =	stream.linear.gather [hbm4b:s14+s4], $0x80, $0x38;
	[tilespmem:$0x1FE80] =	vst v63  }
0x75: {  	_ =	swait.ge [sflag:s11], $0x80  }
0x76: {  	[sflag:s11] =	ssyncset.done $0x0  }
0x77: {  	[sflag:s11] =	ssyncadd.s32 $0xFFFFFF80  }
0x78: {  	[tilespmem:s10], [sflag:$0xF] =	stream.indirect.gather [hbm4b:s1+s9], $0x80, s15, s9, $0xb8;
	[tilespmem:$0x1FE80] =	vst v63  }
0x79: {  	_ =	swait.ge [sflag:s28], $0x4000  }
0x7a: {  	[sflag:s28] =	ssyncset.done $0x0  }
0x7b: {  	[sflag:s28] =	ssyncadd.s32 $0xFFFFC000  }
0x7c: {  	_ =	swait.ge [sflag:s12], $0x80  }
0x7d: {  	[sflag:s12] =	ssyncset.done $0x0  }
0x7e: {  	[sflag:s12] =	ssyncadd.s32 $0xFFFFFF80  }
0x7f: {  	[spmem:s2] =	stream.indirect.scatter.add.f32 [tilespmem:s16], [sflag:$0x11], $0x80, s25, s9, $0xb8;
	[tilespmem:$0x1FE80] =	vst v63  }
0x80: {  	_ =	swait.ge [sflag:s30], $0x4000  }
0x81: {  	[sflag:s30] =	ssyncset.done $0x0  }
0x82: {  	s16 =	rddreg [dreg:$0x11];
	[sflag:s30] =	ssyncadd.s32 $0xFFFFC000  }
0x83: {  	[tilespmem:s4], [sflag:$0x1] =	stream.linear.gather [hbm4b:s16+s4], $0x80, $0x38;
	[tilespmem:$0x1FE80] =	vst v63  }
0x84: {  	s17 =	rddreg [dreg:$0x12];
	s16 =	simm.s32 $0x4  }
0x85: {  	[tilespmem:s23], [sflag:$0x7] =	stream.linear.gather [hbm4b:s17+s4], $0x80, $0x38;
	[tilespmem:$0x1FE80] =	vst v63  }
0x86: {  	_ =	swait.ge [sflag:s16], $0x80  }
0x87: {  	[sflag:s16] =	ssyncset.done $0x0  }
0x88: {  	s5 =	simm.s32 $0x600;
	[sflag:s16] =	ssyncadd.s32 $0xFFFFFF80  }
0x89: {  	[tilespmem:s5], [sflag:$0xD] =	stream.indirect.gather [hbm4b:s1+s9], $0x80, s19, s9, $0xb8;
	[tilespmem:$0x1FE80] =	vst v63  }
0x8a: {  	_ =	swait.ge [sflag:s3], $0x4000  }
0x8b: {  	[sflag:s3] =	ssyncset.done $0x0  }
0x8c: {  	s6 =	simm.s32 $0x9;
	[sflag:s3] =	ssyncadd.s32 $0xFFFFC000  }
0x8d: {  	_ =	swait.ge [sflag:s6], $0x80  }
0x8e: {  	[sflag:s6] =	ssyncset.done $0x0  }
0x8f: {  	s18 =	simm.s32 $0x400;
	s10 =	simm.s32 $0x8600;
	[sflag:s6] =	ssyncadd.s32 $0xFFFFFF80  }
0x90: {  	[spmem:s2] =	stream.indirect.scatter.add.f32 [tilespmem:s10], [sflag:$0x12], $0x80, s18, s9, $0xb8;
	[tilespmem:$0x1FE80] =	vst v63  }
0x91: {  	_ =	swait.ge [sflag:s7], $0x4000  }
0x92: {  	[sflag:s7] =	ssyncset.done $0x0  }
0x93: {  	s13 =	rddreg [dreg:$0x13];
	[sflag:s7] =	ssyncadd.s32 $0xFFFFC000  }
0x94: {  	[tilespmem:s9], [sflag:$0x2] =	stream.linear.gather [hbm4b:s13+s4], $0x80, $0x38;
	[tilespmem:$0x1FE80] =	vst v63  }
0x95: {  	s24 =	simm.s32 $0x5;
	s13 =	rddreg [dreg:$0x14]  }
0x96: {  	[tilespmem:s25], [sflag:$0x8] =	stream.linear.gather [hbm4b:s13+s4], $0x80, $0x38;
	[tilespmem:$0x1FE80] =	vst v63  }
0x97: {  	_ =	swait.ge [sflag:s24], $0x80  }
0x98: {  	[sflag:s24] =	ssyncset.done $0x0  }
0x99: {  	s26 =	simm.s32 $0x4600;
	s13 =	simm.s32 $0x200;
	[sflag:s24] =	ssyncadd.s32 $0xFFFFFF80  }
0x9a: {  	[tilespmem:s26], [sflag:$0xE] =	stream.indirect.gather [hbm4b:s1+s9], $0x80, s13, s9, $0xb8;
	[tilespmem:$0x1FE80] =	vst v63  }
0x9b: {  	_ =	swait.ge [sflag:s21], $0x4000  }
0x9c: {  	[sflag:s21] =	ssyncset.done $0x0  }
0x9d: {  	s20 =	simm.s32 $0xA;
	[sflag:s21] =	ssyncadd.s32 $0xFFFFC000  }
0x9e: {  	_ =	swait.ge [sflag:s20], $0x80  }
0x9f: {  	[sflag:s20] =	ssyncset.done $0x0  }
0xa0: {  	s14 =	simm.s32 $0x480;
	[sflag:s20] =	ssyncadd.s32 $0xFFFFFF80  }
0xa1: {  	[spmem:s2] =	stream.indirect.scatter.add.f32 [tilespmem:s5], [sflag:$0x10], $0x80, s14, s9, $0xb8;
	[tilespmem:$0x1FE80] =	vst v63  }
0xa2: {  	_ =	swait.ge [sflag:s8], $0x4000  }
0xa3: {  	[sflag:s8] =	ssyncset.done $0x0  }
0xa4: {  	s13 =	rddreg [dreg:$0x15];
	[sflag:s8] =	ssyncadd.s32 $0xFFFFC000  }
0xa5: {  	[tilespmem:s15], [sflag:$0x3] =	stream.linear.gather [hbm4b:s13+s4], $0x80, $0x38;
	[tilespmem:$0x1FE80] =	vst v63  }
0xa6: {  	s18 =	simm.s32 $0x400;
	s13 =	rddreg [dreg:$0x16]  }
0xa7: {  	[tilespmem:s18], [sflag:$0x9] =	stream.linear.gather [hbm4b:s13+s4], $0x80, $0x38;
	[tilespmem:$0x1FE80] =	vst v63  }
0xa8: {  	s18 =	simm.s32 $0x6  }
0xa9: {  	_ =	swait.ge [sflag:s18], $0x80  }
0xaa: {  	[sflag:s18] =	ssyncset.done $0x0  }
0xab: {  	s17 =	simm.s32 $0x280;
	[sflag:s18] =	ssyncadd.s32 $0xFFFFFF80  }
0xac: {  	[tilespmem:s10], [sflag:$0xF] =	stream.indirect.gather [hbm4b:s1+s9], $0x80, s17, s9, $0xb8;
	[tilespmem:$0x1FE80] =	vst v63  }
0xad: {  	_ =	swait.ge [sflag:s28], $0x4000  }
0xae: {  	[sflag:s28] =	ssyncset.done $0x0  }
0xaf: {  	s22 =	simm.s32 $0xB;
	[sflag:s28] =	ssyncadd.s32 $0xFFFFC000  }
0xb0: {  	_ =	swait.ge [sflag:s22], $0x80  }
0xb1: {  	[sflag:s22] =	ssyncset.done $0x0  }
0xb2: {  	s17 =	simm.s32 $0x500;
	[sflag:s22] =	ssyncadd.s32 $0xFFFFFF80  }
0xb3: {  	[spmem:s2] =	stream.indirect.scatter.add.f32 [tilespmem:s26], [sflag:$0x11], $0x80, s17, s9, $0xb8;
	[tilespmem:$0x1FE80] =	vst v63  }
0xb4: {  	_ =	swait.ge [sflag:s30], $0x4000  }
0xb5: {  	[sflag:s30] =	ssyncset.done $0x0  }
0xb6: {  	s18 =	rddreg [dreg:$0x17];
	[sflag:s30] =	ssyncadd.s32 $0xFFFFC000  }
0xb7: {  	[tilespmem:s19], [sflag:$0x4] =	stream.linear.gather [hbm4b:s18+s4], $0x80, $0x38;
	[tilespmem:$0x1FE80] =	vst v63  }
0xb8: {  	s17 =	rddreg [dreg:$0x18]  }
0xb9: {  	[tilespmem:s14], [sflag:$0xA] =	stream.linear.gather [hbm4b:s17+s4], $0x80, $0x38;
	[tilespmem:$0x1FE80] =	vst v63  }
0xba: {  	_ =	swait.ge [sflag:s29], $0x80  }
0xbb: {  	[sflag:s29] =	ssyncset.done $0x0  }
0xbc: {  	[sflag:s29] =	ssyncadd.s32 $0xFFFFFF80  }
0xbd: {  	[tilespmem:s5], [sflag:$0xD] =	stream.indirect.gather [hbm4b:s1+s9], $0x80, s4, s9, $0xb8;
	[tilespmem:$0x1FE80] =	vst v63  }
0xbe: {  	_ =	swait.ge [sflag:s3], $0x4000  }
0xbf: {  	[sflag:s3] =	ssyncset.done $0x0  }
0xc0: {  	s18 =	simm.s32 $0xC;
	[sflag:s3] =	ssyncadd.s32 $0xFFFFC000  }
0xc1: {  	_ =	swait.ge [sflag:s18], $0x80  }
0xc2: {  	[sflag:s18] =	ssyncset.done $0x0  }
0xc3: {  	s14 =	simm.s32 $0x580;
	[sflag:s18] =	ssyncadd.s32 $0xFFFFFF80  }
0xc4: {  	[spmem:s2] =	stream.indirect.scatter.add.f32 [tilespmem:s10], [sflag:$0x12], $0x80, s14, s9, $0xb8;
	[tilespmem:$0x1FE80] =	vst v63  }
0xc5: {  	_ =	swait.ge [sflag:s7], $0x4000  }
0xc6: {  	s17 =	rddreg [dreg:$0x6];
	[sflag:s7] =	ssyncset.done $0x0  }
0xc7: {  	s18 =	rddreg [dreg:$0x5];
	s13 =	sadd.s32 $0x0, s17;
	[sflag:s7] =	ssyncadd.s32 $0xFFFFC000  }
0xc8: {  	s14 =	sadd.s32 $0x0, s18;
	s18 =	simm.s32 $0x200;
	s17 =	sadd.s32 $0x1400, s13  }
0xc9: {  	[tilespmem:s18], [sflag:$0x5] =	stream.linear.gather [hbm4b:s17+s4], $0x80, $0x38;
	[tilespmem:$0x1FE80] =	vst v63  }
0xca: {  	s17 =	sadd.s32 $0x1400, s14;
	s18 =	simm.s32 $0x500  }
0xcb: {  	[tilespmem:s18], [sflag:$0xB] =	stream.linear.gather [hbm4b:s17+s4], $0x80, $0x38;
	[tilespmem:$0x1FE80] =	vst v63  }
0xcc: {  	_ =	swait.ge [sflag:s31], $0x80  }
0xcd: {  	[sflag:s31] =	ssyncset.done $0x0  }
0xce: {  	[sflag:s31] =	ssyncadd.s32 $0xFFFFFF80  }
0xcf: {  	[tilespmem:s26], [sflag:$0xE] =	stream.indirect.gather [hbm4b:s1+s9], $0x80, s9, s9, $0xb8;
	[tilespmem:$0x1FE80] =	vst v63  }
0xd0: {  	_ =	swait.ge [sflag:s21], $0x4000  }
0xd1: {  	[sflag:s21] =	ssyncset.done $0x0  }
0xd2: {  	[sflag:s21] =	ssyncadd.s32 $0xFFFFC000  }
0xd3: {  	_ =	swait.ge [sflag:s0], $0x80  }
0xd4: {  	[sflag:s0] =	ssyncset.done $0x0  }
0xd5: {  	[sflag:s0] =	ssyncadd.s32 $0xFFFFFF80  }
0xd6: {  	[spmem:s2] =	stream.indirect.scatter.add.f32 [tilespmem:s5], [sflag:$0x10], $0x80, s23, s9, $0xb8;
	[tilespmem:$0x1FE80] =	vst v63  }
0xd7: {  	_ =	swait.ge [sflag:s8], $0x4000  }
0xd8: {  	[sflag:s8] =	ssyncset.done $0x0  }
0xd9: {  	s18 =	sadd.s32 $0x1600, s13;
	s31 =	simm.s32 $0x280;
	[sflag:s8] =	ssyncadd.s32 $0xFFFFC000  }
0xda: {  	[tilespmem:s31], [sflag:$0x6] =	stream.linear.gather [hbm4b:s18+s4], $0x80, $0x38;
	[tilespmem:$0x1FE80] =	vst v63  }
0xdb: {  	s0 =	sadd.s32 $0x1600, s14;
	s31 =	simm.s32 $0x580  }
0xdc: {  	[tilespmem:s31], [sflag:$0xC] =	stream.linear.gather [hbm4b:s0+s4], $0x80, $0x38;
	[tilespmem:$0x1FE80] =	vst v63  }
0xdd: {  	_ =	swait.ge [sflag:s11], $0x80  }
0xde: {  	[sflag:s11] =	ssyncset.done $0x0  }
0xdf: {  	[sflag:s11] =	ssyncadd.s32 $0xFFFFFF80  }
0xe0: {  	[tilespmem:s10], [sflag:$0xF] =	stream.indirect.gather [hbm4b:s1+s9], $0x80, s15, s9, $0xb8;
	[tilespmem:$0x1FE80] =	vst v63  }
0xe1: {  	_ =	swait.ge [sflag:s28], $0x4000  }
0xe2: {  	[sflag:s28] =	ssyncset.done $0x0  }
0xe3: {  	[sflag:s28] =	ssyncadd.s32 $0xFFFFC000  }
0xe4: {  	_ =	swait.ge [sflag:s12], $0x80  }
0xe5: {  	[sflag:s12] =	ssyncset.done $0x0  }
0xe6: {  	[sflag:s12] =	ssyncadd.s32 $0xFFFFFF80  }
0xe7: {  	[spmem:s2] =	stream.indirect.scatter.add.f32 [tilespmem:s26], [sflag:$0x11], $0x80, s25, s9, $0xb8;
	[tilespmem:$0x1FE80] =	vst v63  }
0xe8: {  	_ =	swait.ge [sflag:s30], $0x4000  }
0xe9: {  	[sflag:s30] =	ssyncset.done $0x0  }
0xea: {  	s12 =	sadd.s32 $0x1800, s13;
	[sflag:s30] =	ssyncadd.s32 $0xFFFFC000  }
0xeb: {  	[tilespmem:s4], [sflag:$0x1] =	stream.linear.gather [hbm4b:s12+s4], $0x80, $0x38;
	[tilespmem:$0x1FE80] =	vst v63  }
0xec: {  	s31 =	sadd.s32 $0x1800, s14  }
0xed: {  	[tilespmem:s23], [sflag:$0x7] =	stream.linear.gather [hbm4b:s31+s4], $0x80, $0x38;
	[tilespmem:$0x1FE80] =	vst v63  }
0xee: {  	_ =	swait.ge [sflag:s16], $0x80  }
0xef: {  	[sflag:s16] =	ssyncset.done $0x0  }
0xf0: {  	[sflag:s16] =	ssyncadd.s32 $0xFFFFFF80  }
0xf1: {  	[tilespmem:s5], [sflag:$0xD] =	stream.indirect.gather [hbm4b:s1+s9], $0x80, s19, s9, $0xb8;
	[tilespmem:$0x1FE80] =	vst v63  }
0xf2: {  	_ =	swait.ge [sflag:s3], $0x4000  }
0xf3: {  	[sflag:s3] =	ssyncset.done $0x0  }
0xf4: {  	[sflag:s3] =	ssyncadd.s32 $0xFFFFC000  }
0xf5: {  	_ =	swait.ge [sflag:s6], $0x80  }
0xf6: {  	[sflag:s6] =	ssyncset.done $0x0  }
0xf7: {  	s0 =	simm.s32 $0x400;
	[sflag:s6] =	ssyncadd.s32 $0xFFFFFF80  }
0xf8: {  	[spmem:s2] =	stream.indirect.scatter.add.f32 [tilespmem:s10], [sflag:$0x12], $0x80, s0, s9, $0xb8;
	[tilespmem:$0x1FE80] =	vst v63  }
0xf9: {  	_ =	swait.ge [sflag:s7], $0x4000  }
0xfa: {  	[sflag:s7] =	ssyncset.done $0x0  }
0xfb: {  	s16 =	sadd.s32 $0x1A00, s13;
	[sflag:s7] =	ssyncadd.s32 $0xFFFFC000  }
0xfc: {  	[tilespmem:s9], [sflag:$0x2] =	stream.linear.gather [hbm4b:s16+s4], $0x80, $0x38;
	[tilespmem:$0x1FE80] =	vst v63  }
0xfd: {  	s23 =	sadd.s32 $0x1A00, s14  }
0xfe: {  	[tilespmem:s25], [sflag:$0x8] =	stream.linear.gather [hbm4b:s23+s4], $0x80, $0x38;
	[tilespmem:$0x1FE80] =	vst v63  }
0xff: {  	_ =	swait.ge [sflag:s24], $0x80  }
0x100: {  	[sflag:s24] =	ssyncset.done $0x0  }
0x101: {  	s31 =	simm.s32 $0x200;
	[sflag:s24] =	ssyncadd.s32 $0xFFFFFF80  }
0x102: {  	[tilespmem:s26], [sflag:$0xE] =	stream.indirect.gather [hbm4b:s1+s9], $0x80, s31, s9, $0xb8;
	[tilespmem:$0x1FE80] =	vst v63  }
0x103: {  	_ =	swait.ge [sflag:s21], $0x4000  }
0x104: {  	[sflag:s21] =	ssyncset.done $0x0  }
0x105: {  	[sflag:s21] =	ssyncadd.s32 $0xFFFFC000  }
0x106: {  	_ =	swait.ge [sflag:s20], $0x80  }
0x107: {  	[sflag:s20] =	ssyncset.done $0x0  }
0x108: {  	s12 =	simm.s32 $0x480;
	[sflag:s20] =	ssyncadd.s32 $0xFFFFFF80  }
0x109: {  	[spmem:s2] =	stream.indirect.scatter.add.f32 [tilespmem:s5], [sflag:$0x10], $0x80, s12, s9, $0xb8;
	[tilespmem:$0x1FE80] =	vst v63  }
0x10a: {  	_ =	swait.ge [sflag:s8], $0x4000  }
0x10b: {  	[sflag:s8] =	ssyncset.done $0x0  }
0x10c: {  	s16 =	sadd.s32 $0x1C00, s13;
	[sflag:s8] =	ssyncadd.s32 $0xFFFFC000  }
0x10d: {  	[tilespmem:s15], [sflag:$0x3] =	stream.linear.gather [hbm4b:s16+s4], $0x80, $0x38;
	[tilespmem:$0x1FE80] =	vst v63  }
0x10e: {  	s25 =	simm.s32 $0x6;
	s20 =	sadd.s32 $0x1C00, s14  }
0x10f: {  	[tilespmem:s0], [sflag:$0x9] =	stream.linear.gather [hbm4b:s20+s4], $0x80, $0x38;
	[tilespmem:$0x1FE80] =	vst v63  }
0x110: {  	_ =	swait.ge [sflag:s25], $0x80  }
0x111: {  	[sflag:s25] =	ssyncset.done $0x0  }
0x112: {  	s18 =	simm.s32 $0x280;
	[sflag:s25] =	ssyncadd.s32 $0xFFFFFF80  }
0x113: {  	[tilespmem:s10], [sflag:$0xF] =	stream.indirect.gather [hbm4b:s1+s9], $0x80, s18, s9, $0xb8;
	[tilespmem:$0x1FE80] =	vst v63  }
0x114: {  	_ =	swait.ge [sflag:s28], $0x4000  }
0x115: {  	[sflag:s28] =	ssyncset.done $0x0  }
0x116: {  	[sflag:s28] =	ssyncadd.s32 $0xFFFFC000  }
0x117: {  	_ =	swait.ge [sflag:s22], $0x80  }
0x118: {  	[sflag:s22] =	ssyncset.done $0x0  }
0x119: {  	s23 =	simm.s32 $0x500;
	[sflag:s22] =	ssyncadd.s32 $0xFFFFFF80  }
0x11a: {  	[spmem:s2] =	stream.indirect.scatter.add.f32 [tilespmem:s26], [sflag:$0x11], $0x80, s23, s9, $0xb8;
	[tilespmem:$0x1FE80] =	vst v63  }
0x11b: {  	_ =	swait.ge [sflag:s30], $0x4000  }
0x11c: {  	[sflag:s30] =	ssyncset.done $0x0  }
0x11d: {  	s13 =	sadd.s32 $0x1E00, s13;
	[sflag:s30] =	ssyncadd.s32 $0xFFFFC000  }
0x11e: {  	[tilespmem:s19], [sflag:$0x4] =	stream.linear.gather [hbm4b:s13+s4], $0x80, $0x38;
	[tilespmem:$0x1FE80] =	vst v63  }
0x11f: {  	s24 =	sadd.s32 $0x1E00, s14  }
0x120: {  	[tilespmem:s12], [sflag:$0xA] =	stream.linear.gather [hbm4b:s24+s4], $0x80, $0x38;
	[tilespmem:$0x1FE80] =	vst v63  }
0x121: {  	_ =	swait.ge [sflag:s29], $0x80  }
0x122: {  	[sflag:s29] =	ssyncset.done $0x0  }
0x123: {  	[sflag:s29] =	ssyncadd.s32 $0xFFFFFF80  }
0x124: {  	[tilespmem:s5], [sflag:$0xD] =	stream.indirect.gather [hbm4b:s1+s9], $0x80, s4, s9, $0xb8;
	[tilespmem:$0x1FE80] =	vst v63  }
0x125: {  	_ =	swait.ge [sflag:s3], $0x4000  }
0x126: {  	s11 =	simm.s32 $0x8;
	[sflag:s3] =	ssyncset.done $0x0  }
0x127: {  	s6 =	simm.s32 $0x2;
	s25 =	simm.s32 $0xC;
	[sflag:s3] =	ssyncadd.s32 $0xFFFFC000  }
0x128: {  	s31 =	simm.s32 $0xC;
	s15 =	simm.s32 $0x100;
	_ =	swait.ge [sflag:s25], $0x80  }
0x129: {  	s0 =	simm.s32 $0x7;
	s13 =	simm.s32 $0xC00;
	[sflag:s25] =	ssyncset.done $0x0  }
0x12a: {  	s12 =	simm.s32 $0x3;
	s29 =	simm.s32 $0x1;
	[sflag:s31] =	ssyncadd.s32 $0xFFFFFF80  }
.LBB2_2:
0x12b: {  	s20 =	simm.s32 $0x580  }
0x12c: {  	[spmem:s2] =	stream.indirect.scatter.add.f32 [tilespmem:s10], [sflag:$0x12], $0x80, s20, s9, $0xb8;
	[tilespmem:$0x1FE80] =	vst v63  }
0x12d: {  	_ =	swait.ge [sflag:s7], $0x4000  }
0x12e: {  	s17 =	smov.u32 s13;
	s19 =	simm.s32 $0x200;
	s14 =	rddreg [dreg:$0x6]  }
0x12f: {  	s18 =	rddreg [dreg:$0x5];
	[sflag:s7] =	ssyncset.done $0x0;
	s14 =	sadd.s32 s17, s14  }
0x130: {  	[sflag:s7] =	ssyncadd.s32 $0xFFFFC000;
	s17 =	sadd.s32 s17, s18;
	s23 =	sadd.s32 $0x1400, s14  }
0x131: {  	[tilespmem:s19], [sflag:$0x5] =	stream.linear.gather [hbm4b:s23+s4], $0x80, $0x38;
	[tilespmem:$0x1FE80] =	vst v63  }
0x132: {  	s16 =	simm.s32 $0x500;
	s18 =	sadd.s32 $0x1400, s17  }
0x133: {  	[tilespmem:s16], [sflag:$0xB] =	stream.linear.gather [hbm4b:s18+s4], $0x80, $0x38;
	[tilespmem:$0x1FE80] =	vst v63  }
0x134: {  	_ =	swait.ge [sflag:s6], $0x80  }
0x135: {  	[sflag:s6] =	ssyncset.done $0x0  }
0x136: {  	[sflag:s6] =	ssyncadd.s32 $0xFFFFFF80  }
0x137: {  	[tilespmem:s26], [sflag:$0xE] =	stream.indirect.gather [hbm4b:s1+s9], $0x80, s9, s9, $0xb8;
	[tilespmem:$0x1FE80] =	vst v63  }
0x138: {  	_ =	swait.ge [sflag:s21], $0x4000  }
0x139: {  	[sflag:s21] =	ssyncset.done $0x0  }
0x13a: {  	[sflag:s21] =	ssyncadd.s32 $0xFFFFC000  }
0x13b: {  	_ =	swait.ge [sflag:s0], $0x80  }
0x13c: {  	[sflag:s0] =	ssyncset.done $0x0  }
0x13d: {  	s23 =	simm.s32 $0x300;
	[sflag:s0] =	ssyncadd.s32 $0xFFFFFF80  }
0x13e: {  	[spmem:s2] =	stream.indirect.scatter.add.f32 [tilespmem:s5], [sflag:$0x10], $0x80, s23, s9, $0xb8;
	[tilespmem:$0x1FE80] =	vst v63  }
0x13f: {  	_ =	swait.ge [sflag:s8], $0x4000  }
0x140: {  	[sflag:s8] =	ssyncset.done $0x0  }
0x141: {  	s31 =	simm.s32 $0x280;
	s24 =	sadd.s32 $0x1600, s14;
	[sflag:s8] =	ssyncadd.s32 $0xFFFFC000  }
0x142: {  	[tilespmem:s31], [sflag:$0x6] =	stream.linear.gather [hbm4b:s24+s4], $0x80, $0x38;
	[tilespmem:$0x1FE80] =	vst v63  }
0x143: {  	s25 =	sadd.s32 $0x1600, s17  }
0x144: {  	[tilespmem:s20], [sflag:$0xC] =	stream.linear.gather [hbm4b:s25+s4], $0x80, $0x38;
	[tilespmem:$0x1FE80] =	vst v63  }
0x145: {  	_ =	swait.ge [sflag:s12], $0x80  }
0x146: {  	[sflag:s12] =	ssyncset.done $0x0  }
0x147: {  	[sflag:s12] =	ssyncadd.s32 $0xFFFFFF80  }
0x148: {  	[tilespmem:s10], [sflag:$0xF] =	stream.indirect.gather [hbm4b:s1+s9], $0x80, s15, s9, $0xb8;
	[tilespmem:$0x1FE80] =	vst v63  }
0x149: {  	_ =	swait.ge [sflag:s28], $0x4000  }
0x14a: {  	[sflag:s28] =	ssyncset.done $0x0  }
0x14b: {  	[sflag:s28] =	ssyncadd.s32 $0xFFFFC000  }
0x14c: {  	_ =	swait.ge [sflag:s11], $0x80  }
0x14d: {  	[sflag:s11] =	ssyncset.done $0x0  }
0x14e: {  	s22 =	simm.s32 $0x380;
	[sflag:s11] =	ssyncadd.s32 $0xFFFFFF80  }
0x14f: {  	[spmem:s2] =	stream.indirect.scatter.add.f32 [tilespmem:s26], [sflag:$0x11], $0x80, s22, s9, $0xb8;
	[tilespmem:$0x1FE80] =	vst v63  }
0x150: {  	_ =	swait.ge [sflag:s30], $0x4000  }
0x151: {  	[sflag:s30] =	ssyncset.done $0x0  }
0x152: {  	s20 =	sadd.s32 $0x1800, s14;
	[sflag:s30] =	ssyncadd.s32 $0xFFFFC000  }
0x153: {  	[tilespmem:s4], [sflag:$0x1] =	stream.linear.gather [hbm4b:s20+s4], $0x80, $0x38;
	[tilespmem:$0x1FE80] =	vst v63  }
0x154: {  	s24 =	sadd.s32 $0x1800, s17;
	s25 =	simm.s32 $0x4  }
0x155: {  	[tilespmem:s23], [sflag:$0x7] =	stream.linear.gather [hbm4b:s24+s4], $0x80, $0x38;
	[tilespmem:$0x1FE80] =	vst v63  }
0x156: {  	_ =	swait.ge [sflag:s25], $0x80  }
0x157: {  	[sflag:s25] =	ssyncset.done $0x0  }
0x158: {  	s24 =	simm.s32 $0x180;
	[sflag:s25] =	ssyncadd.s32 $0xFFFFFF80  }
0x159: {  	[tilespmem:s5], [sflag:$0xD] =	stream.indirect.gather [hbm4b:s1+s9], $0x80, s24, s9, $0xb8;
	[tilespmem:$0x1FE80] =	vst v63  }
0x15a: {  	_ =	swait.ge [sflag:s3], $0x4000  }
0x15b: {  	[sflag:s3] =	ssyncset.done $0x0  }
0x15c: {  	s20 =	simm.s32 $0x9;
	[sflag:s3] =	ssyncadd.s32 $0xFFFFC000  }
0x15d: {  	_ =	swait.ge [sflag:s20], $0x80  }
0x15e: {  	[sflag:s20] =	ssyncset.done $0x0  }
0x15f: {  	[sflag:s20] =	ssyncadd.s32 $0xFFFFFF80;
	s20 =	simm.s32 $0x400  }
0x160: {  	[spmem:s2] =	stream.indirect.scatter.add.f32 [tilespmem:s10], [sflag:$0x12], $0x80, s20, s9, $0xb8;
	[tilespmem:$0x1FE80] =	vst v63  }
0x161: {  	_ =	swait.ge [sflag:s7], $0x4000  }
0x162: {  	[sflag:s7] =	ssyncset.done $0x0  }
0x163: {  	s25 =	sadd.s32 $0x1A00, s14;
	[sflag:s7] =	ssyncadd.s32 $0xFFFFC000  }
0x164: {  	[tilespmem:s9], [sflag:$0x2] =	stream.linear.gather [hbm4b:s25+s4], $0x80, $0x38;
	[tilespmem:$0x1FE80] =	vst v63  }
0x165: {  	s18 =	sadd.s32 $0x1A00, s17  }
0x166: {  	[tilespmem:s22], [sflag:$0x8] =	stream.linear.gather [hbm4b:s18+s4], $0x80, $0x38;
	[tilespmem:$0x1FE80] =	vst v63  }
0x167: {  	s22 =	simm.s32 $0x5  }
0x168: {  	_ =	swait.ge [sflag:s22], $0x80  }
0x169: {  	[sflag:s22] =	ssyncset.done $0x0  }
0x16a: {  	[sflag:s22] =	ssyncadd.s32 $0xFFFFFF80  }
0x16b: {  	[tilespmem:s26], [sflag:$0xE] =	stream.indirect.gather [hbm4b:s1+s9], $0x80, s19, s9, $0xb8;
	[tilespmem:$0x1FE80] =	vst v63  }
0x16c: {  	_ =	swait.ge [sflag:s21], $0x4000  }
0x16d: {  	[sflag:s21] =	ssyncset.done $0x0  }
0x16e: {  	s19 =	simm.s32 $0xA;
	[sflag:s21] =	ssyncadd.s32 $0xFFFFC000  }
0x16f: {  	_ =	swait.ge [sflag:s19], $0x80  }
0x170: {  	[sflag:s19] =	ssyncset.done $0x0  }
0x171: {  	[sflag:s19] =	ssyncadd.s32 $0xFFFFFF80;
	s19 =	simm.s32 $0x480  }
0x172: {  	[spmem:s2] =	stream.indirect.scatter.add.f32 [tilespmem:s5], [sflag:$0x10], $0x80, s19, s9, $0xb8;
	[tilespmem:$0x1FE80] =	vst v63  }
0x173: {  	_ =	swait.ge [sflag:s8], $0x4000  }
0x174: {  	[sflag:s8] =	ssyncset.done $0x0  }
0x175: {  	s22 =	sadd.s32 $0x1C00, s14;
	[sflag:s8] =	ssyncadd.s32 $0xFFFFC000  }
0x176: {  	[tilespmem:s15], [sflag:$0x3] =	stream.linear.gather [hbm4b:s22+s4], $0x80, $0x38;
	[tilespmem:$0x1FE80] =	vst v63  }
0x177: {  	s18 =	sadd.s32 $0x1C00, s17  }
0x178: {  	[tilespmem:s20], [sflag:$0x9] =	stream.linear.gather [hbm4b:s18+s4], $0x80, $0x38;
	[tilespmem:$0x1FE80] =	vst v63  }
0x179: {  	s18 =	simm.s32 $0x6  }
0x17a: {  	_ =	swait.ge [sflag:s18], $0x80  }
0x17b: {  	[sflag:s18] =	ssyncset.done $0x0  }
0x17c: {  	[sflag:s18] =	ssyncadd.s32 $0xFFFFFF80  }
0x17d: {  	[tilespmem:s10], [sflag:$0xF] =	stream.indirect.gather [hbm4b:s1+s9], $0x80, s31, s9, $0xb8;
	[tilespmem:$0x1FE80] =	vst v63  }
0x17e: {  	_ =	swait.ge [sflag:s28], $0x4000  }
0x17f: {  	[sflag:s28] =	ssyncset.done $0x0  }
0x180: {  	s20 =	simm.s32 $0xB;
	[sflag:s28] =	ssyncadd.s32 $0xFFFFC000  }
0x181: {  	_ =	swait.ge [sflag:s20], $0x80  }
0x182: {  	[sflag:s20] =	ssyncset.done $0x0  }
0x183: {  	[sflag:s20] =	ssyncadd.s32 $0xFFFFFF80  }
0x184: {  	[spmem:s2] =	stream.indirect.scatter.add.f32 [tilespmem:s26], [sflag:$0x11], $0x80, s16, s9, $0xb8;
	[tilespmem:$0x1FE80] =	vst v63  }
0x185: {  	_ =	swait.ge [sflag:s30], $0x4000  }
0x186: {  	[sflag:s30] =	ssyncset.done $0x0  }
0x187: {  	s14 =	sadd.s32 $0x1E00, s14;
	[sflag:s30] =	ssyncadd.s32 $0xFFFFC000  }
0x188: {  	[tilespmem:s24], [sflag:$0x4] =	stream.linear.gather [hbm4b:s14+s4], $0x80, $0x38;
	[tilespmem:$0x1FE80] =	vst v63  }
0x189: {  	s17 =	sadd.s32 $0x1E00, s17  }
0x18a: {  	[tilespmem:s19], [sflag:$0xA] =	stream.linear.gather [hbm4b:s17+s4], $0x80, $0x38;
	[tilespmem:$0x1FE80] =	vst v63  }
0x18b: {  	_ =	swait.ge [sflag:s29], $0x80  }
0x18c: {  	[sflag:s29] =	ssyncset.done $0x0  }
0x18d: {  	[sflag:s29] =	ssyncadd.s32 $0xFFFFFF80  }
0x18e: {  	[tilespmem:s5], [sflag:$0xD] =	stream.indirect.gather [hbm4b:s1+s9], $0x80, s4, s9, $0xb8;
	[tilespmem:$0x1FE80] =	vst v63  }
0x18f: {  	p2 =	sne.s32 s13, $0x7800;
	_ =	swait.ge [sflag:s3], $0x4000  }
.Ltmp2:
0x190: {  	[sflag:s3] =	ssyncset.done $0x0;
	(pc) =	sbr.rel @p2 .LBB2_2-.Ltmp2, $4  }
0x191: {  	s24 =	simm.s32 $0xC;
	[sflag:s3] =	ssyncadd.s32 $0xFFFFC000  }
0x192: {  	s13 =	sadd.s32 $0xC00, s13;
	_ =	swait.ge [sflag:s24], $0x80  }
0x193: {  	s25 =	simm.s32 $0x380;
	s22 =	simm.s32 $0x400;
	[sflag:s24] =	ssyncset.done $0x0  }
0x194: {  	s31 =	simm.s32 $0x480;
	s20 =	simm.s32 $0x180;
	[sflag:s24] =	ssyncadd.s32 $0xFFFFFF80  }
0x195: {  	s14 =	simm.s32 $0x580  }
0x196: {  	[spmem:s2] =	stream.indirect.scatter.add.f32 [tilespmem:s10], [sflag:$0x12], $0x80, s14, s9, $0xb8;
	[tilespmem:$0x1FE80] =	vst v63  }
0x197: {  	_ =	swait.ge [sflag:s7], $0x4000  }
0x198: {  	[sflag:s7] =	ssyncset.done $0x0  }
0x199: {  	s19 =	simm.s32 $0x200;
	s13 =	rddreg [dreg:$0x19];
	[sflag:s7] =	ssyncadd.s32 $0xFFFFC000  }
0x19a: {  	[tilespmem:s19], [sflag:$0x5] =	stream.linear.gather [hbm4b:s13+s4], $0x80, $0x38;
	[tilespmem:$0x1FE80] =	vst v63  }
0x19b: {  	s16 =	simm.s32 $0x500;
	s24 =	rddreg [dreg:$0x1a]  }
0x19c: {  	[tilespmem:s16], [sflag:$0xB] =	stream.linear.gather [hbm4b:s24+s4], $0x80, $0x38;
	[tilespmem:$0x1FE80] =	vst v63  }
0x19d: {  	_ =	swait.ge [sflag:s6], $0x80  }
0x19e: {  	[sflag:s6] =	ssyncset.done $0x0  }
0x19f: {  	[sflag:s6] =	ssyncadd.s32 $0xFFFFFF80  }
0x1a0: {  	[tilespmem:s26], [sflag:$0xE] =	stream.indirect.gather [hbm4b:s1+s9], $0x80, s9, s9, $0xb8;
	[tilespmem:$0x1FE80] =	vst v63  }
0x1a1: {  	_ =	swait.ge [sflag:s21], $0x4000  }
0x1a2: {  	[sflag:s21] =	ssyncset.done $0x0  }
0x1a3: {  	[sflag:s21] =	ssyncadd.s32 $0xFFFFC000  }
0x1a4: {  	_ =	swait.ge [sflag:s0], $0x80  }
0x1a5: {  	[sflag:s0] =	ssyncset.done $0x0  }
0x1a6: {  	[sflag:s0] =	ssyncadd.s32 $0xFFFFFF80  }
0x1a7: {  	[spmem:s2] =	stream.indirect.scatter.add.f32 [tilespmem:s5], [sflag:$0x10], $0x80, s23, s9, $0xb8;
	[tilespmem:$0x1FE80] =	vst v63  }
0x1a8: {  	_ =	swait.ge [sflag:s8], $0x4000  }
0x1a9: {  	[sflag:s8] =	ssyncset.done $0x0  }
0x1aa: {  	s6 =	simm.s32 $0x280;
	s29 =	rddreg [dreg:$0x1b];
	[sflag:s8] =	ssyncadd.s32 $0xFFFFC000  }
0x1ab: {  	[tilespmem:s6], [sflag:$0x6] =	stream.linear.gather [hbm4b:s29+s4], $0x80, $0x38;
	[tilespmem:$0x1FE80] =	vst v63  }
0x1ac: {  	s0 =	rddreg [dreg:$0x1c]  }
0x1ad: {  	[tilespmem:s14], [sflag:$0xC] =	stream.linear.gather [hbm4b:s0+s4], $0x80, $0x38;
	[tilespmem:$0x1FE80] =	vst v63  }
0x1ae: {  	_ =	swait.ge [sflag:s12], $0x80  }
0x1af: {  	[sflag:s12] =	ssyncset.done $0x0  }
0x1b0: {  	[sflag:s12] =	ssyncadd.s32 $0xFFFFFF80  }
0x1b1: {  	[tilespmem:s10], [sflag:$0xF] =	stream.indirect.gather [hbm4b:s1+s9], $0x80, s15, s9, $0xb8;
	[tilespmem:$0x1FE80] =	vst v63  }
0x1b2: {  	_ =	swait.ge [sflag:s28], $0x4000  }
0x1b3: {  	[sflag:s28] =	ssyncset.done $0x0  }
0x1b4: {  	[sflag:s28] =	ssyncadd.s32 $0xFFFFC000  }
0x1b5: {  	_ =	swait.ge [sflag:s11], $0x80  }
0x1b6: {  	[sflag:s11] =	ssyncset.done $0x0  }
0x1b7: {  	[sflag:s11] =	ssyncadd.s32 $0xFFFFFF80  }
0x1b8: {  	[spmem:s2] =	stream.indirect.scatter.add.f32 [tilespmem:s26], [sflag:$0x11], $0x80, s25, s9, $0xb8;
	[tilespmem:$0x1FE80] =	vst v63  }
0x1b9: {  	_ =	swait.ge [sflag:s30], $0x4000  }
0x1ba: {  	[sflag:s30] =	ssyncset.done $0x0;
	s14 =	rddreg [dreg:$0x1f]  }
0x1bb: {  	s13 =	simm.s32 @!p1 $0x0;
	s17 =	sld [smem:$0x7F6];
	[sflag:s30] =	ssyncadd.s32 $0xFFFFC000  }
0x1bc: {  	[tilespmem:s13], [sflag:$0x1] =	stream.linear.gather @!p1 [hbm4b:s14+s13], $0x80, $0x38;
	[tilespmem:$0x1FE80] =	vst v63  }
0x1bd: {  	s14 =	simm.s32 @!p1 $0x300  }
0x1be: {  	[tilespmem:s14], [sflag:$0x7] =	stream.linear.gather @!p1 [hbm4b:s17+s13], $0x80, $0x38;
	[tilespmem:$0x1FE80] =	vst v63  }
0x1bf: {  	s17 =	simm.s32 $0x4  }
0x1c0: {  	_ =	swait.ge [sflag:s17], $0x80  }
0x1c1: {  	[sflag:s17] =	ssyncset.done $0x0  }
0x1c2: {  	[sflag:s17] =	ssyncadd.s32 $0xFFFFFF80  }
0x1c3: {  	[tilespmem:s5], [sflag:$0xD] =	stream.indirect.gather [hbm4b:s1+s9], $0x80, s20, s9, $0xb8;
	[tilespmem:$0x1FE80] =	vst v63  }
0x1c4: {  	_ =	swait.ge [sflag:s3], $0x4000  }
0x1c5: {  	[sflag:s3] =	ssyncset.done $0x0  }
0x1c6: {  	s24 =	simm.s32 $0x9;
	[sflag:s3] =	ssyncadd.s32 $0xFFFFC000  }
0x1c7: {  	_ =	swait.ge [sflag:s24], $0x80  }
0x1c8: {  	[sflag:s24] =	ssyncset.done $0x0  }
0x1c9: {  	[sflag:s24] =	ssyncadd.s32 $0xFFFFFF80  }
0x1ca: {  	[spmem:s2] =	stream.indirect.scatter.add.f32 [tilespmem:s10], [sflag:$0x12], $0x80, s22, s9, $0xb8;
	[tilespmem:$0x1FE80] =	vst v63  }
0x1cb: {  	_ =	swait.ge [sflag:s7], $0x4000  }
0x1cc: {  	[sflag:s7] =	ssyncset.done $0x0  }
0x1cd: {  	s25 =	simm.s32 $0x5;
	[sflag:s7] =	ssyncadd.s32 $0xFFFFC000  }
0x1ce: {  	_ =	swait.ge [sflag:s25], $0x80  }
0x1cf: {  	[sflag:s25] =	ssyncset.done $0x0  }
0x1d0: {  	[sflag:s25] =	ssyncadd.s32 $0xFFFFFF80  }
0x1d1: {  	[tilespmem:s26], [sflag:$0xE] =	stream.indirect.gather [hbm4b:s1+s9], $0x80, s19, s9, $0xb8;
	[tilespmem:$0x1FE80] =	vst v63  }
0x1d2: {  	_ =	swait.ge [sflag:s21], $0x4000  }
0x1d3: {  	[sflag:s21] =	ssyncset.done $0x0  }
0x1d4: {  	s29 =	simm.s32 $0xA;
	[sflag:s21] =	ssyncadd.s32 $0xFFFFC000  }
0x1d5: {  	_ =	swait.ge [sflag:s29], $0x80  }
0x1d6: {  	[sflag:s29] =	ssyncset.done $0x0  }
0x1d7: {  	[sflag:s29] =	ssyncadd.s32 $0xFFFFFF80  }
0x1d8: {  	[spmem:s2] =	stream.indirect.scatter.add.f32 [tilespmem:s5], [sflag:$0x10], $0x80, s31, s9, $0xb8;
	[tilespmem:$0x1FE80] =	vst v63  }
0x1d9: {  	_ =	swait.ge [sflag:s8], $0x4000  }
0x1da: {  	[sflag:s8] =	ssyncset.done $0x0  }
0x1db: {  	[sflag:s8] =	ssyncadd.s32 $0xFFFFC000  }
0x1dc: {  	_ =	swait.ge [sflag:s18], $0x80  }
0x1dd: {  	[sflag:s18] =	ssyncset.done $0x0  }
0x1de: {  	[sflag:s18] =	ssyncadd.s32 $0xFFFFFF80  }
0x1df: {  	[tilespmem:s10], [sflag:$0xF] =	stream.indirect.gather [hbm4b:s1+s9], $0x80, s6, s9, $0xb8;
	[tilespmem:$0x1FE80] =	vst v63  }
0x1e0: {  	_ =	swait.ge [sflag:s28], $0x4000  }
0x1e1: {  	[sflag:s28] =	ssyncset.done $0x0  }
0x1e2: {  	s31 =	simm.s32 $0xB;
	[sflag:s28] =	ssyncadd.s32 $0xFFFFC000  }
0x1e3: {  	s0 =	simm.s32 $0x7;
	_ =	swait.ge [sflag:s31], $0x80  }
0x1e4: {  	s12 =	simm.s32 $0x8;
	s24 =	simm.s32 $0x500;
	[sflag:s31] =	ssyncset.done $0x0  }
.Ltmp3:
0x1e5: {  	s22 =	simm.s32 $0x480;
	[sflag:s31] =	ssyncadd.s32 $0xFFFFFF80;
	(pc) =	sbr.rel @p1 .LBB2_5-.Ltmp3, $4  }
0x1e6: {  	[spmem:s2] =	stream.indirect.scatter.add.f32 [tilespmem:s26], [sflag:$0x11], $0x80, s16, s9, $0xb8;
	[tilespmem:$0x1FE80] =	vst v63  }
0x1e7: {  	s25 =	simm.s32 $0x380;
	s5 =	simm.s32 $0x600;
	_ =	swait.ge [sflag:s30], $0x4000  }
0x1e8: {  	s18 =	simm.s32 $0x400;
	s10 =	simm.s32 $0x8600;
	[sflag:s30] =	ssyncset.done $0x0  }
0x1e9: {  	s26 =	simm.s32 $0x280;
	s16 =	simm.s32 $0x4600;
	[sflag:s30] =	ssyncadd.s32 $0xFFFFC000  }
0x1ea: {  	s29 =	simm.s32 $0x1  }
0x1eb: {  	_ =	swait.ge [sflag:s29], $0x80  }
0x1ec: {  	[sflag:s29] =	ssyncset.done $0x0  }
0x1ed: {  	[sflag:s29] =	ssyncadd.s32 $0xFFFFFF80  }
0x1ee: {  	[tilespmem:s5], [sflag:$0xD] =	stream.indirect.gather [hbm4b:s1+s9], $0x80, s4, s9, $0xb8;
	[tilespmem:$0x1FE80] =	vst v63  }
0x1ef: {  	_ =	swait.ge [sflag:s3], $0x4000  }
0x1f0: {  	[sflag:s3] =	ssyncset.done $0x0  }
0x1f1: {  	s6 =	simm.s32 $0xC;
	[sflag:s3] =	ssyncadd.s32 $0xFFFFC000  }
0x1f2: {  	_ =	swait.ge [sflag:s6], $0x80  }
0x1f3: {  	[sflag:s6] =	ssyncset.done $0x0  }
0x1f4: {  	s31 =	simm.s32 $0x580;
	[sflag:s6] =	ssyncadd.s32 $0xFFFFFF80  }
0x1f5: {  	[spmem:s2] =	stream.indirect.scatter.add.f32 [tilespmem:s10], [sflag:$0x12], $0x80, s31, s9, $0xb8;
	[tilespmem:$0x1FE80] =	vst v63  }
0x1f6: {  	_ =	swait.ge [sflag:s7], $0x4000  }
0x1f7: {  	[sflag:s7] =	ssyncset.done $0x0  }
0x1f8: {  	[sflag:s7] =	ssyncadd.s32 $0xFFFFC000  }
0x1f9: {  	_ =	swait.ge [sflag:s21], $0x4000  }
0x1fa: {  	[sflag:s21] =	ssyncset.done $0x0  }
0x1fb: {  	[sflag:s21] =	ssyncadd.s32 $0xFFFFC000  }
0x1fc: {  	_ =	swait.ge [sflag:s0], $0x80  }
0x1fd: {  	[sflag:s0] =	ssyncset.done $0x0  }
0x1fe: {  	[sflag:s0] =	ssyncadd.s32 $0xFFFFFF80  }
0x1ff: {  	[spmem:s2] =	stream.indirect.scatter.add.f32 [tilespmem:s5], [sflag:$0x10], $0x80, s23, s9, $0xb8;
	[tilespmem:$0x1FE80] =	vst v63  }
0x200: {  	_ =	swait.ge [sflag:s8], $0x4000  }
0x201: {  	[sflag:s8] =	ssyncset.done $0x0  }
0x202: {  	[sflag:s8] =	ssyncadd.s32 $0xFFFFC000  }
.Ltmp4:
0x203: {  	_ =	swait.ge [sflag:s30], $0x4000;
	(pc) =	sbr.rel .LBB2_6-.Ltmp4, $4  }
0x204: {  	[sflag:s30] =	ssyncset.done $0x0  }
0x205: {  	[sflag:s30] =	ssyncadd.s32 $0xFFFFC000  }
0x206: {  	[bflag:$0x0] =	sbarrier.arrive $0xFFFF  }
0x207: {  	s6 =	simm.s32 $0x580  }
.LBB2_5:
0x208: {  	_ =	swait.ge [sflag:s3], $0x4000  }
0x209: {  	[sflag:s3] =	ssyncset.done $0x0  }
0x20a: {  	s6 =	simm.s32 $0xC;
	[sflag:s3] =	ssyncadd.s32 $0xFFFFC000  }
0x20b: {  	_ =	swait.ge [sflag:s6], $0x80  }
0x20c: {  	[sflag:s6] =	ssyncset.done $0x0  }
0x20d: {  	s31 =	simm.s32 $0x580;
	[sflag:s6] =	ssyncadd.s32 $0xFFFFFF80  }
0x20e: {  	[spmem:s2] =	stream.indirect.scatter.add.f32 [tilespmem:s10], [sflag:$0x12], $0x80, s31, s9, $0xb8;
	[tilespmem:$0x1FE80] =	vst v63  }
0x20f: {  	_ =	swait.ge [sflag:s7], $0x4000  }
0x210: {  	[sflag:s7] =	ssyncset.done $0x0  }
0x211: {  	[sflag:s7] =	ssyncadd.s32 $0xFFFFC000  }
.Ltmp5:
0x212: {  	_ =	swait.ge [sflag:s8], $0x4000;
	(pc) =	sbr.rel @p0 .LBB2_7-.Ltmp5, $4  }
0x213: {  	[sflag:s8] =	ssyncset.done $0x0  }
0x214: {  	[sflag:s8] =	ssyncadd.s32 $0xFFFFC000  }
0x215: {  	[bflag:$0x0] =	sbarrier.arrive $0xFFFF  }
0x216: {  	s29 =	simm.s32 $0x1;
	s6 =	simm.s32 $0x580  }
.LBB2_6:
0x217: {  	s14 =	sld [smem:$0x7F8]  }
0x218: {  	s13 =	stileid.u32;
	s17 =	sld [smem:$0x7F7]  }
0x219: {  	s11 =	simm.s32 $0x13;
	s13 =	sshll.u32 s13, $0x6  }
.Ltmp6:
0x21a: {  	s13 =	sor.u32 $0x1C13, s13;
	s14 =	sshrl.u32 s14, $0x3;
	(pc) =	sbr.rel .LBB2_8-.Ltmp6, $4  }
0x21b: {  	[hbm:s17], [sflag:s13] =	dma.local [spmem:s14], $0x2800  }
0x21c: {  	s15 =	simm.s32 $0x100;
	_ =	swait.ge [sflag:s11], $0x2800  }
0x21d: {  	s19 =	simm.s32 $0x180;
	s31 =	simm.s32 $0x2;
	[sflag:s11] =	ssyncset.done $0x0  }
0x21e: {  	s14 =	sld [smem:$0x7F5];
	[sflag:s11] =	ssyncadd.s32 $0xFFFFD800;
	s11 =	simm.s32 $0x3  }
.LBB2_9:
0x21f: {  	_ =	sfence.sel $0x180000  }
0x220: {  	[bflag:$0x0] =	sbarrier.arrive $0xFFFF  }
0x221: {  	_ =	strace $0x90000047  }
0x222: {  	s0 =	stileid.u32;
	[bflag:$0x2] =	sbarrier.arrive $0xFFFF  }
0x223: {  	p0 =	sne.s32 s0, $0x0;
	s0 =	rddreg [dreg:$0x4]  }
0x224: {  	s0 =	sadd.s32 @!p0 $0x100000, s0  }
0x225: {  	[sflag:s0] =	ssyncadd.tile.s32 @!p0 $0x1;
	_ =	shalt  }
.Lfunc_end2:
_tile_overlayer_lowered:
.L_overlay_start_2:
0x226: {  	(tag) =	ssettag $0x2  }
0x227: {  	s0 =	rddreg [dreg:$0x0];
	s2 =	stileid.u32  }
0x228: {  	s1 =	rddreg [dreg:$0x1];
	p0 =	sne.s32 s2, $0x0  }
0x229: {  	s3 =	rddreg [dreg:$0x2];
	[bflag:$0x3] =	sbarrier.arrive $0xFFFF;
	s2 =	simm.s32 @!p0 $0x1C13  }
0x22a: {  	[timem:s3], [sflag:s2] =	dma.local @!p0 [hbm:s0], s1  }
0x22b: {  	s0 =	simm.s32 @!p0 $0x13  }
0x22c: {  	_ =	swait.ge @!p0 [sflag:s0], s1  }
0x22d: {  	s1 =	ssub.s32 @!p0 $0x0, s1;
	[sflag:s0] =	ssyncset.done @!p0 $0x0  }
0x22e: {  	[sflag:s0] =	ssyncadd.s32 @!p0 s1  }
0x22f: {  	[bflag:$0x3] =	sbarrier.arrive $0xFFFF  }
0x230: {  	_ =	shalt  }

</sc_bundles>
